<compile_context>
chip_gen: v7x
topology: tpu7x:2x2x1
jax: 0.10.2.dev20260603
libtpu: 0.0.44.dev20260713+nightly
codegen_flags: <defaults>
</compile_context>

<pallas_src>
import functools

import jax
import jax.numpy as jnp
from jax import lax
from jax.experimental import pallas as pl
from jax.experimental.pallas import tpu as pltpu
from jax.experimental.pallas import tpu_sc as plsc

N = 10000
E = 320000
D = 128

NC = 2
NS = 16
L = 16
NW = NC * NS
FPT = D // NW
EPT = 10240
EPAD = NW * EPT
NDEN = 10240
CH = 3200
NCHUNK = E // CH

CBLK = 1024
CGRID = -(-N // CBLK)

_f32 = jnp.float32



def _enc_body(xt_ref, wn_ref, bn_ref, w_ref, asr_ref, adr_ref,
              hwt_ref, as_ref, ad_ref):
    h = jnp.dot(wn_ref[...], xt_ref[...], preferred_element_type=_f32) + bn_ref[...]
    hw = jnp.dot(w_ref[...], h, preferred_element_type=_f32)
    hwt_ref[...] = hw
    as_ref[...] = jnp.dot(asr_ref[...], hw, preferred_element_type=_f32)
    ad_ref[...] = jnp.dot(adr_ref[...], hw, preferred_element_type=_f32)


def _encode(xt, wn, bn, w, asr, adr):
    return pl.pallas_call(
        _enc_body,
        grid=(CGRID,),
        in_specs=[
            pl.BlockSpec((D, CBLK), lambda i: (0, i)),
            pl.BlockSpec((D, D), lambda i: (0, 0)),
            pl.BlockSpec((D, 1), lambda i: (0, 0)),
            pl.BlockSpec((D, D), lambda i: (0, 0)),
            pl.BlockSpec((1, D), lambda i: (0, 0)),
            pl.BlockSpec((1, D), lambda i: (0, 0)),
        ],
        out_specs=[
            pl.BlockSpec((D, CBLK), lambda i: (0, i)),
            pl.BlockSpec((1, CBLK), lambda i: (0, i)),
            pl.BlockSpec((1, CBLK), lambda i: (0, i)),
        ],
        out_shape=[
            jax.ShapeDtypeStruct((D, N), _f32),
            jax.ShapeDtypeStruct((1, N), _f32),
            jax.ShapeDtypeStruct((1, N), _f32),
        ],
    )(xt, wn, bn, w, asr, adr)


def _fold(acc_ref, den_ref, hwt_ref, as_ref, ad_ref, b_ref):
    t = as_ref[...] + ad_ref[...]
    e = jnp.where(t >= 0, t, t * _f32(0.2))
    ws = jnp.exp(e)
    den = jnp.sum(den_ref[...], axis=0, keepdims=True)
    return (acc_ref[...] + ws * hwt_ref[...]) / (den + ws) + b_ref[...]


def _fold_enc_body(acc_ref, den_ref, hwt_ref, as_ref, ad_ref, b_ref,
                   w_ref, asr_ref, adr_ref, hwt2_ref, as2_ref, ad2_ref):
    h = _fold(acc_ref, den_ref, hwt_ref, as_ref, ad_ref, b_ref)
    hw = jnp.dot(w_ref[...], h, preferred_element_type=_f32)
    hwt2_ref[...] = hw
    as2_ref[...] = jnp.dot(asr_ref[...], hw, preferred_element_type=_f32)
    ad2_ref[...] = jnp.dot(adr_ref[...], hw, preferred_element_type=_f32)


def _fold_encode(acc, den, hwt, as_, ad, b, w, asr, adr):
    return pl.pallas_call(
        _fold_enc_body,
        grid=(CGRID,),
        in_specs=[
            pl.BlockSpec((D, CBLK), lambda i: (0, i)),
            pl.BlockSpec((NW, CBLK), lambda i: (0, i)),
            pl.BlockSpec((D, CBLK), lambda i: (0, i)),
            pl.BlockSpec((1, CBLK), lambda i: (0, i)),
            pl.BlockSpec((1, CBLK), lambda i: (0, i)),
            pl.BlockSpec((D, 1), lambda i: (0, 0)),
            pl.BlockSpec((D, D), lambda i: (0, 0)),
            pl.BlockSpec((1, D), lambda i: (0, 0)),
            pl.BlockSpec((1, D), lambda i: (0, 0)),
        ],
        out_specs=[
            pl.BlockSpec((D, CBLK), lambda i: (0, i)),
            pl.BlockSpec((1, CBLK), lambda i: (0, i)),
            pl.BlockSpec((1, CBLK), lambda i: (0, i)),
        ],
        out_shape=[
            jax.ShapeDtypeStruct((D, N), _f32),
            jax.ShapeDtypeStruct((1, N), _f32),
            jax.ShapeDtypeStruct((1, N), _f32),
        ],
    )(acc, den, hwt, as_, ad, b, w, asr, adr)


def _final_body(acc_ref, den_ref, hwt_ref, as_ref, ad_ref, b_ref, out_ref):
    out_ref[...] = _fold(acc_ref, den_ref, hwt_ref, as_ref, ad_ref, b_ref)


def _final(acc, den, hwt, as_, ad, b):
    return pl.pallas_call(
        _final_body,
        grid=(CGRID,),
        in_specs=[
            pl.BlockSpec((D, CBLK), lambda i: (0, i)),
            pl.BlockSpec((NW, CBLK), lambda i: (0, i)),
            pl.BlockSpec((D, CBLK), lambda i: (0, i)),
            pl.BlockSpec((1, CBLK), lambda i: (0, i)),
            pl.BlockSpec((1, CBLK), lambda i: (0, i)),
            pl.BlockSpec((D, 1), lambda i: (0, 0)),
        ],
        out_specs=pl.BlockSpec((D, CBLK), lambda i: (0, i)),
        out_shape=jax.ShapeDtypeStruct((D, N), _f32),
    )(acc, den, hwt, as_, ad, b)



_mesh = plsc.VectorSubcoreMesh(core_axis_name="c", subcore_axis_name="s")


@functools.partial(
    pl.kernel,
    out_type=[
        jax.ShapeDtypeStruct((EPAD,), _f32),
        jax.ShapeDtypeStruct((NW, 1, NDEN), _f32),
        jax.ShapeDtypeStruct((EPAD,), jnp.int32),
    ],
    mesh=_mesh,
    compiler_params=pltpu.CompilerParams(needs_layout_passes=False),
    scratch_types=[
        pltpu.VMEM((N,), _f32),
        pltpu.VMEM((N + L,), _f32),
        pltpu.VMEM((1, NDEN), _f32),
        pltpu.VMEM((2, EPT), jnp.int32),
        pltpu.VMEM((EPT,), _f32),
        pltpu.VMEM((EPT,), jnp.int32),
    ],
)
def _agg_w(as_hbm, ad_hbm, ei_hbm, w_hbm, den_hbm, pk_hbm,
           asv, adv, denv, ebuf, wbuf, pbuf):
    c = lax.axis_index("c")
    s = lax.axis_index("s")
    wid = s * NC + c
    base = wid * EPT

    pltpu.sync_copy(as_hbm, asv)
    pltpu.sync_copy(ad_hbm, adv.at[pl.ds(0, N)])
    pltpu.sync_copy(ei_hbm.at[:, pl.ds(base, EPT)], ebuf)
    adv[pl.ds(N, L)] = jnp.zeros((L,), _f32)

    def zero_body(i, _):
        denv[0, pl.ds(i * L, L)] = jnp.zeros((L,), _f32)
        return 0

    lax.fori_loop(0, NDEN // L, zero_body, 0, unroll=False)

    zrow = jnp.zeros((L,), jnp.int32)

    @plsc.parallel_loop(0, EPT // L, unroll=8)
    def _(j):
        sidx = ebuf[0, pl.ds(j * L, L)]
        didx = ebuf[1, pl.ds(j * L, L)]
        t = plsc.load_gather(asv, [sidx]) + plsc.load_gather(adv, [didx])
        e = jnp.where(t >= 0, t, t * _f32(0.2))
        w = jnp.exp(e)
        wbuf[pl.ds(j * L, L)] = w
        pbuf[pl.ds(j * L, L)] = jnp.bitwise_or(
            jnp.left_shift(sidx, 14), didx)
        plsc.addupdate_scatter(denv, [zrow, didx], w)

    pltpu.sync_copy(wbuf, w_hbm.at[pl.ds(base, EPT)])
    pltpu.sync_copy(pbuf, pk_hbm.at[pl.ds(base, EPT)])
    pltpu.sync_copy(denv, den_hbm.at[wid])


@functools.partial(
    pl.kernel,
    out_type=jax.ShapeDtypeStruct((NW, FPT, N), _f32),
    mesh=_mesh,
    compiler_params=pltpu.CompilerParams(needs_layout_passes=False),
    scratch_types=[
        pltpu.VMEM((FPT, N), _f32),
        pltpu.VMEM((FPT, N), _f32),
        pltpu.VMEM((2, CH), jnp.int32),
        pltpu.VMEM((2, CH), _f32),
        pltpu.SemaphoreType.DMA,
        pltpu.SemaphoreType.DMA,
        pltpu.SemaphoreType.DMA,
        pltpu.SemaphoreType.DMA,
    ],
)
def _agg_acc(hw_hbm, pk_hbm, w_hbm, acc_hbm,
             hwv, accv, ebuf, wvbuf, esem0, esem1, wsem0, wsem1):
    c = lax.axis_index("c")
    s = lax.axis_index("s")
    wid = s * NC + c

    pltpu.sync_copy(hw_hbm.at[wid], hwv)

    def zero_body(i, _):
        z = jnp.zeros((L,), _f32)
        for f in range(FPT):
            accv[f, pl.ds(i * L, L)] = z
        return 0

    lax.fori_loop(0, N // L, zero_body, 0, unroll=False)

    esems = (esem0, esem1)
    wsems = (wsem0, wsem1)
    for b in range(2):
        pltpu.async_copy(pk_hbm.at[pl.ds(b * CH, CH)], ebuf.at[b], esems[b])
        pltpu.async_copy(w_hbm.at[pl.ds(b * CH, CH)], wvbuf.at[b], wsems[b])

    def chunk_body(g2, _):
        for b in range(2):
            g = g2 * 2 + b
            pltpu.make_async_copy(
                pk_hbm.at[pl.ds(0, CH)], ebuf.at[b], esems[b]).wait()
            pltpu.make_async_copy(
                w_hbm.at[pl.ds(0, CH)], wvbuf.at[b], wsems[b]).wait()

            @plsc.parallel_loop(0, CH // L, unroll=8)
            def _(j):
                p = ebuf[b, pl.ds(j * L, L)]
                sidx = jnp.right_shift(p, 14)
                didx = jnp.bitwise_and(p, 16383)
                w = wvbuf[b, pl.ds(j * L, L)]
                for f in range(FPT):
                    fv = jnp.full((L,), f, jnp.int32)
                    rows = plsc.load_gather(hwv, [fv, sidx])
                    plsc.addupdate_scatter(accv, [fv, didx], rows * w)

            @pl.when(g + 2 < NCHUNK)
            def _():
                pltpu.async_copy(
                    pk_hbm.at[pl.ds((g + 2) * CH, CH)], ebuf.at[b], esems[b])
                pltpu.async_copy(
                    w_hbm.at[pl.ds((g + 2) * CH, CH)], wvbuf.at[b], wsems[b])
        return 0

    lax.fori_loop(0, NCHUNK // 2, chunk_body, 0, unroll=False)

    pltpu.sync_copy(accv, acc_hbm.at[wid])



def kernel(x, edge_index, edge_attr, Wn, bn, We, be,
           l0_We, l0_be, l0_W, l0_asrc, l0_adst, l0_bias,
           l1_We, l1_be, l1_W, l1_asrc, l1_adst, l1_bias):
    xt = x.T
    ei = edge_index.astype(jnp.int32)
    pad = jnp.stack([jnp.zeros((EPAD - E,), jnp.int32),
                     jnp.full((EPAD - E,), N, jnp.int32)])
    eip = jnp.concatenate([ei, pad], axis=1)

    hw0, as0, ad0 = _encode(xt, Wn, bn.reshape(D, 1), l0_W,
                            l0_asrc.reshape(1, D), l0_adst.reshape(1, D))
    w0, den0, pk0 = _agg_w(as0.reshape(N), ad0.reshape(N), eip)
    acc0 = _agg_acc(hw0.reshape(NW, FPT, N), pk0, w0)
    hw1, as1, ad1 = _fold_encode(acc0.reshape(D, N), den0.reshape(NW, NDEN),
                                 hw0, as0, ad0,
                                 l0_bias.reshape(D, 1), l1_W,
                                 l1_asrc.reshape(1, D), l1_adst.reshape(1, D))
    w1, den1, _pk1 = _agg_w(as1.reshape(N), ad1.reshape(N), eip)
    acc1 = _agg_acc(hw1.reshape(NW, FPT, N), pk0, w1)
    outt = _final(acc1.reshape(D, N), den1.reshape(NW, NDEN),
                  hw1, as1, ad1, l1_bias.reshape(D, 1))
    return outt.T

# --- scband reference (transcript-rebuilt; emitter-appended) ---
"""Pipeline reference for scband-log-gnn-90091234001458 (READ-ONLY COPY).

The authoritative reference and input builder live on the scoring server;
editing this copy changes nothing except your own understanding.
"""

import jax, jax.numpy as jnp
import numpy as np

N_NODES = 10000
N_EDGES = 320000
D_IN = 128
D_NODE = 128
D_EIN = 16
D_EDGE = 16
N_LAYERS = 2


def setup_inputs(seed: int = 0) -> dict:
    key = jax.random.key(seed)
    ks = jax.random.split(key, 32)
    inp = {}
    inp['x'] = jax.random.normal(ks[0], (N_NODES, D_IN), dtype=jnp.float32)
    inp['edge_index'] = jax.random.randint(ks[1], (2, N_EDGES), 0, N_NODES, dtype=jnp.int64)
    inp['edge_attr'] = jax.random.normal(ks[2], (N_EDGES, D_EIN), dtype=jnp.float32)
    s = 1.0 / np.sqrt(D_IN)
    inp['Wn'] = jax.random.uniform(ks[3], (D_NODE, D_IN), minval=-s, maxval=s, dtype=jnp.float32)
    inp['bn'] = jax.random.uniform(ks[4], (D_NODE,), minval=-s, maxval=s, dtype=jnp.float32)
    se = 1.0 / np.sqrt(D_EIN)
    inp['We'] = jax.random.uniform(ks[5], (D_EDGE, D_EIN), minval=-se, maxval=se, dtype=jnp.float32)
    inp['be'] = jax.random.uniform(ks[6], (D_EDGE,), minval=-se, maxval=se, dtype=jnp.float32)
    sl = 1.0 / np.sqrt(D_EDGE)
    sn = 1.0 / np.sqrt(D_NODE)
    for li in range(N_LAYERS):
        base = 7 + li * 6
        inp[f'l{li}_We'] = jax.random.uniform(ks[base], (D_NODE, D_EDGE), minval=-sl, maxval=sl, dtype=jnp.float32)
        inp[f'l{li}_be'] = jax.random.uniform(ks[base + 1], (D_NODE,), minval=-sl, maxval=sl, dtype=jnp.float32)
        inp[f'l{li}_W'] = jax.random.uniform(ks[base + 2], (D_NODE, D_NODE), minval=-sn, maxval=sn, dtype=jnp.float32)
        inp[f'l{li}_asrc'] = jax.random.uniform(ks[base + 3], (D_NODE,), minval=-sn, maxval=sn, dtype=jnp.float32)
        inp[f'l{li}_adst'] = jax.random.uniform(ks[base + 4], (D_NODE,), minval=-sn, maxval=sn, dtype=jnp.float32)
        inp[f'l{li}_bias'] = jnp.zeros((D_NODE,), dtype=jnp.float32)
    return inp


def _gat_conv(h, src, dst, W, a_src, a_dst, bias):
    # PyG GATConv, heads=1, concat=True, negative_slope=0.2, add_self_loops=True
    n = h.shape[0]
    hw = h @ W.T
    loop = jnp.arange(n, dtype=src.dtype)
    src2 = jnp.concatenate([src, loop])
    dst2 = jnp.concatenate([dst, loop])
    alpha_src = hw @ a_src
    alpha_dst = hw @ a_dst
    e = jax.nn.leaky_relu(alpha_src[src2] + alpha_dst[dst2], negative_slope=0.2)
    m = jax.ops.segment_max(e, dst2, num_segments=n)
    ex = jnp.exp(e - m[dst2])
    denom = jax.ops.segment_sum(ex, dst2, num_segments=n)
    alpha = ex / denom[dst2]
    out = jax.ops.segment_sum(alpha[:, None] * hw[src2], dst2, num_segments=n)
    return out + bias


def reference(x, edge_index, edge_attr, Wn, bn, We, be,
              l0_We, l0_be, l0_W, l0_asrc, l0_adst, l0_bias,
              l1_We, l1_be, l1_W, l1_asrc, l1_adst, l1_bias):
    src = edge_index[0]
    dst = edge_index[1]
    h = x @ Wn.T + bn
    ea = edge_attr @ We.T + be
    layers = [(l0_We, l0_be, l0_W, l0_asrc, l0_adst, l0_bias),
              (l1_We, l1_be, l1_W, l1_asrc, l1_adst, l1_bias)]
    for (lWe, lbe, lW, las, lad, lb) in layers:
        _edge_feat = ea @ lWe.T + lbe  # computed in original forward but unused by conv
        h = _gat_conv(h, src, dst, lW, las, lad, lb)
    return h

if __name__ == "__main__":
    import jax
    _d = setup_inputs()
    print(jax.jit(kernel)(*tuple(_d.values())))

</pallas_src>

<mosaic_0001>
#map = affine_map<(d0, d1) -> (0)>
#map1 = affine_map<(d0, d1) -> (0, 0)>
#map2 = affine_map<(d0, d1) -> (0, 0, 0)>
module attributes {stable_mosaic.version = 14 : i64} {
  func.func @_agg_w(%arg0: i32, %arg1: i32, %arg2: memref<10000xf32, #tpu.memory_space<hbm>>, %arg3: memref<10000xf32, #tpu.memory_space<hbm>>, %arg4: memref<2x327680xi32, #tpu.memory_space<hbm>>, %arg5: memref<327680xf32, #tpu.memory_space<hbm>>, %arg6: memref<32x1x10240xf32, #tpu.memory_space<hbm>>, %arg7: memref<327680xi32, #tpu.memory_space<hbm>>, %arg8: memref<10000xf32, #tpu.memory_space<vmem>>, %arg9: memref<10016xf32, #tpu.memory_space<vmem>>, %arg10: memref<1x10240xf32, #tpu.memory_space<vmem>>, %arg11: memref<2x10240xi32, #tpu.memory_space<vmem>>, %arg12: memref<10240xf32, #tpu.memory_space<vmem>>, %arg13: memref<10240xi32, #tpu.memory_space<vmem>>) attributes {dimension_semantics = [#tpu.dimension_semantics<core_parallel>, #tpu.dimension_semantics<subcore_parallel>], iteration_bounds = array<i64: 2, 16>, scalar_prefetch = 0 : i64, scratch_operands = 6 : i64, tpu.core_type = #tpu.core_type<sc_vector_subcore>, window_params = [{transform_indices = #map}, {transform_indices = #map}, {transform_indices = #map1}, {transform_indices = #map}, {transform_indices = #map2}, {transform_indices = #map}]} {
    %mul3A = arith.constant 2 : i32
    %mul3A_0 = arith.muli %arg1, %mul3A : i32
    %add3A = arith.addi %mul3A_0, %arg0 : i32
    %mul3A_1 = arith.constant 10240 : i32
    %mul3A_2 = arith.muli %add3A, %mul3A_1 : i32
    "tpu.region"() ({
      %run_scoped3A = tpu.sem_alloc : memref<!tpu.dma_semaphore, #tpu.memory_space<semaphore_mem>>
      tpu.enqueue_dma source(%arg2 : memref<10000xf32, #tpu.memory_space<hbm>>) target(%arg8 : memref<10000xf32, #tpu.memory_space<vmem>>) target_semaphore(%run_scoped3A : memref<!tpu.dma_semaphore, #tpu.memory_space<semaphore_mem>>)
      tpu.wait_dma2 semaphore(%run_scoped3A : memref<!tpu.dma_semaphore, #tpu.memory_space<semaphore_mem>>) src(%arg2 : memref<10000xf32, #tpu.memory_space<hbm>>) dst(%arg8 : memref<10000xf32, #tpu.memory_space<vmem>>)
      tpu.yield
    }) : () -> ()
    "tpu.region"() ({
      %run_scoped3A = tpu.sem_alloc : memref<!tpu.dma_semaphore, #tpu.memory_space<semaphore_mem>>
      %dma_start3A = arith.constant 0 : i32
      %dma_start3A_15 = tpu.memref_slice %arg9[%dma_start3A] : memref<10016xf32, #tpu.memory_space<vmem>> -> memref<10000xf32, #tpu.memory_space<vmem>>
      %dma_start3A_16 = arith.constant 0 : i32
      %dma_start3A_17 = tpu.memref_slice %arg9[%dma_start3A_16] : memref<10016xf32, #tpu.memory_space<vmem>> -> memref<10000xf32, #tpu.memory_space<vmem>>
      tpu.enqueue_dma source(%arg3 : memref<10000xf32, #tpu.memory_space<hbm>>) target(%dma_start3A_17 : memref<10000xf32, #tpu.memory_space<vmem>>) target_semaphore(%run_scoped3A : memref<!tpu.dma_semaphore, #tpu.memory_space<semaphore_mem>>)
      %dma_wait3A = arith.constant 0 : i32
      %dma_wait3A_18 = tpu.memref_slice %arg9[%dma_wait3A] : memref<10016xf32, #tpu.memory_space<vmem>> -> memref<10000xf32, #tpu.memory_space<vmem>>
      %dma_wait3A_19 = arith.constant 0 : i32
      %dma_wait3A_20 = tpu.memref_slice %arg9[%dma_wait3A_19] : memref<10016xf32, #tpu.memory_space<vmem>> -> memref<10000xf32, #tpu.memory_space<vmem>>
      tpu.wait_dma2 semaphore(%run_scoped3A : memref<!tpu.dma_semaphore, #tpu.memory_space<semaphore_mem>>) src(%arg3 : memref<10000xf32, #tpu.memory_space<hbm>>) dst(%dma_wait3A_20 : memref<10000xf32, #tpu.memory_space<vmem>>)
      tpu.yield
    }) : () -> ()
    "tpu.region"() ({
      %run_scoped3A = tpu.sem_alloc : memref<!tpu.dma_semaphore, #tpu.memory_space<semaphore_mem>>
      %dma_start3A = arith.constant 0 : i32
      %dma_start3A_15 = tpu.memref_slice %arg4[%dma_start3A, %mul3A_2] : memref<2x327680xi32, #tpu.memory_space<hbm>> -> memref<2x10240xi32, #tpu.memory_space<hbm>>
      %dma_start3A_16 = arith.constant 0 : i32
      %dma_start3A_17 = tpu.memref_slice %arg4[%dma_start3A_16, %mul3A_2] : memref<2x327680xi32, #tpu.memory_space<hbm>> -> memref<2x10240xi32, #tpu.memory_space<hbm>>
      tpu.enqueue_dma source(%dma_start3A_17 : memref<2x10240xi32, #tpu.memory_space<hbm>>) target(%arg11 : memref<2x10240xi32, #tpu.memory_space<vmem>>) target_semaphore(%run_scoped3A : memref<!tpu.dma_semaphore, #tpu.memory_space<semaphore_mem>>)
      %dma_wait3A = arith.constant 0 : i32
      %dma_wait3A_18 = tpu.memref_slice %arg4[%dma_wait3A, %mul3A_2] : memref<2x327680xi32, #tpu.memory_space<hbm>> -> memref<2x10240xi32, #tpu.memory_space<hbm>>
      %dma_wait3A_19 = arith.constant 0 : i32
      %dma_wait3A_20 = tpu.memref_slice %arg4[%dma_wait3A_19, %mul3A_2] : memref<2x327680xi32, #tpu.memory_space<hbm>> -> memref<2x10240xi32, #tpu.memory_space<hbm>>
      tpu.wait_dma2 semaphore(%run_scoped3A : memref<!tpu.dma_semaphore, #tpu.memory_space<semaphore_mem>>) src(%dma_wait3A_20 : memref<2x10240xi32, #tpu.memory_space<hbm>>) dst(%arg11 : memref<2x10240xi32, #tpu.memory_space<vmem>>)
      tpu.yield
    }) : () -> ()
    %broadcast_in_dim3A = arith.constant 0.000000e+00 : f32
    %broadcast_in_dim3A_3 = vector.broadcast %broadcast_in_dim3A : f32 to vector<16xf32>
    %swap3A = arith.constant 10000 : index
    %swap3A_4 = tpu.vector_load %arg9[%swap3A] {strides = array<i32>} : memref<10016xf32, #tpu.memory_space<vmem>>, vector<16xf32>,
    tpu.vector_store %arg9[%swap3A], %broadcast_in_dim3A_3 {strides = array<i32>} : memref<10016xf32, #tpu.memory_space<vmem>>, vector<16xf32>,
    %scan3A = arith.constant 0 : i32
    %scan3A_5 = arith.constant 0 : i32
    %scan3A_6 = arith.constant 640 : i32
    %scan3A_7 = arith.addi %scan3A_5, %scan3A_6 : i32
    %scan3A_8 = arith.constant 1 : i32
    %scan3A_9 = scf.for %scan3A_15 = %scan3A_5 to %scan3A_7 step %scan3A_8 iter_args(%scan3A_16 = %scan3A) -> (i32)  : i32 {
      %broadcast_in_dim3A_17 = arith.constant 0.000000e+00 : f32
      %broadcast_in_dim3A_18 = vector.broadcast %broadcast_in_dim3A_17 : f32 to vector<16xf32>
      %mul3A_19 = arith.constant 16 : i32
      %mul3A_20 = arith.muli %scan3A_15, %mul3A_19 : i32
      %swap3A_21 = arith.constant 0 : i32
      %swap3A_22 = arith.index_cast %swap3A_21 : i32 to index
      %swap3A_23 = arith.index_cast %mul3A_20 : i32 to index
      %swap3A_24 = tpu.vector_load %arg10[%swap3A_22, %swap3A_23] {strides = array<i32>} : memref<1x10240xf32, #tpu.memory_space<vmem>>, vector<16xf32>,
      tpu.vector_store %arg10[%swap3A_22, %swap3A_23], %broadcast_in_dim3A_18 {strides = array<i32>} : memref<1x10240xf32, #tpu.memory_space<vmem>>, vector<16xf32>,
      %scan3A_25 = arith.constant 0 : i32
      scf.yield %scan3A_25 : i32
    }
    %scan3A_10 = arith.constant 640 : i32
    %broadcast_in_dim3A_11 = arith.constant 0 : i32
    %broadcast_in_dim3A_12 = vector.broadcast %broadcast_in_dim3A_11 : i32 to vector<16xi32>
    %parallel_loop3A = arith.constant 0 : i32
    %parallel_loop3A_13 = arith.constant 640 : i32
    %parallel_loop3A_14 = arith.constant 1 : i32
    scf.for %parallel_loop3A_15 = %parallel_loop3A to %parallel_loop3A_13 step %parallel_loop3A_14  : i32 {
      %parallel_loop3A_16 = arith.constant 16 : i32
      %parallel_loop3A_17 = arith.muli %parallel_loop3A_15, %parallel_loop3A_16 : i32
      %parallel_loop3A_18 = arith.constant 0 : i32
      %parallel_loop3A_19 = arith.index_cast %parallel_loop3A_18 : i32 to index
      %parallel_loop3A_20 = arith.index_cast %parallel_loop3A_17 : i32 to index
      %parallel_loop3A_21 = tpu.vector_load %arg11[%parallel_loop3A_19, %parallel_loop3A_20] {strides = array<i32>} : memref<2x10240xi32, #tpu.memory_space<vmem>>, vector<16xi32>,
      %parallel_loop3A_22 = arith.constant 16 : i32
      %parallel_loop3A_23 = arith.muli %parallel_loop3A_15, %parallel_loop3A_22 : i32
      %parallel_loop3A_24 = arith.constant 1 : i32
      %parallel_loop3A_25 = arith.index_cast %parallel_loop3A_24 : i32 to index
      %parallel_loop3A_26 = arith.index_cast %parallel_loop3A_23 : i32 to index
      %parallel_loop3A_27 = tpu.vector_load %arg11[%parallel_loop3A_25, %parallel_loop3A_26] {strides = array<i32>} : memref<2x10240xi32, #tpu.memory_space<vmem>>, vector<16xi32>,
      %parallel_loop3A_28 = tpu.vector_load_idx %arg8[%parallel_loop3A_21] : memref<10000xf32, #tpu.memory_space<vmem>>[vector<16xi32>], vector<16xf32>,
      %parallel_loop3A_29 = tpu.vector_load_idx %arg9[%parallel_loop3A_27] : memref<10016xf32, #tpu.memory_space<vmem>>[vector<16xi32>], vector<16xf32>,
      %parallel_loop3A_30 = arith.addf %parallel_loop3A_28, %parallel_loop3A_29 : vector<16xf32>
      %parallel_loop3A_31 = arith.constant 0.000000e+00 : f32
      %parallel_loop3A_32 = vector.broadcast %parallel_loop3A_31 : f32 to vector<16xf32>
      %parallel_loop3A_33 = arith.cmpf oge, %parallel_loop3A_30, %parallel_loop3A_32 : vector<16xf32>
      %parallel_loop3A_34 = arith.constant 2.000000e-01 : f32
      %parallel_loop3A_35 = vector.broadcast %parallel_loop3A_34 : f32 to vector<16xf32>
      %parallel_loop3A_36 = arith.mulf %parallel_loop3A_30, %parallel_loop3A_35 : vector<16xf32>
      %parallel_loop3A_37 = arith.select %parallel_loop3A_33, %parallel_loop3A_30, %parallel_loop3A_36 : vector<16xi1>, vector<16xf32>
      %parallel_loop3A_38 = math.exp %parallel_loop3A_37 : vector<16xf32>
      %parallel_loop3A_39 = arith.constant 16 : i32
      %parallel_loop3A_40 = arith.muli %parallel_loop3A_15, %parallel_loop3A_39 : i32
      %parallel_loop3A_41 = arith.index_cast %parallel_loop3A_40 : i32 to index
      %parallel_loop3A_42 = tpu.vector_load %arg12[%parallel_loop3A_41] {strides = array<i32>} : memref<10240xf32, #tpu.memory_space<vmem>>, vector<16xf32>,
      tpu.vector_store %arg12[%parallel_loop3A_41], %parallel_loop3A_38 {strides = array<i32>} : memref<10240xf32, #tpu.memory_space<vmem>>, vector<16xf32>,
      %parallel_loop3A_43 = arith.constant 14 : i32
      %parallel_loop3A_44 = vector.broadcast %parallel_loop3A_43 : i32 to vector<16xi32>
      %parallel_loop3A_45 = arith.shli %parallel_loop3A_21, %parallel_loop3A_44 : vector<16xi32>
      %parallel_loop3A_46 = arith.ori %parallel_loop3A_45, %parallel_loop3A_27 : vector<16xi32>
      %parallel_loop3A_47 = arith.constant 16 : i32
      %parallel_loop3A_48 = arith.muli %parallel_loop3A_15, %parallel_loop3A_47 : i32
      %parallel_loop3A_49 = arith.index_cast %parallel_loop3A_48 : i32 to index
      %parallel_loop3A_50 = tpu.vector_load %arg13[%parallel_loop3A_49] {strides = array<i32>} : memref<10240xi32, #tpu.memory_space<vmem>>, vector<16xi32>,
      tpu.vector_store %arg13[%parallel_loop3A_49], %parallel_loop3A_46 {strides = array<i32>} : memref<10240xi32, #tpu.memory_space<vmem>>, vector<16xi32>,
      tpu.vector_store_idx %arg10[%broadcast_in_dim3A_12, %parallel_loop3A_27], %parallel_loop3A_38 {add = true} : memref<1x10240xf32, #tpu.memory_space<vmem>>[vector<16xi32>, vector<16xi32>], vector<16xf32>,
    } {sc.loop_unroll_factor = 8 : i64, sc.parallel_access}
    "tpu.region"() ({
      %run_scoped3A = tpu.sem_alloc : memref<!tpu.dma_semaphore, #tpu.memory_space<semaphore_mem>>
      %dma_start3A = tpu.memref_slice %arg5[%mul3A_2] : memref<327680xf32, #tpu.memory_space<hbm>> -> memref<10240xf32, #tpu.memory_space<hbm>>
      %dma_start3A_15 = tpu.memref_slice %arg5[%mul3A_2] : memref<327680xf32, #tpu.memory_space<hbm>> -> memref<10240xf32, #tpu.memory_space<hbm>>
      tpu.enqueue_dma source(%arg12 : memref<10240xf32, #tpu.memory_space<vmem>>) target(%dma_start3A_15 : memref<10240xf32, #tpu.memory_space<hbm>>) target_semaphore(%run_scoped3A : memref<!tpu.dma_semaphore, #tpu.memory_space<semaphore_mem>>)
      %dma_wait3A = tpu.memref_slice %arg5[%mul3A_2] : memref<327680xf32, #tpu.memory_space<hbm>> -> memref<10240xf32, #tpu.memory_space<hbm>>
      %dma_wait3A_16 = tpu.memref_slice %arg5[%mul3A_2] : memref<327680xf32, #tpu.memory_space<hbm>> -> memref<10240xf32, #tpu.memory_space<hbm>>
      tpu.wait_dma2 semaphore(%run_scoped3A : memref<!tpu.dma_semaphore, #tpu.memory_space<semaphore_mem>>) src(%arg12 : memref<10240xf32, #tpu.memory_space<vmem>>) dst(%dma_wait3A_16 : memref<10240xf32, #tpu.memory_space<hbm>>)
      tpu.yield
    }) : () -> ()
    "tpu.region"() ({
      %run_scoped3A = tpu.sem_alloc : memref<!tpu.dma_semaphore, #tpu.memory_space<semaphore_mem>>
      %dma_start3A = tpu.memref_slice %arg7[%mul3A_2] : memref<327680xi32, #tpu.memory_space<hbm>> -> memref<10240xi32, #tpu.memory_space<hbm>>
      %dma_start3A_15 = tpu.memref_slice %arg7[%mul3A_2] : memref<327680xi32, #tpu.memory_space<hbm>> -> memref<10240xi32, #tpu.memory_space<hbm>>
      tpu.enqueue_dma source(%arg13 : memref<10240xi32, #tpu.memory_space<vmem>>) target(%dma_start3A_15 : memref<10240xi32, #tpu.memory_space<hbm>>) target_semaphore(%run_scoped3A : memref<!tpu.dma_semaphore, #tpu.memory_space<semaphore_mem>>)
      %dma_wait3A = tpu.memref_slice %arg7[%mul3A_2] : memref<327680xi32, #tpu.memory_space<hbm>> -> memref<10240xi32, #tpu.memory_space<hbm>>
      %dma_wait3A_16 = tpu.memref_slice %arg7[%mul3A_2] : memref<327680xi32, #tpu.memory_space<hbm>> -> memref<10240xi32, #tpu.memory_space<hbm>>
      tpu.wait_dma2 semaphore(%run_scoped3A : memref<!tpu.dma_semaphore, #tpu.memory_space<semaphore_mem>>) src(%arg13 : memref<10240xi32, #tpu.memory_space<vmem>>) dst(%dma_wait3A_16 : memref<10240xi32, #tpu.memory_space<hbm>>)
      tpu.yield
    }) : () -> ()
    "tpu.region"() ({
      %run_scoped3A = tpu.sem_alloc : memref<!tpu.dma_semaphore, #tpu.memory_space<semaphore_mem>>
      %dma_start3A = arith.constant 0 : i32
      %dma_start3A_15 = arith.constant 0 : i32
      %dma_start3A_16 = tpu.memref_slice %arg6[%add3A, %dma_start3A, %dma_start3A_15] : memref<32x1x10240xf32, #tpu.memory_space<hbm>> -> memref<1x1x10240xf32, #tpu.memory_space<hbm>>
      %dma_start3A_17 = tpu.memref_squeeze %dma_start3A_16 : memref<1x1x10240xf32, #tpu.memory_space<hbm>> -> memref<1x10240xf32, #tpu.memory_space<hbm>>
      %dma_start3A_18 = arith.constant 0 : i32
      %dma_start3A_19 = arith.constant 0 : i32
      %dma_start3A_20 = tpu.memref_slice %arg6[%add3A, %dma_start3A_18, %dma_start3A_19] : memref<32x1x10240xf32, #tpu.memory_space<hbm>> -> memref<1x1x10240xf32, #tpu.memory_space<hbm>>
      %dma_start3A_21 = tpu.memref_squeeze %dma_start3A_20 : memref<1x1x10240xf32, #tpu.memory_space<hbm>> -> memref<1x10240xf32, #tpu.memory_space<hbm>>
      tpu.enqueue_dma source(%arg10 : memref<1x10240xf32, #tpu.memory_space<vmem>>) target(%dma_start3A_21 : memref<1x10240xf32, #tpu.memory_space<hbm>>) target_semaphore(%run_scoped3A : memref<!tpu.dma_semaphore, #tpu.memory_space<semaphore_mem>>)
      %dma_wait3A = arith.constant 0 : i32
      %dma_wait3A_22 = arith.constant 0 : i32
      %dma_wait3A_23 = tpu.memref_slice %arg6[%add3A, %dma_wait3A, %dma_wait3A_22] : memref<32x1x10240xf32, #tpu.memory_space<hbm>> -> memref<1x1x10240xf32, #tpu.memory_space<hbm>>
      %dma_wait3A_24 = tpu.memref_squeeze %dma_wait3A_23 : memref<1x1x10240xf32, #tpu.memory_space<hbm>> -> memref<1x10240xf32, #tpu.memory_space<hbm>>
      %dma_wait3A_25 = arith.constant 0 : i32
      %dma_wait3A_26 = arith.constant 0 : i32
      %dma_wait3A_27 = tpu.memref_slice %arg6[%add3A, %dma_wait3A_25, %dma_wait3A_26] : memref<32x1x10240xf32, #tpu.memory_space<hbm>> -> memref<1x1x10240xf32, #tpu.memory_space<hbm>>
      %dma_wait3A_28 = tpu.memref_squeeze %dma_wait3A_27 : memref<1x1x10240xf32, #tpu.memory_space<hbm>> -> memref<1x10240xf32, #tpu.memory_space<hbm>>
      tpu.wait_dma2 semaphore(%run_scoped3A : memref<!tpu.dma_semaphore, #tpu.memory_space<semaphore_mem>>) src(%arg10 : memref<1x10240xf32, #tpu.memory_space<vmem>>) dst(%dma_wait3A_28 : memref<1x10240xf32, #tpu.memory_space<hbm>>)
      tpu.yield
    }) : () -> ()
    return
  }
}

#map = affine_map<(d0, d1) -> (0)>
#map1 = affine_map<(d0, d1) -> (0, 0)>
#map2 = affine_map<(d0, d1) -> (0, 0, 0)>
module attributes {stable_mosaic.version = 14 : i64} {
  func.func @_agg_w(%arg0: i32, %arg1: i32, %arg2: memref<10000xf32, #tpu.memory_space<hbm>>, %arg3: memref<10000xf32, #tpu.memory_space<hbm>>, %arg4: memref<2x327680xi32, #tpu.memory_space<hbm>>, %arg5: memref<327680xf32, #tpu.memory_space<hbm>>, %arg6: memref<32x1x10240xf32, #tpu.memory_space<hbm>>, %arg7: memref<327680xi32, #tpu.memory_space<hbm>>, %arg8: memref<10000xf32, #tpu.memory_space<vmem>>, %arg9: memref<10016xf32, #tpu.memory_space<vmem>>, %arg10: memref<1x10240xf32, #tpu.memory_space<vmem>>, %arg11: memref<2x10240xi32, #tpu.memory_space<vmem>>, %arg12: memref<10240xf32, #tpu.memory_space<vmem>>, %arg13: memref<10240xi32, #tpu.memory_space<vmem>>) attributes {dimension_semantics = [#tpu.dimension_semantics<core_parallel>, #tpu.dimension_semantics<subcore_parallel>], iteration_bounds = array<i64: 2, 16>, scalar_prefetch = 0 : i64, scratch_operands = 6 : i64, tpu.core_type = #tpu.core_type<sc_vector_subcore>, window_params = [{transform_indices = #map}, {transform_indices = #map}, {transform_indices = #map1}, {transform_indices = #map}, {transform_indices = #map2}, {transform_indices = #map}]} {
    %mul3A = arith.constant 2 : i32
    %mul3A_0 = arith.muli %arg1, %mul3A : i32
    %add3A = arith.addi %mul3A_0, %arg0 : i32
    %mul3A_1 = arith.constant 10240 : i32
    %mul3A_2 = arith.muli %add3A, %mul3A_1 : i32
    "tpu.region"() ({
      %run_scoped3A = tpu.sem_alloc : memref<!tpu.dma_semaphore, #tpu.memory_space<semaphore_mem>>
      tpu.enqueue_dma source(%arg2 : memref<10000xf32, #tpu.memory_space<hbm>>) target(%arg8 : memref<10000xf32, #tpu.memory_space<vmem>>) target_semaphore(%run_scoped3A : memref<!tpu.dma_semaphore, #tpu.memory_space<semaphore_mem>>)
      tpu.wait_dma2 semaphore(%run_scoped3A : memref<!tpu.dma_semaphore, #tpu.memory_space<semaphore_mem>>) src(%arg2 : memref<10000xf32, #tpu.memory_space<hbm>>) dst(%arg8 : memref<10000xf32, #tpu.memory_space<vmem>>)
      tpu.yield
    }) : () -> ()
    "tpu.region"() ({
      %run_scoped3A = tpu.sem_alloc : memref<!tpu.dma_semaphore, #tpu.memory_space<semaphore_mem>>
      %dma_start3A = arith.constant 0 : i32
      %dma_start3A_15 = tpu.memref_slice %arg9[%dma_start3A] : memref<10016xf32, #tpu.memory_space<vmem>> -> memref<10000xf32, #tpu.memory_space<vmem>>
      %dma_start3A_16 = arith.constant 0 : i32
      %dma_start3A_17 = tpu.memref_slice %arg9[%dma_start3A_16] : memref<10016xf32, #tpu.memory_space<vmem>> -> memref<10000xf32, #tpu.memory_space<vmem>>
      tpu.enqueue_dma source(%arg3 : memref<10000xf32, #tpu.memory_space<hbm>>) target(%dma_start3A_17 : memref<10000xf32, #tpu.memory_space<vmem>>) target_semaphore(%run_scoped3A : memref<!tpu.dma_semaphore, #tpu.memory_space<semaphore_mem>>)
      %dma_wait3A = arith.constant 0 : i32
      %dma_wait3A_18 = tpu.memref_slice %arg9[%dma_wait3A] : memref<10016xf32, #tpu.memory_space<vmem>> -> memref<10000xf32, #tpu.memory_space<vmem>>
      %dma_wait3A_19 = arith.constant 0 : i32
      %dma_wait3A_20 = tpu.memref_slice %arg9[%dma_wait3A_19] : memref<10016xf32, #tpu.memory_space<vmem>> -> memref<10000xf32, #tpu.memory_space<vmem>>
      tpu.wait_dma2 semaphore(%run_scoped3A : memref<!tpu.dma_semaphore, #tpu.memory_space<semaphore_mem>>) src(%arg3 : memref<10000xf32, #tpu.memory_space<hbm>>) dst(%dma_wait3A_20 : memref<10000xf32, #tpu.memory_space<vmem>>)
      tpu.yield
    }) : () -> ()
    "tpu.region"() ({
      %run_scoped3A = tpu.sem_alloc : memref<!tpu.dma_semaphore, #tpu.memory_space<semaphore_mem>>
      %dma_start3A = arith.constant 0 : i32
      %dma_start3A_15 = tpu.memref_slice %arg4[%dma_start3A, %mul3A_2] : memref<2x327680xi32, #tpu.memory_space<hbm>> -> memref<2x10240xi32, #tpu.memory_space<hbm>>
      %dma_start3A_16 = arith.constant 0 : i32
      %dma_start3A_17 = tpu.memref_slice %arg4[%dma_start3A_16, %mul3A_2] : memref<2x327680xi32, #tpu.memory_space<hbm>> -> memref<2x10240xi32, #tpu.memory_space<hbm>>
      tpu.enqueue_dma source(%dma_start3A_17 : memref<2x10240xi32, #tpu.memory_space<hbm>>) target(%arg11 : memref<2x10240xi32, #tpu.memory_space<vmem>>) target_semaphore(%run_scoped3A : memref<!tpu.dma_semaphore, #tpu.memory_space<semaphore_mem>>)
      %dma_wait3A = arith.constant 0 : i32
      %dma_wait3A_18 = tpu.memref_slice %arg4[%dma_wait3A, %mul3A_2] : memref<2x327680xi32, #tpu.memory_space<hbm>> -> memref<2x10240xi32, #tpu.memory_space<hbm>>
      %dma_wait3A_19 = arith.constant 0 : i32
      %dma_wait3A_20 = tpu.memref_slice %arg4[%dma_wait3A_19, %mul3A_2] : memref<2x327680xi32, #tpu.memory_space<hbm>> -> memref<2x10240xi32, #tpu.memory_space<hbm>>
      tpu.wait_dma2 semaphore(%run_scoped3A : memref<!tpu.dma_semaphore, #tpu.memory_space<semaphore_mem>>) src(%dma_wait3A_20 : memref<2x10240xi32, #tpu.memory_space<hbm>>) dst(%arg11 : memref<2x10240xi32, #tpu.memory_space<vmem>>)
      tpu.yield
    }) : () -> ()
    %broadcast_in_dim3A = arith.constant 0.000000e+00 : f32
    %broadcast_in_dim3A_3 = vector.broadcast %broadcast_in_dim3A : f32 to vector<16xf32>
    %swap3A = arith.constant 10000 : index
    %swap3A_4 = tpu.vector_load %arg9[%swap3A] {strides = array<i32>} : memref<10016xf32, #tpu.memory_space<vmem>>, vector<16xf32>,
    tpu.vector_store %arg9[%swap3A], %broadcast_in_dim3A_3 {strides = array<i32>} : memref<10016xf32, #tpu.memory_space<vmem>>, vector<16xf32>,
    %scan3A = arith.constant 0 : i32
    %scan3A_5 = arith.constant 0 : i32
    %scan3A_6 = arith.constant 640 : i32
    %scan3A_7 = arith.addi %scan3A_5, %scan3A_6 : i32
    %scan3A_8 = arith.constant 1 : i32
    %scan3A_9 = scf.for %scan3A_15 = %scan3A_5 to %scan3A_7 step %scan3A_8 iter_args(%scan3A_16 = %scan3A) -> (i32)  : i32 {
      %broadcast_in_dim3A_17 = arith.constant 0.000000e+00 : f32
      %broadcast_in_dim3A_18 = vector.broadcast %broadcast_in_dim3A_17 : f32 to vector<16xf32>
      %mul3A_19 = arith.constant 16 : i32
      %mul3A_20 = arith.muli %scan3A_15, %mul3A_19 : i32
      %swap3A_21 = arith.constant 0 : i32
      %swap3A_22 = arith.index_cast %swap3A_21 : i32 to index
      %swap3A_23 = arith.index_cast %mul3A_20 : i32 to index
      %swap3A_24 = tpu.vector_load %arg10[%swap3A_22, %swap3A_23] {strides = array<i32>} : memref<1x10240xf32, #tpu.memory_space<vmem>>, vector<16xf32>,
      tpu.vector_store %arg10[%swap3A_22, %swap3A_23], %broadcast_in_dim3A_18 {strides = array<i32>} : memref<1x10240xf32, #tpu.memory_space<vmem>>, vector<16xf32>,
      %scan3A_25 = arith.constant 0 : i32
      scf.yield %scan3A_25 : i32
    }
    %scan3A_10 = arith.constant 640 : i32
    %broadcast_in_dim3A_11 = arith.constant 0 : i32
    %broadcast_in_dim3A_12 = vector.broadcast %broadcast_in_dim3A_11 : i32 to vector<16xi32>
    %parallel_loop3A = arith.constant 0 : i32
    %parallel_loop3A_13 = arith.constant 640 : i32
    %parallel_loop3A_14 = arith.constant 1 : i32
    scf.for %parallel_loop3A_15 = %parallel_loop3A to %parallel_loop3A_13 step %parallel_loop3A_14  : i32 {
      %parallel_loop3A_16 = arith.constant 16 : i32
      %parallel_loop3A_17 = arith.muli %parallel_loop3A_15, %parallel_loop3A_16 : i32
      %parallel_loop3A_18 = arith.constant 0 : i32
      %parallel_loop3A_19 = arith.index_cast %parallel_loop3A_18 : i32 to index
      %parallel_loop3A_20 = arith.index_cast %parallel_loop3A_17 : i32 to index
      %parallel_loop3A_21 = tpu.vector_load %arg11[%parallel_loop3A_19, %parallel_loop3A_20] {strides = array<i32>} : memref<2x10240xi32, #tpu.memory_space<vmem>>, vector<16xi32>,
      %parallel_loop3A_22 = arith.constant 16 : i32
      %parallel_loop3A_23 = arith.muli %parallel_loop3A_15, %parallel_loop3A_22 : i32
      %parallel_loop3A_24 = arith.constant 1 : i32
      %parallel_loop3A_25 = arith.index_cast %parallel_loop3A_24 : i32 to index
      %parallel_loop3A_26 = arith.index_cast %parallel_loop3A_23 : i32 to index
      %parallel_loop3A_27 = tpu.vector_load %arg11[%parallel_loop3A_25, %parallel_loop3A_26] {strides = array<i32>} : memref<2x10240xi32, #tpu.memory_space<vmem>>, vector<16xi32>,
      %parallel_loop3A_28 = tpu.vector_load_idx %arg8[%parallel_loop3A_21] : memref<10000xf32, #tpu.memory_space<vmem>>[vector<16xi32>], vector<16xf32>,
      %parallel_loop3A_29 = tpu.vector_load_idx %arg9[%parallel_loop3A_27] : memref<10016xf32, #tpu.memory_space<vmem>>[vector<16xi32>], vector<16xf32>,
      %parallel_loop3A_30 = arith.addf %parallel_loop3A_28, %parallel_loop3A_29 : vector<16xf32>
      %parallel_loop3A_31 = arith.constant 0.000000e+00 : f32
      %parallel_loop3A_32 = vector.broadcast %parallel_loop3A_31 : f32 to vector<16xf32>
      %parallel_loop3A_33 = arith.cmpf oge, %parallel_loop3A_30, %parallel_loop3A_32 : vector<16xf32>
      %parallel_loop3A_34 = arith.constant 2.000000e-01 : f32
      %parallel_loop3A_35 = vector.broadcast %parallel_loop3A_34 : f32 to vector<16xf32>
      %parallel_loop3A_36 = arith.mulf %parallel_loop3A_30, %parallel_loop3A_35 : vector<16xf32>
      %parallel_loop3A_37 = arith.select %parallel_loop3A_33, %parallel_loop3A_30, %parallel_loop3A_36 : vector<16xi1>, vector<16xf32>
      %parallel_loop3A_38 = math.exp %parallel_loop3A_37 : vector<16xf32>
      %parallel_loop3A_39 = arith.constant 16 : i32
      %parallel_loop3A_40 = arith.muli %parallel_loop3A_15, %parallel_loop3A_39 : i32
      %parallel_loop3A_41 = arith.index_cast %parallel_loop3A_40 : i32 to index
      %parallel_loop3A_42 = tpu.vector_load %arg12[%parallel_loop3A_41] {strides = array<i32>} : memref<10240xf32, #tpu.memory_space<vmem>>, vector<16xf32>,
      tpu.vector_store %arg12[%parallel_loop3A_41], %parallel_loop3A_38 {strides = array<i32>} : memref<10240xf32, #tpu.memory_space<vmem>>, vector<16xf32>,
      %parallel_loop3A_43 = arith.constant 14 : i32
      %parallel_loop3A_44 = vector.broadcast %parallel_loop3A_43 : i32 to vector<16xi32>
      %parallel_loop3A_45 = arith.shli %parallel_loop3A_21, %parallel_loop3A_44 : vector<16xi32>
      %parallel_loop3A_46 = arith.ori %parallel_loop3A_45, %parallel_loop3A_27 : vector<16xi32>
      %parallel_loop3A_47 = arith.constant 16 : i32
      %parallel_loop3A_48 = arith.muli %parallel_loop3A_15, %parallel_loop3A_47 : i32
      %parallel_loop3A_49 = arith.index_cast %parallel_loop3A_48 : i32 to index
      %parallel_loop3A_50 = tpu.vector_load %arg13[%parallel_loop3A_49] {strides = array<i32>} : memref<10240xi32, #tpu.memory_space<vmem>>, vector<16xi32>,
      tpu.vector_store %arg13[%parallel_loop3A_49], %parallel_loop3A_46 {strides = array<i32>} : memref<10240xi32, #tpu.memory_space<vmem>>, vector<16xi32>,
      tpu.vector_store_idx %arg10[%broadcast_in_dim3A_12, %parallel_loop3A_27], %parallel_loop3A_38 {add = true} : memref<1x10240xf32, #tpu.memory_space<vmem>>[vector<16xi32>, vector<16xi32>], vector<16xf32>,
    } {sc.loop_unroll_factor = 8 : i64, sc.parallel_access}
    "tpu.region"() ({
      %run_scoped3A = tpu.sem_alloc : memref<!tpu.dma_semaphore, #tpu.memory_space<semaphore_mem>>
      %dma_start3A = tpu.memref_slice %arg5[%mul3A_2] : memref<327680xf32, #tpu.memory_space<hbm>> -> memref<10240xf32, #tpu.memory_space<hbm>>
      %dma_start3A_15 = tpu.memref_slice %arg5[%mul3A_2] : memref<327680xf32, #tpu.memory_space<hbm>> -> memref<10240xf32, #tpu.memory_space<hbm>>
      tpu.enqueue_dma source(%arg12 : memref<10240xf32, #tpu.memory_space<vmem>>) target(%dma_start3A_15 : memref<10240xf32, #tpu.memory_space<hbm>>) target_semaphore(%run_scoped3A : memref<!tpu.dma_semaphore, #tpu.memory_space<semaphore_mem>>)
      %dma_wait3A = tpu.memref_slice %arg5[%mul3A_2] : memref<327680xf32, #tpu.memory_space<hbm>> -> memref<10240xf32, #tpu.memory_space<hbm>>
      %dma_wait3A_16 = tpu.memref_slice %arg5[%mul3A_2] : memref<327680xf32, #tpu.memory_space<hbm>> -> memref<10240xf32, #tpu.memory_space<hbm>>
      tpu.wait_dma2 semaphore(%run_scoped3A : memref<!tpu.dma_semaphore, #tpu.memory_space<semaphore_mem>>) src(%arg12 : memref<10240xf32, #tpu.memory_space<vmem>>) dst(%dma_wait3A_16 : memref<10240xf32, #tpu.memory_space<hbm>>)
      tpu.yield
    }) : () -> ()
    "tpu.region"() ({
      %run_scoped3A = tpu.sem_alloc : memref<!tpu.dma_semaphore, #tpu.memory_space<semaphore_mem>>
      %dma_start3A = tpu.memref_slice %arg7[%mul3A_2] : memref<327680xi32, #tpu.memory_space<hbm>> -> memref<10240xi32, #tpu.memory_space<hbm>>
      %dma_start3A_15 = tpu.memref_slice %arg7[%mul3A_2] : memref<327680xi32, #tpu.memory_space<hbm>> -> memref<10240xi32, #tpu.memory_space<hbm>>
      tpu.enqueue_dma source(%arg13 : memref<10240xi32, #tpu.memory_space<vmem>>) target(%dma_start3A_15 : memref<10240xi32, #tpu.memory_space<hbm>>) target_semaphore(%run_scoped3A : memref<!tpu.dma_semaphore, #tpu.memory_space<semaphore_mem>>)
      %dma_wait3A = tpu.memref_slice %arg7[%mul3A_2] : memref<327680xi32, #tpu.memory_space<hbm>> -> memref<10240xi32, #tpu.memory_space<hbm>>
      %dma_wait3A_16 = tpu.memref_slice %arg7[%mul3A_2] : memref<327680xi32, #tpu.memory_space<hbm>> -> memref<10240xi32, #tpu.memory_space<hbm>>
      tpu.wait_dma2 semaphore(%run_scoped3A : memref<!tpu.dma_semaphore, #tpu.memory_space<semaphore_mem>>) src(%arg13 : memref<10240xi32, #tpu.memory_space<vmem>>) dst(%dma_wait3A_16 : memref<10240xi32, #tpu.memory_space<hbm>>)
      tpu.yield
    }) : () -> ()
    "tpu.region"() ({
      %run_scoped3A = tpu.sem_alloc : memref<!tpu.dma_semaphore, #tpu.memory_space<semaphore_mem>>
      %dma_start3A = arith.constant 0 : i32
      %dma_start3A_15 = arith.constant 0 : i32
      %dma_start3A_16 = tpu.memref_slice %arg6[%add3A, %dma_start3A, %dma_start3A_15] : memref<32x1x10240xf32, #tpu.memory_space<hbm>> -> memref<1x1x10240xf32, #tpu.memory_space<hbm>>
      %dma_start3A_17 = tpu.memref_squeeze %dma_start3A_16 : memref<1x1x10240xf32, #tpu.memory_space<hbm>> -> memref<1x10240xf32, #tpu.memory_space<hbm>>
      %dma_start3A_18 = arith.constant 0 : i32
      %dma_start3A_19 = arith.constant 0 : i32
      %dma_start3A_20 = tpu.memref_slice %arg6[%add3A, %dma_start3A_18, %dma_start3A_19] : memref<32x1x10240xf32, #tpu.memory_space<hbm>> -> memref<1x1x10240xf32, #tpu.memory_space<hbm>>
      %dma_start3A_21 = tpu.memref_squeeze %dma_start3A_20 : memref<1x1x10240xf32, #tpu.memory_space<hbm>> -> memref<1x10240xf32, #tpu.memory_space<hbm>>
      tpu.enqueue_dma source(%arg10 : memref<1x10240xf32, #tpu.memory_space<vmem>>) target(%dma_start3A_21 : memref<1x10240xf32, #tpu.memory_space<hbm>>) target_semaphore(%run_scoped3A : memref<!tpu.dma_semaphore, #tpu.memory_space<semaphore_mem>>)
      %dma_wait3A = arith.constant 0 : i32
      %dma_wait3A_22 = arith.constant 0 : i32
      %dma_wait3A_23 = tpu.memref_slice %arg6[%add3A, %dma_wait3A, %dma_wait3A_22] : memref<32x1x10240xf32, #tpu.memory_space<hbm>> -> memref<1x1x10240xf32, #tpu.memory_space<hbm>>
      %dma_wait3A_24 = tpu.memref_squeeze %dma_wait3A_23 : memref<1x1x10240xf32, #tpu.memory_space<hbm>> -> memref<1x10240xf32, #tpu.memory_space<hbm>>
      %dma_wait3A_25 = arith.constant 0 : i32
      %dma_wait3A_26 = arith.constant 0 : i32
      %dma_wait3A_27 = tpu.memref_slice %arg6[%add3A, %dma_wait3A_25, %dma_wait3A_26] : memref<32x1x10240xf32, #tpu.memory_space<hbm>> -> memref<1x1x10240xf32, #tpu.memory_space<hbm>>
      %dma_wait3A_28 = tpu.memref_squeeze %dma_wait3A_27 : memref<1x1x10240xf32, #tpu.memory_space<hbm>> -> memref<1x10240xf32, #tpu.memory_space<hbm>>
      tpu.wait_dma2 semaphore(%run_scoped3A : memref<!tpu.dma_semaphore, #tpu.memory_space<semaphore_mem>>) src(%arg10 : memref<1x10240xf32, #tpu.memory_space<vmem>>) dst(%dma_wait3A_28 : memref<1x10240xf32, #tpu.memory_space<hbm>>)
      tpu.yield
    }) : () -> ()
    return
  }
}

#map = affine_map<(d0, d1) -> (0, 0, 0)>
#map1 = affine_map<(d0, d1) -> (0)>
module attributes {stable_mosaic.version = 14 : i64} {
  func.func @_agg_acc(%arg0: i32, %arg1: i32, %arg2: memref<32x4x10000xf32, #tpu.memory_space<hbm>>, %arg3: memref<327680xi32, #tpu.memory_space<hbm>>, %arg4: memref<327680xf32, #tpu.memory_space<hbm>>, %arg5: memref<32x4x10000xf32, #tpu.memory_space<hbm>>, %arg6: memref<4x10000xf32, #tpu.memory_space<vmem>>, %arg7: memref<4x10000xf32, #tpu.memory_space<vmem>>, %arg8: memref<2x3200xi32, #tpu.memory_space<vmem>>, %arg9: memref<2x3200xf32, #tpu.memory_space<vmem>>, %arg10: memref<!tpu.dma_semaphore, #tpu.memory_space<semaphore_mem>>, %arg11: memref<!tpu.dma_semaphore, #tpu.memory_space<semaphore_mem>>, %arg12: memref<!tpu.dma_semaphore, #tpu.memory_space<semaphore_mem>>, %arg13: memref<!tpu.dma_semaphore, #tpu.memory_space<semaphore_mem>>) attributes {dimension_semantics = [#tpu.dimension_semantics<core_parallel>, #tpu.dimension_semantics<subcore_parallel>], iteration_bounds = array<i64: 2, 16>, scalar_prefetch = 0 : i64, scratch_operands = 8 : i64, tpu.core_type = #tpu.core_type<sc_vector_subcore>, window_params = [{transform_indices = #map}, {transform_indices = #map1}, {transform_indices = #map1}, {transform_indices = #map}]} {
    %mul3A = arith.constant 2 : i32
    %mul3A_0 = arith.muli %arg1, %mul3A : i32
    %add3A = arith.addi %mul3A_0, %arg0 : i32
    "tpu.region"() ({
      %run_scoped3A = tpu.sem_alloc : memref<!tpu.dma_semaphore, #tpu.memory_space<semaphore_mem>>
      %dma_start3A_57 = arith.constant 0 : i32
      %dma_start3A_58 = arith.constant 0 : i32
      %dma_start3A_59 = tpu.memref_slice %arg2[%add3A, %dma_start3A_57, %dma_start3A_58] : memref<32x4x10000xf32, #tpu.memory_space<hbm>> -> memref<1x4x10000xf32, #tpu.memory_space<hbm>>
      %dma_start3A_60 = tpu.memref_squeeze %dma_start3A_59 : memref<1x4x10000xf32, #tpu.memory_space<hbm>> -> memref<4x10000xf32, #tpu.memory_space<hbm>>
      %dma_start3A_61 = arith.constant 0 : i32
      %dma_start3A_62 = arith.constant 0 : i32
      %dma_start3A_63 = tpu.memref_slice %arg2[%add3A, %dma_start3A_61, %dma_start3A_62] : memref<32x4x10000xf32, #tpu.memory_space<hbm>> -> memref<1x4x10000xf32, #tpu.memory_space<hbm>>
      %dma_start3A_64 = tpu.memref_squeeze %dma_start3A_63 : memref<1x4x10000xf32, #tpu.memory_space<hbm>> -> memref<4x10000xf32, #tpu.memory_space<hbm>>
      tpu.enqueue_dma source(%dma_start3A_64 : memref<4x10000xf32, #tpu.memory_space<hbm>>) target(%arg6 : memref<4x10000xf32, #tpu.memory_space<vmem>>) target_semaphore(%run_scoped3A : memref<!tpu.dma_semaphore, #tpu.memory_space<semaphore_mem>>)
      %dma_wait3A = arith.constant 0 : i32
      %dma_wait3A_65 = arith.constant 0 : i32
      %dma_wait3A_66 = tpu.memref_slice %arg2[%add3A, %dma_wait3A, %dma_wait3A_65] : memref<32x4x10000xf32, #tpu.memory_space<hbm>> -> memref<1x4x10000xf32, #tpu.memory_space<hbm>>
      %dma_wait3A_67 = tpu.memref_squeeze %dma_wait3A_66 : memref<1x4x10000xf32, #tpu.memory_space<hbm>> -> memref<4x10000xf32, #tpu.memory_space<hbm>>
      %dma_wait3A_68 = arith.constant 0 : i32
      %dma_wait3A_69 = arith.constant 0 : i32
      %dma_wait3A_70 = tpu.memref_slice %arg2[%add3A, %dma_wait3A_68, %dma_wait3A_69] : memref<32x4x10000xf32, #tpu.memory_space<hbm>> -> memref<1x4x10000xf32, #tpu.memory_space<hbm>>
      %dma_wait3A_71 = tpu.memref_squeeze %dma_wait3A_70 : memref<1x4x10000xf32, #tpu.memory_space<hbm>> -> memref<4x10000xf32, #tpu.memory_space<hbm>>
      tpu.wait_dma2 semaphore(%run_scoped3A : memref<!tpu.dma_semaphore, #tpu.memory_space<semaphore_mem>>) src(%dma_wait3A_71 : memref<4x10000xf32, #tpu.memory_space<hbm>>) dst(%arg6 : memref<4x10000xf32, #tpu.memory_space<vmem>>)
      tpu.yield
    }) : () -> ()
    %scan3A = arith.constant 0 : i32
    %scan3A_1 = arith.constant 0 : i32
    %scan3A_2 = arith.constant 625 : i32
    %scan3A_3 = arith.addi %scan3A_1, %scan3A_2 : i32
    %scan3A_4 = arith.constant 1 : i32
    %scan3A_5 = scf.for %scan3A_57 = %scan3A_1 to %scan3A_3 step %scan3A_4 iter_args(%scan3A_58 = %scan3A) -> (i32)  : i32 {
      %broadcast_in_dim3A = arith.constant 0.000000e+00 : f32
      %broadcast_in_dim3A_59 = vector.broadcast %broadcast_in_dim3A : f32 to vector<16xf32>
      %mul3A_60 = arith.constant 16 : i32
      %mul3A_61 = arith.muli %scan3A_57, %mul3A_60 : i32
      %swap3A = arith.constant 0 : i32
      %swap3A_62 = arith.index_cast %swap3A : i32 to index
      %swap3A_63 = arith.index_cast %mul3A_61 : i32 to index
      %swap3A_64 = tpu.vector_load %arg7[%swap3A_62, %swap3A_63] {strides = array<i32>} : memref<4x10000xf32, #tpu.memory_space<vmem>>, vector<16xf32>,
      tpu.vector_store %arg7[%swap3A_62, %swap3A_63], %broadcast_in_dim3A_59 {strides = array<i32>} : memref<4x10000xf32, #tpu.memory_space<vmem>>, vector<16xf32>,
      %mul3A_65 = arith.constant 16 : i32
      %mul3A_66 = arith.muli %scan3A_57, %mul3A_65 : i32
      %swap3A_67 = arith.constant 1 : i32
      %swap3A_68 = arith.index_cast %swap3A_67 : i32 to index
      %swap3A_69 = arith.index_cast %mul3A_66 : i32 to index
      %swap3A_70 = tpu.vector_load %arg7[%swap3A_68, %swap3A_69] {strides = array<i32>} : memref<4x10000xf32, #tpu.memory_space<vmem>>, vector<16xf32>,
      tpu.vector_store %arg7[%swap3A_68, %swap3A_69], %broadcast_in_dim3A_59 {strides = array<i32>} : memref<4x10000xf32, #tpu.memory_space<vmem>>, vector<16xf32>,
      %mul3A_71 = arith.constant 16 : i32
      %mul3A_72 = arith.muli %scan3A_57, %mul3A_71 : i32
      %swap3A_73 = arith.constant 2 : i32
      %swap3A_74 = arith.index_cast %swap3A_73 : i32 to index
      %swap3A_75 = arith.index_cast %mul3A_72 : i32 to index
      %swap3A_76 = tpu.vector_load %arg7[%swap3A_74, %swap3A_75] {strides = array<i32>} : memref<4x10000xf32, #tpu.memory_space<vmem>>, vector<16xf32>,
      tpu.vector_store %arg7[%swap3A_74, %swap3A_75], %broadcast_in_dim3A_59 {strides = array<i32>} : memref<4x10000xf32, #tpu.memory_space<vmem>>, vector<16xf32>,
      %mul3A_77 = arith.constant 16 : i32
      %mul3A_78 = arith.muli %scan3A_57, %mul3A_77 : i32
      %swap3A_79 = arith.constant 3 : i32
      %swap3A_80 = arith.index_cast %swap3A_79 : i32 to index
      %swap3A_81 = arith.index_cast %mul3A_78 : i32 to index
      %swap3A_82 = tpu.vector_load %arg7[%swap3A_80, %swap3A_81] {strides = array<i32>} : memref<4x10000xf32, #tpu.memory_space<vmem>>, vector<16xf32>,
      tpu.vector_store %arg7[%swap3A_80, %swap3A_81], %broadcast_in_dim3A_59 {strides = array<i32>} : memref<4x10000xf32, #tpu.memory_space<vmem>>, vector<16xf32>,
      %scan3A_83 = arith.constant 0 : i32
      scf.yield %scan3A_83 : i32
    }
    %scan3A_6 = arith.constant 625 : i32
    %dma_start3A = arith.constant 0 : i32
    %dma_start3A_7 = arith.constant 0 : i32
    %dma_start3A_8 = tpu.memref_slice %arg8[%dma_start3A, %dma_start3A_7] : memref<2x3200xi32, #tpu.memory_space<vmem>> -> memref<1x3200xi32, #tpu.memory_space<vmem>>
    %dma_start3A_9 = tpu.memref_squeeze %dma_start3A_8 : memref<1x3200xi32, #tpu.memory_space<vmem>> -> memref<3200xi32, #tpu.memory_space<vmem>>
    %dma_start3A_10 = arith.constant 0 : i32
    %dma_start3A_11 = tpu.memref_slice %arg3[%dma_start3A_10] : memref<327680xi32, #tpu.memory_space<hbm>> -> memref<3200xi32, #tpu.memory_space<hbm>>
    %dma_start3A_12 = arith.constant 0 : i32
    %dma_start3A_13 = tpu.memref_slice %arg8[%dma_start3A, %dma_start3A_12] : memref<2x3200xi32, #tpu.memory_space<vmem>> -> memref<1x3200xi32, #tpu.memory_space<vmem>>
    %dma_start3A_14 = tpu.memref_squeeze %dma_start3A_13 : memref<1x3200xi32, #tpu.memory_space<vmem>> -> memref<3200xi32, #tpu.memory_space<vmem>>
    %dma_start3A_15 = arith.constant 0 : i32
    %dma_start3A_16 = tpu.memref_slice %arg3[%dma_start3A_15] : memref<327680xi32, #tpu.memory_space<hbm>> -> memref<3200xi32, #tpu.memory_space<hbm>>
    tpu.enqueue_dma source(%dma_start3A_16 : memref<3200xi32, #tpu.memory_space<hbm>>) target(%dma_start3A_14 : memref<3200xi32, #tpu.memory_space<vmem>>) target_semaphore(%arg10 : memref<!tpu.dma_semaphore, #tpu.memory_space<semaphore_mem>>)
    %dma_start3A_17 = arith.constant 0 : i32
    %dma_start3A_18 = arith.constant 0 : i32
    %dma_start3A_19 = tpu.memref_slice %arg9[%dma_start3A_17, %dma_start3A_18] : memref<2x3200xf32, #tpu.memory_space<vmem>> -> memref<1x3200xf32, #tpu.memory_space<vmem>>
    %dma_start3A_20 = tpu.memref_squeeze %dma_start3A_19 : memref<1x3200xf32, #tpu.memory_space<vmem>> -> memref<3200xf32, #tpu.memory_space<vmem>>
    %dma_start3A_21 = arith.constant 0 : i32
    %dma_start3A_22 = tpu.memref_slice %arg4[%dma_start3A_21] : memref<327680xf32, #tpu.memory_space<hbm>> -> memref<3200xf32, #tpu.memory_space<hbm>>
    %dma_start3A_23 = arith.constant 0 : i32
    %dma_start3A_24 = tpu.memref_slice %arg9[%dma_start3A_17, %dma_start3A_23] : memref<2x3200xf32, #tpu.memory_space<vmem>> -> memref<1x3200xf32, #tpu.memory_space<vmem>>
    %dma_start3A_25 = tpu.memref_squeeze %dma_start3A_24 : memref<1x3200xf32, #tpu.memory_space<vmem>> -> memref<3200xf32, #tpu.memory_space<vmem>>
    %dma_start3A_26 = arith.constant 0 : i32
    %dma_start3A_27 = tpu.memref_slice %arg4[%dma_start3A_26] : memref<327680xf32, #tpu.memory_space<hbm>> -> memref<3200xf32, #tpu.memory_space<hbm>>
    tpu.enqueue_dma source(%dma_start3A_27 : memref<3200xf32, #tpu.memory_space<hbm>>) target(%dma_start3A_25 : memref<3200xf32, #tpu.memory_space<vmem>>) target_semaphore(%arg12 : memref<!tpu.dma_semaphore, #tpu.memory_space<semaphore_mem>>)
    %dma_start3A_28 = arith.constant 1 : i32
    %dma_start3A_29 = arith.constant 0 : i32
    %dma_start3A_30 = tpu.memref_slice %arg8[%dma_start3A_28, %dma_start3A_29] : memref<2x3200xi32, #tpu.memory_space<vmem>> -> memref<1x3200xi32, #tpu.memory_space<vmem>>
    %dma_start3A_31 = tpu.memref_squeeze %dma_start3A_30 : memref<1x3200xi32, #tpu.memory_space<vmem>> -> memref<3200xi32, #tpu.memory_space<vmem>>
    %dma_start3A_32 = arith.constant 3200 : i32
    %dma_start3A_33 = tpu.memref_slice %arg3[%dma_start3A_32] : memref<327680xi32, #tpu.memory_space<hbm>> -> memref<3200xi32, #tpu.memory_space<hbm>>
    %dma_start3A_34 = arith.constant 0 : i32
    %dma_start3A_35 = tpu.memref_slice %arg8[%dma_start3A_28, %dma_start3A_34] : memref<2x3200xi32, #tpu.memory_space<vmem>> -> memref<1x3200xi32, #tpu.memory_space<vmem>>
    %dma_start3A_36 = tpu.memref_squeeze %dma_start3A_35 : memref<1x3200xi32, #tpu.memory_space<vmem>> -> memref<3200xi32, #tpu.memory_space<vmem>>
    %dma_start3A_37 = arith.constant 3200 : i32
    %dma_start3A_38 = tpu.memref_slice %arg3[%dma_start3A_37] : memref<327680xi32, #tpu.memory_space<hbm>> -> memref<3200xi32, #tpu.memory_space<hbm>>
    tpu.enqueue_dma source(%dma_start3A_38 : memref<3200xi32, #tpu.memory_space<hbm>>) target(%dma_start3A_36 : memref<3200xi32, #tpu.memory_space<vmem>>) target_semaphore(%arg11 : memref<!tpu.dma_semaphore, #tpu.memory_space<semaphore_mem>>)
    %dma_start3A_39 = arith.constant 1 : i32
    %dma_start3A_40 = arith.constant 0 : i32
    %dma_start3A_41 = tpu.memref_slice %arg9[%dma_start3A_39, %dma_start3A_40] : memref<2x3200xf32, #tpu.memory_space<vmem>> -> memref<1x3200xf32, #tpu.memory_space<vmem>>
    %dma_start3A_42 = tpu.memref_squeeze %dma_start3A_41 : memref<1x3200xf32, #tpu.memory_space<vmem>> -> memref<3200xf32, #tpu.memory_space<vmem>>
    %dma_start3A_43 = arith.constant 3200 : i32
    %dma_start3A_44 = tpu.memref_slice %arg4[%dma_start3A_43] : memref<327680xf32, #tpu.memory_space<hbm>> -> memref<3200xf32, #tpu.memory_space<hbm>>
    %dma_start3A_45 = arith.constant 0 : i32
    %dma_start3A_46 = tpu.memref_slice %arg9[%dma_start3A_39, %dma_start3A_45] : memref<2x3200xf32, #tpu.memory_space<vmem>> -> memref<1x3200xf32, #tpu.memory_space<vmem>>
    %dma_start3A_47 = tpu.memref_squeeze %dma_start3A_46 : memref<1x3200xf32, #tpu.memory_space<vmem>> -> memref<3200xf32, #tpu.memory_space<vmem>>
    %dma_start3A_48 = arith.constant 3200 : i32
    %dma_start3A_49 = tpu.memref_slice %arg4[%dma_start3A_48] : memref<327680xf32, #tpu.memory_space<hbm>> -> memref<3200xf32, #tpu.memory_space<hbm>>
    tpu.enqueue_dma source(%dma_start3A_49 : memref<3200xf32, #tpu.memory_space<hbm>>) target(%dma_start3A_47 : memref<3200xf32, #tpu.memory_space<vmem>>) target_semaphore(%arg13 : memref<!tpu.dma_semaphore, #tpu.memory_space<semaphore_mem>>)
    %scan3A_50 = arith.constant 0 : i32
    %scan3A_51 = arith.constant 0 : i32
    %scan3A_52 = arith.constant 50 : i32
    %scan3A_53 = arith.addi %scan3A_51, %scan3A_52 : i32
    %scan3A_54 = arith.constant 1 : i32
    %scan3A_55 = scf.for %scan3A_57 = %scan3A_51 to %scan3A_53 step %scan3A_54 iter_args(%scan3A_58 = %scan3A_50) -> (i32)  : i32 {
      %mul3A_59 = arith.constant 2 : i32
      %mul3A_60 = arith.muli %scan3A_57, %mul3A_59 : i32
      %add3A_61 = arith.constant 0 : i32
      %add3A_62 = arith.addi %mul3A_60, %add3A_61 : i32
      %dma_wait3A = arith.constant 0 : i32
      %dma_wait3A_63 = arith.constant 0 : i32
      %dma_wait3A_64 = tpu.memref_slice %arg8[%dma_wait3A, %dma_wait3A_63] : memref<2x3200xi32, #tpu.memory_space<vmem>> -> memref<1x3200xi32, #tpu.memory_space<vmem>>
      %dma_wait3A_65 = tpu.memref_squeeze %dma_wait3A_64 : memref<1x3200xi32, #tpu.memory_space<vmem>> -> memref<3200xi32, #tpu.memory_space<vmem>>
      %dma_wait3A_66 = arith.constant 0 : i32
      %dma_wait3A_67 = tpu.memref_slice %arg3[%dma_wait3A_66] : memref<327680xi32, #tpu.memory_space<hbm>> -> memref<3200xi32, #tpu.memory_space<hbm>>
      %dma_wait3A_68 = arith.constant 0 : i32
      %dma_wait3A_69 = tpu.memref_slice %arg8[%dma_wait3A, %dma_wait3A_68] : memref<2x3200xi32, #tpu.memory_space<vmem>> -> memref<1x3200xi32, #tpu.memory_space<vmem>>
      %dma_wait3A_70 = tpu.memref_squeeze %dma_wait3A_69 : memref<1x3200xi32, #tpu.memory_space<vmem>> -> memref<3200xi32, #tpu.memory_space<vmem>>
      %dma_wait3A_71 = arith.constant 0 : i32
      %dma_wait3A_72 = tpu.memref_slice %arg3[%dma_wait3A_71] : memref<327680xi32, #tpu.memory_space<hbm>> -> memref<3200xi32, #tpu.memory_space<hbm>>
      tpu.wait_dma2 semaphore(%arg10 : memref<!tpu.dma_semaphore, #tpu.memory_space<semaphore_mem>>) src(%dma_wait3A_72 : memref<3200xi32, #tpu.memory_space<hbm>>) dst(%dma_wait3A_70 : memref<3200xi32, #tpu.memory_space<vmem>>)
      %dma_wait3A_73 = arith.constant 0 : i32
      %dma_wait3A_74 = arith.constant 0 : i32
      %dma_wait3A_75 = tpu.memref_slice %arg9[%dma_wait3A_73, %dma_wait3A_74] : memref<2x3200xf32, #tpu.memory_space<vmem>> -> memref<1x3200xf32, #tpu.memory_space<vmem>>
      %dma_wait3A_76 = tpu.memref_squeeze %dma_wait3A_75 : memref<1x3200xf32, #tpu.memory_space<vmem>> -> memref<3200xf32, #tpu.memory_space<vmem>>
      %dma_wait3A_77 = arith.constant 0 : i32
      %dma_wait3A_78 = tpu.memref_slice %arg4[%dma_wait3A_77] : memref<327680xf32, #tpu.memory_space<hbm>> -> memref<3200xf32, #tpu.memory_space<hbm>>
      %dma_wait3A_79 = arith.constant 0 : i32
      %dma_wait3A_80 = tpu.memref_slice %arg9[%dma_wait3A_73, %dma_wait3A_79] : memref<2x3200xf32, #tpu.memory_space<vmem>> -> memref<1x3200xf32, #tpu.memory_space<vmem>>
      %dma_wait3A_81 = tpu.memref_squeeze %dma_wait3A_80 : memref<1x3200xf32, #tpu.memory_space<vmem>> -> memref<3200xf32, #tpu.memory_space<vmem>>
      %dma_wait3A_82 = arith.constant 0 : i32
      %dma_wait3A_83 = tpu.memref_slice %arg4[%dma_wait3A_82] : memref<327680xf32, #tpu.memory_space<hbm>> -> memref<3200xf32, #tpu.memory_space<hbm>>
      tpu.wait_dma2 semaphore(%arg12 : memref<!tpu.dma_semaphore, #tpu.memory_space<semaphore_mem>>) src(%dma_wait3A_83 : memref<3200xf32, #tpu.memory_space<hbm>>) dst(%dma_wait3A_81 : memref<3200xf32, #tpu.memory_space<vmem>>)
      %parallel_loop3A = arith.constant 0 : i32
      %parallel_loop3A_84 = arith.constant 200 : i32
      %parallel_loop3A_85 = arith.constant 1 : i32
      scf.for %parallel_loop3A_127 = %parallel_loop3A to %parallel_loop3A_84 step %parallel_loop3A_85  : i32 {
        %parallel_loop3A_128 = arith.constant 16 : i32
        %parallel_loop3A_129 = arith.muli %parallel_loop3A_127, %parallel_loop3A_128 : i32
        %parallel_loop3A_130 = arith.constant 0 : i32
        %parallel_loop3A_131 = arith.index_cast %parallel_loop3A_130 : i32 to index
        %parallel_loop3A_132 = arith.index_cast %parallel_loop3A_129 : i32 to index
        %parallel_loop3A_133 = tpu.vector_load %arg8[%parallel_loop3A_131, %parallel_loop3A_132] {strides = array<i32>} : memref<2x3200xi32, #tpu.memory_space<vmem>>, vector<16xi32>,
        %parallel_loop3A_134 = arith.constant 14 : i32
        %parallel_loop3A_135 = vector.broadcast %parallel_loop3A_134 : i32 to vector<16xi32>
        %parallel_loop3A_136 = arith.shrsi %parallel_loop3A_133, %parallel_loop3A_135 : vector<16xi32>
        %parallel_loop3A_137 = arith.constant 16383 : i32
        %parallel_loop3A_138 = vector.broadcast %parallel_loop3A_137 : i32 to vector<16xi32>
        %parallel_loop3A_139 = arith.andi %parallel_loop3A_133, %parallel_loop3A_138 : vector<16xi32>
        %parallel_loop3A_140 = arith.constant 16 : i32
        %parallel_loop3A_141 = arith.muli %parallel_loop3A_127, %parallel_loop3A_140 : i32
        %parallel_loop3A_142 = arith.constant 0 : i32
        %parallel_loop3A_143 = arith.index_cast %parallel_loop3A_142 : i32 to index
        %parallel_loop3A_144 = arith.index_cast %parallel_loop3A_141 : i32 to index
        %parallel_loop3A_145 = tpu.vector_load %arg9[%parallel_loop3A_143, %parallel_loop3A_144] {strides = array<i32>} : memref<2x3200xf32, #tpu.memory_space<vmem>>, vector<16xf32>,
        %parallel_loop3A_146 = arith.constant 0 : i32
        %parallel_loop3A_147 = vector.broadcast %parallel_loop3A_146 : i32 to vector<16xi32>
        %parallel_loop3A_148 = tpu.vector_load_idx %arg6[%parallel_loop3A_147, %parallel_loop3A_136] : memref<4x10000xf32, #tpu.memory_space<vmem>>[vector<16xi32>, vector<16xi32>], vector<16xf32>,
        %parallel_loop3A_149 = arith.mulf %parallel_loop3A_148, %parallel_loop3A_145 : vector<16xf32>
        tpu.vector_store_idx %arg7[%parallel_loop3A_147, %parallel_loop3A_139], %parallel_loop3A_149 {add = true} : memref<4x10000xf32, #tpu.memory_space<vmem>>[vector<16xi32>, vector<16xi32>], vector<16xf32>,
        %parallel_loop3A_150 = arith.constant 1 : i32
        %parallel_loop3A_151 = vector.broadcast %parallel_loop3A_150 : i32 to vector<16xi32>
        %parallel_loop3A_152 = tpu.vector_load_idx %arg6[%parallel_loop3A_151, %parallel_loop3A_136] : memref<4x10000xf32, #tpu.memory_space<vmem>>[vector<16xi32>, vector<16xi32>], vector<16xf32>,
        %parallel_loop3A_153 = arith.mulf %parallel_loop3A_152, %parallel_loop3A_145 : vector<16xf32>
        tpu.vector_store_idx %arg7[%parallel_loop3A_151, %parallel_loop3A_139], %parallel_loop3A_153 {add = true} : memref<4x10000xf32, #tpu.memory_space<vmem>>[vector<16xi32>, vector<16xi32>], vector<16xf32>,
        %parallel_loop3A_154 = arith.constant 2 : i32
        %parallel_loop3A_155 = vector.broadcast %parallel_loop3A_154 : i32 to vector<16xi32>
        %parallel_loop3A_156 = tpu.vector_load_idx %arg6[%parallel_loop3A_155, %parallel_loop3A_136] : memref<4x10000xf32, #tpu.memory_space<vmem>>[vector<16xi32>, vector<16xi32>], vector<16xf32>,
        %parallel_loop3A_157 = arith.mulf %parallel_loop3A_156, %parallel_loop3A_145 : vector<16xf32>
        tpu.vector_store_idx %arg7[%parallel_loop3A_155, %parallel_loop3A_139], %parallel_loop3A_157 {add = true} : memref<4x10000xf32, #tpu.memory_space<vmem>>[vector<16xi32>, vector<16xi32>], vector<16xf32>,
        %parallel_loop3A_158 = arith.constant 3 : i32
        %parallel_loop3A_159 = vector.broadcast %parallel_loop3A_158 : i32 to vector<16xi32>
        %parallel_loop3A_160 = tpu.vector_load_idx %arg6[%parallel_loop3A_159, %parallel_loop3A_136] : memref<4x10000xf32, #tpu.memory_space<vmem>>[vector<16xi32>, vector<16xi32>], vector<16xf32>,
        %parallel_loop3A_161 = arith.mulf %parallel_loop3A_160, %parallel_loop3A_145 : vector<16xf32>
        tpu.vector_store_idx %arg7[%parallel_loop3A_159, %parallel_loop3A_139], %parallel_loop3A_161 {add = true} : memref<4x10000xf32, #tpu.memory_space<vmem>>[vector<16xi32>, vector<16xi32>], vector<16xf32>,
      } {sc.loop_unroll_factor = 8 : i64, sc.parallel_access}
      %add3A_86 = arith.constant 2 : i32
      %add3A_87 = arith.addi %add3A_62, %add3A_86 : i32
      %lt3A = arith.constant 100 : i32
      %lt3A_88 = arith.cmpi slt, %add3A_87, %lt3A : i32
      %convert_element_type3A = arith.extui %lt3A_88 : i1 to i32
      %cond3A = arith.constant 0 : i32
      %cond3A_89 = arith.cmpi ne, %convert_element_type3A, %cond3A : i32
      scf.if %cond3A_89 {
        %add3A_127 = arith.constant 2 : i32
        %add3A_128 = arith.addi %add3A_62, %add3A_127 : i32
        %mul3A_129 = arith.constant 3200 : i32
        %mul3A_130 = arith.muli %add3A_128, %mul3A_129 : i32
        %dma_start3A_131 = arith.constant 0 : i32
        %dma_start3A_132 = arith.constant 0 : i32
        %dma_start3A_133 = tpu.memref_slice %arg8[%dma_start3A_131, %dma_start3A_132] : memref<2x3200xi32, #tpu.memory_space<vmem>> -> memref<1x3200xi32, #tpu.memory_space<vmem>>
        %dma_start3A_134 = tpu.memref_squeeze %dma_start3A_133 : memref<1x3200xi32, #tpu.memory_space<vmem>> -> memref<3200xi32, #tpu.memory_space<vmem>>
        %dma_start3A_135 = tpu.memref_slice %arg3[%mul3A_130] : memref<327680xi32, #tpu.memory_space<hbm>> -> memref<3200xi32, #tpu.memory_space<hbm>>
        %dma_start3A_136 = arith.constant 0 : i32
        %dma_start3A_137 = tpu.memref_slice %arg8[%dma_start3A_131, %dma_start3A_136] : memref<2x3200xi32, #tpu.memory_space<vmem>> -> memref<1x3200xi32, #tpu.memory_space<vmem>>
        %dma_start3A_138 = tpu.memref_squeeze %dma_start3A_137 : memref<1x3200xi32, #tpu.memory_space<vmem>> -> memref<3200xi32, #tpu.memory_space<vmem>>
        %dma_start3A_139 = tpu.memref_slice %arg3[%mul3A_130] : memref<327680xi32, #tpu.memory_space<hbm>> -> memref<3200xi32, #tpu.memory_space<hbm>>
        tpu.enqueue_dma source(%dma_start3A_139 : memref<3200xi32, #tpu.memory_space<hbm>>) target(%dma_start3A_138 : memref<3200xi32, #tpu.memory_space<vmem>>) target_semaphore(%arg10 : memref<!tpu.dma_semaphore, #tpu.memory_space<semaphore_mem>>)
        %add3A_140 = arith.constant 2 : i32
        %add3A_141 = arith.addi %add3A_62, %add3A_140 : i32
        %mul3A_142 = arith.constant 3200 : i32
        %mul3A_143 = arith.muli %add3A_141, %mul3A_142 : i32
        %dma_start3A_144 = arith.constant 0 : i32
        %dma_start3A_145 = arith.constant 0 : i32
        %dma_start3A_146 = tpu.memref_slice %arg9[%dma_start3A_144, %dma_start3A_145] : memref<2x3200xf32, #tpu.memory_space<vmem>> -> memref<1x3200xf32, #tpu.memory_space<vmem>>
        %dma_start3A_147 = tpu.memref_squeeze %dma_start3A_146 : memref<1x3200xf32, #tpu.memory_space<vmem>> -> memref<3200xf32, #tpu.memory_space<vmem>>
        %dma_start3A_148 = tpu.memref_slice %arg4[%mul3A_143] : memref<327680xf32, #tpu.memory_space<hbm>> -> memref<3200xf32, #tpu.memory_space<hbm>>
        %dma_start3A_149 = arith.constant 0 : i32
        %dma_start3A_150 = tpu.memref_slice %arg9[%dma_start3A_144, %dma_start3A_149] : memref<2x3200xf32, #tpu.memory_space<vmem>> -> memref<1x3200xf32, #tpu.memory_space<vmem>>
        %dma_start3A_151 = tpu.memref_squeeze %dma_start3A_150 : memref<1x3200xf32, #tpu.memory_space<vmem>> -> memref<3200xf32, #tpu.memory_space<vmem>>
        %dma_start3A_152 = tpu.memref_slice %arg4[%mul3A_143] : memref<327680xf32, #tpu.memory_space<hbm>> -> memref<3200xf32, #tpu.memory_space<hbm>>
        tpu.enqueue_dma source(%dma_start3A_152 : memref<3200xf32, #tpu.memory_space<hbm>>) target(%dma_start3A_151 : memref<3200xf32, #tpu.memory_space<vmem>>) target_semaphore(%arg12 : memref<!tpu.dma_semaphore, #tpu.memory_space<semaphore_mem>>)
      } else {
      }
      %mul3A_90 = arith.constant 2 : i32
      %mul3A_91 = arith.muli %scan3A_57, %mul3A_90 : i32
      %add3A_92 = arith.constant 1 : i32
      %add3A_93 = arith.addi %mul3A_91, %add3A_92 : i32
      %dma_wait3A_94 = arith.constant 1 : i32
      %dma_wait3A_95 = arith.constant 0 : i32
      %dma_wait3A_96 = tpu.memref_slice %arg8[%dma_wait3A_94, %dma_wait3A_95] : memref<2x3200xi32, #tpu.memory_space<vmem>> -> memref<1x3200xi32, #tpu.memory_space<vmem>>
      %dma_wait3A_97 = tpu.memref_squeeze %dma_wait3A_96 : memref<1x3200xi32, #tpu.memory_space<vmem>> -> memref<3200xi32, #tpu.memory_space<vmem>>
      %dma_wait3A_98 = arith.constant 0 : i32
      %dma_wait3A_99 = tpu.memref_slice %arg3[%dma_wait3A_98] : memref<327680xi32, #tpu.memory_space<hbm>> -> memref<3200xi32, #tpu.memory_space<hbm>>
      %dma_wait3A_100 = arith.constant 0 : i32
      %dma_wait3A_101 = tpu.memref_slice %arg8[%dma_wait3A_94, %dma_wait3A_100] : memref<2x3200xi32, #tpu.memory_space<vmem>> -> memref<1x3200xi32, #tpu.memory_space<vmem>>
      %dma_wait3A_102 = tpu.memref_squeeze %dma_wait3A_101 : memref<1x3200xi32, #tpu.memory_space<vmem>> -> memref<3200xi32, #tpu.memory_space<vmem>>
      %dma_wait3A_103 = arith.constant 0 : i32
      %dma_wait3A_104 = tpu.memref_slice %arg3[%dma_wait3A_103] : memref<327680xi32, #tpu.memory_space<hbm>> -> memref<3200xi32, #tpu.memory_space<hbm>>
      tpu.wait_dma2 semaphore(%arg11 : memref<!tpu.dma_semaphore, #tpu.memory_space<semaphore_mem>>) src(%dma_wait3A_104 : memref<3200xi32, #tpu.memory_space<hbm>>) dst(%dma_wait3A_102 : memref<3200xi32, #tpu.memory_space<vmem>>)
      %dma_wait3A_105 = arith.constant 1 : i32
      %dma_wait3A_106 = arith.constant 0 : i32
      %dma_wait3A_107 = tpu.memref_slice %arg9[%dma_wait3A_105, %dma_wait3A_106] : memref<2x3200xf32, #tpu.memory_space<vmem>> -> memref<1x3200xf32, #tpu.memory_space<vmem>>
      %dma_wait3A_108 = tpu.memref_squeeze %dma_wait3A_107 : memref<1x3200xf32, #tpu.memory_space<vmem>> -> memref<3200xf32, #tpu.memory_space<vmem>>
      %dma_wait3A_109 = arith.constant 0 : i32
      %dma_wait3A_110 = tpu.memref_slice %arg4[%dma_wait3A_109] : memref<327680xf32, #tpu.memory_space<hbm>> -> memref<3200xf32, #tpu.memory_space<hbm>>
      %dma_wait3A_111 = arith.constant 0 : i32
      %dma_wait3A_112 = tpu.memref_slice %arg9[%dma_wait3A_105, %dma_wait3A_111] : memref<2x3200xf32, #tpu.memory_space<vmem>> -> memref<1x3200xf32, #tpu.memory_space<vmem>>
      %dma_wait3A_113 = tpu.memref_squeeze %dma_wait3A_112 : memref<1x3200xf32, #tpu.memory_space<vmem>> -> memref<3200xf32, #tpu.memory_space<vmem>>
      %dma_wait3A_114 = arith.constant 0 : i32
      %dma_wait3A_115 = tpu.memref_slice %arg4[%dma_wait3A_114] : memref<327680xf32, #tpu.memory_space<hbm>> -> memref<3200xf32, #tpu.memory_space<hbm>>
      tpu.wait_dma2 semaphore(%arg13 : memref<!tpu.dma_semaphore, #tpu.memory_space<semaphore_mem>>) src(%dma_wait3A_115 : memref<3200xf32, #tpu.memory_space<hbm>>) dst(%dma_wait3A_113 : memref<3200xf32, #tpu.memory_space<vmem>>)
      %parallel_loop3A_116 = arith.constant 0 : i32
      %parallel_loop3A_117 = arith.constant 200 : i32
      %parallel_loop3A_118 = arith.constant 1 : i32
      scf.for %parallel_loop3A_127 = %parallel_loop3A_116 to %parallel_loop3A_117 step %parallel_loop3A_118  : i32 {
        %parallel_loop3A_128 = arith.constant 16 : i32
        %parallel_loop3A_129 = arith.muli %parallel_loop3A_127, %parallel_loop3A_128 : i32
        %parallel_loop3A_130 = arith.constant 1 : i32
        %parallel_loop3A_131 = arith.index_cast %parallel_loop3A_130 : i32 to index
        %parallel_loop3A_132 = arith.index_cast %parallel_loop3A_129 : i32 to index
        %parallel_loop3A_133 = tpu.vector_load %arg8[%parallel_loop3A_131, %parallel_loop3A_132] {strides = array<i32>} : memref<2x3200xi32, #tpu.memory_space<vmem>>, vector<16xi32>,
        %parallel_loop3A_134 = arith.constant 14 : i32
        %parallel_loop3A_135 = vector.broadcast %parallel_loop3A_134 : i32 to vector<16xi32>
        %parallel_loop3A_136 = arith.shrsi %parallel_loop3A_133, %parallel_loop3A_135 : vector<16xi32>
        %parallel_loop3A_137 = arith.constant 16383 : i32
        %parallel_loop3A_138 = vector.broadcast %parallel_loop3A_137 : i32 to vector<16xi32>
        %parallel_loop3A_139 = arith.andi %parallel_loop3A_133, %parallel_loop3A_138 : vector<16xi32>
        %parallel_loop3A_140 = arith.constant 16 : i32
        %parallel_loop3A_141 = arith.muli %parallel_loop3A_127, %parallel_loop3A_140 : i32
        %parallel_loop3A_142 = arith.constant 1 : i32
        %parallel_loop3A_143 = arith.index_cast %parallel_loop3A_142 : i32 to index
        %parallel_loop3A_144 = arith.index_cast %parallel_loop3A_141 : i32 to index
        %parallel_loop3A_145 = tpu.vector_load %arg9[%parallel_loop3A_143, %parallel_loop3A_144] {strides = array<i32>} : memref<2x3200xf32, #tpu.memory_space<vmem>>, vector<16xf32>,
        %parallel_loop3A_146 = arith.constant 0 : i32
        %parallel_loop3A_147 = vector.broadcast %parallel_loop3A_146 : i32 to vector<16xi32>
        %parallel_loop3A_148 = tpu.vector_load_idx %arg6[%parallel_loop3A_147, %parallel_loop3A_136] : memref<4x10000xf32, #tpu.memory_space<vmem>>[vector<16xi32>, vector<16xi32>], vector<16xf32>,
        %parallel_loop3A_149 = arith.mulf %parallel_loop3A_148, %parallel_loop3A_145 : vector<16xf32>
        tpu.vector_store_idx %arg7[%parallel_loop3A_147, %parallel_loop3A_139], %parallel_loop3A_149 {add = true} : memref<4x10000xf32, #tpu.memory_space<vmem>>[vector<16xi32>, vector<16xi32>], vector<16xf32>,
        %parallel_loop3A_150 = arith.constant 1 : i32
        %parallel_loop3A_151 = vector.broadcast %parallel_loop3A_150 : i32 to vector<16xi32>
        %parallel_loop3A_152 = tpu.vector_load_idx %arg6[%parallel_loop3A_151, %parallel_loop3A_136] : memref<4x10000xf32, #tpu.memory_space<vmem>>[vector<16xi32>, vector<16xi32>], vector<16xf32>,
        %parallel_loop3A_153 = arith.mulf %parallel_loop3A_152, %parallel_loop3A_145 : vector<16xf32>
        tpu.vector_store_idx %arg7[%parallel_loop3A_151, %parallel_loop3A_139], %parallel_loop3A_153 {add = true} : memref<4x10000xf32, #tpu.memory_space<vmem>>[vector<16xi32>, vector<16xi32>], vector<16xf32>,
        %parallel_loop3A_154 = arith.constant 2 : i32
        %parallel_loop3A_155 = vector.broadcast %parallel_loop3A_154 : i32 to vector<16xi32>
        %parallel_loop3A_156 = tpu.vector_load_idx %arg6[%parallel_loop3A_155, %parallel_loop3A_136] : memref<4x10000xf32, #tpu.memory_space<vmem>>[vector<16xi32>, vector<16xi32>], vector<16xf32>,
        %parallel_loop3A_157 = arith.mulf %parallel_loop3A_156, %parallel_loop3A_145 : vector<16xf32>
        tpu.vector_store_idx %arg7[%parallel_loop3A_155, %parallel_loop3A_139], %parallel_loop3A_157 {add = true} : memref<4x10000xf32, #tpu.memory_space<vmem>>[vector<16xi32>, vector<16xi32>], vector<16xf32>,
        %parallel_loop3A_158 = arith.constant 3 : i32
        %parallel_loop3A_159 = vector.broadcast %parallel_loop3A_158 : i32 to vector<16xi32>
        %parallel_loop3A_160 = tpu.vector_load_idx %arg6[%parallel_loop3A_159, %parallel_loop3A_136] : memref<4x10000xf32, #tpu.memory_space<vmem>>[vector<16xi32>, vector<16xi32>], vector<16xf32>,
        %parallel_loop3A_161 = arith.mulf %parallel_loop3A_160, %parallel_loop3A_145 : vector<16xf32>
        tpu.vector_store_idx %arg7[%parallel_loop3A_159, %parallel_loop3A_139], %parallel_loop3A_161 {add = true} : memref<4x10000xf32, #tpu.memory_space<vmem>>[vector<16xi32>, vector<16xi32>], vector<16xf32>,
      } {sc.loop_unroll_factor = 8 : i64, sc.parallel_access}
      %add3A_119 = arith.constant 2 : i32
      %add3A_120 = arith.addi %add3A_93, %add3A_119 : i32
      %lt3A_121 = arith.constant 100 : i32
      %lt3A_122 = arith.cmpi slt, %add3A_120, %lt3A_121 : i32
      %convert_element_type3A_123 = arith.extui %lt3A_122 : i1 to i32
      %cond3A_124 = arith.constant 0 : i32
      %cond3A_125 = arith.cmpi ne, %convert_element_type3A_123, %cond3A_124 : i32
      scf.if %cond3A_125 {
        %add3A_127 = arith.constant 2 : i32
        %add3A_128 = arith.addi %add3A_93, %add3A_127 : i32
        %mul3A_129 = arith.constant 3200 : i32
        %mul3A_130 = arith.muli %add3A_128, %mul3A_129 : i32
        %dma_start3A_131 = arith.constant 1 : i32
        %dma_start3A_132 = arith.constant 0 : i32
        %dma_start3A_133 = tpu.memref_slice %arg8[%dma_start3A_131, %dma_start3A_132] : memref<2x3200xi32, #tpu.memory_space<vmem>> -> memref<1x3200xi32, #tpu.memory_space<vmem>>
        %dma_start3A_134 = tpu.memref_squeeze %dma_start3A_133 : memref<1x3200xi32, #tpu.memory_space<vmem>> -> memref<3200xi32, #tpu.memory_space<vmem>>
        %dma_start3A_135 = tpu.memref_slice %arg3[%mul3A_130] : memref<327680xi32, #tpu.memory_space<hbm>> -> memref<3200xi32, #tpu.memory_space<hbm>>
        %dma_start3A_136 = arith.constant 0 : i32
        %dma_start3A_137 = tpu.memref_slice %arg8[%dma_start3A_131, %dma_start3A_136] : memref<2x3200xi32, #tpu.memory_space<vmem>> -> memref<1x3200xi32, #tpu.memory_space<vmem>>
        %dma_start3A_138 = tpu.memref_squeeze %dma_start3A_137 : memref<1x3200xi32, #tpu.memory_space<vmem>> -> memref<3200xi32, #tpu.memory_space<vmem>>
        %dma_start3A_139 = tpu.memref_slice %arg3[%mul3A_130] : memref<327680xi32, #tpu.memory_space<hbm>> -> memref<3200xi32, #tpu.memory_space<hbm>>
        tpu.enqueue_dma source(%dma_start3A_139 : memref<3200xi32, #tpu.memory_space<hbm>>) target(%dma_start3A_138 : memref<3200xi32, #tpu.memory_space<vmem>>) target_semaphore(%arg11 : memref<!tpu.dma_semaphore, #tpu.memory_space<semaphore_mem>>)
        %add3A_140 = arith.constant 2 : i32
        %add3A_141 = arith.addi %add3A_93, %add3A_140 : i32
        %mul3A_142 = arith.constant 3200 : i32
        %mul3A_143 = arith.muli %add3A_141, %mul3A_142 : i32
        %dma_start3A_144 = arith.constant 1 : i32
        %dma_start3A_145 = arith.constant 0 : i32
        %dma_start3A_146 = tpu.memref_slice %arg9[%dma_start3A_144, %dma_start3A_145] : memref<2x3200xf32, #tpu.memory_space<vmem>> -> memref<1x3200xf32, #tpu.memory_space<vmem>>
        %dma_start3A_147 = tpu.memref_squeeze %dma_start3A_146 : memref<1x3200xf32, #tpu.memory_space<vmem>> -> memref<3200xf32, #tpu.memory_space<vmem>>
        %dma_start3A_148 = tpu.memref_slice %arg4[%mul3A_143] : memref<327680xf32, #tpu.memory_space<hbm>> -> memref<3200xf32, #tpu.memory_space<hbm>>
        %dma_start3A_149 = arith.constant 0 : i32
        %dma_start3A_150 = tpu.memref_slice %arg9[%dma_start3A_144, %dma_start3A_149] : memref<2x3200xf32, #tpu.memory_space<vmem>> -> memref<1x3200xf32, #tpu.memory_space<vmem>>
        %dma_start3A_151 = tpu.memref_squeeze %dma_start3A_150 : memref<1x3200xf32, #tpu.memory_space<vmem>> -> memref<3200xf32, #tpu.memory_space<vmem>>
        %dma_start3A_152 = tpu.memref_slice %arg4[%mul3A_143] : memref<327680xf32, #tpu.memory_space<hbm>> -> memref<3200xf32, #tpu.memory_space<hbm>>
        tpu.enqueue_dma source(%dma_start3A_152 : memref<3200xf32, #tpu.memory_space<hbm>>) target(%dma_start3A_151 : memref<3200xf32, #tpu.memory_space<vmem>>) target_semaphore(%arg13 : memref<!tpu.dma_semaphore, #tpu.memory_space<semaphore_mem>>)
      } else {
      }
      %scan3A_126 = arith.constant 0 : i32
      scf.yield %scan3A_126 : i32
    }
    %scan3A_56 = arith.constant 50 : i32
    "tpu.region"() ({
      %run_scoped3A = tpu.sem_alloc : memref<!tpu.dma_semaphore, #tpu.memory_space<semaphore_mem>>
      %dma_start3A_57 = arith.constant 0 : i32
      %dma_start3A_58 = arith.constant 0 : i32
      %dma_start3A_59 = tpu.memref_slice %arg5[%add3A, %dma_start3A_57, %dma_start3A_58] : memref<32x4x10000xf32, #tpu.memory_space<hbm>> -> memref<1x4x10000xf32, #tpu.memory_space<hbm>>
      %dma_start3A_60 = tpu.memref_squeeze %dma_start3A_59 : memref<1x4x10000xf32, #tpu.memory_space<hbm>> -> memref<4x10000xf32, #tpu.memory_space<hbm>>
      %dma_start3A_61 = arith.constant 0 : i32
      %dma_start3A_62 = arith.constant 0 : i32
      %dma_start3A_63 = tpu.memref_slice %arg5[%add3A, %dma_start3A_61, %dma_start3A_62] : memref<32x4x10000xf32, #tpu.memory_space<hbm>> -> memref<1x4x10000xf32, #tpu.memory_space<hbm>>
      %dma_start3A_64 = tpu.memref_squeeze %dma_start3A_63 : memref<1x4x10000xf32, #tpu.memory_space<hbm>> -> memref<4x10000xf32, #tpu.memory_space<hbm>>
      tpu.enqueue_dma source(%arg7 : memref<4x10000xf32, #tpu.memory_space<vmem>>) target(%dma_start3A_64 : memref<4x10000xf32, #tpu.memory_space<hbm>>) target_semaphore(%run_scoped3A : memref<!tpu.dma_semaphore, #tpu.memory_space<semaphore_mem>>)
      %dma_wait3A = arith.constant 0 : i32
      %dma_wait3A_65 = arith.constant 0 : i32
      %dma_wait3A_66 = tpu.memref_slice %arg5[%add3A, %dma_wait3A, %dma_wait3A_65] : memref<32x4x10000xf32, #tpu.memory_space<hbm>> -> memref<1x4x10000xf32, #tpu.memory_space<hbm>>
      %dma_wait3A_67 = tpu.memref_squeeze %dma_wait3A_66 : memref<1x4x10000xf32, #tpu.memory_space<hbm>> -> memref<4x10000xf32, #tpu.memory_space<hbm>>
      %dma_wait3A_68 = arith.constant 0 : i32
      %dma_wait3A_69 = arith.constant 0 : i32
      %dma_wait3A_70 = tpu.memref_slice %arg5[%add3A, %dma_wait3A_68, %dma_wait3A_69] : memref<32x4x10000xf32, #tpu.memory_space<hbm>> -> memref<1x4x10000xf32, #tpu.memory_space<hbm>>
      %dma_wait3A_71 = tpu.memref_squeeze %dma_wait3A_70 : memref<1x4x10000xf32, #tpu.memory_space<hbm>> -> memref<4x10000xf32, #tpu.memory_space<hbm>>
      tpu.wait_dma2 semaphore(%run_scoped3A : memref<!tpu.dma_semaphore, #tpu.memory_space<semaphore_mem>>) src(%arg7 : memref<4x10000xf32, #tpu.memory_space<vmem>>) dst(%dma_wait3A_71 : memref<4x10000xf32, #tpu.memory_space<hbm>>)
      tpu.yield
    }) : () -> ()
    return
  }
}

#map = affine_map<(d0, d1) -> (0, 0, 0)>
#map1 = affine_map<(d0, d1) -> (0)>
module attributes {stable_mosaic.version = 14 : i64} {
  func.func @_agg_acc(%arg0: i32, %arg1: i32, %arg2: memref<32x4x10000xf32, #tpu.memory_space<hbm>>, %arg3: memref<327680xi32, #tpu.memory_space<hbm>>, %arg4: memref<327680xf32, #tpu.memory_space<hbm>>, %arg5: memref<32x4x10000xf32, #tpu.memory_space<hbm>>, %arg6: memref<4x10000xf32, #tpu.memory_space<vmem>>, %arg7: memref<4x10000xf32, #tpu.memory_space<vmem>>, %arg8: memref<2x3200xi32, #tpu.memory_space<vmem>>, %arg9: memref<2x3200xf32, #tpu.memory_space<vmem>>, %arg10: memref<!tpu.dma_semaphore, #tpu.memory_space<semaphore_mem>>, %arg11: memref<!tpu.dma_semaphore, #tpu.memory_space<semaphore_mem>>, %arg12: memref<!tpu.dma_semaphore, #tpu.memory_space<semaphore_mem>>, %arg13: memref<!tpu.dma_semaphore, #tpu.memory_space<semaphore_mem>>) attributes {dimension_semantics = [#tpu.dimension_semantics<core_parallel>, #tpu.dimension_semantics<subcore_parallel>], iteration_bounds = array<i64: 2, 16>, scalar_prefetch = 0 : i64, scratch_operands = 8 : i64, tpu.core_type = #tpu.core_type<sc_vector_subcore>, window_params = [{transform_indices = #map}, {transform_indices = #map1}, {transform_indices = #map1}, {transform_indices = #map}]} {
    %mul3A = arith.constant 2 : i32
    %mul3A_0 = arith.muli %arg1, %mul3A : i32
    %add3A = arith.addi %mul3A_0, %arg0 : i32
    "tpu.region"() ({
      %run_scoped3A = tpu.sem_alloc : memref<!tpu.dma_semaphore, #tpu.memory_space<semaphore_mem>>
      %dma_start3A_57 = arith.constant 0 : i32
      %dma_start3A_58 = arith.constant 0 : i32
      %dma_start3A_59 = tpu.memref_slice %arg2[%add3A, %dma_start3A_57, %dma_start3A_58] : memref<32x4x10000xf32, #tpu.memory_space<hbm>> -> memref<1x4x10000xf32, #tpu.memory_space<hbm>>
      %dma_start3A_60 = tpu.memref_squeeze %dma_start3A_59 : memref<1x4x10000xf32, #tpu.memory_space<hbm>> -> memref<4x10000xf32, #tpu.memory_space<hbm>>
      %dma_start3A_61 = arith.constant 0 : i32
      %dma_start3A_62 = arith.constant 0 : i32
      %dma_start3A_63 = tpu.memref_slice %arg2[%add3A, %dma_start3A_61, %dma_start3A_62] : memref<32x4x10000xf32, #tpu.memory_space<hbm>> -> memref<1x4x10000xf32, #tpu.memory_space<hbm>>
      %dma_start3A_64 = tpu.memref_squeeze %dma_start3A_63 : memref<1x4x10000xf32, #tpu.memory_space<hbm>> -> memref<4x10000xf32, #tpu.memory_space<hbm>>
      tpu.enqueue_dma source(%dma_start3A_64 : memref<4x10000xf32, #tpu.memory_space<hbm>>) target(%arg6 : memref<4x10000xf32, #tpu.memory_space<vmem>>) target_semaphore(%run_scoped3A : memref<!tpu.dma_semaphore, #tpu.memory_space<semaphore_mem>>)
      %dma_wait3A = arith.constant 0 : i32
      %dma_wait3A_65 = arith.constant 0 : i32
      %dma_wait3A_66 = tpu.memref_slice %arg2[%add3A, %dma_wait3A, %dma_wait3A_65] : memref<32x4x10000xf32, #tpu.memory_space<hbm>> -> memref<1x4x10000xf32, #tpu.memory_space<hbm>>
      %dma_wait3A_67 = tpu.memref_squeeze %dma_wait3A_66 : memref<1x4x10000xf32, #tpu.memory_space<hbm>> -> memref<4x10000xf32, #tpu.memory_space<hbm>>
      %dma_wait3A_68 = arith.constant 0 : i32
      %dma_wait3A_69 = arith.constant 0 : i32
      %dma_wait3A_70 = tpu.memref_slice %arg2[%add3A, %dma_wait3A_68, %dma_wait3A_69] : memref<32x4x10000xf32, #tpu.memory_space<hbm>> -> memref<1x4x10000xf32, #tpu.memory_space<hbm>>
      %dma_wait3A_71 = tpu.memref_squeeze %dma_wait3A_70 : memref<1x4x10000xf32, #tpu.memory_space<hbm>> -> memref<4x10000xf32, #tpu.memory_space<hbm>>
      tpu.wait_dma2 semaphore(%run_scoped3A : memref<!tpu.dma_semaphore, #tpu.memory_space<semaphore_mem>>) src(%dma_wait3A_71 : memref<4x10000xf32, #tpu.memory_space<hbm>>) dst(%arg6 : memref<4x10000xf32, #tpu.memory_space<vmem>>)
      tpu.yield
    }) : () -> ()
    %scan3A = arith.constant 0 : i32
    %scan3A_1 = arith.constant 0 : i32
    %scan3A_2 = arith.constant 625 : i32
    %scan3A_3 = arith.addi %scan3A_1, %scan3A_2 : i32
    %scan3A_4 = arith.constant 1 : i32
    %scan3A_5 = scf.for %scan3A_57 = %scan3A_1 to %scan3A_3 step %scan3A_4 iter_args(%scan3A_58 = %scan3A) -> (i32)  : i32 {
      %broadcast_in_dim3A = arith.constant 0.000000e+00 : f32
      %broadcast_in_dim3A_59 = vector.broadcast %broadcast_in_dim3A : f32 to vector<16xf32>
      %mul3A_60 = arith.constant 16 : i32
      %mul3A_61 = arith.muli %scan3A_57, %mul3A_60 : i32
      %swap3A = arith.constant 0 : i32
      %swap3A_62 = arith.index_cast %swap3A : i32 to index
      %swap3A_63 = arith.index_cast %mul3A_61 : i32 to index
      %swap3A_64 = tpu.vector_load %arg7[%swap3A_62, %swap3A_63] {strides = array<i32>} : memref<4x10000xf32, #tpu.memory_space<vmem>>, vector<16xf32>,
      tpu.vector_store %arg7[%swap3A_62, %swap3A_63], %broadcast_in_dim3A_59 {strides = array<i32>} : memref<4x10000xf32, #tpu.memory_space<vmem>>, vector<16xf32>,
      %mul3A_65 = arith.constant 16 : i32
      %mul3A_66 = arith.muli %scan3A_57, %mul3A_65 : i32
      %swap3A_67 = arith.constant 1 : i32
      %swap3A_68 = arith.index_cast %swap3A_67 : i32 to index
      %swap3A_69 = arith.index_cast %mul3A_66 : i32 to index
      %swap3A_70 = tpu.vector_load %arg7[%swap3A_68, %swap3A_69] {strides = array<i32>} : memref<4x10000xf32, #tpu.memory_space<vmem>>, vector<16xf32>,
      tpu.vector_store %arg7[%swap3A_68, %swap3A_69], %broadcast_in_dim3A_59 {strides = array<i32>} : memref<4x10000xf32, #tpu.memory_space<vmem>>, vector<16xf32>,
      %mul3A_71 = arith.constant 16 : i32
      %mul3A_72 = arith.muli %scan3A_57, %mul3A_71 : i32
      %swap3A_73 = arith.constant 2 : i32
      %swap3A_74 = arith.index_cast %swap3A_73 : i32 to index
      %swap3A_75 = arith.index_cast %mul3A_72 : i32 to index
      %swap3A_76 = tpu.vector_load %arg7[%swap3A_74, %swap3A_75] {strides = array<i32>} : memref<4x10000xf32, #tpu.memory_space<vmem>>, vector<16xf32>,
      tpu.vector_store %arg7[%swap3A_74, %swap3A_75], %broadcast_in_dim3A_59 {strides = array<i32>} : memref<4x10000xf32, #tpu.memory_space<vmem>>, vector<16xf32>,
      %mul3A_77 = arith.constant 16 : i32
      %mul3A_78 = arith.muli %scan3A_57, %mul3A_77 : i32
      %swap3A_79 = arith.constant 3 : i32
      %swap3A_80 = arith.index_cast %swap3A_79 : i32 to index
      %swap3A_81 = arith.index_cast %mul3A_78 : i32 to index
      %swap3A_82 = tpu.vector_load %arg7[%swap3A_80, %swap3A_81] {strides = array<i32>} : memref<4x10000xf32, #tpu.memory_space<vmem>>, vector<16xf32>,
      tpu.vector_store %arg7[%swap3A_80, %swap3A_81], %broadcast_in_dim3A_59 {strides = array<i32>} : memref<4x10000xf32, #tpu.memory_space<vmem>>, vector<16xf32>,
      %scan3A_83 = arith.constant 0 : i32
      scf.yield %scan3A_83 : i32
    }
    %scan3A_6 = arith.constant 625 : i32
    %dma_start3A = arith.constant 0 : i32
    %dma_start3A_7 = arith.constant 0 : i32
    %dma_start3A_8 = tpu.memref_slice %arg8[%dma_start3A, %dma_start3A_7] : memref<2x3200xi32, #tpu.memory_space<vmem>> -> memref<1x3200xi32, #tpu.memory_space<vmem>>
    %dma_start3A_9 = tpu.memref_squeeze %dma_start3A_8 : memref<1x3200xi32, #tpu.memory_space<vmem>> -> memref<3200xi32, #tpu.memory_space<vmem>>
    %dma_start3A_10 = arith.constant 0 : i32
    %dma_start3A_11 = tpu.memref_slice %arg3[%dma_start3A_10] : memref<327680xi32, #tpu.memory_space<hbm>> -> memref<3200xi32, #tpu.memory_space<hbm>>
    %dma_start3A_12 = arith.constant 0 : i32
    %dma_start3A_13 = tpu.memref_slice %arg8[%dma_start3A, %dma_start3A_12] : memref<2x3200xi32, #tpu.memory_space<vmem>> -> memref<1x3200xi32, #tpu.memory_space<vmem>>
    %dma_start3A_14 = tpu.memref_squeeze %dma_start3A_13 : memref<1x3200xi32, #tpu.memory_space<vmem>> -> memref<3200xi32, #tpu.memory_space<vmem>>
    %dma_start3A_15 = arith.constant 0 : i32
    %dma_start3A_16 = tpu.memref_slice %arg3[%dma_start3A_15] : memref<327680xi32, #tpu.memory_space<hbm>> -> memref<3200xi32, #tpu.memory_space<hbm>>
    tpu.enqueue_dma source(%dma_start3A_16 : memref<3200xi32, #tpu.memory_space<hbm>>) target(%dma_start3A_14 : memref<3200xi32, #tpu.memory_space<vmem>>) target_semaphore(%arg10 : memref<!tpu.dma_semaphore, #tpu.memory_space<semaphore_mem>>)
    %dma_start3A_17 = arith.constant 0 : i32
    %dma_start3A_18 = arith.constant 0 : i32
    %dma_start3A_19 = tpu.memref_slice %arg9[%dma_start3A_17, %dma_start3A_18] : memref<2x3200xf32, #tpu.memory_space<vmem>> -> memref<1x3200xf32, #tpu.memory_space<vmem>>
    %dma_start3A_20 = tpu.memref_squeeze %dma_start3A_19 : memref<1x3200xf32, #tpu.memory_space<vmem>> -> memref<3200xf32, #tpu.memory_space<vmem>>
    %dma_start3A_21 = arith.constant 0 : i32
    %dma_start3A_22 = tpu.memref_slice %arg4[%dma_start3A_21] : memref<327680xf32, #tpu.memory_space<hbm>> -> memref<3200xf32, #tpu.memory_space<hbm>>
    %dma_start3A_23 = arith.constant 0 : i32
    %dma_start3A_24 = tpu.memref_slice %arg9[%dma_start3A_17, %dma_start3A_23] : memref<2x3200xf32, #tpu.memory_space<vmem>> -> memref<1x3200xf32, #tpu.memory_space<vmem>>
    %dma_start3A_25 = tpu.memref_squeeze %dma_start3A_24 : memref<1x3200xf32, #tpu.memory_space<vmem>> -> memref<3200xf32, #tpu.memory_space<vmem>>
    %dma_start3A_26 = arith.constant 0 : i32
    %dma_start3A_27 = tpu.memref_slice %arg4[%dma_start3A_26] : memref<327680xf32, #tpu.memory_space<hbm>> -> memref<3200xf32, #tpu.memory_space<hbm>>
    tpu.enqueue_dma source(%dma_start3A_27 : memref<3200xf32, #tpu.memory_space<hbm>>) target(%dma_start3A_25 : memref<3200xf32, #tpu.memory_space<vmem>>) target_semaphore(%arg12 : memref<!tpu.dma_semaphore, #tpu.memory_space<semaphore_mem>>)
    %dma_start3A_28 = arith.constant 1 : i32
    %dma_start3A_29 = arith.constant 0 : i32
    %dma_start3A_30 = tpu.memref_slice %arg8[%dma_start3A_28, %dma_start3A_29] : memref<2x3200xi32, #tpu.memory_space<vmem>> -> memref<1x3200xi32, #tpu.memory_space<vmem>>
    %dma_start3A_31 = tpu.memref_squeeze %dma_start3A_30 : memref<1x3200xi32, #tpu.memory_space<vmem>> -> memref<3200xi32, #tpu.memory_space<vmem>>
    %dma_start3A_32 = arith.constant 3200 : i32
    %dma_start3A_33 = tpu.memref_slice %arg3[%dma_start3A_32] : memref<327680xi32, #tpu.memory_space<hbm>> -> memref<3200xi32, #tpu.memory_space<hbm>>
    %dma_start3A_34 = arith.constant 0 : i32
    %dma_start3A_35 = tpu.memref_slice %arg8[%dma_start3A_28, %dma_start3A_34] : memref<2x3200xi32, #tpu.memory_space<vmem>> -> memref<1x3200xi32, #tpu.memory_space<vmem>>
    %dma_start3A_36 = tpu.memref_squeeze %dma_start3A_35 : memref<1x3200xi32, #tpu.memory_space<vmem>> -> memref<3200xi32, #tpu.memory_space<vmem>>
    %dma_start3A_37 = arith.constant 3200 : i32
    %dma_start3A_38 = tpu.memref_slice %arg3[%dma_start3A_37] : memref<327680xi32, #tpu.memory_space<hbm>> -> memref<3200xi32, #tpu.memory_space<hbm>>
    tpu.enqueue_dma source(%dma_start3A_38 : memref<3200xi32, #tpu.memory_space<hbm>>) target(%dma_start3A_36 : memref<3200xi32, #tpu.memory_space<vmem>>) target_semaphore(%arg11 : memref<!tpu.dma_semaphore, #tpu.memory_space<semaphore_mem>>)
    %dma_start3A_39 = arith.constant 1 : i32
    %dma_start3A_40 = arith.constant 0 : i32
    %dma_start3A_41 = tpu.memref_slice %arg9[%dma_start3A_39, %dma_start3A_40] : memref<2x3200xf32, #tpu.memory_space<vmem>> -> memref<1x3200xf32, #tpu.memory_space<vmem>>
    %dma_start3A_42 = tpu.memref_squeeze %dma_start3A_41 : memref<1x3200xf32, #tpu.memory_space<vmem>> -> memref<3200xf32, #tpu.memory_space<vmem>>
    %dma_start3A_43 = arith.constant 3200 : i32
    %dma_start3A_44 = tpu.memref_slice %arg4[%dma_start3A_43] : memref<327680xf32, #tpu.memory_space<hbm>> -> memref<3200xf32, #tpu.memory_space<hbm>>
    %dma_start3A_45 = arith.constant 0 : i32
    %dma_start3A_46 = tpu.memref_slice %arg9[%dma_start3A_39, %dma_start3A_45] : memref<2x3200xf32, #tpu.memory_space<vmem>> -> memref<1x3200xf32, #tpu.memory_space<vmem>>
    %dma_start3A_47 = tpu.memref_squeeze %dma_start3A_46 : memref<1x3200xf32, #tpu.memory_space<vmem>> -> memref<3200xf32, #tpu.memory_space<vmem>>
    %dma_start3A_48 = arith.constant 3200 : i32
    %dma_start3A_49 = tpu.memref_slice %arg4[%dma_start3A_48] : memref<327680xf32, #tpu.memory_space<hbm>> -> memref<3200xf32, #tpu.memory_space<hbm>>
    tpu.enqueue_dma source(%dma_start3A_49 : memref<3200xf32, #tpu.memory_space<hbm>>) target(%dma_start3A_47 : memref<3200xf32, #tpu.memory_space<vmem>>) target_semaphore(%arg13 : memref<!tpu.dma_semaphore, #tpu.memory_space<semaphore_mem>>)
    %scan3A_50 = arith.constant 0 : i32
    %scan3A_51 = arith.constant 0 : i32
    %scan3A_52 = arith.constant 50 : i32
    %scan3A_53 = arith.addi %scan3A_51, %scan3A_52 : i32
    %scan3A_54 = arith.constant 1 : i32
    %scan3A_55 = scf.for %scan3A_57 = %scan3A_51 to %scan3A_53 step %scan3A_54 iter_args(%scan3A_58 = %scan3A_50) -> (i32)  : i32 {
      %mul3A_59 = arith.constant 2 : i32
      %mul3A_60 = arith.muli %scan3A_57, %mul3A_59 : i32
      %add3A_61 = arith.constant 0 : i32
      %add3A_62 = arith.addi %mul3A_60, %add3A_61 : i32
      %dma_wait3A = arith.constant 0 : i32
      %dma_wait3A_63 = arith.constant 0 : i32
      %dma_wait3A_64 = tpu.memref_slice %arg8[%dma_wait3A, %dma_wait3A_63] : memref<2x3200xi32, #tpu.memory_space<vmem>> -> memref<1x3200xi32, #tpu.memory_space<vmem>>
      %dma_wait3A_65 = tpu.memref_squeeze %dma_wait3A_64 : memref<1x3200xi32, #tpu.memory_space<vmem>> -> memref<3200xi32, #tpu.memory_space<vmem>>
      %dma_wait3A_66 = arith.constant 0 : i32
      %dma_wait3A_67 = tpu.memref_slice %arg3[%dma_wait3A_66] : memref<327680xi32, #tpu.memory_space<hbm>> -> memref<3200xi32, #tpu.memory_space<hbm>>
      %dma_wait3A_68 = arith.constant 0 : i32
      %dma_wait3A_69 = tpu.memref_slice %arg8[%dma_wait3A, %dma_wait3A_68] : memref<2x3200xi32, #tpu.memory_space<vmem>> -> memref<1x3200xi32, #tpu.memory_space<vmem>>
      %dma_wait3A_70 = tpu.memref_squeeze %dma_wait3A_69 : memref<1x3200xi32, #tpu.memory_space<vmem>> -> memref<3200xi32, #tpu.memory_space<vmem>>
      %dma_wait3A_71 = arith.constant 0 : i32
      %dma_wait3A_72 = tpu.memref_slice %arg3[%dma_wait3A_71] : memref<327680xi32, #tpu.memory_space<hbm>> -> memref<3200xi32, #tpu.memory_space<hbm>>
      tpu.wait_dma2 semaphore(%arg10 : memref<!tpu.dma_semaphore, #tpu.memory_space<semaphore_mem>>) src(%dma_wait3A_72 : memref<3200xi32, #tpu.memory_space<hbm>>) dst(%dma_wait3A_70 : memref<3200xi32, #tpu.memory_space<vmem>>)
      %dma_wait3A_73 = arith.constant 0 : i32
      %dma_wait3A_74 = arith.constant 0 : i32
      %dma_wait3A_75 = tpu.memref_slice %arg9[%dma_wait3A_73, %dma_wait3A_74] : memref<2x3200xf32, #tpu.memory_space<vmem>> -> memref<1x3200xf32, #tpu.memory_space<vmem>>
      %dma_wait3A_76 = tpu.memref_squeeze %dma_wait3A_75 : memref<1x3200xf32, #tpu.memory_space<vmem>> -> memref<3200xf32, #tpu.memory_space<vmem>>
      %dma_wait3A_77 = arith.constant 0 : i32
      %dma_wait3A_78 = tpu.memref_slice %arg4[%dma_wait3A_77] : memref<327680xf32, #tpu.memory_space<hbm>> -> memref<3200xf32, #tpu.memory_space<hbm>>
      %dma_wait3A_79 = arith.constant 0 : i32
      %dma_wait3A_80 = tpu.memref_slice %arg9[%dma_wait3A_73, %dma_wait3A_79] : memref<2x3200xf32, #tpu.memory_space<vmem>> -> memref<1x3200xf32, #tpu.memory_space<vmem>>
      %dma_wait3A_81 = tpu.memref_squeeze %dma_wait3A_80 : memref<1x3200xf32, #tpu.memory_space<vmem>> -> memref<3200xf32, #tpu.memory_space<vmem>>
      %dma_wait3A_82 = arith.constant 0 : i32
      %dma_wait3A_83 = tpu.memref_slice %arg4[%dma_wait3A_82] : memref<327680xf32, #tpu.memory_space<hbm>> -> memref<3200xf32, #tpu.memory_space<hbm>>
      tpu.wait_dma2 semaphore(%arg12 : memref<!tpu.dma_semaphore, #tpu.memory_space<semaphore_mem>>) src(%dma_wait3A_83 : memref<3200xf32, #tpu.memory_space<hbm>>) dst(%dma_wait3A_81 : memref<3200xf32, #tpu.memory_space<vmem>>)
      %parallel_loop3A = arith.constant 0 : i32
      %parallel_loop3A_84 = arith.constant 200 : i32
      %parallel_loop3A_85 = arith.constant 1 : i32
      scf.for %parallel_loop3A_127 = %parallel_loop3A to %parallel_loop3A_84 step %parallel_loop3A_85  : i32 {
        %parallel_loop3A_128 = arith.constant 16 : i32
        %parallel_loop3A_129 = arith.muli %parallel_loop3A_127, %parallel_loop3A_128 : i32
        %parallel_loop3A_130 = arith.constant 0 : i32
        %parallel_loop3A_131 = arith.index_cast %parallel_loop3A_130 : i32 to index
        %parallel_loop3A_132 = arith.index_cast %parallel_loop3A_129 : i32 to index
        %parallel_loop3A_133 = tpu.vector_load %arg8[%parallel_loop3A_131, %parallel_loop3A_132] {strides = array<i32>} : memref<2x3200xi32, #tpu.memory_space<vmem>>, vector<16xi32>,
        %parallel_loop3A_134 = arith.constant 14 : i32
        %parallel_loop3A_135 = vector.broadcast %parallel_loop3A_134 : i32 to vector<16xi32>
        %parallel_loop3A_136 = arith.shrsi %parallel_loop3A_133, %parallel_loop3A_135 : vector<16xi32>
        %parallel_loop3A_137 = arith.constant 16383 : i32
        %parallel_loop3A_138 = vector.broadcast %parallel_loop3A_137 : i32 to vector<16xi32>
        %parallel_loop3A_139 = arith.andi %parallel_loop3A_133, %parallel_loop3A_138 : vector<16xi32>
        %parallel_loop3A_140 = arith.constant 16 : i32
        %parallel_loop3A_141 = arith.muli %parallel_loop3A_127, %parallel_loop3A_140 : i32
        %parallel_loop3A_142 = arith.constant 0 : i32
        %parallel_loop3A_143 = arith.index_cast %parallel_loop3A_142 : i32 to index
        %parallel_loop3A_144 = arith.index_cast %parallel_loop3A_141 : i32 to index
        %parallel_loop3A_145 = tpu.vector_load %arg9[%parallel_loop3A_143, %parallel_loop3A_144] {strides = array<i32>} : memref<2x3200xf32, #tpu.memory_space<vmem>>, vector<16xf32>,
        %parallel_loop3A_146 = arith.constant 0 : i32
        %parallel_loop3A_147 = vector.broadcast %parallel_loop3A_146 : i32 to vector<16xi32>
        %parallel_loop3A_148 = tpu.vector_load_idx %arg6[%parallel_loop3A_147, %parallel_loop3A_136] : memref<4x10000xf32, #tpu.memory_space<vmem>>[vector<16xi32>, vector<16xi32>], vector<16xf32>,
        %parallel_loop3A_149 = arith.mulf %parallel_loop3A_148, %parallel_loop3A_145 : vector<16xf32>
        tpu.vector_store_idx %arg7[%parallel_loop3A_147, %parallel_loop3A_139], %parallel_loop3A_149 {add = true} : memref<4x10000xf32, #tpu.memory_space<vmem>>[vector<16xi32>, vector<16xi32>], vector<16xf32>,
        %parallel_loop3A_150 = arith.constant 1 : i32
        %parallel_loop3A_151 = vector.broadcast %parallel_loop3A_150 : i32 to vector<16xi32>
        %parallel_loop3A_152 = tpu.vector_load_idx %arg6[%parallel_loop3A_151, %parallel_loop3A_136] : memref<4x10000xf32, #tpu.memory_space<vmem>>[vector<16xi32>, vector<16xi32>], vector<16xf32>,
        %parallel_loop3A_153 = arith.mulf %parallel_loop3A_152, %parallel_loop3A_145 : vector<16xf32>
        tpu.vector_store_idx %arg7[%parallel_loop3A_151, %parallel_loop3A_139], %parallel_loop3A_153 {add = true} : memref<4x10000xf32, #tpu.memory_space<vmem>>[vector<16xi32>, vector<16xi32>], vector<16xf32>,
        %parallel_loop3A_154 = arith.constant 2 : i32
        %parallel_loop3A_155 = vector.broadcast %parallel_loop3A_154 : i32 to vector<16xi32>
        %parallel_loop3A_156 = tpu.vector_load_idx %arg6[%parallel_loop3A_155, %parallel_loop3A_136] : memref<4x10000xf32, #tpu.memory_space<vmem>>[vector<16xi32>, vector<16xi32>], vector<16xf32>,
        %parallel_loop3A_157 = arith.mulf %parallel_loop3A_156, %parallel_loop3A_145 : vector<16xf32>
        tpu.vector_store_idx %arg7[%parallel_loop3A_155, %parallel_loop3A_139], %parallel_loop3A_157 {add = true} : memref<4x10000xf32, #tpu.memory_space<vmem>>[vector<16xi32>, vector<16xi32>], vector<16xf32>,
        %parallel_loop3A_158 = arith.constant 3 : i32
        %parallel_loop3A_159 = vector.broadcast %parallel_loop3A_158 : i32 to vector<16xi32>
        %parallel_loop3A_160 = tpu.vector_load_idx %arg6[%parallel_loop3A_159, %parallel_loop3A_136] : memref<4x10000xf32, #tpu.memory_space<vmem>>[vector<16xi32>, vector<16xi32>], vector<16xf32>,
        %parallel_loop3A_161 = arith.mulf %parallel_loop3A_160, %parallel_loop3A_145 : vector<16xf32>
        tpu.vector_store_idx %arg7[%parallel_loop3A_159, %parallel_loop3A_139], %parallel_loop3A_161 {add = true} : memref<4x10000xf32, #tpu.memory_space<vmem>>[vector<16xi32>, vector<16xi32>], vector<16xf32>,
      } {sc.loop_unroll_factor = 8 : i64, sc.parallel_access}
      %add3A_86 = arith.constant 2 : i32
      %add3A_87 = arith.addi %add3A_62, %add3A_86 : i32
      %lt3A = arith.constant 100 : i32
      %lt3A_88 = arith.cmpi slt, %add3A_87, %lt3A : i32
      %convert_element_type3A = arith.extui %lt3A_88 : i1 to i32
      %cond3A = arith.constant 0 : i32
      %cond3A_89 = arith.cmpi ne, %convert_element_type3A, %cond3A : i32
      scf.if %cond3A_89 {
        %add3A_127 = arith.constant 2 : i32
        %add3A_128 = arith.addi %add3A_62, %add3A_127 : i32
        %mul3A_129 = arith.constant 3200 : i32
        %mul3A_130 = arith.muli %add3A_128, %mul3A_129 : i32
        %dma_start3A_131 = arith.constant 0 : i32
        %dma_start3A_132 = arith.constant 0 : i32
        %dma_start3A_133 = tpu.memref_slice %arg8[%dma_start3A_131, %dma_start3A_132] : memref<2x3200xi32, #tpu.memory_space<vmem>> -> memref<1x3200xi32, #tpu.memory_space<vmem>>
        %dma_start3A_134 = tpu.memref_squeeze %dma_start3A_133 : memref<1x3200xi32, #tpu.memory_space<vmem>> -> memref<3200xi32, #tpu.memory_space<vmem>>
        %dma_start3A_135 = tpu.memref_slice %arg3[%mul3A_130] : memref<327680xi32, #tpu.memory_space<hbm>> -> memref<3200xi32, #tpu.memory_space<hbm>>
        %dma_start3A_136 = arith.constant 0 : i32
        %dma_start3A_137 = tpu.memref_slice %arg8[%dma_start3A_131, %dma_start3A_136] : memref<2x3200xi32, #tpu.memory_space<vmem>> -> memref<1x3200xi32, #tpu.memory_space<vmem>>
        %dma_start3A_138 = tpu.memref_squeeze %dma_start3A_137 : memref<1x3200xi32, #tpu.memory_space<vmem>> -> memref<3200xi32, #tpu.memory_space<vmem>>
        %dma_start3A_139 = tpu.memref_slice %arg3[%mul3A_130] : memref<327680xi32, #tpu.memory_space<hbm>> -> memref<3200xi32, #tpu.memory_space<hbm>>
        tpu.enqueue_dma source(%dma_start3A_139 : memref<3200xi32, #tpu.memory_space<hbm>>) target(%dma_start3A_138 : memref<3200xi32, #tpu.memory_space<vmem>>) target_semaphore(%arg10 : memref<!tpu.dma_semaphore, #tpu.memory_space<semaphore_mem>>)
        %add3A_140 = arith.constant 2 : i32
        %add3A_141 = arith.addi %add3A_62, %add3A_140 : i32
        %mul3A_142 = arith.constant 3200 : i32
        %mul3A_143 = arith.muli %add3A_141, %mul3A_142 : i32
        %dma_start3A_144 = arith.constant 0 : i32
        %dma_start3A_145 = arith.constant 0 : i32
        %dma_start3A_146 = tpu.memref_slice %arg9[%dma_start3A_144, %dma_start3A_145] : memref<2x3200xf32, #tpu.memory_space<vmem>> -> memref<1x3200xf32, #tpu.memory_space<vmem>>
        %dma_start3A_147 = tpu.memref_squeeze %dma_start3A_146 : memref<1x3200xf32, #tpu.memory_space<vmem>> -> memref<3200xf32, #tpu.memory_space<vmem>>
        %dma_start3A_148 = tpu.memref_slice %arg4[%mul3A_143] : memref<327680xf32, #tpu.memory_space<hbm>> -> memref<3200xf32, #tpu.memory_space<hbm>>
        %dma_start3A_149 = arith.constant 0 : i32
        %dma_start3A_150 = tpu.memref_slice %arg9[%dma_start3A_144, %dma_start3A_149] : memref<2x3200xf32, #tpu.memory_space<vmem>> -> memref<1x3200xf32, #tpu.memory_space<vmem>>
        %dma_start3A_151 = tpu.memref_squeeze %dma_start3A_150 : memref<1x3200xf32, #tpu.memory_space<vmem>> -> memref<3200xf32, #tpu.memory_space<vmem>>
        %dma_start3A_152 = tpu.memref_slice %arg4[%mul3A_143] : memref<327680xf32, #tpu.memory_space<hbm>> -> memref<3200xf32, #tpu.memory_space<hbm>>
        tpu.enqueue_dma source(%dma_start3A_152 : memref<3200xf32, #tpu.memory_space<hbm>>) target(%dma_start3A_151 : memref<3200xf32, #tpu.memory_space<vmem>>) target_semaphore(%arg12 : memref<!tpu.dma_semaphore, #tpu.memory_space<semaphore_mem>>)
      } else {
      }
      %mul3A_90 = arith.constant 2 : i32
      %mul3A_91 = arith.muli %scan3A_57, %mul3A_90 : i32
      %add3A_92 = arith.constant 1 : i32
      %add3A_93 = arith.addi %mul3A_91, %add3A_92 : i32
      %dma_wait3A_94 = arith.constant 1 : i32
      %dma_wait3A_95 = arith.constant 0 : i32
      %dma_wait3A_96 = tpu.memref_slice %arg8[%dma_wait3A_94, %dma_wait3A_95] : memref<2x3200xi32, #tpu.memory_space<vmem>> -> memref<1x3200xi32, #tpu.memory_space<vmem>>
      %dma_wait3A_97 = tpu.memref_squeeze %dma_wait3A_96 : memref<1x3200xi32, #tpu.memory_space<vmem>> -> memref<3200xi32, #tpu.memory_space<vmem>>
      %dma_wait3A_98 = arith.constant 0 : i32
      %dma_wait3A_99 = tpu.memref_slice %arg3[%dma_wait3A_98] : memref<327680xi32, #tpu.memory_space<hbm>> -> memref<3200xi32, #tpu.memory_space<hbm>>
      %dma_wait3A_100 = arith.constant 0 : i32
      %dma_wait3A_101 = tpu.memref_slice %arg8[%dma_wait3A_94, %dma_wait3A_100] : memref<2x3200xi32, #tpu.memory_space<vmem>> -> memref<1x3200xi32, #tpu.memory_space<vmem>>
      %dma_wait3A_102 = tpu.memref_squeeze %dma_wait3A_101 : memref<1x3200xi32, #tpu.memory_space<vmem>> -> memref<3200xi32, #tpu.memory_space<vmem>>
      %dma_wait3A_103 = arith.constant 0 : i32
      %dma_wait3A_104 = tpu.memref_slice %arg3[%dma_wait3A_103] : memref<327680xi32, #tpu.memory_space<hbm>> -> memref<3200xi32, #tpu.memory_space<hbm>>
      tpu.wait_dma2 semaphore(%arg11 : memref<!tpu.dma_semaphore, #tpu.memory_space<semaphore_mem>>) src(%dma_wait3A_104 : memref<3200xi32, #tpu.memory_space<hbm>>) dst(%dma_wait3A_102 : memref<3200xi32, #tpu.memory_space<vmem>>)
      %dma_wait3A_105 = arith.constant 1 : i32
      %dma_wait3A_106 = arith.constant 0 : i32
      %dma_wait3A_107 = tpu.memref_slice %arg9[%dma_wait3A_105, %dma_wait3A_106] : memref<2x3200xf32, #tpu.memory_space<vmem>> -> memref<1x3200xf32, #tpu.memory_space<vmem>>
      %dma_wait3A_108 = tpu.memref_squeeze %dma_wait3A_107 : memref<1x3200xf32, #tpu.memory_space<vmem>> -> memref<3200xf32, #tpu.memory_space<vmem>>
      %dma_wait3A_109 = arith.constant 0 : i32
      %dma_wait3A_110 = tpu.memref_slice %arg4[%dma_wait3A_109] : memref<327680xf32, #tpu.memory_space<hbm>> -> memref<3200xf32, #tpu.memory_space<hbm>>
      %dma_wait3A_111 = arith.constant 0 : i32
      %dma_wait3A_112 = tpu.memref_slice %arg9[%dma_wait3A_105, %dma_wait3A_111] : memref<2x3200xf32, #tpu.memory_space<vmem>> -> memref<1x3200xf32, #tpu.memory_space<vmem>>
      %dma_wait3A_113 = tpu.memref_squeeze %dma_wait3A_112 : memref<1x3200xf32, #tpu.memory_space<vmem>> -> memref<3200xf32, #tpu.memory_space<vmem>>
      %dma_wait3A_114 = arith.constant 0 : i32
      %dma_wait3A_115 = tpu.memref_slice %arg4[%dma_wait3A_114] : memref<327680xf32, #tpu.memory_space<hbm>> -> memref<3200xf32, #tpu.memory_space<hbm>>
      tpu.wait_dma2 semaphore(%arg13 : memref<!tpu.dma_semaphore, #tpu.memory_space<semaphore_mem>>) src(%dma_wait3A_115 : memref<3200xf32, #tpu.memory_space<hbm>>) dst(%dma_wait3A_113 : memref<3200xf32, #tpu.memory_space<vmem>>)
      %parallel_loop3A_116 = arith.constant 0 : i32
      %parallel_loop3A_117 = arith.constant 200 : i32
      %parallel_loop3A_118 = arith.constant 1 : i32
      scf.for %parallel_loop3A_127 = %parallel_loop3A_116 to %parallel_loop3A_117 step %parallel_loop3A_118  : i32 {
        %parallel_loop3A_128 = arith.constant 16 : i32
        %parallel_loop3A_129 = arith.muli %parallel_loop3A_127, %parallel_loop3A_128 : i32
        %parallel_loop3A_130 = arith.constant 1 : i32
        %parallel_loop3A_131 = arith.index_cast %parallel_loop3A_130 : i32 to index
        %parallel_loop3A_132 = arith.index_cast %parallel_loop3A_129 : i32 to index
        %parallel_loop3A_133 = tpu.vector_load %arg8[%parallel_loop3A_131, %parallel_loop3A_132] {strides = array<i32>} : memref<2x3200xi32, #tpu.memory_space<vmem>>, vector<16xi32>,
        %parallel_loop3A_134 = arith.constant 14 : i32
        %parallel_loop3A_135 = vector.broadcast %parallel_loop3A_134 : i32 to vector<16xi32>
        %parallel_loop3A_136 = arith.shrsi %parallel_loop3A_133, %parallel_loop3A_135 : vector<16xi32>
        %parallel_loop3A_137 = arith.constant 16383 : i32
        %parallel_loop3A_138 = vector.broadcast %parallel_loop3A_137 : i32 to vector<16xi32>
        %parallel_loop3A_139 = arith.andi %parallel_loop3A_133, %parallel_loop3A_138 : vector<16xi32>
        %parallel_loop3A_140 = arith.constant 16 : i32
        %parallel_loop3A_141 = arith.muli %parallel_loop3A_127, %parallel_loop3A_140 : i32
        %parallel_loop3A_142 = arith.constant 1 : i32
        %parallel_loop3A_143 = arith.index_cast %parallel_loop3A_142 : i32 to index
        %parallel_loop3A_144 = arith.index_cast %parallel_loop3A_141 : i32 to index
        %parallel_loop3A_145 = tpu.vector_load %arg9[%parallel_loop3A_143, %parallel_loop3A_144] {strides = array<i32>} : memref<2x3200xf32, #tpu.memory_space<vmem>>, vector<16xf32>,
        %parallel_loop3A_146 = arith.constant 0 : i32
        %parallel_loop3A_147 = vector.broadcast %parallel_loop3A_146 : i32 to vector<16xi32>
        %parallel_loop3A_148 = tpu.vector_load_idx %arg6[%parallel_loop3A_147, %parallel_loop3A_136] : memref<4x10000xf32, #tpu.memory_space<vmem>>[vector<16xi32>, vector<16xi32>], vector<16xf32>,
        %parallel_loop3A_149 = arith.mulf %parallel_loop3A_148, %parallel_loop3A_145 : vector<16xf32>
        tpu.vector_store_idx %arg7[%parallel_loop3A_147, %parallel_loop3A_139], %parallel_loop3A_149 {add = true} : memref<4x10000xf32, #tpu.memory_space<vmem>>[vector<16xi32>, vector<16xi32>], vector<16xf32>,
        %parallel_loop3A_150 = arith.constant 1 : i32
        %parallel_loop3A_151 = vector.broadcast %parallel_loop3A_150 : i32 to vector<16xi32>
        %parallel_loop3A_152 = tpu.vector_load_idx %arg6[%parallel_loop3A_151, %parallel_loop3A_136] : memref<4x10000xf32, #tpu.memory_space<vmem>>[vector<16xi32>, vector<16xi32>], vector<16xf32>,
        %parallel_loop3A_153 = arith.mulf %parallel_loop3A_152, %parallel_loop3A_145 : vector<16xf32>
        tpu.vector_store_idx %arg7[%parallel_loop3A_151, %parallel_loop3A_139], %parallel_loop3A_153 {add = true} : memref<4x10000xf32, #tpu.memory_space<vmem>>[vector<16xi32>, vector<16xi32>], vector<16xf32>,
        %parallel_loop3A_154 = arith.constant 2 : i32
        %parallel_loop3A_155 = vector.broadcast %parallel_loop3A_154 : i32 to vector<16xi32>
        %parallel_loop3A_156 = tpu.vector_load_idx %arg6[%parallel_loop3A_155, %parallel_loop3A_136] : memref<4x10000xf32, #tpu.memory_space<vmem>>[vector<16xi32>, vector<16xi32>], vector<16xf32>,
        %parallel_loop3A_157 = arith.mulf %parallel_loop3A_156, %parallel_loop3A_145 : vector<16xf32>
        tpu.vector_store_idx %arg7[%parallel_loop3A_155, %parallel_loop3A_139], %parallel_loop3A_157 {add = true} : memref<4x10000xf32, #tpu.memory_space<vmem>>[vector<16xi32>, vector<16xi32>], vector<16xf32>,
        %parallel_loop3A_158 = arith.constant 3 : i32
        %parallel_loop3A_159 = vector.broadcast %parallel_loop3A_158 : i32 to vector<16xi32>
        %parallel_loop3A_160 = tpu.vector_load_idx %arg6[%parallel_loop3A_159, %parallel_loop3A_136] : memref<4x10000xf32, #tpu.memory_space<vmem>>[vector<16xi32>, vector<16xi32>], vector<16xf32>,
        %parallel_loop3A_161 = arith.mulf %parallel_loop3A_160, %parallel_loop3A_145 : vector<16xf32>
        tpu.vector_store_idx %arg7[%parallel_loop3A_159, %parallel_loop3A_139], %parallel_loop3A_161 {add = true} : memref<4x10000xf32, #tpu.memory_space<vmem>>[vector<16xi32>, vector<16xi32>], vector<16xf32>,
      } {sc.loop_unroll_factor = 8 : i64, sc.parallel_access}
      %add3A_119 = arith.constant 2 : i32
      %add3A_120 = arith.addi %add3A_93, %add3A_119 : i32
      %lt3A_121 = arith.constant 100 : i32
      %lt3A_122 = arith.cmpi slt, %add3A_120, %lt3A_121 : i32
      %convert_element_type3A_123 = arith.extui %lt3A_122 : i1 to i32
      %cond3A_124 = arith.constant 0 : i32
      %cond3A_125 = arith.cmpi ne, %convert_element_type3A_123, %cond3A_124 : i32
      scf.if %cond3A_125 {
        %add3A_127 = arith.constant 2 : i32
        %add3A_128 = arith.addi %add3A_93, %add3A_127 : i32
        %mul3A_129 = arith.constant 3200 : i32
        %mul3A_130 = arith.muli %add3A_128, %mul3A_129 : i32
        %dma_start3A_131 = arith.constant 1 : i32
        %dma_start3A_132 = arith.constant 0 : i32
        %dma_start3A_133 = tpu.memref_slice %arg8[%dma_start3A_131, %dma_start3A_132] : memref<2x3200xi32, #tpu.memory_space<vmem>> -> memref<1x3200xi32, #tpu.memory_space<vmem>>
        %dma_start3A_134 = tpu.memref_squeeze %dma_start3A_133 : memref<1x3200xi32, #tpu.memory_space<vmem>> -> memref<3200xi32, #tpu.memory_space<vmem>>
        %dma_start3A_135 = tpu.memref_slice %arg3[%mul3A_130] : memref<327680xi32, #tpu.memory_space<hbm>> -> memref<3200xi32, #tpu.memory_space<hbm>>
        %dma_start3A_136 = arith.constant 0 : i32
        %dma_start3A_137 = tpu.memref_slice %arg8[%dma_start3A_131, %dma_start3A_136] : memref<2x3200xi32, #tpu.memory_space<vmem>> -> memref<1x3200xi32, #tpu.memory_space<vmem>>
        %dma_start3A_138 = tpu.memref_squeeze %dma_start3A_137 : memref<1x3200xi32, #tpu.memory_space<vmem>> -> memref<3200xi32, #tpu.memory_space<vmem>>
        %dma_start3A_139 = tpu.memref_slice %arg3[%mul3A_130] : memref<327680xi32, #tpu.memory_space<hbm>> -> memref<3200xi32, #tpu.memory_space<hbm>>
        tpu.enqueue_dma source(%dma_start3A_139 : memref<3200xi32, #tpu.memory_space<hbm>>) target(%dma_start3A_138 : memref<3200xi32, #tpu.memory_space<vmem>>) target_semaphore(%arg11 : memref<!tpu.dma_semaphore, #tpu.memory_space<semaphore_mem>>)
        %add3A_140 = arith.constant 2 : i32
        %add3A_141 = arith.addi %add3A_93, %add3A_140 : i32
        %mul3A_142 = arith.constant 3200 : i32
        %mul3A_143 = arith.muli %add3A_141, %mul3A_142 : i32
        %dma_start3A_144 = arith.constant 1 : i32
        %dma_start3A_145 = arith.constant 0 : i32
        %dma_start3A_146 = tpu.memref_slice %arg9[%dma_start3A_144, %dma_start3A_145] : memref<2x3200xf32, #tpu.memory_space<vmem>> -> memref<1x3200xf32, #tpu.memory_space<vmem>>
        %dma_start3A_147 = tpu.memref_squeeze %dma_start3A_146 : memref<1x3200xf32, #tpu.memory_space<vmem>> -> memref<3200xf32, #tpu.memory_space<vmem>>
        %dma_start3A_148 = tpu.memref_slice %arg4[%mul3A_143] : memref<327680xf32, #tpu.memory_space<hbm>> -> memref<3200xf32, #tpu.memory_space<hbm>>
        %dma_start3A_149 = arith.constant 0 : i32
        %dma_start3A_150 = tpu.memref_slice %arg9[%dma_start3A_144, %dma_start3A_149] : memref<2x3200xf32, #tpu.memory_space<vmem>> -> memref<1x3200xf32, #tpu.memory_space<vmem>>
        %dma_start3A_151 = tpu.memref_squeeze %dma_start3A_150 : memref<1x3200xf32, #tpu.memory_space<vmem>> -> memref<3200xf32, #tpu.memory_space<vmem>>
        %dma_start3A_152 = tpu.memref_slice %arg4[%mul3A_143] : memref<327680xf32, #tpu.memory_space<hbm>> -> memref<3200xf32, #tpu.memory_space<hbm>>
        tpu.enqueue_dma source(%dma_start3A_152 : memref<3200xf32, #tpu.memory_space<hbm>>) target(%dma_start3A_151 : memref<3200xf32, #tpu.memory_space<vmem>>) target_semaphore(%arg13 : memref<!tpu.dma_semaphore, #tpu.memory_space<semaphore_mem>>)
      } else {
      }
      %scan3A_126 = arith.constant 0 : i32
      scf.yield %scan3A_126 : i32
    }
    %scan3A_56 = arith.constant 50 : i32
    "tpu.region"() ({
      %run_scoped3A = tpu.sem_alloc : memref<!tpu.dma_semaphore, #tpu.memory_space<semaphore_mem>>
      %dma_start3A_57 = arith.constant 0 : i32
      %dma_start3A_58 = arith.constant 0 : i32
      %dma_start3A_59 = tpu.memref_slice %arg5[%add3A, %dma_start3A_57, %dma_start3A_58] : memref<32x4x10000xf32, #tpu.memory_space<hbm>> -> memref<1x4x10000xf32, #tpu.memory_space<hbm>>
      %dma_start3A_60 = tpu.memref_squeeze %dma_start3A_59 : memref<1x4x10000xf32, #tpu.memory_space<hbm>> -> memref<4x10000xf32, #tpu.memory_space<hbm>>
      %dma_start3A_61 = arith.constant 0 : i32
      %dma_start3A_62 = arith.constant 0 : i32
      %dma_start3A_63 = tpu.memref_slice %arg5[%add3A, %dma_start3A_61, %dma_start3A_62] : memref<32x4x10000xf32, #tpu.memory_space<hbm>> -> memref<1x4x10000xf32, #tpu.memory_space<hbm>>
      %dma_start3A_64 = tpu.memref_squeeze %dma_start3A_63 : memref<1x4x10000xf32, #tpu.memory_space<hbm>> -> memref<4x10000xf32, #tpu.memory_space<hbm>>
      tpu.enqueue_dma source(%arg7 : memref<4x10000xf32, #tpu.memory_space<vmem>>) target(%dma_start3A_64 : memref<4x10000xf32, #tpu.memory_space<hbm>>) target_semaphore(%run_scoped3A : memref<!tpu.dma_semaphore, #tpu.memory_space<semaphore_mem>>)
      %dma_wait3A = arith.constant 0 : i32
      %dma_wait3A_65 = arith.constant 0 : i32
      %dma_wait3A_66 = tpu.memref_slice %arg5[%add3A, %dma_wait3A, %dma_wait3A_65] : memref<32x4x10000xf32, #tpu.memory_space<hbm>> -> memref<1x4x10000xf32, #tpu.memory_space<hbm>>
      %dma_wait3A_67 = tpu.memref_squeeze %dma_wait3A_66 : memref<1x4x10000xf32, #tpu.memory_space<hbm>> -> memref<4x10000xf32, #tpu.memory_space<hbm>>
      %dma_wait3A_68 = arith.constant 0 : i32
      %dma_wait3A_69 = arith.constant 0 : i32
      %dma_wait3A_70 = tpu.memref_slice %arg5[%add3A, %dma_wait3A_68, %dma_wait3A_69] : memref<32x4x10000xf32, #tpu.memory_space<hbm>> -> memref<1x4x10000xf32, #tpu.memory_space<hbm>>
      %dma_wait3A_71 = tpu.memref_squeeze %dma_wait3A_70 : memref<1x4x10000xf32, #tpu.memory_space<hbm>> -> memref<4x10000xf32, #tpu.memory_space<hbm>>
      tpu.wait_dma2 semaphore(%run_scoped3A : memref<!tpu.dma_semaphore, #tpu.memory_space<semaphore_mem>>) src(%arg7 : memref<4x10000xf32, #tpu.memory_space<vmem>>) dst(%dma_wait3A_71 : memref<4x10000xf32, #tpu.memory_space<hbm>>)
      tpu.yield
    }) : () -> ()
    return
  }
}

module attributes {stable_mosaic.version = 14 : i64} {
  func.func @_enc_body(%arg0: i32, %arg1: memref<128x1024xf32, #tpu.memory_space<vmem>>, %arg2: memref<128x128xf32, #tpu.memory_space<vmem>>, %arg3: memref<128x1xf32, #tpu.memory_space<vmem>>, %arg4: memref<128x128xf32, #tpu.memory_space<vmem>>, %arg5: memref<1x128xf32, #tpu.memory_space<vmem>>, %arg6: memref<1x128xf32, #tpu.memory_space<vmem>>, %arg7: memref<128x1024xf32, #tpu.memory_space<vmem>>, %arg8: memref<1x1024xf32, #tpu.memory_space<vmem>>, %arg9: memref<1x1024xf32, #tpu.memory_space<vmem>>) attributes {dimension_semantics = [#tpu.dimension_semantics<arbitrary>], iteration_bounds = array<i64: 10>, scalar_prefetch = 0 : i64, scratch_operands = 0 : i64, tpu.core_type = #tpu.core_type<tc>, window_params = [{transform_indices = @transform_0, window_bounds = array<i64: 128, 1024>}, {pipeline_mode = #tpu.pipeline_mode<synchronous>, transform_indices = @transform_1, window_bounds = array<i64: 128, 128>}, {pipeline_mode = #tpu.pipeline_mode<synchronous>, transform_indices = @transform_2, window_bounds = array<i64: 128, 1>}, {pipeline_mode = #tpu.pipeline_mode<synchronous>, transform_indices = @transform_3, window_bounds = array<i64: 128, 128>}, {pipeline_mode = #tpu.pipeline_mode<synchronous>, transform_indices = @transform_4, window_bounds = array<i64: 1, 128>}, {pipeline_mode = #tpu.pipeline_mode<synchronous>, transform_indices = @transform_5, window_bounds = array<i64: 1, 128>}, {transform_indices = @transform_6, window_bounds = array<i64: 128, 1024>}, {transform_indices = @transform_7, window_bounds = array<i64: 1, 1024>}, {transform_indices = @transform_8, window_bounds = array<i64: 1, 1024>}]} {
    %get3A = arith.constant 0 : index
    %get3A_0 = arith.constant 0 : index
    %get3A_1 = vector.load %arg2[%get3A, %get3A_0] : memref<128x128xf32, #tpu.memory_space<vmem>>, vector<128x128xf32>
    %get3A_2 = arith.constant 0 : index
    %get3A_3 = arith.constant 0 : index
    %get3A_4 = vector.load %arg1[%get3A_2, %get3A_3] : memref<128x1024xf32, #tpu.memory_space<vmem>>, vector<128x1024xf32>
    %dot_general3A = arith.constant dense<0.000000e+00> : vector<128x1024xf32>
    %dot_general3A_5 = tpu.matmul %get3A_1, %get3A_4, %dot_general3A {dimension_numbers = #tpu.dot_dimension_numbers<[1], [0], [0], [1], [0, 0, 1, 1], [], []>, transpose_lhs_hint = false} : vector<128x128xf32>, vector<128x1024xf32>, vector<128x1024xf32> -> vector<128x1024xf32>
    %get3A_6 = arith.constant 0 : index
    %get3A_7 = arith.constant 0 : index
    %get3A_8 = vector.load %arg3[%get3A_6, %get3A_7] : memref<128x1xf32, #tpu.memory_space<vmem>>, vector<128x1xf32>
    %add3A = vector.broadcast %get3A_8 : vector<128x1xf32> to vector<128x1024xf32>
    %add3A_9 = arith.addf %dot_general3A_5, %add3A : vector<128x1024xf32>
    %get3A_10 = arith.constant 0 : index
    %get3A_11 = arith.constant 0 : index
    %get3A_12 = vector.load %arg4[%get3A_10, %get3A_11] : memref<128x128xf32, #tpu.memory_space<vmem>>, vector<128x128xf32>
    %dot_general3A_13 = arith.constant dense<0.000000e+00> : vector<128x1024xf32>
    %dot_general3A_14 = tpu.matmul %get3A_12, %add3A_9, %dot_general3A_13 {dimension_numbers = #tpu.dot_dimension_numbers<[1], [0], [0], [1], [0, 0, 1, 1], [], []>, transpose_lhs_hint = false} : vector<128x128xf32>, vector<128x1024xf32>, vector<128x1024xf32> -> vector<128x1024xf32>
    %swap3A = arith.constant 0 : index
    %swap3A_15 = arith.constant 0 : index
    %swap3A_16 = vector.load %arg7[%swap3A, %swap3A_15] : memref<128x1024xf32, #tpu.memory_space<vmem>>, vector<128x1024xf32>
    tpu.vector_store %arg7[%swap3A, %swap3A_15], %dot_general3A_14 {strides = array<i32>} : memref<128x1024xf32, #tpu.memory_space<vmem>>, vector<128x1024xf32>,
    %get3A_17 = arith.constant 0 : index
    %get3A_18 = arith.constant 0 : index
    %get3A_19 = vector.load %arg5[%get3A_17, %get3A_18] : memref<1x128xf32, #tpu.memory_space<vmem>>, vector<1x128xf32>
    %dot_general3A_20 = arith.constant dense<0.000000e+00> : vector<1x1024xf32>
    %dot_general3A_21 = tpu.matmul %get3A_19, %dot_general3A_14, %dot_general3A_20 {dimension_numbers = #tpu.dot_dimension_numbers<[1], [0], [0], [1], [0, 0, 1, 1], [], []>, transpose_lhs_hint = false} : vector<1x128xf32>, vector<128x1024xf32>, vector<1x1024xf32> -> vector<1x1024xf32>
    %swap3A_22 = arith.constant 0 : index
    %swap3A_23 = arith.constant 0 : index
    %swap3A_24 = vector.load %arg8[%swap3A_22, %swap3A_23] : memref<1x1024xf32, #tpu.memory_space<vmem>>, vector<1x1024xf32>
    tpu.vector_store %arg8[%swap3A_22, %swap3A_23], %dot_general3A_21 {strides = array<i32>} : memref<1x1024xf32, #tpu.memory_space<vmem>>, vector<1x1024xf32>,
    %get3A_25 = arith.constant 0 : index
    %get3A_26 = arith.constant 0 : index
    %get3A_27 = vector.load %arg6[%get3A_25, %get3A_26] : memref<1x128xf32, #tpu.memory_space<vmem>>, vector<1x128xf32>
    %dot_general3A_28 = arith.constant dense<0.000000e+00> : vector<1x1024xf32>
    %dot_general3A_29 = tpu.matmul %get3A_27, %dot_general3A_14, %dot_general3A_28 {dimension_numbers = #tpu.dot_dimension_numbers<[1], [0], [0], [1], [0, 0, 1, 1], [], []>, transpose_lhs_hint = false} : vector<1x128xf32>, vector<128x1024xf32>, vector<1x1024xf32> -> vector<1x1024xf32>
    %swap3A_30 = arith.constant 0 : index
    %swap3A_31 = arith.constant 0 : index
    %swap3A_32 = vector.load %arg9[%swap3A_30, %swap3A_31] : memref<1x1024xf32, #tpu.memory_space<vmem>>, vector<1x1024xf32>
    tpu.vector_store %arg9[%swap3A_30, %swap3A_31], %dot_general3A_29 {strides = array<i32>} : memref<1x1024xf32, #tpu.memory_space<vmem>>, vector<1x1024xf32>,
    return
  }
  func.func @transform_0(%arg0: i32) -> (i32, i32) {
    %c0_i32 = arith.constant 0 : i32
    %c0_i32_0 = arith.constant 0 : i32
    return %c0_i32, %arg0 : i32, i32
  }
  func.func @transform_1(%arg0: i32) -> (i32, i32) {
    %c0_i32 = arith.constant 0 : i32
    %c0_i32_0 = arith.constant 0 : i32
    %c0_i32_1 = arith.constant 0 : i32
    return %c0_i32, %c0_i32_0 : i32, i32
  }
  func.func @transform_2(%arg0: i32) -> (i32, i32) {
    %c0_i32 = arith.constant 0 : i32
    %c0_i32_0 = arith.constant 0 : i32
    %c0_i32_1 = arith.constant 0 : i32
    return %c0_i32, %c0_i32_0 : i32, i32
  }
  func.func @transform_3(%arg0: i32) -> (i32, i32) {
    %c0_i32 = arith.constant 0 : i32
    %c0_i32_0 = arith.constant 0 : i32
    %c0_i32_1 = arith.constant 0 : i32
    return %c0_i32, %c0_i32_0 : i32, i32
  }
  func.func @transform_4(%arg0: i32) -> (i32, i32) {
    %c0_i32 = arith.constant 0 : i32
    %c0_i32_0 = arith.constant 0 : i32
    %c0_i32_1 = arith.constant 0 : i32
    return %c0_i32, %c0_i32_0 : i32, i32
  }
  func.func @transform_5(%arg0: i32) -> (i32, i32) {
    %c0_i32 = arith.constant 0 : i32
    %c0_i32_0 = arith.constant 0 : i32
    %c0_i32_1 = arith.constant 0 : i32
    return %c0_i32, %c0_i32_0 : i32, i32
  }
  func.func @transform_6(%arg0: i32) -> (i32, i32) {
    %c0_i32 = arith.constant 0 : i32
    %c0_i32_0 = arith.constant 0 : i32
    return %c0_i32, %arg0 : i32, i32
  }
  func.func @transform_7(%arg0: i32) -> (i32, i32) {
    %c0_i32 = arith.constant 0 : i32
    %c0_i32_0 = arith.constant 0 : i32
    return %c0_i32, %arg0 : i32, i32
  }
  func.func @transform_8(%arg0: i32) -> (i32, i32) {
    %c0_i32 = arith.constant 0 : i32
    %c0_i32_0 = arith.constant 0 : i32
    return %c0_i32, %arg0 : i32, i32
  }
}

module attributes {stable_mosaic.version = 14 : i64} {
  func.func @_fold_enc_body(%arg0: i32, %arg1: memref<128x1024xf32, #tpu.memory_space<vmem>>, %arg2: memref<32x1024xf32, #tpu.memory_space<vmem>>, %arg3: memref<128x1024xf32, #tpu.memory_space<vmem>>, %arg4: memref<1x1024xf32, #tpu.memory_space<vmem>>, %arg5: memref<1x1024xf32, #tpu.memory_space<vmem>>, %arg6: memref<128x1xf32, #tpu.memory_space<vmem>>, %arg7: memref<128x128xf32, #tpu.memory_space<vmem>>, %arg8: memref<1x128xf32, #tpu.memory_space<vmem>>, %arg9: memref<1x128xf32, #tpu.memory_space<vmem>>, %arg10: memref<128x1024xf32, #tpu.memory_space<vmem>>, %arg11: memref<1x1024xf32, #tpu.memory_space<vmem>>, %arg12: memref<1x1024xf32, #tpu.memory_space<vmem>>) attributes {dimension_semantics = [#tpu.dimension_semantics<arbitrary>], iteration_bounds = array<i64: 10>, scalar_prefetch = 0 : i64, scratch_operands = 0 : i64, tpu.core_type = #tpu.core_type<tc>, window_params = [{transform_indices = @transform_0, window_bounds = array<i64: 128, 1024>}, {transform_indices = @transform_1, window_bounds = array<i64: 32, 1024>}, {transform_indices = @transform_2, window_bounds = array<i64: 128, 1024>}, {transform_indices = @transform_3, window_bounds = array<i64: 1, 1024>}, {transform_indices = @transform_4, window_bounds = array<i64: 1, 1024>}, {pipeline_mode = #tpu.pipeline_mode<synchronous>, transform_indices = @transform_5, window_bounds = array<i64: 128, 1>}, {pipeline_mode = #tpu.pipeline_mode<synchronous>, transform_indices = @transform_6, window_bounds = array<i64: 128, 128>}, {pipeline_mode = #tpu.pipeline_mode<synchronous>, transform_indices = @transform_7, window_bounds = array<i64: 1, 128>}, {pipeline_mode = #tpu.pipeline_mode<synchronous>, transform_indices = @transform_8, window_bounds = array<i64: 1, 128>}, {transform_indices = @transform_9, window_bounds = array<i64: 128, 1024>}, {transform_indices = @transform_10, window_bounds = array<i64: 1, 1024>}, {transform_indices = @transform_11, window_bounds = array<i64: 1, 1024>}]} {
    %get3A = arith.constant 0 : index
    %get3A_0 = arith.constant 0 : index
    %get3A_1 = vector.load %arg4[%get3A, %get3A_0] : memref<1x1024xf32, #tpu.memory_space<vmem>>, vector<1x1024xf32>
    %get3A_2 = arith.constant 0 : index
    %get3A_3 = arith.constant 0 : index
    %get3A_4 = vector.load %arg5[%get3A_2, %get3A_3] : memref<1x1024xf32, #tpu.memory_space<vmem>>, vector<1x1024xf32>
    %add3A = arith.addf %get3A_1, %get3A_4 : vector<1x1024xf32>
    %ge3A = arith.constant 0.000000e+00 : f32
    %ge3A_5 = vector.broadcast %ge3A : f32 to vector<1x1024xf32>
    %ge3A_6 = arith.cmpf oge, %add3A, %ge3A_5 : vector<1x1024xf32>
    %mul3A = arith.constant 2.000000e-01 : f32
    %mul3A_7 = vector.broadcast %mul3A : f32 to vector<1x1024xf32>
    %mul3A_8 = arith.mulf %add3A, %mul3A_7 : vector<1x1024xf32>
    %select_n3A = arith.select %ge3A_6, %add3A, %mul3A_8 : vector<1x1024xi1>, vector<1x1024xf32>
    %exp3A = math.exp %select_n3A : vector<1x1024xf32>
    %get3A_9 = arith.constant 0 : index
    %get3A_10 = arith.constant 0 : index
    %get3A_11 = vector.load %arg2[%get3A_9, %get3A_10] : memref<32x1024xf32, #tpu.memory_space<vmem>>, vector<32x1024xf32>
    %reduce_sum3A = arith.constant dense<0.000000e+00> : vector<1024xf32>
    %reduce_sum3A_12 = vector.multi_reduction <add>, %get3A_11, %reduce_sum3A [0] : vector<32x1024xf32> to vector<1024xf32>
    %broadcast_in_dim3A = vector.shape_cast %reduce_sum3A_12 : vector<1024xf32> to vector<1x1024xf32>
    %get3A_13 = arith.constant 0 : index
    %get3A_14 = arith.constant 0 : index
    %get3A_15 = vector.load %arg1[%get3A_13, %get3A_14] : memref<128x1024xf32, #tpu.memory_space<vmem>>, vector<128x1024xf32>
    %get3A_16 = arith.constant 0 : index
    %get3A_17 = arith.constant 0 : index
    %get3A_18 = vector.load %arg3[%get3A_16, %get3A_17] : memref<128x1024xf32, #tpu.memory_space<vmem>>, vector<128x1024xf32>
    %mul3A_19 = vector.broadcast %exp3A : vector<1x1024xf32> to vector<128x1024xf32>
    %mul3A_20 = arith.mulf %mul3A_19, %get3A_18 : vector<128x1024xf32>
    %add3A_21 = arith.addf %get3A_15, %mul3A_20 : vector<128x1024xf32>
    %add3A_22 = arith.addf %broadcast_in_dim3A, %exp3A : vector<1x1024xf32>
    %div3A = vector.broadcast %add3A_22 : vector<1x1024xf32> to vector<128x1024xf32>
    %div3A_23 = arith.divf %add3A_21, %div3A : vector<128x1024xf32>
    %get3A_24 = arith.constant 0 : index
    %get3A_25 = arith.constant 0 : index
    %get3A_26 = vector.load %arg6[%get3A_24, %get3A_25] : memref<128x1xf32, #tpu.memory_space<vmem>>, vector<128x1xf32>
    %add3A_27 = vector.broadcast %get3A_26 : vector<128x1xf32> to vector<128x1024xf32>
    %add3A_28 = arith.addf %div3A_23, %add3A_27 : vector<128x1024xf32>
    %get3A_29 = arith.constant 0 : index
    %get3A_30 = arith.constant 0 : index
    %get3A_31 = vector.load %arg7[%get3A_29, %get3A_30] : memref<128x128xf32, #tpu.memory_space<vmem>>, vector<128x128xf32>
    %dot_general3A = arith.constant dense<0.000000e+00> : vector<128x1024xf32>
    %dot_general3A_32 = tpu.matmul %get3A_31, %add3A_28, %dot_general3A {dimension_numbers = #tpu.dot_dimension_numbers<[1], [0], [0], [1], [0, 0, 1, 1], [], []>, transpose_lhs_hint = false} : vector<128x128xf32>, vector<128x1024xf32>, vector<128x1024xf32> -> vector<128x1024xf32>
    %swap3A = arith.constant 0 : index
    %swap3A_33 = arith.constant 0 : index
    %swap3A_34 = vector.load %arg10[%swap3A, %swap3A_33] : memref<128x1024xf32, #tpu.memory_space<vmem>>, vector<128x1024xf32>
    tpu.vector_store %arg10[%swap3A, %swap3A_33], %dot_general3A_32 {strides = array<i32>} : memref<128x1024xf32, #tpu.memory_space<vmem>>, vector<128x1024xf32>,
    %get3A_35 = arith.constant 0 : index
    %get3A_36 = arith.constant 0 : index
    %get3A_37 = vector.load %arg8[%get3A_35, %get3A_36] : memref<1x128xf32, #tpu.memory_space<vmem>>, vector<1x128xf32>
    %dot_general3A_38 = arith.constant dense<0.000000e+00> : vector<1x1024xf32>
    %dot_general3A_39 = tpu.matmul %get3A_37, %dot_general3A_32, %dot_general3A_38 {dimension_numbers = #tpu.dot_dimension_numbers<[1], [0], [0], [1], [0, 0, 1, 1], [], []>, transpose_lhs_hint = false} : vector<1x128xf32>, vector<128x1024xf32>, vector<1x1024xf32> -> vector<1x1024xf32>
    %swap3A_40 = arith.constant 0 : index
    %swap3A_41 = arith.constant 0 : index
    %swap3A_42 = vector.load %arg11[%swap3A_40, %swap3A_41] : memref<1x1024xf32, #tpu.memory_space<vmem>>, vector<1x1024xf32>
    tpu.vector_store %arg11[%swap3A_40, %swap3A_41], %dot_general3A_39 {strides = array<i32>} : memref<1x1024xf32, #tpu.memory_space<vmem>>, vector<1x1024xf32>,
    %get3A_43 = arith.constant 0 : index
    %get3A_44 = arith.constant 0 : index
    %get3A_45 = vector.load %arg9[%get3A_43, %get3A_44] : memref<1x128xf32, #tpu.memory_space<vmem>>, vector<1x128xf32>
    %dot_general3A_46 = arith.constant dense<0.000000e+00> : vector<1x1024xf32>
    %dot_general3A_47 = tpu.matmul %get3A_45, %dot_general3A_32, %dot_general3A_46 {dimension_numbers = #tpu.dot_dimension_numbers<[1], [0], [0], [1], [0, 0, 1, 1], [], []>, transpose_lhs_hint = false} : vector<1x128xf32>, vector<128x1024xf32>, vector<1x1024xf32> -> vector<1x1024xf32>
    %swap3A_48 = arith.constant 0 : index
    %swap3A_49 = arith.constant 0 : index
    %swap3A_50 = vector.load %arg12[%swap3A_48, %swap3A_49] : memref<1x1024xf32, #tpu.memory_space<vmem>>, vector<1x1024xf32>
    tpu.vector_store %arg12[%swap3A_48, %swap3A_49], %dot_general3A_47 {strides = array<i32>} : memref<1x1024xf32, #tpu.memory_space<vmem>>, vector<1x1024xf32>,
    return
  }
  func.func @transform_0(%arg0: i32) -> (i32, i32) {
    %c0_i32 = arith.constant 0 : i32
    %c0_i32_0 = arith.constant 0 : i32
    return %c0_i32, %arg0 : i32, i32
  }
  func.func @transform_1(%arg0: i32) -> (i32, i32) {
    %c0_i32 = arith.constant 0 : i32
    %c0_i32_0 = arith.constant 0 : i32
    return %c0_i32, %arg0 : i32, i32
  }
  func.func @transform_2(%arg0: i32) -> (i32, i32) {
    %c0_i32 = arith.constant 0 : i32
    %c0_i32_0 = arith.constant 0 : i32
    return %c0_i32, %arg0 : i32, i32
  }
  func.func @transform_3(%arg0: i32) -> (i32, i32) {
    %c0_i32 = arith.constant 0 : i32
    %c0_i32_0 = arith.constant 0 : i32
    return %c0_i32, %arg0 : i32, i32
  }
  func.func @transform_4(%arg0: i32) -> (i32, i32) {
    %c0_i32 = arith.constant 0 : i32
    %c0_i32_0 = arith.constant 0 : i32
    return %c0_i32, %arg0 : i32, i32
  }
  func.func @transform_5(%arg0: i32) -> (i32, i32) {
    %c0_i32 = arith.constant 0 : i32
    %c0_i32_0 = arith.constant 0 : i32
    %c0_i32_1 = arith.constant 0 : i32
    return %c0_i32, %c0_i32_0 : i32, i32
  }
  func.func @transform_6(%arg0: i32) -> (i32, i32) {
    %c0_i32 = arith.constant 0 : i32
    %c0_i32_0 = arith.constant 0 : i32
    %c0_i32_1 = arith.constant 0 : i32
    return %c0_i32, %c0_i32_0 : i32, i32
  }
  func.func @transform_7(%arg0: i32) -> (i32, i32) {
    %c0_i32 = arith.constant 0 : i32
    %c0_i32_0 = arith.constant 0 : i32
    %c0_i32_1 = arith.constant 0 : i32
    return %c0_i32, %c0_i32_0 : i32, i32
  }
  func.func @transform_8(%arg0: i32) -> (i32, i32) {
    %c0_i32 = arith.constant 0 : i32
    %c0_i32_0 = arith.constant 0 : i32
    %c0_i32_1 = arith.constant 0 : i32
    return %c0_i32, %c0_i32_0 : i32, i32
  }
  func.func @transform_9(%arg0: i32) -> (i32, i32) {
    %c0_i32 = arith.constant 0 : i32
    %c0_i32_0 = arith.constant 0 : i32
    return %c0_i32, %arg0 : i32, i32
  }
  func.func @transform_10(%arg0: i32) -> (i32, i32) {
    %c0_i32 = arith.constant 0 : i32
    %c0_i32_0 = arith.constant 0 : i32
    return %c0_i32, %arg0 : i32, i32
  }
  func.func @transform_11(%arg0: i32) -> (i32, i32) {
    %c0_i32 = arith.constant 0 : i32
    %c0_i32_0 = arith.constant 0 : i32
    return %c0_i32, %arg0 : i32, i32
  }
}

module attributes {stable_mosaic.version = 14 : i64} {
  func.func @_final_body(%arg0: i32, %arg1: memref<128x1024xf32, #tpu.memory_space<vmem>>, %arg2: memref<32x1024xf32, #tpu.memory_space<vmem>>, %arg3: memref<128x1024xf32, #tpu.memory_space<vmem>>, %arg4: memref<1x1024xf32, #tpu.memory_space<vmem>>, %arg5: memref<1x1024xf32, #tpu.memory_space<vmem>>, %arg6: memref<128x1xf32, #tpu.memory_space<vmem>>, %arg7: memref<128x1024xf32, #tpu.memory_space<vmem>>) attributes {dimension_semantics = [#tpu.dimension_semantics<arbitrary>], iteration_bounds = array<i64: 10>, scalar_prefetch = 0 : i64, scratch_operands = 0 : i64, tpu.core_type = #tpu.core_type<tc>, window_params = [{transform_indices = @transform_0, window_bounds = array<i64: 128, 1024>}, {transform_indices = @transform_1, window_bounds = array<i64: 32, 1024>}, {transform_indices = @transform_2, window_bounds = array<i64: 128, 1024>}, {transform_indices = @transform_3, window_bounds = array<i64: 1, 1024>}, {transform_indices = @transform_4, window_bounds = array<i64: 1, 1024>}, {pipeline_mode = #tpu.pipeline_mode<synchronous>, transform_indices = @transform_5, window_bounds = array<i64: 128, 1>}, {transform_indices = @transform_6, window_bounds = array<i64: 128, 1024>}]} {
    %get3A = arith.constant 0 : index
    %get3A_0 = arith.constant 0 : index
    %get3A_1 = vector.load %arg4[%get3A, %get3A_0] : memref<1x1024xf32, #tpu.memory_space<vmem>>, vector<1x1024xf32>
    %get3A_2 = arith.constant 0 : index
    %get3A_3 = arith.constant 0 : index
    %get3A_4 = vector.load %arg5[%get3A_2, %get3A_3] : memref<1x1024xf32, #tpu.memory_space<vmem>>, vector<1x1024xf32>
    %add3A = arith.addf %get3A_1, %get3A_4 : vector<1x1024xf32>
    %ge3A = arith.constant 0.000000e+00 : f32
    %ge3A_5 = vector.broadcast %ge3A : f32 to vector<1x1024xf32>
    %ge3A_6 = arith.cmpf oge, %add3A, %ge3A_5 : vector<1x1024xf32>
    %mul3A = arith.constant 2.000000e-01 : f32
    %mul3A_7 = vector.broadcast %mul3A : f32 to vector<1x1024xf32>
    %mul3A_8 = arith.mulf %add3A, %mul3A_7 : vector<1x1024xf32>
    %select_n3A = arith.select %ge3A_6, %add3A, %mul3A_8 : vector<1x1024xi1>, vector<1x1024xf32>
    %exp3A = math.exp %select_n3A : vector<1x1024xf32>
    %get3A_9 = arith.constant 0 : index
    %get3A_10 = arith.constant 0 : index
    %get3A_11 = vector.load %arg2[%get3A_9, %get3A_10] : memref<32x1024xf32, #tpu.memory_space<vmem>>, vector<32x1024xf32>
    %reduce_sum3A = arith.constant dense<0.000000e+00> : vector<1024xf32>
    %reduce_sum3A_12 = vector.multi_reduction <add>, %get3A_11, %reduce_sum3A [0] : vector<32x1024xf32> to vector<1024xf32>
    %broadcast_in_dim3A = vector.shape_cast %reduce_sum3A_12 : vector<1024xf32> to vector<1x1024xf32>
    %get3A_13 = arith.constant 0 : index
    %get3A_14 = arith.constant 0 : index
    %get3A_15 = vector.load %arg1[%get3A_13, %get3A_14] : memref<128x1024xf32, #tpu.memory_space<vmem>>, vector<128x1024xf32>
    %get3A_16 = arith.constant 0 : index
    %get3A_17 = arith.constant 0 : index
    %get3A_18 = vector.load %arg3[%get3A_16, %get3A_17] : memref<128x1024xf32, #tpu.memory_space<vmem>>, vector<128x1024xf32>
    %mul3A_19 = vector.broadcast %exp3A : vector<1x1024xf32> to vector<128x1024xf32>
    %mul3A_20 = arith.mulf %mul3A_19, %get3A_18 : vector<128x1024xf32>
    %add3A_21 = arith.addf %get3A_15, %mul3A_20 : vector<128x1024xf32>
    %add3A_22 = arith.addf %broadcast_in_dim3A, %exp3A : vector<1x1024xf32>
    %div3A = vector.broadcast %add3A_22 : vector<1x1024xf32> to vector<128x1024xf32>
    %div3A_23 = arith.divf %add3A_21, %div3A : vector<128x1024xf32>
    %get3A_24 = arith.constant 0 : index
    %get3A_25 = arith.constant 0 : index
    %get3A_26 = vector.load %arg6[%get3A_24, %get3A_25] : memref<128x1xf32, #tpu.memory_space<vmem>>, vector<128x1xf32>
    %add3A_27 = vector.broadcast %get3A_26 : vector<128x1xf32> to vector<128x1024xf32>
    %add3A_28 = arith.addf %div3A_23, %add3A_27 : vector<128x1024xf32>
    %swap3A = arith.constant 0 : index
    %swap3A_29 = arith.constant 0 : index
    %swap3A_30 = vector.load %arg7[%swap3A, %swap3A_29] : memref<128x1024xf32, #tpu.memory_space<vmem>>, vector<128x1024xf32>
    tpu.vector_store %arg7[%swap3A, %swap3A_29], %add3A_28 {strides = array<i32>} : memref<128x1024xf32, #tpu.memory_space<vmem>>, vector<128x1024xf32>,
    return
  }
  func.func @transform_0(%arg0: i32) -> (i32, i32) {
    %c0_i32 = arith.constant 0 : i32
    %c0_i32_0 = arith.constant 0 : i32
    return %c0_i32, %arg0 : i32, i32
  }
  func.func @transform_1(%arg0: i32) -> (i32, i32) {
    %c0_i32 = arith.constant 0 : i32
    %c0_i32_0 = arith.constant 0 : i32
    return %c0_i32, %arg0 : i32, i32
  }
  func.func @transform_2(%arg0: i32) -> (i32, i32) {
    %c0_i32 = arith.constant 0 : i32
    %c0_i32_0 = arith.constant 0 : i32
    return %c0_i32, %arg0 : i32, i32
  }
  func.func @transform_3(%arg0: i32) -> (i32, i32) {
    %c0_i32 = arith.constant 0 : i32
    %c0_i32_0 = arith.constant 0 : i32
    return %c0_i32, %arg0 : i32, i32
  }
  func.func @transform_4(%arg0: i32) -> (i32, i32) {
    %c0_i32 = arith.constant 0 : i32
    %c0_i32_0 = arith.constant 0 : i32
    return %c0_i32, %arg0 : i32, i32
  }
  func.func @transform_5(%arg0: i32) -> (i32, i32) {
    %c0_i32 = arith.constant 0 : i32
    %c0_i32_0 = arith.constant 0 : i32
    %c0_i32_1 = arith.constant 0 : i32
    return %c0_i32, %c0_i32_0 : i32, i32
  }
  func.func @transform_6(%arg0: i32) -> (i32, i32) {
    %c0_i32 = arith.constant 0 : i32
    %c0_i32_0 = arith.constant 0 : i32
    return %c0_i32, %arg0 : i32, i32
  }
}

</mosaic_0001>

<sc_bundles>
// kernel: kernel.12.cloned.1.call-start
scs
__scs_entry_jumppad:
0x0: {  	(pc) =	sbr.rel $0x88, $3  }
0x1: {  	(tag) =	ssettag $0x0;
	lr =	simm.s32 $0x1  }
0x2: {  	[smem:$0x3F95] =	sst lr;
	_ =	strace $0xD0000000  }
0x3: {  	_ = 	snop  }
0x4: {  	_ = 	snop  }
0x5: {  	_ = 	snop  }
0x6: {  	_ = 	snop  }
0x7: {  	_ = 	snop  }
__scs_overlays_trampoline_lowered:
0x8: {  	[smem:$0x3FA4] =	sst s0  }
0x9: {  	[smem:$0x3FA5] =	sst s1  }
0xa: {  	[smem:$0x3FA6] =	sst s2  }
0xb: {  	[smem:$0x3FA7] =	sst s3  }
0xc: {  	[smem:$0x3FA8] =	sst s4  }
0xd: {  	[smem:$0x3FA9] =	sst s5  }
0xe: {  	[smem:$0x3FAA] =	sst s6  }
0xf: {  	[smem:$0x3FAB] =	sst s7  }
0x10: {  	[smem:$0x3FAC] =	sst s8  }
0x11: {  	[smem:$0x3FAD] =	sst s9;
	s0 =	simm.s32 @!p0 $0x0  }
0x12: {  	s1 =	sld [smem:$0x3F93];
	s0 =	simm.s32 @p0 $0x1  }
0x13: {  	[smem:$0x3FAE] =	sst s0;
	s0 =	simm.s32 @!p1 $0x0  }
0x14: {  	s2 =	sld [smem:$0x3F92];
	s0 =	simm.s32 @p1 $0x1  }
0x15: {  	[smem:$0x3FAF] =	sst s0;
	s0 =	simm.s32 @!p2 $0x0  }
0x16: {  	s3 =	sld [smem:$0x3FDB];
	s0 =	simm.s32 @p2 $0x1  }
0x17: {  	s4 =	simm.s32 $0x1BF5;
	[smem:$0x3FB1] =	sst s0  }
0x18: {  	s0 =	sld [smem:$0x3F94];
	_ =	swait.ge [sflag:s4], $0x0  }
0x19: {  	s7 =	sld [smem:$0x3F95]  }
0x1a: {  	s8 =	sadd.s32 $0xFFFFE003, lr  }
0x1b: {  	s9 =	sadd.s32 $0xFFFFFEF7, lr;
	s5 =	simm.s32 $0xFFFFFFFF;
	p2 =	slt.u32 s8, $0xFFFFF086  }
0x1c: {  	p1 =	slt.u32 s9, $0xF7A;
	s5 =	simm.s32 @!p2 $0x0  }
0x1d: {  	s5 =	simm.s32 @p1 $0x1;
	p0 =	seq.s32 s7, s2  }
0x1e: {  	s7 =	smul.u32 @!p0 $0xF7A, s2;
	p2 =	seq.s32 @!p0 s5, $0x0  }
0x1f: {  	s9 =	smul.u32 $0xF7A, s1;
	s8 =	simm.s32 @!p0 $0x1BF5;
	p2 =	por !p2, p0  }
0x20: {  	[sflag:s8] =	ssyncset.s32 @!p0 $0xFFFFF086;
	s6 =	sadd.s32 @!p0 s3, s7;
	s7 =	simm.s32 @!p0 $0x108  }
0x21: {  	s3 =	sadd.s32 s3, s9;
	s6 =	sadd.s32 @!p0 $0x88, s6;
	s7 =	simm.s32 @p2 $0x1082  }
0x22: {  	[simem:s7], [sflag:s8] =	dma.local @!p0 [hbm:s6], $0xF7A  }
0x23: {  	s9 =	sor.u32 $0xD0000000, s2;
	s6 =	simm.s32 $0x108;
	_ =	swait.ge @!p0 [sflag:s8], $0x0  }
0x24: {  	s3 =	sadd.s32 $0x88, s3;
	s6 =	simm.s32 @!p1 $0x1082;
	[sflag:s4] =	ssyncset.s32 $0xFFFFF086  }
0x25: {  	[simem:s6], [sflag:s4] =	dma.local [hbm:s3], $0xF7A  }
0x26: {  	[smem:$0x3F95] =	sst s1;
	(tag) =	ssettag s2;
	_ =	strace s9  }
0x27: {  	s1 =	sld [smem:$0x3FA5]  }
0x28: {  	s2 =	sld [smem:$0x3FA6]  }
0x29: {  	s4 =	sld [smem:$0x3FA8]  }
0x2a: {  	p0 =	seq.s32 s5, $0x0;
	s5 =	sld [smem:$0x3FA9]  }
0x2b: {  	s6 =	sld [smem:$0x3FAA]  }
0x2c: {  	s7 =	sld [smem:$0x3FAB]  }
0x2d: {  	s3 =	simm.s32 $0x108;
	s8 =	sld [smem:$0x3FAC]  }
0x2e: {  	s3 =	simm.s32 @!p0 $0x1082;
	s9 =	sld [smem:$0x3FAD]  }
0x2f: {  	lr =	sadd.s32 s0, s3;
	s0 =	sld [smem:$0x3FA4]  }
0x30: {  	s3 =	sld [smem:$0x3FA7]  }
0x31: {  	[smem:$0x3FB0] =	sst s10  }
0x32: {  	s10 =	sld [smem:$0x3FAE];
	_ =	sdelay $0x3  }
0x33: {  	p0 =	seq.s32 s10, $0x1;
	s10 =	sld [smem:$0x3FB0];
	_ =	sdelay $0x3  }
0x34: {  	[smem:$0x3FB0] =	sst s10  }
0x35: {  	s10 =	sld [smem:$0x3FAF];
	_ =	sdelay $0x3  }
0x36: {  	p1 =	seq.s32 s10, $0x1;
	s10 =	sld [smem:$0x3FB0];
	_ =	sdelay $0x3  }
0x37: {  	[smem:$0x3FB0] =	sst s10  }
0x38: {  	s10 =	sld [smem:$0x3FB1]  }
0x39: {  	_ = 	snop;
	(pc) =	sbr.ind lr, $3  }
0x3a: {  	_ = 	snop  }
0x3b: {  	_ = 	snop  }
0x3c: {  	p2 =	seq.s32 s10, $0x1;
	s10 =	sld [smem:$0x3FB0]  }
0x3d: {  	_ =	shalt  }
0x3e: {  	_ =	shalt  }
0x3f: {  	_ =	shalt  }
0x40: {  	_ =	shalt  }
0x41: {  	_ =	shalt  }
0x42: {  	_ =	shalt  }
0x43: {  	_ =	shalt  }
0x44: {  	_ =	shalt  }
0x45: {  	_ =	shalt  }
0x46: {  	_ =	shalt  }
0x47: {  	_ =	shalt  }
0x48: {  	_ =	shalt  }
0x49: {  	_ =	shalt  }
0x4a: {  	_ =	shalt  }
0x4b: {  	_ =	shalt  }
0x4c: {  	_ =	shalt  }
0x4d: {  	_ =	shalt  }
0x4e: {  	_ =	shalt  }
0x4f: {  	_ =	shalt  }
0x50: {  	_ =	shalt  }
0x51: {  	_ =	shalt  }
0x52: {  	_ =	shalt  }
0x53: {  	_ =	shalt  }
0x54: {  	_ =	shalt  }
0x55: {  	_ =	shalt  }
0x56: {  	_ =	shalt  }
0x57: {  	_ =	shalt  }
0x58: {  	_ =	shalt  }
0x59: {  	_ =	shalt  }
0x5a: {  	_ =	shalt  }
0x5b: {  	_ =	shalt  }
0x5c: {  	_ =	shalt  }
0x5d: {  	_ =	shalt  }
0x5e: {  	_ =	shalt  }
0x5f: {  	_ =	shalt  }
0x60: {  	_ =	shalt  }
0x61: {  	_ =	shalt  }
0x62: {  	_ =	shalt  }
0x63: {  	_ =	shalt  }
0x64: {  	_ =	shalt  }
0x65: {  	_ =	shalt  }
0x66: {  	_ =	shalt  }
0x67: {  	_ =	shalt  }
0x68: {  	_ =	shalt  }
0x69: {  	_ =	shalt  }
0x6a: {  	_ =	shalt  }
0x6b: {  	_ =	shalt  }
0x6c: {  	_ =	shalt  }
0x6d: {  	_ =	shalt  }
0x6e: {  	_ =	shalt  }
0x6f: {  	_ =	shalt  }
0x70: {  	_ =	shalt  }
0x71: {  	_ =	shalt  }
0x72: {  	_ =	shalt  }
0x73: {  	_ =	shalt  }
0x74: {  	_ =	shalt  }
0x75: {  	_ =	shalt  }
0x76: {  	_ =	shalt  }
0x77: {  	_ =	shalt  }
0x78: {  	_ =	shalt  }
0x79: {  	_ =	shalt  }
0x7a: {  	_ =	shalt  }
0x7b: {  	_ =	shalt  }
0x7c: {  	_ =	shalt  }
0x7d: {  	_ =	shalt  }
0x7e: {  	_ =	shalt  }
0x7f: {  	_ =	shalt  }
0x80: {  	_ =	shalt  }
0x81: {  	_ =	shalt  }
0x82: {  	_ =	shalt  }
0x83: {  	_ =	shalt  }
0x84: {  	_ =	shalt  }
0x85: {  	_ =	shalt  }
0x86: {  	_ =	shalt  }
0x87: {  	_ =	shalt  }
.Lfunc_end0:
.L_simem_size_0:
called_computation.1_lowered:
.L_overlay_start_0:
0x88: {  	s2 =	sld [smem:$0x3FD9]  }
0x89: {  	s3 =	sld [smem:$0x3FFE];
	_ =	sdelay $0x1  }
0x8a: {  	s1 =	srdreg.scid  }
0x8b: {  	s0 =	sand.u32 $0x1, s1  }
0x8c: {  	s16 =	sshll.u32 s0, $0xA;
	s2 =	sadd.s32 s3, s2  }
0x8d: {  	s2 =	sadd.s32 s2, s16  }
0x8e: {  	[smem:$0x3FBC] =	sst s2  }
0x8f: {  	_ = 	snop  }
0x90: {  	(tm) =	ssettm $0x1  }
0x91: {  	s17 =	sld [smem:$0x3FFB];
	_ =	sdelay $0x3  }
0x92: {  	_ =	strace s17  }
0x93: {  	s2 =	sld [smem:$0x3FFC];
	_ =	sdelay $0x3  }
0x94: {  	_ =	strace s2  }
0x95: {  	s2 =	sld [smem:$0x3FFD];
	_ =	sdelay $0x3  }
0x96: {  	_ =	strace s2  }
0x97: {  	_ =	strace $0x8FFFFFFF  }
0x98: {  	s18 =	sld [smem:$0x3FDB];
	_ =	sdelay $0x1  }
0x99: {  	s19 =	simm.s32 $_scs_section_size  }
0x9a: {  	s4 =	simm.s32 $_size__tile_overlayer_lowered;
	s5 =	simm.s32 $_tile_overlayer_lowered  }
0x9b: {  	s22 =	simm.s32 $0x1BFF;
	s21 =	sshll.u32 s5, $0x1;
	s2 =	sadd.s32 s19, s18  }
0x9c: {  	s6 =	simm.s32 $0x0;
	s20 =	sshll.u32 s4, $0x1;
	s4 =	sadd.s32 s21, s2  }
0x9d: {  	[timem:s6], [sflag:s22] =	dma.local [hbm:s4], s20  }
0x9e: {  	_ =	swait.ge [sflag:s22], s20  }
0x9f: {  	s3 =	ssub.s32 $0x0, s20;
	[sflag:s22] =	ssyncset.done $0x0  }
0xa0: {  	[sflag:s22] =	ssyncadd.s32 s3;
	_ =	sdelay $0x1  }
0xa1: {  	s23 =	simm.s32 $0x1B8B  }
0xa2: {  	_ =	swait.ge [sflag:s23], $0x1  }
0xa3: {  	[sflag:s23] =	ssyncset.done $0x0  }
0xa4: {  	s25 =	simm.s32 $0x1B8E;
	s24 =	sld [smem:$0x3FFE];
	[sflag:s23] =	ssyncadd.s32 $0xFFFFFFFF  }
0xa5: {  	s26 =	simm.s32 $execute0_lowered;
	[smem:$0x3FD2] =	sst s25  }
0xa6: {  	s4 =	sshll.u32 s26, $0x1;
	_ =	strace $0x80000049;
	[dreg:$0x1] =	wrdreg $0xFFFFFFFF  }
0xa7: {  	s28 =	simm.s32 $_size_execute0_lowered;
	s2 =	sadd.s32 s2, s4;
	[dreg:$0x0] =	wrdreg $0x0  }
0xa8: {  	s4 =	sshll.u32 s28, $0x1;
	[dreg:$0x2] =	wrdreg s2  }
0xa9: {  	[dreg:$0x3] =	wrdreg s4  }
0xaa: {  	[dreg:$0x4] =	wrdreg $0xC0  }
0xab: {  	_ =	task [dreg:s6], $0x5FFFF  }
0xac: {  	[dreg:$0x1] =	wrdreg $0xFFFFFFFF  }
0xad: {  	[dreg:$0x0] =	wrdreg $0x60  }
0xae: {  	[dreg:$0x2] =	wrdreg s24  }
0xaf: {  	[dreg:$0x3] =	wrdreg $0x9  }
0xb0: {  	_ =	task.clear_ibuf [dreg:s6], $0x4FFFF;
	_ =	strace $0x90000049  }
0xb1: {  	s29 =	simm.s32 $0x9;
	_ =	strace $0x8000004B  }
0xb2: {  	_ =	swait.ge [sflag:s29], $0x1  }
0xb3: {  	[sflag:s29] =	ssyncadd.s32 $0xFFFFFFFF  }
0xb4: {  	_ =	strace $0x9000004B  }
0xb5: {  	_ =	sfence  }
0xb6: {  	s30 =	sld [smem:$0x0];
	_ =	sdelay $0x2  }
0xb7: {  	s31 =	sshll.u32 s1, $0xD;
	s1 =	sshrl.u32 s1, $0x2  }
0xb8: {  	s3 =	sand.u32 $0x4000, s31;
	s1 =	sadd.s32 s1, s30  }
0xb9: {  	s0 =	sor.u32 s3, s0;
	s1 =	sshll.u32 s1, $0x11  }
0xba: {  	s0 =	sor.u32 s1, s0  }
0xbb: {  	s0 =	sadd.s32 $0x8F2B, s0  }
0xbc: {  	[sflag:s0] =	ssyncadd.remote.s32 $0x1  }
0xbd: {  	_ =	sfence.sel $0xFFFF  }
0xbe: {  	[dreg:$0x0] =	wrdreg $0xFFFFFFFF;
	(pc) =	sbr.abs _section_cstart, $3  }
0xbf: {  	[dreg:$0x1] =	wrdreg $0xFFFFFFFF  }
0xc0: {  	_ =	task.clear_ibuf [dreg:s6], $0x2FFFF;
	_ =	strace $0x9FFFFFFF  }
0xc1: {  	(tm) =	ssettm $0x7FFFFFFF  }
tec
execute0_lowered:
.L_overlay_start_1:
0x0: {  	(tag) =	ssettag $0x1  }
0x1: {  	s1 =	srdreg.scid  }
0x2: {  	s0 =	stileid.u32;
	s7 =	rddreg [dreg:$0x0]  }
0x3: {  	s2 =	simm.s32 $0x0;
	s11 =	simm.s32 $0x1;
	s12 =	simm.s32 $0x3  }
0x4: {  	s13 =	simm.s32 $0x9E00;
	s3 =	sand.u32 $0x1, s1;
	s4 =	sshll.u32 s0, $0x1  }
0x5: {  	s14 =	simm.s32 $0x2;
	s15 =	simm.s32 $0x4;
	s4 =	sor.u32 s3, s4  }
0x6: {  	s16 =	simm.s32 $0x0;
	s1 =	rddreg [dreg:$0x1];
	s5 =	smul.u32 $0x13C0, s4  }
.Ltmp0:
0x7: {  	[smem:$0x7FF] =	sst s2;
	s6 =	ssub.s32 $0x2, s3;
	(pc) =	sbr.rel .LBB2_1-.Ltmp0, $4  }
0x8: {  	_ =	strace $0x8000004A;
	s3 =	sadd.s32 $0x16E00, s7;
	s8 =	sshrl.u32 s6, $0x1  }
0x9: {  	s4 =	sadd.s32 $0xCE00, s7;
	s10 =	ssub.s32 s6, s8;
	s9 =	sadd.s32 s5, s7  }
0xa: {  	s6 =	sadd.s32 $0x16F90, s7;
	s7 =	sadd.s32 $0xCF90, s7;
	s5 =	sadd.s32 $0x20E00, s9  }
0xb: {  	v0 =	vimm.f32 $0.0e+00;
	s8 =	sadd.s32 $0x48600, s9;
	s9 =	smax.u32 s10, $0x1;
	s10 =	simm.s32 $0x5  }
.LBB2_28:
0xc: {  	s16 =	sadd.s32 $0x1, s16  }
0xd: {  	p0 =	sne.s32 s16, s9  }
.Ltmp1:
0xe: {  	_ = 	snop;
	(pc) =	sbr.rel @!p0 .LBB2_29-.Ltmp1, $4  }
0xf: {  	[hbm4b:s8+s2] =	stream.linear.scatter [tilespmem:s13], [sflag:$0x5], $0x9E00, $0x38;
	[tilespmem:$0x16E00] =	vst v63  }
0x10: {  	_ =	swait.ge [sflag:s10], $0x9E00  }
0x11: {  	[sflag:s10] =	ssyncset.done $0x0  }
0x12: {  	[sflag:s10] =	ssyncadd.s32 $0xFFFF6200  }
.LBB2_1:
0x13: {  	[tilespmem:s2], [sflag:$0x5] =	stream.linear.gather [hbm4b:s5+s2], $0x9E00, $0x38;
	[tilespmem:$0x16E00] =	vst v63  }
0x14: {  	_ =	swait.ge [sflag:s10], $0x9E00  }
0x15: {  	s17 =	sand.u32 $0x70, s2;
	s18 =	sand.u32 $0xFE00, s2;
	[sflag:s10] =	ssyncset.done $0x0  }
0x16: {  	s19 =	sor.u32 s17, s18;
	[sflag:s10] =	ssyncadd.s32 $0xFFFF6200  }
0x17: {  	[tilespmem:s19+$0x9F80] =	vst v0  }
0x18: {  	[tilespmem:s19+$0x9E00] =	vst v0  }
0x19: {  	s17 =	simm.s32 $0x10;
	s18 =	simm.s32 $0x0;
	[tilespmem:s19+$0x9E80] =	vst v0  }
.LBB2_2:
0x1a: {  	s20 =	sand.u32 $0x70, s17;
	[tilespmem:s19+$0x9F00] =	vst v0;
	s18 =	sadd.s32 $0x40, s18;
	p0 =	sne.s32 s17, $0x2700  }
.Ltmp2:
0x1b: {  	s17 =	sadd.s32 $0x10, s17;
	s19 =	sand.u32 $0xFE00, s18;
	(pc) =	sbr.rel @p0 .LBB2_2-.Ltmp2, $4  }
0x1c: {  	s19 =	sor.u32 s20, s19  }
0x1d: {  	[tilespmem:s19+$0x9F80] =	vst v0  }
0x1e: {  	[tilespmem:s19+$0x9E00] =	vst v0  }
0x1f: {  	[tilespmem:s19+$0x9E80] =	vst v0  }
0x20: {  	[tilespmem:s19+$0x9F00] =	vst v0;
	s17 =	simm.s32 $0x0;
	s18 =	simm.s32 $0x13C00;
	s19 =	simm.s32 $0x0  }
.LBB2_4:
0x21: {  	p0 =	sne.s32 s19, $0x180  }
.Ltmp3:
0x22: {  	_ = 	snop;
	(pc) =	sbr.rel @p0 .LBB2_4-.Ltmp3, $4  }
0x23: {  	_ = 	snop  }
0x24: {  	s20 =	sadd.s32 s19, s3  }
0x25: {  	[tilespmem:s18], [sflag:$0x1] =	stream.linear.gather [hbm4b:s20+s17], $0x80, $0x38;
	[tilespmem:$0x16E00] =	vst v63  }
0x26: {  	s19 =	sadd.s32 $0x10, s19;
	s18 =	sadd.s32 $0x100, s18  }
0x27: {  	s17 =	simm.s32 $0x15500  }
0x28: {  	s18 =	simm.s32 $0x10;
	s20 =	sadd.s32 $0x0, s4;
	s19 =	simm.s32 $0x15600  }
.LBB2_6:
0x29: {  	[tilespmem:s17], [sflag:$0x3] =	stream.linear.gather [hbm4b:s20+s2], $0x80, $0x38;
	[tilespmem:$0x16E00] =	vst v63  }
0x2a: {  	s20 =	smov.u32 s18;
	s17 =	smov.u32 s19;
	p0 =	sne.s32 s18, $0x180  }
.Ltmp4:
0x2b: {  	s18 =	sadd.s32 $0x10, s18;
	(pc) =	sbr.rel @p0 .LBB2_6-.Ltmp4, $2  }
0x2c: {  	_ =	sdelay $0x2  }
0x2d: {  	s19 =	sadd.s32 $0x100, s19;
	s20 =	sadd.s32 s20, s4  }
0x2e: {  	[tilespmem:s17], [sflag:$0x3] =	stream.linear.gather [hbm4b:s20+s2], $0x80, $0x38;
	[tilespmem:$0x16E00] =	vst v63  }
0x2f: {  	s17 =	simm.s32 $0x13C80  }
0x30: {  	s18 =	simm.s32 $0x10;
	s20 =	sadd.s32 $0x0, s6;
	s19 =	simm.s32 $0x13D80  }
.LBB2_8:
0x31: {  	[tilespmem:s17], [sflag:$0x2] =	stream.linear.gather [hbm4b:s20+s2], $0x80, $0x38;
	[tilespmem:$0x16E00] =	vst v63  }
0x32: {  	s20 =	smov.u32 s18;
	s17 =	smov.u32 s19;
	p0 =	sne.s32 s18, $0x180  }
.Ltmp5:
0x33: {  	s18 =	sadd.s32 $0x10, s18;
	(pc) =	sbr.rel @p0 .LBB2_8-.Ltmp5, $2  }
0x34: {  	_ =	sdelay $0x2  }
0x35: {  	s19 =	sadd.s32 $0x100, s19;
	s20 =	sadd.s32 s20, s6  }
0x36: {  	[tilespmem:s17], [sflag:$0x2] =	stream.linear.gather [hbm4b:s20+s2], $0x80, $0x38;
	[tilespmem:$0x16E00] =	vst v63  }
0x37: {  	s17 =	simm.s32 $0x0;
	s18 =	simm.s32 $0x15580  }
0x38: {  	s19 =	simm.s32 $0x10;
	s21 =	sadd.s32 $0x0, s7;
	s20 =	simm.s32 $0x15680  }
.LBB2_10:
0x39: {  	[tilespmem:s18], [sflag:$0x4] =	stream.linear.gather [hbm4b:s21+s17], $0x80, $0x38;
	[tilespmem:$0x16E00] =	vst v63  }
0x3a: {  	s21 =	smov.u32 s19;
	s18 =	smov.u32 s20;
	p0 =	sne.s32 s19, $0x180  }
.Ltmp6:
0x3b: {  	s19 =	sadd.s32 $0x10, s19;
	(pc) =	sbr.rel @p0 .LBB2_10-.Ltmp6, $2  }
0x3c: {  	_ =	sdelay $0x2  }
0x3d: {  	s20 =	sadd.s32 $0x100, s20;
	s21 =	sadd.s32 s21, s7  }
0x3e: {  	[tilespmem:s18], [sflag:$0x4] =	stream.linear.gather [hbm4b:s21+s17], $0x80, $0x38;
	[tilespmem:$0x16E00] =	vst v63  }
.LBB2_12:
0x3f: {  	_ =	swait.ge [sflag:s11], $0xC80  }
0x40: {  	[sflag:s11] =	ssyncset.done $0x0  }
0x41: {  	[sflag:s11] =	ssyncadd.s32 $0xFFFFF380  }
0x42: {  	_ =	swait.ge [sflag:s12], $0xC80  }
0x43: {  	[sflag:s12] =	ssyncset.done $0x0  }
0x44: {  	s18 =	simm.s32 $0x13C40;
	[sflag:s12] =	ssyncadd.s32 $0xFFFFF380  }
0x45: {  	v1 =	vld [tilespmem:s18+$0x30]  }
0x46: {  	v5 =	vld [tilespmem:s18+$0xFFFFFFD0]  }
0x47: {  	v16 =	vld [tilespmem:s18+$0xFFFFFFF0]  }
0x48: {  	v17 =	vld [tilespmem:s18+$0x0]  }
0x49: {  	v18 =	vld [tilespmem:s18+$0x10]  }
0x4a: {  	v20 =	vld [tilespmem:s18+$0x20]  }
0x4b: {  	v22 =	vld [tilespmem:s18+$0xFFFFFFC0]  }
0x4c: {  	v15 =	vld [tilespmem:s18+$0xFFFFFFE0];
	_ =	sdelay $0x1  }
0x4d: {  	v2 =	vshra.s32 v1, $0xE;
	v21 =	vshll.u32 v5, $0x2;
	v9 =	vshra.s32 v16, $0xE  }
0x4e: {  	v10 =	vshra.s32 v17, $0xE;
	v12 =	vshra.s32 v18, $0xE;
	v25 =	vshra.s32 v20, $0xE  }
0x4f: {  	v8 =	vshll.u32 v1, $0x2;
	v14 =	vshra.s32 v22, $0xE;
	v1 =	vand.u32 $0x7F, v1  }
0x50: {  	v53 =	vshll.u32 v15, $0x2;
	v56 =	vshll.u32 v17, $0x2;
	v17 =	vand.u32 $0x7F, v17  }
0x51: {  	v3 =	vshll.u32 v2, $0x2;
	v2 =	vand.u32 $0x7F, v2;
	v7 =	vshll.u32 v9, $0x2  }
0x52: {  	v11 =	vshll.u32 v10, $0x2;
	v8 =	vand.u32 $0xFE00, v8;
	v28 =	vshll.u32 v14, $0x2  }
0x53: {  	v14 =	vand.u32 $0x7F, v14;
	v30 =	vshll.u32 v25, $0x2;
	v47 =	vand.u32 $0x7F, v9  }
0x54: {  	v48 =	vand.u32 $0x7F, v10;
	v21 =	vand.u32 $0xFE00, v21;
	v3 =	vand.u32 $0xFFFFFE00, v3  }
0x55: {  	s18 =	simm.s32 $0x15540;
	v27 =	vand.u32 $0xFFFFFE00, v7;
	v29 =	vor.u32 v1, v8;
	v8 =	vand.u32 $0xFFFFFE00, v28  }
0x56: {  	v26 =	vld [tilespmem:s18+$0x30];
	v11 =	vand.u32 $0xFFFFFE00, v11;
	v49 =	vand.u32 $0xFFFFFE00, v30;
	v30 =	vand.u32 $0xFE00, v53  }
0x57: {  	v7 =	vld [tilespmem:s18+$0xFFFFFFD0];
	v19 =	vor.u32 v2, v3;
	v2 =	vshra.s32 v5, $0xE;
	v3 =	vshra.s32 v15, $0xE  }
0x58: {  	v1 =	vld [tilespmem:s18+$0xFFFFFFE0];
	v14 =	vor.u32 v14, v8;
	v10 =	vor.u32 v47, v27;
	v11 =	vor.u32 v48, v11  }
0x59: {  	v5 =	vand.u32 $0x7F, v5;
	v4 =	vshll.u32 v2, $0x2;
	v31 =	vand.u32 $0x7F, v2;
	v2 =	vld [tilespmem:s18+$0xFFFFFFF0]  }
0x5a: {  	v15 =	vand.u32 $0x7F, v15;
	v6 =	vshll.u32 v3, $0x2;
	v32 =	vand.u32 $0x7F, v3;
	v3 =	vld [tilespmem:s18+$0x0]  }
0x5b: {  	v21 =	vor.u32 v5, v21;
	v5 =	vand.u32 $0xFE00, v56;
	v13 =	vand.u32 $0xFFFFFE00, v6;
	v6 =	vld [tilespmem:s18+$0xFFFFFFC0]  }
0x5c: {  	v15 =	vor.u32 v15, v30;
	v4 =	vand.u32 $0xFFFFFE00, v4;
	v30 =	vor.u32 v17, v5;
	v5 =	vld [tilespmem:s18+$0x20]  }
0x5d: {  	v24 =	vshll.u32 v12, $0x2;
	v8 =	vor.u32 v31, v4;
	v4 =	vld [tilespmem:s18+$0x10]  }
0x5e: {  	v12 =	vand.u32 $0x7F, v12;
	v9 =	vor.u32 v32, v13;
	v13 =	vand.u32 $0xFFFFFE00, v24;
	v23 =	vld.idx.msk [tilespmem:v19+s2+$0x0], $0xffff  }
0x5f: {  	v12 =	vor.u32 v12, v13;
	v52 =	vld.idx.msk [tilespmem:v14+s2+$0x0], $0xffff  }
0x60: {  	v35 =	vld.idx.msk [tilespmem:v10+s2+$0x0], $0xffff  }
0x61: {  	v51 =	vshll.u32 v22, $0x2;
	v25 =	vand.u32 $0x7F, v25;
	v46 =	vor.u32 $0x80, v19;
	v38 =	vld.idx.msk [tilespmem:v11+s2+$0x0], $0xffff  }
0x62: {  	v22 =	vand.u32 $0x7F, v22;
	v27 =	vand.u32 $0xFE00, v51;
	v13 =	vor.u32 v25, v49;
	v55 =	vld.idx.msk [tilespmem:v8+s2+$0x0], $0xffff  }
0x63: {  	v37 =	vshll.u32 v20, $0x2;
	v22 =	vor.u32 v22, v27;
	v33 =	vld.idx.msk [tilespmem:v9+s2+$0x0], $0xffff;
	v23 =	vmul.f32 v23, v26  }
0x64: {  	v20 =	vand.u32 $0x7F, v20;
	v17 =	vand.u32 $0xFE00, v37;
	v39 =	vld.idx.msk [tilespmem:v12+s2+$0x0], $0xffff  }
0x65: {  	v20 =	vor.u32 v20, v17;
	v17 =	vor.u32 $0x80, v14;
	[tilespmem:v29+s13+$0x0] =	vst.idx.add.f32.msk $0xffff, v23  }
0x66: {  	v37 =	vor.u32 $0x80, v11;
	v59 =	vmul.f32 v52, v6;
	v50 =	vld.idx.msk [tilespmem:v46+s2+$0x0], $0xffff  }
0x67: {  	v58 =	vld.idx.msk [tilespmem:v13+s2+$0x0], $0xffff;
	v28 =	vmul.f32 v38, v3  }
0x68: {  	v34 =	vor.u32 $0x80, v29;
	[tilespmem:v22+s13+$0x0] =	vst.idx.add.f32.msk $0xffff, v59  }
0x69: {  	v36 =	vor.u32 $0x100, v19;
	[tilespmem:v30+s13+$0x0] =	vst.idx.add.f32.msk $0xffff, v28  }
0x6a: {  	v25 =	vmul.f32 v55, v7;
	v17 =	vld.idx.msk [tilespmem:v17+s2+$0x0], $0xffff  }
0x6b: {  	v54 =	vshll.u32 v16, $0x2;
	v28 =	vld.idx.msk [tilespmem:v37+s2+$0x0], $0xffff;
	v24 =	vmul.f32 v50, v26  }
0x6c: {  	v16 =	vand.u32 $0x7F, v16;
	v40 =	vor.u32 $0x80, v13;
	v23 =	vand.u32 $0xFE00, v54;
	[tilespmem:v21+s13+$0x0] =	vst.idx.add.f32.msk $0xffff, v25  }
0x6d: {  	v23 =	vor.u32 v16, v23;
	v61 =	vmul.f32 v33, v1;
	[tilespmem:v34+s13+$0x0] =	vst.idx.add.f32.msk $0xffff, v24  }
0x6e: {  	v63 =	vmul.f32 v35, v2;
	v33 =	vor.u32 $0x80, v8;
	v35 =	vmul.f32 v58, v5;
	v16 =	vld.idx.msk [tilespmem:v36+s2+$0x0], $0xffff  }
0x6f: {  	v41 =	vor.u32 $0x80, v22;
	[tilespmem:v15+s13+$0x0] =	vst.idx.add.f32.msk $0xffff, v61  }
0x70: {  	v62 =	vor.u32 $0x100, v29;
	[tilespmem:v20+s13+$0x0] =	vst.idx.add.f32.msk $0xffff, v35  }
0x71: {  	v57 =	vshll.u32 v18, $0x2;
	v18 =	vand.u32 $0x7F, v18;
	v19 =	vor.u32 $0x180, v19;
	v31 =	vld.idx.msk [tilespmem:v40+s2+$0x0], $0xffff  }
0x72: {  	v60 =	vand.u32 $0xFE00, v57;
	v46 =	vor.u32 $0x100, v14;
	[tilespmem:v23+s13+$0x0] =	vst.idx.add.f32.msk $0xffff, v63;
	v17 =	vmul.f32 v17, v6  }
0x73: {  	v18 =	vor.u32 v18, v60;
	v25 =	vld.idx.msk [tilespmem:v33+s2+$0x0], $0xffff;
	v16 =	vmul.f32 v16, v26  }
0x74: {  	v48 =	vor.u32 $0x80, v20;
	[tilespmem:v41+s13+$0x0] =	vst.idx.add.f32.msk $0xffff, v17  }
0x75: {  	[tilespmem:v62+s13+$0x0] =	vst.idx.add.f32.msk $0xffff, v16;
	v16 =	vor.u32 $0x80, v9  }
0x76: {  	v34 =	vmul.f32 v39, v4;
	v36 =	vor.u32 $0x80, v10;
	v19 =	vld.idx.msk [tilespmem:v19+s2+$0x0], $0xffff  }
0x77: {  	v42 =	vor.u32 $0x80, v21;
	v51 =	vld.idx.msk [tilespmem:v46+s2+$0x0], $0xffff;
	v52 =	vmul.f32 v31, v5  }
0x78: {  	v38 =	vor.u32 $0x180, v29;
	[tilespmem:v18+s13+$0x0] =	vst.idx.add.f32.msk $0xffff, v34  }
0x79: {  	v49 =	vor.u32 $0x100, v8;
	[tilespmem:v48+s13+$0x0] =	vst.idx.add.f32.msk $0xffff, v52  }
0x7a: {  	v39 =	vor.u32 $0x80, v12;
	v25 =	vmul.f32 v25, v7;
	v16 =	vld.idx.msk [tilespmem:v16+s2+$0x0], $0xffff  }
0x7b: {  	v55 =	vor.u32 $0x100, v22;
	v27 =	vld.idx.msk [tilespmem:v36+s2+$0x0], $0xffff;
	v19 =	vmul.f32 v19, v26  }
0x7c: {  	v43 =	vor.u32 $0x80, v15;
	[tilespmem:v42+s13+$0x0] =	vst.idx.add.f32.msk $0xffff, v25  }
0x7d: {  	[tilespmem:v38+s13+$0x0] =	vst.idx.add.f32.msk $0xffff, v19;
	v19 =	vor.u32 $0x80, v23  }
0x7e: {  	v14 =	vor.u32 $0x180, v14;
	v54 =	vld.idx.msk [tilespmem:v49+s2+$0x0], $0xffff;
	v25 =	vmul.f32 v51, v6  }
0x7f: {  	v45 =	vor.u32 $0x80, v30;
	v44 =	vld.idx.msk [tilespmem:v39+s2+$0x0], $0xffff;
	v16 =	vmul.f32 v16, v1  }
0x80: {  	v56 =	vor.u32 $0x100, v21;
	[tilespmem:v55+s13+$0x0] =	vst.idx.add.f32.msk $0xffff, v25;
	v47 =	vmul.f32 v27, v2  }
0x81: {  	v17 =	vor.u32 $0x80, v18;
	[tilespmem:v43+s13+$0x0] =	vst.idx.add.f32.msk $0xffff, v16  }
0x82: {  	v16 =	vmul.f32 v28, v3;
	[tilespmem:v19+s13+$0x0] =	vst.idx.add.f32.msk $0xffff, v47;
	v19 =	vor.u32 $0x100, v9  }
0x83: {  	v50 =	vor.u32 $0x100, v10;
	v60 =	vmul.f32 v54, v7;
	v27 =	vld.idx.msk [tilespmem:v14+s2+$0x0], $0xffff  }
0x84: {  	v53 =	vor.u32 $0x100, v11;
	[tilespmem:v45+s13+$0x0] =	vst.idx.add.f32.msk $0xffff, v16;
	v16 =	vmul.f32 v44, v4  }
0x85: {  	v8 =	vor.u32 $0x180, v8;
	[tilespmem:v56+s13+$0x0] =	vst.idx.add.f32.msk $0xffff, v60  }
0x86: {  	[tilespmem:v17+s13+$0x0] =	vst.idx.add.f32.msk $0xffff, v16;
	v17 =	vor.u32 $0x100, v13  }
0x87: {  	v16 =	vor.u32 $0x100, v12;
	v19 =	vld.idx.msk [tilespmem:v19+s2+$0x0], $0xffff  }
0x88: {  	v22 =	vor.u32 $0x180, v22;
	v24 =	vld.idx.msk [tilespmem:v50+s2+$0x0], $0xffff  }
0x89: {  	v57 =	vor.u32 $0x100, v15;
	v29 =	vld.idx.msk [tilespmem:v53+s2+$0x0], $0xffff  }
0x8a: {  	v58 =	vor.u32 $0x100, v23;
	v62 =	vld.idx.msk [tilespmem:v8+s2+$0x0], $0xffff  }
0x8b: {  	v59 =	vor.u32 $0x100, v30;
	v63 =	vmul.f32 v27, v6;
	v17 =	vld.idx.msk [tilespmem:v17+s2+$0x0], $0xffff  }
0x8c: {  	v9 =	vor.u32 $0x180, v9;
	v16 =	vld.idx.msk [tilespmem:v16+s2+$0x0], $0xffff;
	v14 =	vmul.f32 v19, v1  }
0x8d: {  	[tilespmem:v22+s13+$0x0] =	vst.idx.add.f32.msk $0xffff, v63;
	v24 =	vmul.f32 v24, v2;
	v19 =	vor.u32 $0x100, v20  }
0x8e: {  	v61 =	vor.u32 $0x100, v18;
	[tilespmem:v57+s13+$0x0] =	vst.idx.add.f32.msk $0xffff, v14;
	v14 =	vmul.f32 v29, v3  }
0x8f: {  	v10 =	vor.u32 $0x180, v10;
	[tilespmem:v58+s13+$0x0] =	vst.idx.add.f32.msk $0xffff, v24  }
0x90: {  	v11 =	vor.u32 $0x180, v11;
	[tilespmem:v59+s13+$0x0] =	vst.idx.add.f32.msk $0xffff, v14;
	v14 =	vmul.f32 v17, v5  }
0x91: {  	v12 =	vor.u32 $0x180, v12;
	v16 =	vmul.f32 v16, v4;
	v17 =	vld.idx.msk [tilespmem:v9+s2+$0x0], $0xffff  }
0x92: {  	[tilespmem:v19+s13+$0x0] =	vst.idx.add.f32.msk $0xffff, v14;
	v19 =	vor.u32 $0x180, v13  }
0x93: {  	[tilespmem:v61+s13+$0x0] =	vst.idx.add.f32.msk $0xffff, v16  }
0x94: {  	v16 =	vld.idx.msk [tilespmem:v10+s2+$0x0], $0xffff  }
0x95: {  	v6 =	vor.u32 $0x180, v20;
	v8 =	vld.idx.msk [tilespmem:v11+s2+$0x0], $0xffff  }
0x96: {  	v7 =	vmul.f32 v62, v7;
	v9 =	vor.u32 $0x180, v18;
	v11 =	vor.u32 $0x180, v23;
	v12 =	vld.idx.msk [tilespmem:v12+s2+$0x0], $0xffff  }
0x97: {  	s19 =	simm.s32 $0x0;
	s20 =	simm.s32 $0x13D40;
	v10 =	vor.u32 $0x180, v30;
	v14 =	vor.u32 $0x180, v21;
	v13 =	vor.u32 $0x180, v15;
	v15 =	vld.idx.msk [tilespmem:v19+s2+$0x0], $0xffff  }
.LBB2_13:
0x98: {  	v18 =	vld [tilespmem:s20+$0x30];
	s19 =	sadd.s32 $0x8, s19;
	v1 =	vmul.f32 v17, v1  }
0x99: {  	v2 =	vmul.f32 v16, v2;
	v17 =	vld [tilespmem:s20+$0xFFFFFFD0];
	p0 =	slt.u32 s19, $0xC0  }
0x9a: {  	v3 =	vmul.f32 v8, v3;
	v16 =	vld [tilespmem:s20+$0xFFFFFFE0]  }
0x9b: {  	v4 =	vmul.f32 v12, v4;
	v19 =	vld [tilespmem:s20+$0xFFFFFFF0]  }
0x9c: {  	v12 =	vmul.f32 v15, v5;
	v20 =	vld [tilespmem:s20+$0x0]  }
0x9d: {  	v5 =	vld [tilespmem:s20+$0x10];
	v8 =	vshra.s32 v18, $0xE  }
0x9e: {  	v21 =	vshra.s32 v17, $0xE;
	v22 =	vshll.u32 v17, $0x2;
	v23 =	vld [tilespmem:s20+$0x20];
	v15 =	vshll.u32 v8, $0x2  }
0x9f: {  	v8 =	vand.u32 $0x7F, v8;
	v24 =	vld [tilespmem:s20+$0xFFFFFFC0];
	v25 =	vshra.s32 v16, $0xE;
	v15 =	vand.u32 $0xFFFFFE00, v15  }
0xa0: {  	v26 =	vshll.u32 v21, $0x2;
	v27 =	vshra.s32 v19, $0xE;
	v15 =	vor.u32 v8, v15;
	[tilespmem:v14+s13+$0x0] =	vst.idx.add.f32.msk $0xffff, v7  }
0xa1: {  	v7 =	vshll.u32 v25, $0x2;
	v8 =	vshll.u32 v27, $0x2;
	v14 =	vshra.s32 v20, $0xE;
	[tilespmem:v13+s13+$0x0] =	vst.idx.add.f32.msk $0xffff, v1  }
0xa2: {  	v13 =	vand.u32 $0xFFFFFE00, v26;
	v1 =	vshll.u32 v14, $0x2;
	v26 =	vshra.s32 v5, $0xE;
	[tilespmem:v11+s13+$0x0] =	vst.idx.add.f32.msk $0xffff, v2  }
0xa3: {  	v28 =	vand.u32 $0xFFFFFE00, v7;
	v2 =	vshll.u32 v26, $0x2;
	v29 =	vshra.s32 v23, $0xE;
	[tilespmem:v10+s13+$0x0] =	vst.idx.add.f32.msk $0xffff, v3  }
0xa4: {  	v30 =	vand.u32 $0xFFFFFE00, v8;
	v3 =	vshra.s32 v24, $0xE;
	v7 =	vshll.u32 v29, $0x2;
	[tilespmem:v9+s13+$0x0] =	vst.idx.add.f32.msk $0xffff, v4  }
0xa5: {  	s18 =	sadd.s32 $0x100, s18;
	v31 =	vand.u32 $0xFFFFFE00, v1;
	v32 =	vand.u32 $0xFFFFFE00, v2;
	v4 =	vshll.u32 v3, $0x2;
	v33 =	vld.idx.msk [tilespmem:v15+s2+$0x0], $0xffff  }
0xa6: {  	v1 =	vshll.u32 v18, $0x2;
	v34 =	vand.u32 $0xFFFFFE00, v7;
	v2 =	vand.u32 $0xFFFFFE00, v4;
	v9 =	vld [tilespmem:s18+$0x30]  }
0xa7: {  	v1 =	vand.u32 $0xFE00, v1;
	v3 =	vand.u32 $0x7F, v3;
	v4 =	vand.u32 $0x7F, v18;
	v8 =	vld [tilespmem:s18+$0xFFFFFFC0]  }
0xa8: {  	v18 =	vand.u32 $0x7F, v21;
	v21 =	vand.u32 $0x7F, v25;
	v10 =	vor.u32 v4, v1;
	v7 =	vld [tilespmem:s18+$0xFFFFFFD0]  }
0xa9: {  	v14 =	vand.u32 $0x7F, v14;
	v25 =	vor.u32 $0x80, v15;
	v4 =	vand.u32 $0x7F, v27;
	v1 =	vld [tilespmem:s18+$0xFFFFFFE0]  }
0xaa: {  	v26 =	vand.u32 $0x7F, v26;
	v11 =	vor.u32 v3, v2;
	v27 =	vand.u32 $0x7F, v29;
	v2 =	vld [tilespmem:s18+$0xFFFFFFF0]  }
0xab: {  	v18 =	vor.u32 v18, v13;
	v13 =	vor.u32 v21, v28;
	v3 =	vld [tilespmem:s18+$0x0];
	v21 =	vmul.f32 v33, v9  }
0xac: {  	v14 =	vor.u32 v14, v31;
	v26 =	vor.u32 v26, v32;
	v28 =	vor.u32 v4, v30;
	v4 =	vld [tilespmem:s18+$0x10]  }
0xad: {  	v29 =	vshll.u32 v24, $0x2;
	v30 =	vshll.u32 v16, $0x2;
	v27 =	vor.u32 v27, v34;
	[tilespmem:v10+s13+$0x0] =	vst.idx.add.f32.msk $0xffff, v21  }
0xae: {  	v31 =	vshll.u32 v20, $0x2;
	v32 =	vshll.u32 v5, $0x2;
	v21 =	vshll.u32 v19, $0x2;
	v25 =	vld.idx.msk [tilespmem:v25+s2+$0x0], $0xffff  }
0xaf: {  	v22 =	vand.u32 $0xFE00, v22;
	v29 =	vand.u32 $0xFE00, v29;
	v34 =	vshll.u32 v23, $0x2;
	v33 =	vld.idx.msk [tilespmem:v11+s2+$0x0], $0xffff  }
0xb0: {  	v31 =	vand.u32 $0xFE00, v31;
	v30 =	vand.u32 $0xFE00, v30;
	v21 =	vand.u32 $0xFE00, v21;
	v35 =	vld.idx.msk [tilespmem:v18+s2+$0x0], $0xffff  }
0xb1: {  	v32 =	vand.u32 $0xFE00, v32;
	v37 =	vor.u32 $0x80, v10;
	v34 =	vand.u32 $0xFE00, v34;
	v36 =	vld.idx.msk [tilespmem:v13+s2+$0x0], $0xffff  }
0xb2: {  	v17 =	vand.u32 $0x7F, v17;
	v39 =	vor.u32 $0x100, v15;
	v24 =	vand.u32 $0x7F, v24;
	v38 =	vld.idx.msk [tilespmem:v28+s2+$0x0], $0xffff  }
0xb3: {  	v20 =	vand.u32 $0x7F, v20;
	v16 =	vand.u32 $0x7F, v16;
	v19 =	vand.u32 $0x7F, v19;
	v40 =	vld.idx.msk [tilespmem:v14+s2+$0x0], $0xffff  }
0xb4: {  	v5 =	vand.u32 $0x7F, v5;
	v23 =	vand.u32 $0x7F, v23;
	v25 =	vmul.f32 v25, v9;
	v41 =	vld.idx.msk [tilespmem:v26+s2+$0x0], $0xffff  }
0xb5: {  	v17 =	vor.u32 v17, v22;
	v24 =	vor.u32 v24, v29;
	v33 =	vmul.f32 v33, v8;
	v22 =	vld.idx.msk [tilespmem:v27+s2+$0x0], $0xffff  }
0xb6: {  	v29 =	vor.u32 $0x80, v11;
	v16 =	vor.u32 v16, v30;
	v35 =	vmul.f32 v35, v7;
	[tilespmem:v37+s13+$0x0] =	vst.idx.add.f32.msk $0xffff, v25  }
0xb7: {  	v20 =	vor.u32 v20, v31;
	v19 =	vor.u32 v19, v21;
	v25 =	vmul.f32 v36, v1;
	v21 =	vld.idx.msk [tilespmem:v39+s2+$0x0], $0xffff  }
0xb8: {  	v31 =	vor.u32 v5, v32;
	v23 =	vor.u32 v23, v34;
	v30 =	vmul.f32 v38, v2;
	v5 =	vld [tilespmem:s18+$0x20]  }
0xb9: {  	v32 =	vor.u32 $0x80, v18;
	v34 =	vor.u32 $0x80, v13;
	v36 =	vmul.f32 v40, v3;
	[tilespmem:v6+s13+$0x0] =	vst.idx.add.f32.msk $0xffff, v12  }
0xba: {  	v6 =	vor.u32 $0x80, v28;
	v12 =	vmul.f32 v41, v4;
	[tilespmem:v24+s13+$0x0] =	vst.idx.add.f32.msk $0xffff, v33;
	v33 =	vor.u32 $0x100, v10  }
0xbb: {  	v15 =	vor.u32 $0x180, v15;
	v37 =	vor.u32 $0x80, v26;
	[tilespmem:v17+s13+$0x0] =	vst.idx.add.f32.msk $0xffff, v35;
	v35 =	vor.u32 $0x80, v14  }
0xbc: {  	v38 =	vor.u32 $0x80, v24;
	v39 =	vor.u32 $0x80, v17;
	[tilespmem:v16+s13+$0x0] =	vst.idx.add.f32.msk $0xffff, v25;
	v25 =	vor.u32 $0x80, v27  }
0xbd: {  	v40 =	vor.u32 $0x80, v16;
	v21 =	vmul.f32 v21, v9;
	[tilespmem:v19+s13+$0x0] =	vst.idx.add.f32.msk $0xffff, v30;
	v22 =	vmul.f32 v22, v5  }
0xbe: {  	v41 =	vor.u32 $0x80, v31;
	v30 =	vor.u32 $0x80, v19;
	[tilespmem:v20+s13+$0x0] =	vst.idx.add.f32.msk $0xffff, v36;
	v36 =	vor.u32 $0x80, v20  }
0xbf: {  	v42 =	vor.u32 $0x100, v11;
	v43 =	vor.u32 $0x100, v18;
	v44 =	vor.u32 $0x80, v23;
	[tilespmem:v33+s13+$0x0] =	vst.idx.add.f32.msk $0xffff, v21  }
0xc0: {  	v45 =	vor.u32 $0x100, v14;
	v21 =	vor.u32 $0x100, v13;
	v33 =	vor.u32 $0x100, v28;
	v15 =	vld.idx.msk [tilespmem:v15+s2+$0x0], $0xffff  }
0xc1: {  	v47 =	vor.u32 $0x100, v27;
	v46 =	vor.u32 $0x100, v24;
	[tilespmem:v31+s13+$0x0] =	vst.idx.add.f32.msk $0xffff, v12;
	v12 =	vor.u32 $0x100, v26  }
0xc2: {  	v48 =	vor.u32 $0x100, v17;
	v49 =	vor.u32 $0x100, v16;
	v50 =	vor.u32 $0x100, v19;
	[tilespmem:v23+s13+$0x0] =	vst.idx.add.f32.msk $0xffff, v22  }
0xc3: {  	v51 =	vor.u32 $0x100, v31;
	v52 =	vor.u32 $0x180, v10;
	v22 =	vld.idx.msk [tilespmem:v29+s2+$0x0], $0xffff;
	v29 =	vor.u32 $0x100, v20  }
0xc4: {  	v53 =	vor.u32 $0x180, v11;
	v54 =	vor.u32 $0x100, v23;
	v18 =	vor.u32 $0x180, v18;
	v32 =	vld.idx.msk [tilespmem:v32+s2+$0x0], $0xffff  }
0xc5: {  	v56 =	vor.u32 $0x180, v14;
	v55 =	vor.u32 $0x180, v13;
	v28 =	vor.u32 $0x180, v28;
	v34 =	vld.idx.msk [tilespmem:v34+s2+$0x0], $0xffff  }
0xc6: {  	v27 =	vor.u32 $0x180, v27;
	v26 =	vor.u32 $0x180, v26;
	v57 =	vld.idx.msk [tilespmem:v6+s2+$0x0], $0xffff;
	v6 =	vmul.f32 v15, v9  }
0xc7: {  	v24 =	vor.u32 $0x180, v24;
	v14 =	vor.u32 $0x180, v17;
	v13 =	vor.u32 $0x180, v16;
	v15 =	vld.idx.msk [tilespmem:v35+s2+$0x0], $0xffff  }
0xc8: {  	v11 =	vor.u32 $0x180, v19;
	v10 =	vor.u32 $0x180, v20;
	v9 =	vor.u32 $0x180, v31;
	[tilespmem:v52+s13+$0x0] =	vst.idx.add.f32.msk $0xffff, v6  }
0xc9: {  	v16 =	vmul.f32 v22, v8;
	v6 =	vor.u32 $0x180, v23;
	v17 =	vld.idx.msk [tilespmem:v37+s2+$0x0], $0xffff  }
0xca: {  	v19 =	vmul.f32 v32, v7;
	v20 =	vld.idx.msk [tilespmem:v25+s2+$0x0], $0xffff  }
0xcb: {  	[tilespmem:v38+s13+$0x0] =	vst.idx.add.f32.msk $0xffff, v16;
	v16 =	vmul.f32 v34, v1  }
0xcc: {  	[tilespmem:v39+s13+$0x0] =	vst.idx.add.f32.msk $0xffff, v19;
	v19 =	vmul.f32 v57, v2  }
0xcd: {  	v15 =	vmul.f32 v15, v3;
	[tilespmem:v40+s13+$0x0] =	vst.idx.add.f32.msk $0xffff, v16  }
0xce: {  	[tilespmem:v30+s13+$0x0] =	vst.idx.add.f32.msk $0xffff, v19  }
0xcf: {  	[tilespmem:v36+s13+$0x0] =	vst.idx.add.f32.msk $0xffff, v15;
	v15 =	vmul.f32 v17, v4  }
0xd0: {  	v17 =	vmul.f32 v20, v5;
	v16 =	vld.idx.msk [tilespmem:v42+s2+$0x0], $0xffff  }
0xd1: {  	[tilespmem:v41+s13+$0x0] =	vst.idx.add.f32.msk $0xffff, v15  }
0xd2: {  	[tilespmem:v44+s13+$0x0] =	vst.idx.add.f32.msk $0xffff, v17  }
0xd3: {  	v15 =	vld.idx.msk [tilespmem:v43+s2+$0x0], $0xffff  }
0xd4: {  	v17 =	vld.idx.msk [tilespmem:v21+s2+$0x0], $0xffff  }
0xd5: {  	v19 =	vld.idx.msk [tilespmem:v33+s2+$0x0], $0xffff  }
0xd6: {  	v16 =	vmul.f32 v16, v8;
	v20 =	vld.idx.msk [tilespmem:v45+s2+$0x0], $0xffff  }
0xd7: {  	v12 =	vld.idx.msk [tilespmem:v12+s2+$0x0], $0xffff  }
0xd8: {  	v21 =	vld.idx.msk [tilespmem:v47+s2+$0x0], $0xffff  }
0xd9: {  	v15 =	vmul.f32 v15, v7;
	[tilespmem:v46+s13+$0x0] =	vst.idx.add.f32.msk $0xffff, v16  }
0xda: {  	v17 =	vmul.f32 v17, v1;
	v16 =	vld.idx.msk [tilespmem:v53+s2+$0x0], $0xffff  }
0xdb: {  	[tilespmem:v48+s13+$0x0] =	vst.idx.add.f32.msk $0xffff, v15;
	v15 =	vmul.f32 v19, v2  }
0xdc: {  	[tilespmem:v49+s13+$0x0] =	vst.idx.add.f32.msk $0xffff, v17;
	v17 =	vmul.f32 v20, v3  }
0xdd: {  	v12 =	vmul.f32 v12, v4;
	[tilespmem:v50+s13+$0x0] =	vst.idx.add.f32.msk $0xffff, v15  }
0xde: {  	v15 =	vmul.f32 v21, v5;
	[tilespmem:v29+s13+$0x0] =	vst.idx.add.f32.msk $0xffff, v17  }
0xdf: {  	[tilespmem:v51+s13+$0x0] =	vst.idx.add.f32.msk $0xffff, v12  }
0xe0: {  	v19 =	vmul.f32 v16, v8;
	[tilespmem:v54+s13+$0x0] =	vst.idx.add.f32.msk $0xffff, v15  }
0xe1: {  	v18 =	vld.idx.msk [tilespmem:v18+s2+$0x0], $0xffff  }
0xe2: {  	v17 =	vld.idx.msk [tilespmem:v55+s2+$0x0], $0xffff  }
.Ltmp7:
0xe3: {  	v16 =	vld.idx.msk [tilespmem:v28+s2+$0x0], $0xffff;
	(pc) =	sbr.rel @p0 .LBB2_13-.Ltmp7, $4  }
0xe4: {  	v8 =	vld.idx.msk [tilespmem:v56+s2+$0x0], $0xffff  }
0xe5: {  	v12 =	vld.idx.msk [tilespmem:v26+s2+$0x0], $0xffff  }
0xe6: {  	v15 =	vld.idx.msk [tilespmem:v27+s2+$0x0], $0xffff  }
0xe7: {  	s20 =	sadd.s32 $0x100, s20;
	v7 =	vmul.f32 v18, v7;
	[tilespmem:v24+s13+$0x0] =	vst.idx.add.f32.msk $0xffff, v19  }
0xe8: {  	_ =	sdelay $0x2  }
0xe9: {  	v1 =	vmul.f32 v17, v1  }
0xea: {  	v2 =	vmul.f32 v16, v2;
	p0 =	seq.s32 s17, $0x31;
	[tilespmem:v14+s13+$0x0] =	vst.idx.add.f32.msk $0xffff, v7  }
.Ltmp8:
0xeb: {  	v3 =	vmul.f32 v8, v3;
	[tilespmem:v13+s13+$0x0] =	vst.idx.add.f32.msk $0xffff, v1;
	(pc) =	sbr.rel @p0 .LBB2_20-.Ltmp8, $4  }
0xec: {  	v1 =	vmul.f32 v12, v4;
	[tilespmem:v11+s13+$0x0] =	vst.idx.add.f32.msk $0xffff, v2  }
0xed: {  	v2 =	vmul.f32 v15, v5;
	[tilespmem:v10+s13+$0x0] =	vst.idx.add.f32.msk $0xffff, v3  }
0xee: {  	[tilespmem:v9+s13+$0x0] =	vst.idx.add.f32.msk $0xffff, v1  }
0xef: {  	[tilespmem:v6+s13+$0x0] =	vst.idx.add.f32.msk $0xffff, v2  }
0xf0: {  	s18 =	smul.u32 $0x1900, s17;
	_ =	sdelay $0x1  }
0xf1: {  	s18 =	sshrl.u32 s18, $0x3  }
0xf2: {  	s18 =	sadd.s32 $0x320, s18  }
0xf3: {  	s20 =	simm.s32 $0x13C00;
	s19 =	sadd.s32 s3, s18  }
0xf4: {  	s21 =	simm.s32 $0x10;
	s22 =	simm.s32 $0x13D00;
	s23 =	sadd.s32 $0x0, s19  }
.LBB2_16:
0xf5: {  	[tilespmem:s20], [sflag:$0x1] =	stream.linear.gather [hbm4b:s23+s2], $0x80, $0x38;
	[tilespmem:$0x16E00] =	vst v63  }
0xf6: {  	s23 =	smov.u32 s21;
	s20 =	smov.u32 s22;
	p1 =	sne.s32 s21, $0x180  }
.Ltmp9:
0xf7: {  	s21 =	sadd.s32 $0x10, s21;
	(pc) =	sbr.rel @p1 .LBB2_16-.Ltmp9, $2  }
0xf8: {  	_ =	sdelay $0x2  }
0xf9: {  	s22 =	sadd.s32 $0x100, s22;
	s23 =	sadd.s32 s23, s19  }
0xfa: {  	[tilespmem:s20], [sflag:$0x1] =	stream.linear.gather [hbm4b:s23+s2], $0x80, $0x38;
	[tilespmem:$0x16E00] =	vst v63  }
0xfb: {  	s18 =	sadd.s32 s4, s18;
	s19 =	simm.s32 $0x15500  }
0xfc: {  	s20 =	simm.s32 $0x10;
	s21 =	simm.s32 $0x15600;
	s22 =	sadd.s32 $0x0, s18  }
.LBB2_18:
0xfd: {  	[tilespmem:s19], [sflag:$0x3] =	stream.linear.gather [hbm4b:s22+s2], $0x80, $0x38;
	[tilespmem:$0x16E00] =	vst v63  }
0xfe: {  	s22 =	smov.u32 s20;
	s19 =	smov.u32 s21;
	p1 =	sne.s32 s20, $0x180  }
.Ltmp10:
0xff: {  	s20 =	sadd.s32 $0x10, s20;
	(pc) =	sbr.rel @p1 .LBB2_18-.Ltmp10, $2  }
0x100: {  	_ =	sdelay $0x2  }
0x101: {  	s21 =	sadd.s32 $0x100, s21;
	s22 =	sadd.s32 s22, s18  }
0x102: {  	[tilespmem:s19], [sflag:$0x3] =	stream.linear.gather [hbm4b:s22+s2], $0x80, $0x38;
	[tilespmem:$0x16E00] =	vst v63  }
.LBB2_20:
0x103: {  	_ =	swait.ge [sflag:s14], $0xC80  }
0x104: {  	[sflag:s14] =	ssyncset.done $0x0  }
0x105: {  	[sflag:s14] =	ssyncadd.s32 $0xFFFFF380  }
0x106: {  	_ =	swait.ge [sflag:s15], $0xC80  }
0x107: {  	[sflag:s15] =	ssyncset.done $0x0  }
0x108: {  	s18 =	simm.s32 $0x13CF0;
	[sflag:s15] =	ssyncadd.s32 $0xFFFFF380  }
0x109: {  	v1 =	vld [tilespmem:s18+$0x0]  }
0x10a: {  	v5 =	vld [tilespmem:s18+$0xFFFFFFA0]  }
0x10b: {  	v16 =	vld [tilespmem:s18+$0xFFFFFFC0]  }
0x10c: {  	v17 =	vld [tilespmem:s18+$0xFFFFFFD0]  }
0x10d: {  	v18 =	vld [tilespmem:s18+$0xFFFFFFE0]  }
0x10e: {  	v20 =	vld [tilespmem:s18+$0xFFFFFFF0]  }
0x10f: {  	v22 =	vld [tilespmem:s18+$0xFFFFFF90]  }
0x110: {  	v15 =	vld [tilespmem:s18+$0xFFFFFFB0];
	_ =	sdelay $0x1  }
0x111: {  	v2 =	vshra.s32 v1, $0xE;
	v21 =	vshll.u32 v5, $0x2;
	v9 =	vshra.s32 v16, $0xE  }
0x112: {  	v10 =	vshra.s32 v17, $0xE;
	v12 =	vshra.s32 v18, $0xE;
	v25 =	vshra.s32 v20, $0xE  }
0x113: {  	v8 =	vshll.u32 v1, $0x2;
	v14 =	vshra.s32 v22, $0xE;
	v1 =	vand.u32 $0x7F, v1  }
0x114: {  	v53 =	vshll.u32 v15, $0x2;
	v56 =	vshll.u32 v17, $0x2;
	v17 =	vand.u32 $0x7F, v17  }
0x115: {  	v3 =	vshll.u32 v2, $0x2;
	v2 =	vand.u32 $0x7F, v2;
	v7 =	vshll.u32 v9, $0x2  }
0x116: {  	v11 =	vshll.u32 v10, $0x2;
	v8 =	vand.u32 $0xFE00, v8;
	v28 =	vshll.u32 v14, $0x2  }
0x117: {  	v14 =	vand.u32 $0x7F, v14;
	v30 =	vshll.u32 v25, $0x2;
	v47 =	vand.u32 $0x7F, v9  }
0x118: {  	v48 =	vand.u32 $0x7F, v10;
	v21 =	vand.u32 $0xFE00, v21;
	v3 =	vand.u32 $0xFFFFFE00, v3  }
0x119: {  	s18 =	simm.s32 $0x155F0;
	v27 =	vand.u32 $0xFFFFFE00, v7;
	v29 =	vor.u32 v1, v8;
	v8 =	vand.u32 $0xFFFFFE00, v28  }
0x11a: {  	v26 =	vld [tilespmem:s18+$0x0];
	v11 =	vand.u32 $0xFFFFFE00, v11;
	v49 =	vand.u32 $0xFFFFFE00, v30;
	v30 =	vand.u32 $0xFE00, v53  }
0x11b: {  	v7 =	vld [tilespmem:s18+$0xFFFFFFA0];
	v19 =	vor.u32 v2, v3;
	v2 =	vshra.s32 v5, $0xE;
	v3 =	vshra.s32 v15, $0xE  }
0x11c: {  	v1 =	vld [tilespmem:s18+$0xFFFFFFB0];
	v14 =	vor.u32 v14, v8;
	v10 =	vor.u32 v47, v27;
	v11 =	vor.u32 v48, v11  }
0x11d: {  	v5 =	vand.u32 $0x7F, v5;
	v4 =	vshll.u32 v2, $0x2;
	v31 =	vand.u32 $0x7F, v2;
	v2 =	vld [tilespmem:s18+$0xFFFFFFC0]  }
0x11e: {  	v15 =	vand.u32 $0x7F, v15;
	v6 =	vshll.u32 v3, $0x2;
	v32 =	vand.u32 $0x7F, v3;
	v3 =	vld [tilespmem:s18+$0xFFFFFFD0]  }
0x11f: {  	v21 =	vor.u32 v5, v21;
	v5 =	vand.u32 $0xFE00, v56;
	v13 =	vand.u32 $0xFFFFFE00, v6;
	v6 =	vld [tilespmem:s18+$0xFFFFFF90]  }
0x120: {  	v15 =	vor.u32 v15, v30;
	v4 =	vand.u32 $0xFFFFFE00, v4;
	v30 =	vor.u32 v17, v5;
	v5 =	vld [tilespmem:s18+$0xFFFFFFF0]  }
0x121: {  	v24 =	vshll.u32 v12, $0x2;
	v8 =	vor.u32 v31, v4;
	v4 =	vld [tilespmem:s18+$0xFFFFFFE0]  }
0x122: {  	v12 =	vand.u32 $0x7F, v12;
	v9 =	vor.u32 v32, v13;
	v13 =	vand.u32 $0xFFFFFE00, v24;
	v23 =	vld.idx.msk [tilespmem:v19+s2+$0x0], $0xffff  }
0x123: {  	v12 =	vor.u32 v12, v13;
	v52 =	vld.idx.msk [tilespmem:v14+s2+$0x0], $0xffff  }
0x124: {  	v35 =	vld.idx.msk [tilespmem:v10+s2+$0x0], $0xffff  }
0x125: {  	v51 =	vshll.u32 v22, $0x2;
	v25 =	vand.u32 $0x7F, v25;
	v46 =	vor.u32 $0x80, v19;
	v38 =	vld.idx.msk [tilespmem:v11+s2+$0x0], $0xffff  }
0x126: {  	v22 =	vand.u32 $0x7F, v22;
	v27 =	vand.u32 $0xFE00, v51;
	v13 =	vor.u32 v25, v49;
	v55 =	vld.idx.msk [tilespmem:v8+s2+$0x0], $0xffff  }
0x127: {  	v37 =	vshll.u32 v20, $0x2;
	v22 =	vor.u32 v22, v27;
	v33 =	vld.idx.msk [tilespmem:v9+s2+$0x0], $0xffff;
	v23 =	vmul.f32 v23, v26  }
0x128: {  	v20 =	vand.u32 $0x7F, v20;
	v17 =	vand.u32 $0xFE00, v37;
	v39 =	vld.idx.msk [tilespmem:v12+s2+$0x0], $0xffff  }
0x129: {  	v20 =	vor.u32 v20, v17;
	v17 =	vor.u32 $0x80, v14;
	[tilespmem:v29+s13+$0x0] =	vst.idx.add.f32.msk $0xffff, v23  }
0x12a: {  	v37 =	vor.u32 $0x80, v11;
	v59 =	vmul.f32 v52, v6;
	v50 =	vld.idx.msk [tilespmem:v46+s2+$0x0], $0xffff  }
0x12b: {  	v58 =	vld.idx.msk [tilespmem:v13+s2+$0x0], $0xffff;
	v28 =	vmul.f32 v38, v3  }
0x12c: {  	v34 =	vor.u32 $0x80, v29;
	[tilespmem:v22+s13+$0x0] =	vst.idx.add.f32.msk $0xffff, v59  }
0x12d: {  	v36 =	vor.u32 $0x100, v19;
	[tilespmem:v30+s13+$0x0] =	vst.idx.add.f32.msk $0xffff, v28  }
0x12e: {  	v25 =	vmul.f32 v55, v7;
	v17 =	vld.idx.msk [tilespmem:v17+s2+$0x0], $0xffff  }
0x12f: {  	v54 =	vshll.u32 v16, $0x2;
	v28 =	vld.idx.msk [tilespmem:v37+s2+$0x0], $0xffff;
	v24 =	vmul.f32 v50, v26  }
0x130: {  	v16 =	vand.u32 $0x7F, v16;
	v40 =	vor.u32 $0x80, v13;
	v23 =	vand.u32 $0xFE00, v54;
	[tilespmem:v21+s13+$0x0] =	vst.idx.add.f32.msk $0xffff, v25  }
0x131: {  	v23 =	vor.u32 v16, v23;
	v61 =	vmul.f32 v33, v1;
	[tilespmem:v34+s13+$0x0] =	vst.idx.add.f32.msk $0xffff, v24  }
0x132: {  	v63 =	vmul.f32 v35, v2;
	v33 =	vor.u32 $0x80, v8;
	v35 =	vmul.f32 v58, v5;
	v16 =	vld.idx.msk [tilespmem:v36+s2+$0x0], $0xffff  }
0x133: {  	v41 =	vor.u32 $0x80, v22;
	[tilespmem:v15+s13+$0x0] =	vst.idx.add.f32.msk $0xffff, v61  }
0x134: {  	v62 =	vor.u32 $0x100, v29;
	[tilespmem:v20+s13+$0x0] =	vst.idx.add.f32.msk $0xffff, v35  }
0x135: {  	v57 =	vshll.u32 v18, $0x2;
	v18 =	vand.u32 $0x7F, v18;
	v19 =	vor.u32 $0x180, v19;
	v31 =	vld.idx.msk [tilespmem:v40+s2+$0x0], $0xffff  }
0x136: {  	v60 =	vand.u32 $0xFE00, v57;
	v46 =	vor.u32 $0x100, v14;
	[tilespmem:v23+s13+$0x0] =	vst.idx.add.f32.msk $0xffff, v63;
	v17 =	vmul.f32 v17, v6  }
0x137: {  	v18 =	vor.u32 v18, v60;
	v25 =	vld.idx.msk [tilespmem:v33+s2+$0x0], $0xffff;
	v16 =	vmul.f32 v16, v26  }
0x138: {  	v48 =	vor.u32 $0x80, v20;
	[tilespmem:v41+s13+$0x0] =	vst.idx.add.f32.msk $0xffff, v17  }
0x139: {  	[tilespmem:v62+s13+$0x0] =	vst.idx.add.f32.msk $0xffff, v16;
	v16 =	vor.u32 $0x80, v9  }
0x13a: {  	v34 =	vmul.f32 v39, v4;
	v36 =	vor.u32 $0x80, v10;
	v19 =	vld.idx.msk [tilespmem:v19+s2+$0x0], $0xffff  }
0x13b: {  	v42 =	vor.u32 $0x80, v21;
	v51 =	vld.idx.msk [tilespmem:v46+s2+$0x0], $0xffff;
	v52 =	vmul.f32 v31, v5  }
0x13c: {  	v38 =	vor.u32 $0x180, v29;
	[tilespmem:v18+s13+$0x0] =	vst.idx.add.f32.msk $0xffff, v34  }
0x13d: {  	v49 =	vor.u32 $0x100, v8;
	[tilespmem:v48+s13+$0x0] =	vst.idx.add.f32.msk $0xffff, v52  }
0x13e: {  	v39 =	vor.u32 $0x80, v12;
	v25 =	vmul.f32 v25, v7;
	v16 =	vld.idx.msk [tilespmem:v16+s2+$0x0], $0xffff  }
0x13f: {  	v55 =	vor.u32 $0x100, v22;
	v27 =	vld.idx.msk [tilespmem:v36+s2+$0x0], $0xffff;
	v19 =	vmul.f32 v19, v26  }
0x140: {  	v43 =	vor.u32 $0x80, v15;
	[tilespmem:v42+s13+$0x0] =	vst.idx.add.f32.msk $0xffff, v25  }
0x141: {  	[tilespmem:v38+s13+$0x0] =	vst.idx.add.f32.msk $0xffff, v19;
	v19 =	vor.u32 $0x80, v23  }
0x142: {  	v14 =	vor.u32 $0x180, v14;
	v54 =	vld.idx.msk [tilespmem:v49+s2+$0x0], $0xffff;
	v25 =	vmul.f32 v51, v6  }
0x143: {  	v45 =	vor.u32 $0x80, v30;
	v44 =	vld.idx.msk [tilespmem:v39+s2+$0x0], $0xffff;
	v16 =	vmul.f32 v16, v1  }
0x144: {  	v56 =	vor.u32 $0x100, v21;
	[tilespmem:v55+s13+$0x0] =	vst.idx.add.f32.msk $0xffff, v25;
	v47 =	vmul.f32 v27, v2  }
0x145: {  	v17 =	vor.u32 $0x80, v18;
	[tilespmem:v43+s13+$0x0] =	vst.idx.add.f32.msk $0xffff, v16  }
0x146: {  	v16 =	vmul.f32 v28, v3;
	[tilespmem:v19+s13+$0x0] =	vst.idx.add.f32.msk $0xffff, v47;
	v19 =	vor.u32 $0x100, v9  }
0x147: {  	v50 =	vor.u32 $0x100, v10;
	v60 =	vmul.f32 v54, v7;
	v27 =	vld.idx.msk [tilespmem:v14+s2+$0x0], $0xffff  }
0x148: {  	v53 =	vor.u32 $0x100, v11;
	[tilespmem:v45+s13+$0x0] =	vst.idx.add.f32.msk $0xffff, v16;
	v16 =	vmul.f32 v44, v4  }
0x149: {  	v8 =	vor.u32 $0x180, v8;
	[tilespmem:v56+s13+$0x0] =	vst.idx.add.f32.msk $0xffff, v60  }
0x14a: {  	[tilespmem:v17+s13+$0x0] =	vst.idx.add.f32.msk $0xffff, v16;
	v17 =	vor.u32 $0x100, v13  }
0x14b: {  	v16 =	vor.u32 $0x100, v12;
	v19 =	vld.idx.msk [tilespmem:v19+s2+$0x0], $0xffff  }
0x14c: {  	v22 =	vor.u32 $0x180, v22;
	v24 =	vld.idx.msk [tilespmem:v50+s2+$0x0], $0xffff  }
0x14d: {  	v57 =	vor.u32 $0x100, v15;
	v29 =	vld.idx.msk [tilespmem:v53+s2+$0x0], $0xffff  }
0x14e: {  	v58 =	vor.u32 $0x100, v23;
	v62 =	vld.idx.msk [tilespmem:v8+s2+$0x0], $0xffff  }
0x14f: {  	v59 =	vor.u32 $0x100, v30;
	v63 =	vmul.f32 v27, v6;
	v17 =	vld.idx.msk [tilespmem:v17+s2+$0x0], $0xffff  }
0x150: {  	v9 =	vor.u32 $0x180, v9;
	v16 =	vld.idx.msk [tilespmem:v16+s2+$0x0], $0xffff;
	v14 =	vmul.f32 v19, v1  }
0x151: {  	[tilespmem:v22+s13+$0x0] =	vst.idx.add.f32.msk $0xffff, v63;
	v24 =	vmul.f32 v24, v2;
	v19 =	vor.u32 $0x100, v20  }
0x152: {  	v61 =	vor.u32 $0x100, v18;
	[tilespmem:v57+s13+$0x0] =	vst.idx.add.f32.msk $0xffff, v14;
	v14 =	vmul.f32 v29, v3  }
0x153: {  	v10 =	vor.u32 $0x180, v10;
	[tilespmem:v58+s13+$0x0] =	vst.idx.add.f32.msk $0xffff, v24  }
0x154: {  	v11 =	vor.u32 $0x180, v11;
	[tilespmem:v59+s13+$0x0] =	vst.idx.add.f32.msk $0xffff, v14;
	v14 =	vmul.f32 v17, v5  }
0x155: {  	v12 =	vor.u32 $0x180, v12;
	v16 =	vmul.f32 v16, v4;
	v17 =	vld.idx.msk [tilespmem:v9+s2+$0x0], $0xffff  }
0x156: {  	[tilespmem:v19+s13+$0x0] =	vst.idx.add.f32.msk $0xffff, v14;
	v19 =	vor.u32 $0x180, v13  }
0x157: {  	[tilespmem:v61+s13+$0x0] =	vst.idx.add.f32.msk $0xffff, v16  }
0x158: {  	v16 =	vld.idx.msk [tilespmem:v10+s2+$0x0], $0xffff  }
0x159: {  	v6 =	vor.u32 $0x180, v20;
	v8 =	vld.idx.msk [tilespmem:v11+s2+$0x0], $0xffff  }
0x15a: {  	v7 =	vmul.f32 v62, v7;
	v9 =	vor.u32 $0x180, v18;
	v11 =	vor.u32 $0x180, v23;
	v12 =	vld.idx.msk [tilespmem:v12+s2+$0x0], $0xffff  }
0x15b: {  	s19 =	simm.s32 $0x0;
	s20 =	simm.s32 $0x13DF0;
	v10 =	vor.u32 $0x180, v30;
	v14 =	vor.u32 $0x180, v21;
	v13 =	vor.u32 $0x180, v15;
	v15 =	vld.idx.msk [tilespmem:v19+s2+$0x0], $0xffff  }
.LBB2_21:
0x15c: {  	v18 =	vld [tilespmem:s20+$0x0];
	s19 =	sadd.s32 $0x8, s19;
	v1 =	vmul.f32 v17, v1  }
0x15d: {  	v2 =	vmul.f32 v16, v2;
	v17 =	vld [tilespmem:s20+$0xFFFFFFA0];
	p1 =	slt.u32 s19, $0xC0  }
0x15e: {  	v3 =	vmul.f32 v8, v3;
	v16 =	vld [tilespmem:s20+$0xFFFFFFB0]  }
0x15f: {  	v4 =	vmul.f32 v12, v4;
	v19 =	vld [tilespmem:s20+$0xFFFFFFC0]  }
0x160: {  	v12 =	vmul.f32 v15, v5;
	v20 =	vld [tilespmem:s20+$0xFFFFFFD0]  }
0x161: {  	v5 =	vld [tilespmem:s20+$0xFFFFFFE0];
	v8 =	vshra.s32 v18, $0xE  }
0x162: {  	v21 =	vshra.s32 v17, $0xE;
	v22 =	vshll.u32 v17, $0x2;
	v23 =	vld [tilespmem:s20+$0xFFFFFFF0];
	v15 =	vshll.u32 v8, $0x2  }
0x163: {  	v8 =	vand.u32 $0x7F, v8;
	v24 =	vld [tilespmem:s20+$0xFFFFFF90];
	v25 =	vshra.s32 v16, $0xE;
	v15 =	vand.u32 $0xFFFFFE00, v15  }
0x164: {  	v26 =	vshll.u32 v21, $0x2;
	v27 =	vshra.s32 v19, $0xE;
	v15 =	vor.u32 v8, v15;
	[tilespmem:v14+s13+$0x0] =	vst.idx.add.f32.msk $0xffff, v7  }
0x165: {  	v7 =	vshll.u32 v25, $0x2;
	v8 =	vshll.u32 v27, $0x2;
	v14 =	vshra.s32 v20, $0xE;
	[tilespmem:v13+s13+$0x0] =	vst.idx.add.f32.msk $0xffff, v1  }
0x166: {  	v13 =	vand.u32 $0xFFFFFE00, v26;
	v1 =	vshll.u32 v14, $0x2;
	v26 =	vshra.s32 v5, $0xE;
	[tilespmem:v11+s13+$0x0] =	vst.idx.add.f32.msk $0xffff, v2  }
0x167: {  	v28 =	vand.u32 $0xFFFFFE00, v7;
	v2 =	vshll.u32 v26, $0x2;
	v29 =	vshra.s32 v23, $0xE;
	[tilespmem:v10+s13+$0x0] =	vst.idx.add.f32.msk $0xffff, v3  }
0x168: {  	v30 =	vand.u32 $0xFFFFFE00, v8;
	v3 =	vshra.s32 v24, $0xE;
	v7 =	vshll.u32 v29, $0x2;
	[tilespmem:v9+s13+$0x0] =	vst.idx.add.f32.msk $0xffff, v4  }
0x169: {  	s18 =	sadd.s32 $0x100, s18;
	v31 =	vand.u32 $0xFFFFFE00, v1;
	v32 =	vand.u32 $0xFFFFFE00, v2;
	v4 =	vshll.u32 v3, $0x2;
	v33 =	vld.idx.msk [tilespmem:v15+s2+$0x0], $0xffff  }
0x16a: {  	v1 =	vshll.u32 v18, $0x2;
	v34 =	vand.u32 $0xFFFFFE00, v7;
	v2 =	vand.u32 $0xFFFFFE00, v4;
	v9 =	vld [tilespmem:s18+$0x0]  }
0x16b: {  	v1 =	vand.u32 $0xFE00, v1;
	v3 =	vand.u32 $0x7F, v3;
	v4 =	vand.u32 $0x7F, v18;
	v8 =	vld [tilespmem:s18+$0xFFFFFF90]  }
0x16c: {  	v18 =	vand.u32 $0x7F, v21;
	v21 =	vand.u32 $0x7F, v25;
	v10 =	vor.u32 v4, v1;
	v7 =	vld [tilespmem:s18+$0xFFFFFFA0]  }
0x16d: {  	v14 =	vand.u32 $0x7F, v14;
	v25 =	vor.u32 $0x80, v15;
	v4 =	vand.u32 $0x7F, v27;
	v1 =	vld [tilespmem:s18+$0xFFFFFFB0]  }
0x16e: {  	v26 =	vand.u32 $0x7F, v26;
	v11 =	vor.u32 v3, v2;
	v27 =	vand.u32 $0x7F, v29;
	v2 =	vld [tilespmem:s18+$0xFFFFFFC0]  }
0x16f: {  	v18 =	vor.u32 v18, v13;
	v13 =	vor.u32 v21, v28;
	v3 =	vld [tilespmem:s18+$0xFFFFFFD0];
	v21 =	vmul.f32 v33, v9  }
0x170: {  	v14 =	vor.u32 v14, v31;
	v26 =	vor.u32 v26, v32;
	v28 =	vor.u32 v4, v30;
	v4 =	vld [tilespmem:s18+$0xFFFFFFE0]  }
0x171: {  	v29 =	vshll.u32 v24, $0x2;
	v30 =	vshll.u32 v16, $0x2;
	v27 =	vor.u32 v27, v34;
	[tilespmem:v10+s13+$0x0] =	vst.idx.add.f32.msk $0xffff, v21  }
0x172: {  	v31 =	vshll.u32 v20, $0x2;
	v32 =	vshll.u32 v5, $0x2;
	v21 =	vshll.u32 v19, $0x2;
	v25 =	vld.idx.msk [tilespmem:v25+s2+$0x0], $0xffff  }
0x173: {  	v22 =	vand.u32 $0xFE00, v22;
	v29 =	vand.u32 $0xFE00, v29;
	v34 =	vshll.u32 v23, $0x2;
	v33 =	vld.idx.msk [tilespmem:v11+s2+$0x0], $0xffff  }
0x174: {  	v31 =	vand.u32 $0xFE00, v31;
	v30 =	vand.u32 $0xFE00, v30;
	v21 =	vand.u32 $0xFE00, v21;
	v35 =	vld.idx.msk [tilespmem:v18+s2+$0x0], $0xffff  }
0x175: {  	v32 =	vand.u32 $0xFE00, v32;
	v37 =	vor.u32 $0x80, v10;
	v34 =	vand.u32 $0xFE00, v34;
	v36 =	vld.idx.msk [tilespmem:v13+s2+$0x0], $0xffff  }
0x176: {  	v17 =	vand.u32 $0x7F, v17;
	v39 =	vor.u32 $0x100, v15;
	v24 =	vand.u32 $0x7F, v24;
	v38 =	vld.idx.msk [tilespmem:v28+s2+$0x0], $0xffff  }
0x177: {  	v20 =	vand.u32 $0x7F, v20;
	v16 =	vand.u32 $0x7F, v16;
	v19 =	vand.u32 $0x7F, v19;
	v40 =	vld.idx.msk [tilespmem:v14+s2+$0x0], $0xffff  }
0x178: {  	v5 =	vand.u32 $0x7F, v5;
	v23 =	vand.u32 $0x7F, v23;
	v25 =	vmul.f32 v25, v9;
	v41 =	vld.idx.msk [tilespmem:v26+s2+$0x0], $0xffff  }
0x179: {  	v17 =	vor.u32 v17, v22;
	v24 =	vor.u32 v24, v29;
	v33 =	vmul.f32 v33, v8;
	v22 =	vld.idx.msk [tilespmem:v27+s2+$0x0], $0xffff  }
0x17a: {  	v29 =	vor.u32 $0x80, v11;
	v16 =	vor.u32 v16, v30;
	v35 =	vmul.f32 v35, v7;
	[tilespmem:v37+s13+$0x0] =	vst.idx.add.f32.msk $0xffff, v25  }
0x17b: {  	v20 =	vor.u32 v20, v31;
	v19 =	vor.u32 v19, v21;
	v25 =	vmul.f32 v36, v1;
	v21 =	vld.idx.msk [tilespmem:v39+s2+$0x0], $0xffff  }
0x17c: {  	v31 =	vor.u32 v5, v32;
	v23 =	vor.u32 v23, v34;
	v30 =	vmul.f32 v38, v2;
	v5 =	vld [tilespmem:s18+$0xFFFFFFF0]  }
0x17d: {  	v32 =	vor.u32 $0x80, v18;
	v34 =	vor.u32 $0x80, v13;
	v36 =	vmul.f32 v40, v3;
	[tilespmem:v6+s13+$0x0] =	vst.idx.add.f32.msk $0xffff, v12  }
0x17e: {  	v6 =	vor.u32 $0x80, v28;
	v12 =	vmul.f32 v41, v4;
	[tilespmem:v24+s13+$0x0] =	vst.idx.add.f32.msk $0xffff, v33;
	v33 =	vor.u32 $0x100, v10  }
0x17f: {  	v15 =	vor.u32 $0x180, v15;
	v37 =	vor.u32 $0x80, v26;
	[tilespmem:v17+s13+$0x0] =	vst.idx.add.f32.msk $0xffff, v35;
	v35 =	vor.u32 $0x80, v14  }
0x180: {  	v38 =	vor.u32 $0x80, v24;
	v39 =	vor.u32 $0x80, v17;
	[tilespmem:v16+s13+$0x0] =	vst.idx.add.f32.msk $0xffff, v25;
	v25 =	vor.u32 $0x80, v27  }
0x181: {  	v40 =	vor.u32 $0x80, v16;
	v21 =	vmul.f32 v21, v9;
	[tilespmem:v19+s13+$0x0] =	vst.idx.add.f32.msk $0xffff, v30;
	v22 =	vmul.f32 v22, v5  }
0x182: {  	v41 =	vor.u32 $0x80, v31;
	v30 =	vor.u32 $0x80, v19;
	[tilespmem:v20+s13+$0x0] =	vst.idx.add.f32.msk $0xffff, v36;
	v36 =	vor.u32 $0x80, v20  }
0x183: {  	v42 =	vor.u32 $0x100, v11;
	v43 =	vor.u32 $0x100, v18;
	v44 =	vor.u32 $0x80, v23;
	[tilespmem:v33+s13+$0x0] =	vst.idx.add.f32.msk $0xffff, v21  }
0x184: {  	v45 =	vor.u32 $0x100, v14;
	v21 =	vor.u32 $0x100, v13;
	v33 =	vor.u32 $0x100, v28;
	v15 =	vld.idx.msk [tilespmem:v15+s2+$0x0], $0xffff  }
0x185: {  	v47 =	vor.u32 $0x100, v27;
	v46 =	vor.u32 $0x100, v24;
	[tilespmem:v31+s13+$0x0] =	vst.idx.add.f32.msk $0xffff, v12;
	v12 =	vor.u32 $0x100, v26  }
0x186: {  	v48 =	vor.u32 $0x100, v17;
	v49 =	vor.u32 $0x100, v16;
	v50 =	vor.u32 $0x100, v19;
	[tilespmem:v23+s13+$0x0] =	vst.idx.add.f32.msk $0xffff, v22  }
0x187: {  	v51 =	vor.u32 $0x100, v31;
	v52 =	vor.u32 $0x180, v10;
	v22 =	vld.idx.msk [tilespmem:v29+s2+$0x0], $0xffff;
	v29 =	vor.u32 $0x100, v20  }
0x188: {  	v53 =	vor.u32 $0x180, v11;
	v54 =	vor.u32 $0x100, v23;
	v18 =	vor.u32 $0x180, v18;
	v32 =	vld.idx.msk [tilespmem:v32+s2+$0x0], $0xffff  }
0x189: {  	v56 =	vor.u32 $0x180, v14;
	v55 =	vor.u32 $0x180, v13;
	v28 =	vor.u32 $0x180, v28;
	v34 =	vld.idx.msk [tilespmem:v34+s2+$0x0], $0xffff  }
0x18a: {  	v27 =	vor.u32 $0x180, v27;
	v26 =	vor.u32 $0x180, v26;
	v57 =	vld.idx.msk [tilespmem:v6+s2+$0x0], $0xffff;
	v6 =	vmul.f32 v15, v9  }
0x18b: {  	v24 =	vor.u32 $0x180, v24;
	v14 =	vor.u32 $0x180, v17;
	v13 =	vor.u32 $0x180, v16;
	v15 =	vld.idx.msk [tilespmem:v35+s2+$0x0], $0xffff  }
0x18c: {  	v11 =	vor.u32 $0x180, v19;
	v10 =	vor.u32 $0x180, v20;
	v9 =	vor.u32 $0x180, v31;
	[tilespmem:v52+s13+$0x0] =	vst.idx.add.f32.msk $0xffff, v6  }
0x18d: {  	v16 =	vmul.f32 v22, v8;
	v6 =	vor.u32 $0x180, v23;
	v17 =	vld.idx.msk [tilespmem:v37+s2+$0x0], $0xffff  }
0x18e: {  	v19 =	vmul.f32 v32, v7;
	v20 =	vld.idx.msk [tilespmem:v25+s2+$0x0], $0xffff  }
0x18f: {  	[tilespmem:v38+s13+$0x0] =	vst.idx.add.f32.msk $0xffff, v16;
	v16 =	vmul.f32 v34, v1  }
0x190: {  	[tilespmem:v39+s13+$0x0] =	vst.idx.add.f32.msk $0xffff, v19;
	v19 =	vmul.f32 v57, v2  }
0x191: {  	v15 =	vmul.f32 v15, v3;
	[tilespmem:v40+s13+$0x0] =	vst.idx.add.f32.msk $0xffff, v16  }
0x192: {  	[tilespmem:v30+s13+$0x0] =	vst.idx.add.f32.msk $0xffff, v19  }
0x193: {  	[tilespmem:v36+s13+$0x0] =	vst.idx.add.f32.msk $0xffff, v15;
	v15 =	vmul.f32 v17, v4  }
0x194: {  	v17 =	vmul.f32 v20, v5;
	v16 =	vld.idx.msk [tilespmem:v42+s2+$0x0], $0xffff  }
0x195: {  	[tilespmem:v41+s13+$0x0] =	vst.idx.add.f32.msk $0xffff, v15  }
0x196: {  	[tilespmem:v44+s13+$0x0] =	vst.idx.add.f32.msk $0xffff, v17  }
0x197: {  	v15 =	vld.idx.msk [tilespmem:v43+s2+$0x0], $0xffff  }
0x198: {  	v17 =	vld.idx.msk [tilespmem:v21+s2+$0x0], $0xffff  }
0x199: {  	v19 =	vld.idx.msk [tilespmem:v33+s2+$0x0], $0xffff  }
0x19a: {  	v16 =	vmul.f32 v16, v8;
	v20 =	vld.idx.msk [tilespmem:v45+s2+$0x0], $0xffff  }
0x19b: {  	v12 =	vld.idx.msk [tilespmem:v12+s2+$0x0], $0xffff  }
0x19c: {  	v21 =	vld.idx.msk [tilespmem:v47+s2+$0x0], $0xffff  }
0x19d: {  	v15 =	vmul.f32 v15, v7;
	[tilespmem:v46+s13+$0x0] =	vst.idx.add.f32.msk $0xffff, v16  }
0x19e: {  	v17 =	vmul.f32 v17, v1;
	v16 =	vld.idx.msk [tilespmem:v53+s2+$0x0], $0xffff  }
0x19f: {  	[tilespmem:v48+s13+$0x0] =	vst.idx.add.f32.msk $0xffff, v15;
	v15 =	vmul.f32 v19, v2  }
0x1a0: {  	[tilespmem:v49+s13+$0x0] =	vst.idx.add.f32.msk $0xffff, v17;
	v17 =	vmul.f32 v20, v3  }
0x1a1: {  	v12 =	vmul.f32 v12, v4;
	[tilespmem:v50+s13+$0x0] =	vst.idx.add.f32.msk $0xffff, v15  }
0x1a2: {  	v15 =	vmul.f32 v21, v5;
	[tilespmem:v29+s13+$0x0] =	vst.idx.add.f32.msk $0xffff, v17  }
0x1a3: {  	[tilespmem:v51+s13+$0x0] =	vst.idx.add.f32.msk $0xffff, v12  }
0x1a4: {  	v19 =	vmul.f32 v16, v8;
	[tilespmem:v54+s13+$0x0] =	vst.idx.add.f32.msk $0xffff, v15  }
0x1a5: {  	v18 =	vld.idx.msk [tilespmem:v18+s2+$0x0], $0xffff  }
0x1a6: {  	v17 =	vld.idx.msk [tilespmem:v55+s2+$0x0], $0xffff  }
.Ltmp11:
0x1a7: {  	v16 =	vld.idx.msk [tilespmem:v28+s2+$0x0], $0xffff;
	(pc) =	sbr.rel @p1 .LBB2_21-.Ltmp11, $4  }
0x1a8: {  	v8 =	vld.idx.msk [tilespmem:v56+s2+$0x0], $0xffff  }
0x1a9: {  	v12 =	vld.idx.msk [tilespmem:v26+s2+$0x0], $0xffff  }
0x1aa: {  	v15 =	vld.idx.msk [tilespmem:v27+s2+$0x0], $0xffff  }
0x1ab: {  	s20 =	sadd.s32 $0x100, s20;
	v7 =	vmul.f32 v18, v7;
	[tilespmem:v24+s13+$0x0] =	vst.idx.add.f32.msk $0xffff, v19  }
0x1ac: {  	_ =	sdelay $0x2  }
0x1ad: {  	v1 =	vmul.f32 v17, v1  }
0x1ae: {  	v2 =	vmul.f32 v16, v2;
	[tilespmem:v14+s13+$0x0] =	vst.idx.add.f32.msk $0xffff, v7  }
.Ltmp12:
0x1af: {  	v3 =	vmul.f32 v8, v3;
	[tilespmem:v13+s13+$0x0] =	vst.idx.add.f32.msk $0xffff, v1;
	(pc) =	sbr.rel @p0 .LBB2_28-.Ltmp12, $4  }
0x1b0: {  	v1 =	vmul.f32 v12, v4;
	[tilespmem:v11+s13+$0x0] =	vst.idx.add.f32.msk $0xffff, v2  }
0x1b1: {  	v2 =	vmul.f32 v15, v5;
	[tilespmem:v10+s13+$0x0] =	vst.idx.add.f32.msk $0xffff, v3  }
0x1b2: {  	[tilespmem:v9+s13+$0x0] =	vst.idx.add.f32.msk $0xffff, v1  }
0x1b3: {  	[tilespmem:v6+s13+$0x0] =	vst.idx.add.f32.msk $0xffff, v2  }
0x1b4: {  	s18 =	smul.u32 $0x1900, s17;
	_ =	sdelay $0x1  }
0x1b5: {  	s18 =	sshrl.u32 s18, $0x3  }
0x1b6: {  	s18 =	sadd.s32 $0x4B0, s18  }
0x1b7: {  	s20 =	simm.s32 $0x13C80;
	s19 =	sadd.s32 s3, s18  }
0x1b8: {  	s21 =	simm.s32 $0x10;
	s22 =	simm.s32 $0x13D80;
	s23 =	sadd.s32 $0x0, s19  }
.LBB2_24:
0x1b9: {  	[tilespmem:s20], [sflag:$0x2] =	stream.linear.gather [hbm4b:s23+s2], $0x80, $0x38;
	[tilespmem:$0x16E00] =	vst v63  }
0x1ba: {  	s23 =	smov.u32 s21;
	s20 =	smov.u32 s22;
	p0 =	sne.s32 s21, $0x180  }
.Ltmp13:
0x1bb: {  	s21 =	sadd.s32 $0x10, s21;
	(pc) =	sbr.rel @p0 .LBB2_24-.Ltmp13, $2  }
0x1bc: {  	_ =	sdelay $0x2  }
0x1bd: {  	s22 =	sadd.s32 $0x100, s22;
	s23 =	sadd.s32 s23, s19  }
0x1be: {  	[tilespmem:s20], [sflag:$0x2] =	stream.linear.gather [hbm4b:s23+s2], $0x80, $0x38;
	[tilespmem:$0x16E00] =	vst v63  }
0x1bf: {  	s18 =	sadd.s32 s4, s18;
	s19 =	simm.s32 $0x15580  }
0x1c0: {  	s20 =	simm.s32 $0x10;
	s21 =	simm.s32 $0x15680;
	s22 =	sadd.s32 $0x0, s18  }
.LBB2_26:
0x1c1: {  	[tilespmem:s19], [sflag:$0x4] =	stream.linear.gather [hbm4b:s22+s2], $0x80, $0x38;
	[tilespmem:$0x16E00] =	vst v63  }
0x1c2: {  	s22 =	smov.u32 s20;
	s19 =	smov.u32 s21;
	p0 =	sne.s32 s20, $0x180  }
.Ltmp14:
0x1c3: {  	s20 =	sadd.s32 $0x10, s20;
	(pc) =	sbr.rel @p0 .LBB2_26-.Ltmp14, $2  }
0x1c4: {  	_ =	sdelay $0x2  }
0x1c5: {  	s21 =	sadd.s32 $0x100, s21;
	s22 =	sadd.s32 s22, s18  }
.Ltmp15:
0x1c6: {  	(pc) =	sbr.rel .LBB2_12-.Ltmp15, $3  }
0x1c7: {  	_ =	sdelay $0x1  }
0x1c8: {  	[tilespmem:s19], [sflag:$0x4] =	stream.linear.gather [hbm4b:s22+s2], $0x80, $0x38;
	[tilespmem:$0x16E00] =	vst v63  }
0x1c9: {  	s17 =	sadd.s32 $0x1, s17  }
.LBB2_29:
0x1ca: {  	_ =	sfence.sel $0x180000  }
0x1cb: {  	[bflag:$0x0] =	sbarrier.arrive $0xFFFF  }
0x1cc: {  	p0 =	sne.s32 s0, $0x0;
	_ =	strace $0x9000004A  }
0x1cd: {  	s0 =	sadd.s32 @!p0 $0x100000, s1;
	[bflag:$0x2] =	sbarrier.arrive $0xFFFF  }
0x1ce: {  	[sflag:s0] =	ssyncadd.tile.s32 @!p0 $0x1;
	_ =	shalt  }
.Lfunc_end2:
_tile_overlayer_lowered:
.L_overlay_start_2:
0x1cf: {  	(tag) =	ssettag $0x2  }
0x1d0: {  	s0 =	rddreg [dreg:$0x0];
	s2 =	stileid.u32  }
0x1d1: {  	s1 =	rddreg [dreg:$0x1];
	p0 =	sne.s32 s2, $0x0  }
0x1d2: {  	s3 =	rddreg [dreg:$0x2];
	[bflag:$0x3] =	sbarrier.arrive $0xFFFF;
	s2 =	simm.s32 @!p0 $0x1C05  }
0x1d3: {  	[timem:s3], [sflag:s2] =	dma.local @!p0 [hbm:s0], s1  }
0x1d4: {  	s0 =	simm.s32 @!p0 $0x5  }
0x1d5: {  	_ =	swait.ge @!p0 [sflag:s0], s1  }
0x1d6: {  	s1 =	ssub.s32 @!p0 $0x0, s1;
	[sflag:s0] =	ssyncset.done @!p0 $0x0  }
0x1d7: {  	[sflag:s0] =	ssyncadd.s32 @!p0 s1  }
0x1d8: {  	[bflag:$0x3] =	sbarrier.arrive $0xFFFF  }
0x1d9: {  	_ =	shalt  }

// kernel: kernel.15.cloned.1.call-start
scs
__scs_entry_jumppad:
0x0: {  	(pc) =	sbr.rel $0x88, $3  }
0x1: {  	(tag) =	ssettag $0x0;
	lr =	simm.s32 $0x1  }
0x2: {  	[smem:$0x3F95] =	sst lr;
	_ =	strace $0xD0000000  }
0x3: {  	_ = 	snop  }
0x4: {  	_ = 	snop  }
0x5: {  	_ = 	snop  }
0x6: {  	_ = 	snop  }
0x7: {  	_ = 	snop  }
__scs_overlays_trampoline_lowered:
0x8: {  	[smem:$0x3FA4] =	sst s0  }
0x9: {  	[smem:$0x3FA5] =	sst s1  }
0xa: {  	[smem:$0x3FA6] =	sst s2  }
0xb: {  	[smem:$0x3FA7] =	sst s3  }
0xc: {  	[smem:$0x3FA8] =	sst s4  }
0xd: {  	[smem:$0x3FA9] =	sst s5  }
0xe: {  	[smem:$0x3FAA] =	sst s6  }
0xf: {  	[smem:$0x3FAB] =	sst s7  }
0x10: {  	[smem:$0x3FAC] =	sst s8  }
0x11: {  	[smem:$0x3FAD] =	sst s9;
	s0 =	simm.s32 @!p0 $0x0  }
0x12: {  	s1 =	sld [smem:$0x3F93];
	s0 =	simm.s32 @p0 $0x1  }
0x13: {  	[smem:$0x3FAE] =	sst s0;
	s0 =	simm.s32 @!p1 $0x0  }
0x14: {  	s2 =	sld [smem:$0x3F92];
	s0 =	simm.s32 @p1 $0x1  }
0x15: {  	[smem:$0x3FAF] =	sst s0;
	s0 =	simm.s32 @!p2 $0x0  }
0x16: {  	s3 =	sld [smem:$0x3FDB];
	s0 =	simm.s32 @p2 $0x1  }
0x17: {  	s4 =	simm.s32 $0x1BF5;
	[smem:$0x3FB1] =	sst s0  }
0x18: {  	s0 =	sld [smem:$0x3F94];
	_ =	swait.ge [sflag:s4], $0x0  }
0x19: {  	s7 =	sld [smem:$0x3F95]  }
0x1a: {  	s8 =	sadd.s32 $0xFFFFE003, lr  }
0x1b: {  	s9 =	sadd.s32 $0xFFFFFEF7, lr;
	s5 =	simm.s32 $0xFFFFFFFF;
	p2 =	slt.u32 s8, $0xFFFFF086  }
0x1c: {  	p1 =	slt.u32 s9, $0xF7A;
	s5 =	simm.s32 @!p2 $0x0  }
0x1d: {  	s5 =	simm.s32 @p1 $0x1;
	p0 =	seq.s32 s7, s2  }
0x1e: {  	s7 =	smul.u32 @!p0 $0xF7A, s2;
	p2 =	seq.s32 @!p0 s5, $0x0  }
0x1f: {  	s9 =	smul.u32 $0xF7A, s1;
	s8 =	simm.s32 @!p0 $0x1BF5;
	p2 =	por !p2, p0  }
0x20: {  	[sflag:s8] =	ssyncset.s32 @!p0 $0xFFFFF086;
	s6 =	sadd.s32 @!p0 s3, s7;
	s7 =	simm.s32 @!p0 $0x108  }
0x21: {  	s3 =	sadd.s32 s3, s9;
	s6 =	sadd.s32 @!p0 $0x88, s6;
	s7 =	simm.s32 @p2 $0x1082  }
0x22: {  	[simem:s7], [sflag:s8] =	dma.local @!p0 [hbm:s6], $0xF7A  }
0x23: {  	s9 =	sor.u32 $0xD0000000, s2;
	s6 =	simm.s32 $0x108;
	_ =	swait.ge @!p0 [sflag:s8], $0x0  }
0x24: {  	s3 =	sadd.s32 $0x88, s3;
	s6 =	simm.s32 @!p1 $0x1082;
	[sflag:s4] =	ssyncset.s32 $0xFFFFF086  }
0x25: {  	[simem:s6], [sflag:s4] =	dma.local [hbm:s3], $0xF7A  }
0x26: {  	[smem:$0x3F95] =	sst s1;
	(tag) =	ssettag s2;
	_ =	strace s9  }
0x27: {  	s1 =	sld [smem:$0x3FA5]  }
0x28: {  	s2 =	sld [smem:$0x3FA6]  }
0x29: {  	s4 =	sld [smem:$0x3FA8]  }
0x2a: {  	p0 =	seq.s32 s5, $0x0;
	s5 =	sld [smem:$0x3FA9]  }
0x2b: {  	s6 =	sld [smem:$0x3FAA]  }
0x2c: {  	s7 =	sld [smem:$0x3FAB]  }
0x2d: {  	s3 =	simm.s32 $0x108;
	s8 =	sld [smem:$0x3FAC]  }
0x2e: {  	s3 =	simm.s32 @!p0 $0x1082;
	s9 =	sld [smem:$0x3FAD]  }
0x2f: {  	lr =	sadd.s32 s0, s3;
	s0 =	sld [smem:$0x3FA4]  }
0x30: {  	s3 =	sld [smem:$0x3FA7]  }
0x31: {  	[smem:$0x3FB0] =	sst s10  }
0x32: {  	s10 =	sld [smem:$0x3FAE];
	_ =	sdelay $0x3  }
0x33: {  	p0 =	seq.s32 s10, $0x1;
	s10 =	sld [smem:$0x3FB0];
	_ =	sdelay $0x3  }
0x34: {  	[smem:$0x3FB0] =	sst s10  }
0x35: {  	s10 =	sld [smem:$0x3FAF];
	_ =	sdelay $0x3  }
0x36: {  	p1 =	seq.s32 s10, $0x1;
	s10 =	sld [smem:$0x3FB0];
	_ =	sdelay $0x3  }
0x37: {  	[smem:$0x3FB0] =	sst s10  }
0x38: {  	s10 =	sld [smem:$0x3FB1]  }
0x39: {  	_ = 	snop;
	(pc) =	sbr.ind lr, $3  }
0x3a: {  	_ = 	snop  }
0x3b: {  	_ = 	snop  }
0x3c: {  	p2 =	seq.s32 s10, $0x1;
	s10 =	sld [smem:$0x3FB0]  }
0x3d: {  	_ =	shalt  }
0x3e: {  	_ =	shalt  }
0x3f: {  	_ =	shalt  }
0x40: {  	_ =	shalt  }
0x41: {  	_ =	shalt  }
0x42: {  	_ =	shalt  }
0x43: {  	_ =	shalt  }
0x44: {  	_ =	shalt  }
0x45: {  	_ =	shalt  }
0x46: {  	_ =	shalt  }
0x47: {  	_ =	shalt  }
0x48: {  	_ =	shalt  }
0x49: {  	_ =	shalt  }
0x4a: {  	_ =	shalt  }
0x4b: {  	_ =	shalt  }
0x4c: {  	_ =	shalt  }
0x4d: {  	_ =	shalt  }
0x4e: {  	_ =	shalt  }
0x4f: {  	_ =	shalt  }
0x50: {  	_ =	shalt  }
0x51: {  	_ =	shalt  }
0x52: {  	_ =	shalt  }
0x53: {  	_ =	shalt  }
0x54: {  	_ =	shalt  }
0x55: {  	_ =	shalt  }
0x56: {  	_ =	shalt  }
0x57: {  	_ =	shalt  }
0x58: {  	_ =	shalt  }
0x59: {  	_ =	shalt  }
0x5a: {  	_ =	shalt  }
0x5b: {  	_ =	shalt  }
0x5c: {  	_ =	shalt  }
0x5d: {  	_ =	shalt  }
0x5e: {  	_ =	shalt  }
0x5f: {  	_ =	shalt  }
0x60: {  	_ =	shalt  }
0x61: {  	_ =	shalt  }
0x62: {  	_ =	shalt  }
0x63: {  	_ =	shalt  }
0x64: {  	_ =	shalt  }
0x65: {  	_ =	shalt  }
0x66: {  	_ =	shalt  }
0x67: {  	_ =	shalt  }
0x68: {  	_ =	shalt  }
0x69: {  	_ =	shalt  }
0x6a: {  	_ =	shalt  }
0x6b: {  	_ =	shalt  }
0x6c: {  	_ =	shalt  }
0x6d: {  	_ =	shalt  }
0x6e: {  	_ =	shalt  }
0x6f: {  	_ =	shalt  }
0x70: {  	_ =	shalt  }
0x71: {  	_ =	shalt  }
0x72: {  	_ =	shalt  }
0x73: {  	_ =	shalt  }
0x74: {  	_ =	shalt  }
0x75: {  	_ =	shalt  }
0x76: {  	_ =	shalt  }
0x77: {  	_ =	shalt  }
0x78: {  	_ =	shalt  }
0x79: {  	_ =	shalt  }
0x7a: {  	_ =	shalt  }
0x7b: {  	_ =	shalt  }
0x7c: {  	_ =	shalt  }
0x7d: {  	_ =	shalt  }
0x7e: {  	_ =	shalt  }
0x7f: {  	_ =	shalt  }
0x80: {  	_ =	shalt  }
0x81: {  	_ =	shalt  }
0x82: {  	_ =	shalt  }
0x83: {  	_ =	shalt  }
0x84: {  	_ =	shalt  }
0x85: {  	_ =	shalt  }
0x86: {  	_ =	shalt  }
0x87: {  	_ =	shalt  }
.Lfunc_end0:
.L_simem_size_0:
called_computation.2_lowered:
.L_overlay_start_0:
0x88: {  	s2 =	sld [smem:$0x3FD9]  }
0x89: {  	s3 =	sld [smem:$0x3FFE];
	_ =	sdelay $0x1  }
0x8a: {  	s1 =	srdreg.scid  }
0x8b: {  	s0 =	sand.u32 $0x1, s1  }
0x8c: {  	s17 =	sshll.u32 s0, $0xA;
	s2 =	sadd.s32 s3, s2  }
0x8d: {  	s2 =	sadd.s32 s2, s17  }
0x8e: {  	[smem:$0x3FBC] =	sst s2  }
0x8f: {  	_ = 	snop  }
0x90: {  	s2 =	sld [smem:$0x3FD0];
	(tm) =	ssettm $0x1  }
0x91: {  	s18 =	sld [smem:$0x3FFB];
	_ =	sdelay $0x3  }
0x92: {  	_ =	strace s18  }
0x93: {  	s3 =	sld [smem:$0x3FFC];
	_ =	sdelay $0x3  }
0x94: {  	_ =	strace s3  }
0x95: {  	s3 =	sld [smem:$0x3FFD];
	_ =	sdelay $0x3  }
0x96: {  	_ =	strace s3  }
0x97: {  	_ =	strace $0x8FFFFFFF  }
0x98: {  	s19 =	sld [smem:$0x3FDB];
	_ =	sdelay $0x1  }
0x99: {  	s4 =	simm.s32 $_scs_section_size  }
0x9a: {  	s5 =	simm.s32 $_size__tile_overlayer_lowered;
	s6 =	simm.s32 $_tile_overlayer_lowered  }
0x9b: {  	s22 =	simm.s32 $0x1BFF;
	s21 =	sshll.u32 s6, $0x1;
	s3 =	sadd.s32 s4, s19  }
0x9c: {  	s7 =	simm.s32 $0x0;
	s20 =	sshll.u32 s5, $0x1;
	s5 =	sadd.s32 s21, s3  }
0x9d: {  	[timem:s7], [sflag:s22] =	dma.local [hbm:s5], s20  }
0x9e: {  	_ =	swait.ge [sflag:s22], s20  }
0x9f: {  	s4 =	ssub.s32 $0x0, s20;
	[sflag:s22] =	ssyncset.done $0x0  }
0xa0: {  	[sflag:s22] =	ssyncadd.s32 s4;
	_ =	sdelay $0x1  }
0xa1: {  	s23 =	simm.s32 $0x1B8B  }
0xa2: {  	_ =	swait.ge [sflag:s23], $0x1  }
0xa3: {  	[sflag:s23] =	ssyncset.done $0x0  }
0xa4: {  	s25 =	simm.s32 $0x1B8E;
	s24 =	sld [smem:$0x3FFE];
	[sflag:s23] =	ssyncadd.s32 $0xFFFFFFFF  }
0xa5: {  	s26 =	simm.s32 $execute0_lowered;
	[smem:$0x3FD2] =	sst s25  }
0xa6: {  	s5 =	sshll.u32 s26, $0x1;
	_ =	strace $0x8000004C;
	[dreg:$0x1] =	wrdreg $0xFFFFFFFF  }
0xa7: {  	s28 =	simm.s32 $_size_execute0_lowered;
	s3 =	sadd.s32 s3, s5;
	[dreg:$0x0] =	wrdreg $0x0  }
0xa8: {  	s5 =	sshll.u32 s28, $0x1;
	[dreg:$0x2] =	wrdreg s3  }
0xa9: {  	[dreg:$0x3] =	wrdreg s5  }
0xaa: {  	[dreg:$0x4] =	wrdreg $0xC0  }
0xab: {  	_ =	task [dreg:s7], $0x5FFFF  }
0xac: {  	[dreg:$0x1] =	wrdreg $0xFFFFFFFF  }
0xad: {  	[dreg:$0x0] =	wrdreg $0x60  }
0xae: {  	[dreg:$0x2] =	wrdreg s24  }
0xaf: {  	[dreg:$0x3] =	wrdreg s2  }
0xb0: {  	[dreg:$0x4] =	wrdreg $0x9  }
0xb1: {  	_ =	task.clear_ibuf [dreg:s7], $0x5FFFF;
	_ =	strace $0x9000004C  }
0xb2: {  	s29 =	simm.s32 $0x9;
	_ =	strace $0x8000004E  }
0xb3: {  	_ =	swait.ge [sflag:s29], $0x1  }
0xb4: {  	[sflag:s29] =	ssyncadd.s32 $0xFFFFFFFF  }
0xb5: {  	_ =	strace $0x9000004E  }
0xb6: {  	_ =	sfence  }
0xb7: {  	s30 =	sld [smem:$0x0];
	_ =	sdelay $0x2  }
0xb8: {  	s31 =	sshll.u32 s1, $0xD;
	s1 =	sshrl.u32 s1, $0x2  }
0xb9: {  	s3 =	sand.u32 $0x4000, s31;
	s1 =	sadd.s32 s1, s30  }
0xba: {  	s0 =	sor.u32 s3, s0;
	s1 =	sshll.u32 s1, $0x11  }
0xbb: {  	s0 =	sor.u32 s1, s0  }
0xbc: {  	s0 =	sadd.s32 $0x8F2B, s0  }
0xbd: {  	[sflag:s0] =	ssyncadd.remote.s32 $0x1  }
0xbe: {  	_ =	sfence.sel $0xFFFF  }
0xbf: {  	[dreg:$0x0] =	wrdreg $0xFFFFFFFF;
	(pc) =	sbr.abs _section_cstart, $3  }
0xc0: {  	[dreg:$0x1] =	wrdreg $0xFFFFFFFF  }
0xc1: {  	_ =	task.clear_ibuf [dreg:s7], $0x2FFFF;
	_ =	strace $0x9FFFFFFF  }
0xc2: {  	(tm) =	ssettm $0x7FFFFFFF  }
0xc3: {  	_ =	shalt  }
tec
execute0_lowered:
.L_overlay_start_1:
0x0: {  	(tag) =	ssettag $0x1  }
0x1: {  	s5 =	rddreg [dreg:$0x0]  }
0x2: {  	s6 =	rddreg [dreg:$0x1]  }
0x3: {  	s0 =	rddreg [dreg:$0x2];
	s3 =	srdreg.scid  }
0x4: {  	s1 =	stileid.u32;
	s2 =	simm.s32 $0x0;
	s12 =	simm.s32 $0x7700  }
0x5: {  	s13 =	simm.s32 $0x4F00;
	s3 =	sand.u32 $0x1, s3;
	s4 =	sshll.u32 s1, $0x1  }
0x6: {  	s14 =	simm.s32 $0xC700;
	s15 =	simm.s32 $0xEF00;
	s4 =	sor.u32 s3, s4  }
0x7: {  	s16 =	simm.s32 $0x0;
	[smem:$0x7FF] =	sst s2;
	s7 =	smul.u32 $0x500, s4  }
0x8: {  	_ =	strace $0x8000004D;
	s8 =	ssub.s32 $0x2, s3;
	s10 =	smul.u32 $0xA00, s4  }
0x9: {  	s3 =	sadd.s32 $0x2200, s5;
	s9 =	sshrl.u32 s8, $0x1;
	s4 =	sadd.s32 $0x2800, s5  }
0xa: {  	s9 =	ssub.s32 s8, s9;
	s11 =	sadd.s32 s7, s5;
	s5 =	sadd.s32 s6, s10  }
0xb: {  	s9 =	smax.u32 s9, $0x1;
	s10 =	simm.s32 $0x1;
	s6 =	sadd.s32 $0x20E00, s11  }
0xc: {  	v0 =	vimm.f32 $0.0e+00;
	s7 =	sadd.s32 $0x2E00, s11;
	s8 =	sadd.s32 $0xCE00, s11;
	s11 =	simm.s32 $0x2780  }
.LBB2_1:
0xd: {  	[tilespmem:s2], [sflag:$0x1] =	stream.linear.gather [hbm4b:s3+s2], $0x2780, $0x38;
	[tilespmem:$0x11700] =	vst v63  }
0xe: {  	_ =	swait.ge [sflag:s10], $0x2780  }
0xf: {  	[sflag:s10] =	ssyncset.done $0x0  }
0x10: {  	[sflag:s10] =	ssyncadd.s32 $0xFFFFD880  }
0x11: {  	[tilespmem:s11], [sflag:$0x1] =	stream.linear.gather [hbm4b:s4+s2], $0x2710, $0x38;
	[tilespmem:$0x11700] =	vst v63  }
0x12: {  	_ =	swait.ge [sflag:s10], $0x2710  }
0x13: {  	[sflag:s10] =	ssyncset.done $0x0  }
0x14: {  	[sflag:s10] =	ssyncadd.s32 $0xFFFFD8F0  }
0x15: {  	[tilespmem:s12], [sflag:$0x1] =	stream.linear.gather [hbm4b:s5+s2], $0x5000, $0x38;
	[tilespmem:$0x11700] =	vst v63  }
0x16: {  	_ =	swait.ge [sflag:s10], $0x5000  }
0x17: {  	[sflag:s10] =	ssyncset.done $0x0  }
0x18: {  	[sflag:s10] =	ssyncadd.s32 $0xFFFFB000  }
0x19: {  	s17 =	simm.s32 $0x0;
	[tilespmem:$0x4E90] =	vst v0  }
.LBB2_2:
0x1a: {  	p0 =	sne.s32 s17, $0x9FC0  }
.Ltmp0:
0x1b: {  	_ = 	snop;
	(pc) =	sbr.rel @p0 .LBB2_2-.Ltmp0, $3  }
0x1c: {  	_ =	sdelay $0x1  }
0x1d: {  	s18 =	sshra.s32 s17, $0x2  }
0x1e: {  	s17 =	sadd.s32 $0x40, s17;
	[tilespmem:s18+$0x4F00] =	vst v0  }
0x1f: {  	s17 =	simm.s32 $0x7780  }
0x20: {  	v7 =	vld [tilespmem:s17+$0x30]  }
0x21: {  	v13 =	vld [tilespmem:s17+$0xFFFFFFB0]  }
0x22: {  	v12 =	vld [tilespmem:s17+$0xFFFFFFD0]  }
0x23: {  	v14 =	vld [tilespmem:s17+$0xFFFFFFF0]  }
0x24: {  	v6 =	vld [tilespmem:s17+$0x70]  }
0x25: {  	v10 =	vld [tilespmem:s17+$0xFFFFFFC0]  }
0x26: {  	v5 =	vld [tilespmem:s17+$0x60]  }
0x27: {  	v11 =	vld [tilespmem:s17+$0x50]  }
0x28: {  	v3 =	vld [tilespmem:s17+$0xFFFFFF90]  }
0x29: {  	v2 =	vld [tilespmem:s17+$0x40]  }
0x2a: {  	v9 =	vld [tilespmem:s17+$0xFFFFFF80]  }
0x2b: {  	v1 =	vld [tilespmem:s17+$0x20]  }
0x2c: {  	v15 =	vld [tilespmem:s17+$0xFFFFFFE0]  }
0x2d: {  	v21 =	vld [tilespmem:s17+$0xFFFFFFA0]  }
0x2e: {  	v4 =	vld [tilespmem:s17+$0x10]  }
0x2f: {  	v8 =	vld [tilespmem:s17+$0x0]  }
0x30: {  	v16 =	vld.idx.msk [tilespmem:v7+s11+$0x0], $0xffff  }
0x31: {  	v22 =	vld.idx.msk [tilespmem:v10+s2+$0x0], $0xffff  }
0x32: {  	v25 =	vld.idx.msk [tilespmem:v5+s11+$0x0], $0xffff  }
0x33: {  	v27 =	vld.idx.msk [tilespmem:v12+s2+$0x0], $0xffff  }
0x34: {  	v20 =	vld.idx.msk [tilespmem:v13+s2+$0x0], $0xffff  }
0x35: {  	v24 =	vld.idx.msk [tilespmem:v2+s11+$0x0], $0xffff  }
0x36: {  	v26 =	vld.idx.msk [tilespmem:v15+s2+$0x0], $0xffff  }
0x37: {  	v18 =	vld.idx.msk [tilespmem:v6+s11+$0x0], $0xffff  }
0x38: {  	v30 =	vld.idx.msk [tilespmem:v11+s11+$0x0], $0xffff  }
0x39: {  	v17 =	vld.idx.msk [tilespmem:v21+s2+$0x0], $0xffff;
	v13 =	vshll.u32 v13, $0xE;
	v28 =	vadd.f32 v16, v20  }
0x3a: {  	v23 =	vld.idx.msk [tilespmem:v9+s2+$0x0], $0xffff;
	v16 =	vor.u32 v7, v13;
	v13 =	vshll.u32 v14, $0xE  }
0x3b: {  	v20 =	vld.idx.msk [tilespmem:v8+s11+$0x0], $0xffff;
	v24 =	vadd.f32 v24, v22;
	v26 =	vadd.f32 v25, v26;
	v29 =	vmul.f32 $2.000000030e-01, v28  }
0x3c: {  	v19 =	vld.idx.msk [tilespmem:v14+s2+$0x0], $0xffff;
	v14 =	vor.u32 v6, v13;
	v13 =	vshll.u32 v15, $0xE;
	vm0 =	vge.f32 v28, $0.0e+00  }
0x3d: {  	v27 =	vadd.f32 v30, v27;
	v25 =	vld.idx.msk [tilespmem:v4+s11+$0x0], $0xffff;
	v15 =	vor.u32 v5, v13;
	v22 =	vsel vm0, v28, v29  }
0x3e: {  	s19 =	simm.s32 $0xEF40;
	s20 =	simm.s32 $0xC740;
	s21 =	simm.s32 $0x0;
	v13 =	vshll.u32 v21, $0xE;
	v21 =	vld.idx.msk [tilespmem:v3+s2+$0x0], $0xffff;
	vm1 =	vge.f32 v26, $0.0e+00;
	v29 =	vmul.f32 $1.442695020e+00, v22  }
0x3f: {  	s22 =	simm.s32 $0x7880;
	s18 =	simm.s32 $0xC740;
	s17 =	simm.s32 $0xEF40;
	v13 =	vor.u32 v1, v13;
	vm0 =	vge.f32 v24, $0.0e+00;
	v28 =	vmul.f32 $2.000000030e-01, v24;
	v22 =	vld.idx.msk [tilespmem:v1+s11+$0x0], $0xffff  }
.LBB2_4:
0x40: {  	v30 =	vld [tilespmem:s22+$0x30];
	s21 =	sadd.s32 $0x8, s21;
	v20 =	vadd.f32 v20, v23;
	v23 =	vmul.f32 $2.000000030e-01, v27;
	s19 =	sadd.s32 $0x80, s19;
	s20 =	sadd.s32 $0x80, s20;
	(erf) = vpow2.f32 v29  }
0x41: {  	vm2 =	vge.f32 v27, $0.0e+00;
	v31 =	vmul.f32 $2.000000030e-01, v26;
	v18 =	vadd.f32 v18, v19;
	v29 =	vld [tilespmem:s22+$0xFFFFFFB0];
	p0 =	slt.u32 s21, $0x278  }
0x42: {  	v19 =	vld [tilespmem:s22+$0xFFFFFFD0];
	vm3 =	vge.f32 v20, $0.0e+00;
	v32 =	vmul.f32 $2.000000030e-01, v20;
	v23 =	vsel vm2, v27, v23  }
0x43: {  	v24 =	vsel vm0, v24, v28;
	v26 =	vsel vm1, v26, v31;
	v27 =	vld [tilespmem:s22+$0xFFFFFFF0];
	v23 =	vmul.f32 $1.442695020e+00, v23  }
0x44: {  	v24 =	vmul.f32 $1.442695020e+00, v24;
	v26 =	vmul.f32 $1.442695020e+00, v26;
	v28 =	vld [tilespmem:s22+$0x70];
	v20 =	vsel vm3, v20, v32  }
0x45: {  	v21 =	vadd.f32 v25, v21;
	v25 =	vmul.f32 $2.000000030e-01, v18;
	v31 =	vld [tilespmem:s22+$0xFFFFFFC0];
	(erf) = vpow2.f32 v23  }
0x46: {  	vm0 =	vge.f32 v18, $0.0e+00;
	v17 =	vadd.f32 v22, v17;
	v23 =	vld [tilespmem:s22+$0x60];
	(erf) = vpow2.f32 v24  }
0x47: {  	v34 =	vmul.f32 $2.000000030e-01, v21;
	v18 =	vsel vm0, v18, v25;
	v22 =	vld [tilespmem:s22+$0x50];
	(erf) = vpow2.f32 v26  }
0x48: {  	vm0 =	vge.f32 v21, $0.0e+00;
	v26 =	vmul.f32 $2.000000030e-01, v17;
	v18 =	vmul.f32 $1.442695020e+00, v18;
	v25 =	vld [tilespmem:s22+$0xFFFFFF90]  }
0x49: {  	v32 =	vshll.u32 v29, $0xE;
	v21 =	vsel vm0, v21, v34;
	vm0 =	vge.f32 v17, $0.0e+00;
	v33 =	vld [tilespmem:s22+$0x40];
	v24 =	vpop (erf)  }
0x4a: {  	v21 =	vmul.f32 $1.442695020e+00, v21;
	v17 =	vsel vm0, v17, v26;
	v34 =	vld [tilespmem:s22+$0xFFFFFF80];
	[tilespmem:s18+$0xFFFFFFF0] =	vst v24;
	(erf) = vpow2.f32 v18  }
0x4b: {  	v18 =	vshll.u32 v27, $0xE;
	v17 =	vmul.f32 $1.442695020e+00, v17;
	v35 =	vld [tilespmem:s22+$0x20];
	[tilespmem:s17+$0xFFFFFFF0] =	vst v16;
	v16 =	vor.u32 v30, v32  }
0x4c: {  	v38 =	vmul.f32 $1.442695020e+00, v20;
	v32 =	vor.u32 v28, v18;
	v26 =	vld [tilespmem:s22+$0xFFFFFFE0]  }
0x4d: {  	v36 =	vld.idx.msk [tilespmem:v30+s11+$0x0], $0xffff  }
0x4e: {  	v42 =	vshll.u32 v12, $0xE;
	v12 =	vmov v19;
	v37 =	vld.idx.msk [tilespmem:v31+s2+$0x0], $0xffff;
	(erf) = vpow2.f32 v38;
	v18 =	vpop (erf)  }
0x4f: {  	v41 =	vor.u32 v11, v42;
	v38 =	vld [tilespmem:s22+$0x10];
	[tilespmem:s18+$0x10] =	vst v18;
	v39 =	vpop (erf)  }
0x50: {  	v40 =	vld [tilespmem:s22+$0xFFFFFFA0];
	[tilespmem:s17+$0x10] =	vst v41;
	v20 =	vpop (erf)  }
0x51: {  	v41 =	vld.idx.msk [tilespmem:v23+s11+$0x0], $0xffff;
	v42 =	vshll.u32 v26, $0xE;
	[tilespmem:s18+$0x20] =	vst v20  }
0x52: {  	v43 =	vld.idx.msk [tilespmem:v19+s2+$0x0], $0xffff;
	v19 =	vor.u32 v23, v42;
	[tilespmem:s18+$0x0] =	vst v39;
	(erf) = vpow2.f32 v21  }
0x53: {  	[tilespmem:v11+s13+$0x0] =	vst.idx.add.f32.msk $0xffff, v18;
	(erf) = vpow2.f32 v17;
	v21 =	vpop (erf);
	v11 =	vmov v22  }
0x54: {  	v18 =	vld.idx.msk [tilespmem:v28+s11+$0x0], $0xffff;
	[tilespmem:s18+$0x30] =	vst v21  }
0x55: {  	v17 =	vshll.u32 v40, $0xE;
	v22 =	vld.idx.msk [tilespmem:v29+s2+$0x0], $0xffff;
	[tilespmem:s17+$0x30] =	vst v14;
	v14 =	vmov v32  }
0x56: {  	v29 =	vor.u32 v35, v17;
	[tilespmem:v7+s13+$0x0] =	vst.idx.add.f32.msk $0xffff, v24;
	v17 =	vshll.u32 v10, $0xE;
	v7 =	vmovc v30;
	v10 =	vmov v31  }
0x57: {  	v24 =	vld [tilespmem:s22+$0x0];
	v30 =	vor.u32 v2, v17;
	[tilespmem:s17+$0x20] =	vst v15;
	v31 =	vpop (erf);
	v15 =	vmov v19  }
0x58: {  	v17 =	vld.idx.msk [tilespmem:v40+s2+$0x0], $0xffff;
	[tilespmem:s17+$0x0] =	vst v30  }
0x59: {  	[tilespmem:v6+s13+$0x0] =	vst.idx.add.f32.msk $0xffff, v21;
	v6 =	vmov v28  }
0x5a: {  	v32 =	vshll.u32 v9, $0xE;
	v9 =	vmov v34;
	v19 =	vld.idx.msk [tilespmem:v27+s2+$0x0], $0xffff;
	[tilespmem:s18+$0xFFFFFFC0] =	vst v31  }
0x5b: {  	v30 =	vor.u32 v8, v32;
	[tilespmem:v5+s13+$0x0] =	vst.idx.add.f32.msk $0xffff, v20;
	v27 =	vpop (erf);
	v5 =	vmov v23  }
0x5c: {  	v28 =	vld.idx.msk [tilespmem:v11+s11+$0x0], $0xffff;
	[tilespmem:s17+$0xFFFFFFC0] =	vst v30;
	v21 =	vpop (erf)  }
0x5d: {  	v30 =	vld.idx.msk [tilespmem:v33+s11+$0x0], $0xffff;
	[tilespmem:s18+$0xFFFFFFD0] =	vst v27  }
0x5e: {  	v26 =	vld.idx.msk [tilespmem:v26+s2+$0x0], $0xffff;
	[tilespmem:s18+$0xFFFFFFE0] =	vst v21;
	s18 =	smov.u32 s20  }
0x5f: {  	v20 =	vld.idx.msk [tilespmem:v24+s11+$0x0], $0xffff;
	[tilespmem:s17+$0xFFFFFFE0] =	vst v13;
	v13 =	vmov v29  }
0x60: {  	v22 =	vadd.f32 v36, v22;
	v23 =	vshll.u32 v3, $0xE;
	v3 =	vmovc v25;
	[tilespmem:v2+s13+$0x0] =	vst.idx.add.f32.msk $0xffff, v39;
	v2 =	vmov v33  }
0x61: {  	v25 =	vor.u32 v4, v23;
	[tilespmem:v8+s13+$0x0] =	vst.idx.add.f32.msk $0xffff, v31;
	v8 =	vmov v24  }
0x62: {  	v29 =	vmul.f32 $2.000000030e-01, v22;
	v23 =	vld.idx.msk [tilespmem:v34+s2+$0x0], $0xffff;
	[tilespmem:s17+$0xFFFFFFD0] =	vst v25;
	s17 =	smov.u32 s19  }
.Ltmp1:
0x63: {  	vm0 =	vge.f32 v22, $0.0e+00;
	v24 =	vadd.f32 v30, v37;
	[tilespmem:v1+s13+$0x0] =	vst.idx.add.f32.msk $0xffff, v21;
	v1 =	vmov v35;
	(pc) =	sbr.rel @p0 .LBB2_4-.Ltmp1, $4  }
0x64: {  	v22 =	vsel vm0, v22, v29;
	[tilespmem:v4+s13+$0x0] =	vst.idx.add.f32.msk $0xffff, v27;
	v4 =	vmov v38  }
0x65: {  	v29 =	vmul.f32 $1.442695020e+00, v22;
	v26 =	vadd.f32 v41, v26;
	v21 =	vld.idx.msk [tilespmem:v3+s2+$0x0], $0xffff  }
0x66: {  	vm0 =	vge.f32 v24, $0.0e+00;
	v27 =	vadd.f32 v28, v43;
	v22 =	vld.idx.msk [tilespmem:v35+s11+$0x0], $0xffff  }
0x67: {  	s22 =	sadd.s32 $0x100, s22;
	v28 =	vmul.f32 $2.000000030e-01, v24;
	vm1 =	vge.f32 v26, $0.0e+00;
	v25 =	vld.idx.msk [tilespmem:v38+s11+$0x0], $0xffff  }
0x68: {  	v30 =	vmul.f32 $2.000000030e-01, v27  }
0x69: {  	vm2 =	vge.f32 v27, $0.0e+00  }
0x6a: {  	(erf) = vpow2.f32 v29;
	v46 =	vsel vm2, v27, v30  }
0x6b: {  	v31 =	vmul.f32 $2.000000030e-01, v26;
	v18 =	vadd.f32 v18, v19;
	v19 =	vmul.f32 $1.442695020e+00, v46  }
0x6c: {  	v24 =	vsel vm0, v24, v28  }
0x6d: {  	v26 =	vsel vm1, v26, v31;
	v24 =	vmul.f32 $1.442695020e+00, v24;
	(erf) = vpow2.f32 v19  }
0x6e: {  	v47 =	vmul.f32 $2.000000030e-01, v18;
	v26 =	vmul.f32 $1.442695020e+00, v26  }
0x6f: {  	vm12 =	vge.f32 v18, $0.0e+00;
	(erf) = vpow2.f32 v24  }
0x70: {  	v18 =	vsel vm12, v18, v47;
	(erf) = vpow2.f32 v26  }
0x71: {  	v18 =	vmul.f32 $1.442695020e+00, v18  }
0x72: {  	v48 =	vadd.f32 v20, v23  }
0x73: {  	(erf) = vpow2.f32 v18;
	v51 =	vpop (erf)  }
0x74: {  	v49 =	vmul.f32 $2.000000030e-01, v48;
	[tilespmem:s18+$0xFFFFFFF0] =	vst v51  }
0x75: {  	vm13 =	vge.f32 v48, $0.0e+00;
	v50 =	vadd.f32 v25, v21;
	[tilespmem:s17+$0xFFFFFFF0] =	vst v16  }
0x76: {  	v12 =	vshll.u32 v12, $0xE;
	v17 =	vadd.f32 v22, v17;
	v18 =	vsel vm13, v48, v49;
	[tilespmem:v7+s13+$0x0] =	vst.idx.add.f32.msk $0xffff, v51;
	v54 =	vpop (erf)  }
0x77: {  	v12 =	vor.u32 v11, v12;
	v52 =	vmul.f32 $2.000000030e-01, v50;
	v53 =	vmul.f32 $1.442695020e+00, v18;
	[tilespmem:s18+$0x10] =	vst v54  }
0x78: {  	v22 =	vmul.f32 $2.000000030e-01, v17;
	vm14 =	vge.f32 v50, $0.0e+00;
	v55 =	vpop (erf);
	[tilespmem:s17+$0x10] =	vst v12  }
0x79: {  	vm15 =	vge.f32 v17, $0.0e+00;
	v19 =	vsel vm14, v50, v52;
	(erf) = vpow2.f32 v53;
	v56 =	vpop (erf);
	[tilespmem:s18+$0x0] =	vst v55  }
0x7a: {  	v59 =	vshll.u32 v10, $0xE;
	v17 =	vsel vm15, v17, v22;
	v57 =	vmul.f32 $1.442695020e+00, v19;
	[tilespmem:s18+$0x20] =	vst v56  }
0x7b: {  	v17 =	vmul.f32 $1.442695020e+00, v17;
	v7 =	vor.u32 v2, v59;
	[tilespmem:v11+s13+$0x0] =	vst.idx.add.f32.msk $0xffff, v54  }
0x7c: {  	(erf) = vpow2.f32 v57;
	v58 =	vpop (erf);
	[tilespmem:s17+$0x0] =	vst v7  }
0x7d: {  	(erf) = vpow2.f32 v17;
	[tilespmem:s18+$0x30] =	vst v58  }
0x7e: {  	[tilespmem:s17+$0x20] =	vst v15  }
0x7f: {  	[tilespmem:v2+s13+$0x0] =	vst.idx.add.f32.msk $0xffff, v55  }
0x80: {  	[tilespmem:s17+$0x30] =	vst v14  }
0x81: {  	[tilespmem:v5+s13+$0x0] =	vst.idx.add.f32.msk $0xffff, v56  }
0x82: {  	v61 =	vshll.u32 v9, $0xE;
	v60 =	vpop (erf);
	[tilespmem:v6+s13+$0x0] =	vst.idx.add.f32.msk $0xffff, v58  }
0x83: {  	v6 =	vor.u32 v8, v61;
	[tilespmem:s18+$0xFFFFFFC0] =	vst v60  }
0x84: {  	[tilespmem:s17+$0xFFFFFFC0] =	vst v6  }
0x85: {  	v62 =	vpop (erf);
	[tilespmem:v8+s13+$0x0] =	vst.idx.add.f32.msk $0xffff, v60  }
0x86: {  	v3 =	vshll.u32 v3, $0xE;
	v63 =	vpop (erf);
	[tilespmem:s18+$0xFFFFFFD0] =	vst v62  }
0x87: {  	v2 =	vor.u32 v4, v3;
	[tilespmem:s18+$0xFFFFFFE0] =	vst v63  }
0x88: {  	[tilespmem:s17+$0xFFFFFFD0] =	vst v2  }
0x89: {  	[tilespmem:s17+$0xFFFFFFE0] =	vst v13  }
0x8a: {  	[tilespmem:v4+s13+$0x0] =	vst.idx.add.f32.msk $0xffff, v62  }
0x8b: {  	[tilespmem:v1+s13+$0x0] =	vst.idx.add.f32.msk $0xffff, v63  }
0x8c: {  	[hbm4b:s6+s2] =	stream.linear.scatter [tilespmem:s14], [sflag:$0x1], $0x2800, $0x38;
	[tilespmem:$0x11700] =	vst v63  }
0x8d: {  	_ =	swait.ge [sflag:s10], $0x2800  }
0x8e: {  	[sflag:s10] =	ssyncset.done $0x0  }
0x8f: {  	[sflag:s10] =	ssyncadd.s32 $0xFFFFD800  }
0x90: {  	[hbm4b:s7+s2] =	stream.linear.scatter [tilespmem:s15], [sflag:$0x1], $0x2800, $0x38;
	[tilespmem:$0x11700] =	vst v63  }
0x91: {  	s16 =	sadd.s32 $0x1, s16;
	_ =	swait.ge [sflag:s10], $0x2800  }
0x92: {  	p0 =	sne.s32 s16, s9;
	[sflag:s10] =	ssyncset.done $0x0  }
.Ltmp2:
0x93: {  	[sflag:s10] =	ssyncadd.s32 $0xFFFFD800;
	(pc) =	sbr.rel @p0 .LBB2_1-.Ltmp2, $4  }
0x94: {  	[hbm4b:s8+s2] =	stream.linear.scatter [tilespmem:s13], [sflag:$0x1], $0x2800, $0x38;
	[tilespmem:$0x11700] =	vst v63  }
0x95: {  	_ =	swait.ge [sflag:s10], $0x2800  }
0x96: {  	[sflag:s10] =	ssyncset.done $0x0  }
0x97: {  	[sflag:s10] =	ssyncadd.s32 $0xFFFFD800  }
0x98: {  	_ =	sfence.sel $0x180000  }
0x99: {  	[bflag:$0x0] =	sbarrier.arrive $0xFFFF  }
0x9a: {  	p0 =	sne.s32 s1, $0x0;
	_ =	strace $0x9000004D  }
0x9b: {  	s0 =	sadd.s32 @!p0 $0x100000, s0;
	[bflag:$0x2] =	sbarrier.arrive $0xFFFF  }
0x9c: {  	[sflag:s0] =	ssyncadd.tile.s32 @!p0 $0x1;
	_ =	shalt  }
.Lfunc_end2:
_tile_overlayer_lowered:
.L_overlay_start_2:
0x9d: {  	(tag) =	ssettag $0x2  }
0x9e: {  	s0 =	rddreg [dreg:$0x0];
	s2 =	stileid.u32  }
0x9f: {  	s1 =	rddreg [dreg:$0x1];
	p0 =	sne.s32 s2, $0x0  }
0xa0: {  	s3 =	rddreg [dreg:$0x2];
	[bflag:$0x3] =	sbarrier.arrive $0xFFFF;
	s2 =	simm.s32 @!p0 $0x1C01  }
0xa1: {  	[timem:s3], [sflag:s2] =	dma.local @!p0 [hbm:s0], s1  }
0xa2: {  	s0 =	simm.s32 @!p0 $0x1  }
0xa3: {  	_ =	swait.ge @!p0 [sflag:s0], s1  }
0xa4: {  	s1 =	ssub.s32 @!p0 $0x0, s1;
	[sflag:s0] =	ssyncset.done @!p0 $0x0  }
0xa5: {  	[sflag:s0] =	ssyncadd.s32 @!p0 s1  }
0xa6: {  	[bflag:$0x3] =	sbarrier.arrive $0xFFFF  }
0xa7: {  	_ =	shalt  }

// kernel: kernel.18.cloned.1.call-start
scs
__scs_entry_jumppad:
0x0: {  	(pc) =	sbr.rel $0x88, $3  }
0x1: {  	(tag) =	ssettag $0x0;
	lr =	simm.s32 $0x1  }
0x2: {  	[smem:$0x3F95] =	sst lr;
	_ =	strace $0xD0000000  }
0x3: {  	_ = 	snop  }
0x4: {  	_ = 	snop  }
0x5: {  	_ = 	snop  }
0x6: {  	_ = 	snop  }
0x7: {  	_ = 	snop  }
__scs_overlays_trampoline_lowered:
0x8: {  	[smem:$0x3FA4] =	sst s0  }
0x9: {  	[smem:$0x3FA5] =	sst s1  }
0xa: {  	[smem:$0x3FA6] =	sst s2  }
0xb: {  	[smem:$0x3FA7] =	sst s3  }
0xc: {  	[smem:$0x3FA8] =	sst s4  }
0xd: {  	[smem:$0x3FA9] =	sst s5  }
0xe: {  	[smem:$0x3FAA] =	sst s6  }
0xf: {  	[smem:$0x3FAB] =	sst s7  }
0x10: {  	[smem:$0x3FAC] =	sst s8  }
0x11: {  	[smem:$0x3FAD] =	sst s9;
	s0 =	simm.s32 @!p0 $0x0  }
0x12: {  	s1 =	sld [smem:$0x3F93];
	s0 =	simm.s32 @p0 $0x1  }
0x13: {  	[smem:$0x3FAE] =	sst s0;
	s0 =	simm.s32 @!p1 $0x0  }
0x14: {  	s2 =	sld [smem:$0x3F92];
	s0 =	simm.s32 @p1 $0x1  }
0x15: {  	[smem:$0x3FAF] =	sst s0;
	s0 =	simm.s32 @!p2 $0x0  }
0x16: {  	s3 =	sld [smem:$0x3FDB];
	s0 =	simm.s32 @p2 $0x1  }
0x17: {  	s4 =	simm.s32 $0x1BF5;
	[smem:$0x3FB1] =	sst s0  }
0x18: {  	s0 =	sld [smem:$0x3F94];
	_ =	swait.ge [sflag:s4], $0x0  }
0x19: {  	s7 =	sld [smem:$0x3F95]  }
0x1a: {  	s8 =	sadd.s32 $0xFFFFE003, lr  }
0x1b: {  	s9 =	sadd.s32 $0xFFFFFEF7, lr;
	s5 =	simm.s32 $0xFFFFFFFF;
	p2 =	slt.u32 s8, $0xFFFFF086  }
0x1c: {  	p1 =	slt.u32 s9, $0xF7A;
	s5 =	simm.s32 @!p2 $0x0  }
0x1d: {  	s5 =	simm.s32 @p1 $0x1;
	p0 =	seq.s32 s7, s2  }
0x1e: {  	s7 =	smul.u32 @!p0 $0xF7A, s2;
	p2 =	seq.s32 @!p0 s5, $0x0  }
0x1f: {  	s9 =	smul.u32 $0xF7A, s1;
	s8 =	simm.s32 @!p0 $0x1BF5;
	p2 =	por !p2, p0  }
0x20: {  	[sflag:s8] =	ssyncset.s32 @!p0 $0xFFFFF086;
	s6 =	sadd.s32 @!p0 s3, s7;
	s7 =	simm.s32 @!p0 $0x108  }
0x21: {  	s3 =	sadd.s32 s3, s9;
	s6 =	sadd.s32 @!p0 $0x88, s6;
	s7 =	simm.s32 @p2 $0x1082  }
0x22: {  	[simem:s7], [sflag:s8] =	dma.local @!p0 [hbm:s6], $0xF7A  }
0x23: {  	s9 =	sor.u32 $0xD0000000, s2;
	s6 =	simm.s32 $0x108;
	_ =	swait.ge @!p0 [sflag:s8], $0x0  }
0x24: {  	s3 =	sadd.s32 $0x88, s3;
	s6 =	simm.s32 @!p1 $0x1082;
	[sflag:s4] =	ssyncset.s32 $0xFFFFF086  }
0x25: {  	[simem:s6], [sflag:s4] =	dma.local [hbm:s3], $0xF7A  }
0x26: {  	[smem:$0x3F95] =	sst s1;
	(tag) =	ssettag s2;
	_ =	strace s9  }
0x27: {  	s1 =	sld [smem:$0x3FA5]  }
0x28: {  	s2 =	sld [smem:$0x3FA6]  }
0x29: {  	s4 =	sld [smem:$0x3FA8]  }
0x2a: {  	p0 =	seq.s32 s5, $0x0;
	s5 =	sld [smem:$0x3FA9]  }
0x2b: {  	s6 =	sld [smem:$0x3FAA]  }
0x2c: {  	s7 =	sld [smem:$0x3FAB]  }
0x2d: {  	s3 =	simm.s32 $0x108;
	s8 =	sld [smem:$0x3FAC]  }
0x2e: {  	s3 =	simm.s32 @!p0 $0x1082;
	s9 =	sld [smem:$0x3FAD]  }
0x2f: {  	lr =	sadd.s32 s0, s3;
	s0 =	sld [smem:$0x3FA4]  }
0x30: {  	s3 =	sld [smem:$0x3FA7]  }
0x31: {  	[smem:$0x3FB0] =	sst s10  }
0x32: {  	s10 =	sld [smem:$0x3FAE];
	_ =	sdelay $0x3  }
0x33: {  	p0 =	seq.s32 s10, $0x1;
	s10 =	sld [smem:$0x3FB0];
	_ =	sdelay $0x3  }
0x34: {  	[smem:$0x3FB0] =	sst s10  }
0x35: {  	s10 =	sld [smem:$0x3FAF];
	_ =	sdelay $0x3  }
0x36: {  	p1 =	seq.s32 s10, $0x1;
	s10 =	sld [smem:$0x3FB0];
	_ =	sdelay $0x3  }
0x37: {  	[smem:$0x3FB0] =	sst s10  }
0x38: {  	s10 =	sld [smem:$0x3FB1]  }
0x39: {  	_ = 	snop;
	(pc) =	sbr.ind lr, $3  }
0x3a: {  	_ = 	snop  }
0x3b: {  	_ = 	snop  }
0x3c: {  	p2 =	seq.s32 s10, $0x1;
	s10 =	sld [smem:$0x3FB0]  }
0x3d: {  	_ =	shalt  }
0x3e: {  	_ =	shalt  }
0x3f: {  	_ =	shalt  }
0x40: {  	_ =	shalt  }
0x41: {  	_ =	shalt  }
0x42: {  	_ =	shalt  }
0x43: {  	_ =	shalt  }
0x44: {  	_ =	shalt  }
0x45: {  	_ =	shalt  }
0x46: {  	_ =	shalt  }
0x47: {  	_ =	shalt  }
0x48: {  	_ =	shalt  }
0x49: {  	_ =	shalt  }
0x4a: {  	_ =	shalt  }
0x4b: {  	_ =	shalt  }
0x4c: {  	_ =	shalt  }
0x4d: {  	_ =	shalt  }
0x4e: {  	_ =	shalt  }
0x4f: {  	_ =	shalt  }
0x50: {  	_ =	shalt  }
0x51: {  	_ =	shalt  }
0x52: {  	_ =	shalt  }
0x53: {  	_ =	shalt  }
0x54: {  	_ =	shalt  }
0x55: {  	_ =	shalt  }
0x56: {  	_ =	shalt  }
0x57: {  	_ =	shalt  }
0x58: {  	_ =	shalt  }
0x59: {  	_ =	shalt  }
0x5a: {  	_ =	shalt  }
0x5b: {  	_ =	shalt  }
0x5c: {  	_ =	shalt  }
0x5d: {  	_ =	shalt  }
0x5e: {  	_ =	shalt  }
0x5f: {  	_ =	shalt  }
0x60: {  	_ =	shalt  }
0x61: {  	_ =	shalt  }
0x62: {  	_ =	shalt  }
0x63: {  	_ =	shalt  }
0x64: {  	_ =	shalt  }
0x65: {  	_ =	shalt  }
0x66: {  	_ =	shalt  }
0x67: {  	_ =	shalt  }
0x68: {  	_ =	shalt  }
0x69: {  	_ =	shalt  }
0x6a: {  	_ =	shalt  }
0x6b: {  	_ =	shalt  }
0x6c: {  	_ =	shalt  }
0x6d: {  	_ =	shalt  }
0x6e: {  	_ =	shalt  }
0x6f: {  	_ =	shalt  }
0x70: {  	_ =	shalt  }
0x71: {  	_ =	shalt  }
0x72: {  	_ =	shalt  }
0x73: {  	_ =	shalt  }
0x74: {  	_ =	shalt  }
0x75: {  	_ =	shalt  }
0x76: {  	_ =	shalt  }
0x77: {  	_ =	shalt  }
0x78: {  	_ =	shalt  }
0x79: {  	_ =	shalt  }
0x7a: {  	_ =	shalt  }
0x7b: {  	_ =	shalt  }
0x7c: {  	_ =	shalt  }
0x7d: {  	_ =	shalt  }
0x7e: {  	_ =	shalt  }
0x7f: {  	_ =	shalt  }
0x80: {  	_ =	shalt  }
0x81: {  	_ =	shalt  }
0x82: {  	_ =	shalt  }
0x83: {  	_ =	shalt  }
0x84: {  	_ =	shalt  }
0x85: {  	_ =	shalt  }
0x86: {  	_ =	shalt  }
0x87: {  	_ =	shalt  }
.Lfunc_end0:
.L_simem_size_0:
called_computation.3_lowered:
.L_overlay_start_0:
0x88: {  	s2 =	sld [smem:$0x3FD9]  }
0x89: {  	s3 =	sld [smem:$0x3FFE];
	_ =	sdelay $0x1  }
0x8a: {  	s1 =	srdreg.scid  }
0x8b: {  	s0 =	sand.u32 $0x1, s1  }
0x8c: {  	s16 =	sshll.u32 s0, $0xA;
	s2 =	sadd.s32 s3, s2  }
0x8d: {  	s2 =	sadd.s32 s2, s16  }
0x8e: {  	[smem:$0x3FBC] =	sst s2  }
0x8f: {  	_ = 	snop  }
0x90: {  	(tm) =	ssettm $0x1  }
0x91: {  	s17 =	sld [smem:$0x3FFB];
	_ =	sdelay $0x3  }
0x92: {  	_ =	strace s17  }
0x93: {  	s2 =	sld [smem:$0x3FFC];
	_ =	sdelay $0x3  }
0x94: {  	_ =	strace s2  }
0x95: {  	s2 =	sld [smem:$0x3FFD];
	_ =	sdelay $0x3  }
0x96: {  	_ =	strace s2  }
0x97: {  	_ =	strace $0x8FFFFFFF  }
0x98: {  	s18 =	sld [smem:$0x3FDB];
	_ =	sdelay $0x1  }
0x99: {  	s19 =	simm.s32 $_scs_section_size  }
0x9a: {  	s4 =	simm.s32 $_size__tile_overlayer_lowered;
	s5 =	simm.s32 $_tile_overlayer_lowered  }
0x9b: {  	s22 =	simm.s32 $0x1BFF;
	s21 =	sshll.u32 s5, $0x1;
	s2 =	sadd.s32 s19, s18  }
0x9c: {  	s6 =	simm.s32 $0x0;
	s20 =	sshll.u32 s4, $0x1;
	s4 =	sadd.s32 s21, s2  }
0x9d: {  	[timem:s6], [sflag:s22] =	dma.local [hbm:s4], s20  }
0x9e: {  	_ =	swait.ge [sflag:s22], s20  }
0x9f: {  	s3 =	ssub.s32 $0x0, s20;
	[sflag:s22] =	ssyncset.done $0x0  }
0xa0: {  	[sflag:s22] =	ssyncadd.s32 s3;
	_ =	sdelay $0x1  }
0xa1: {  	s23 =	simm.s32 $0x1B8B  }
0xa2: {  	_ =	swait.ge [sflag:s23], $0x1  }
0xa3: {  	[sflag:s23] =	ssyncset.done $0x0  }
0xa4: {  	s25 =	simm.s32 $0x1B8E;
	s24 =	sld [smem:$0x3FFE];
	[sflag:s23] =	ssyncadd.s32 $0xFFFFFFFF  }
0xa5: {  	s26 =	simm.s32 $execute0_lowered;
	[smem:$0x3FD2] =	sst s25  }
0xa6: {  	s4 =	sshll.u32 s26, $0x1;
	_ =	strace $0x8000004F;
	[dreg:$0x1] =	wrdreg $0xFFFFFFFF  }
0xa7: {  	s28 =	simm.s32 $_size_execute0_lowered;
	s2 =	sadd.s32 s2, s4;
	[dreg:$0x0] =	wrdreg $0x0  }
0xa8: {  	s4 =	sshll.u32 s28, $0x1;
	[dreg:$0x2] =	wrdreg s2  }
0xa9: {  	[dreg:$0x3] =	wrdreg s4  }
0xaa: {  	[dreg:$0x4] =	wrdreg $0xC0  }
0xab: {  	_ =	task [dreg:s6], $0x5FFFF  }
0xac: {  	[dreg:$0x1] =	wrdreg $0xFFFFFFFF  }
0xad: {  	[dreg:$0x0] =	wrdreg $0x60  }
0xae: {  	[dreg:$0x2] =	wrdreg s24  }
0xaf: {  	[dreg:$0x3] =	wrdreg $0x9  }
0xb0: {  	_ =	task.clear_ibuf [dreg:s6], $0x4FFFF;
	_ =	strace $0x9000004F  }
0xb1: {  	s29 =	simm.s32 $0x9;
	_ =	strace $0x80000051  }
0xb2: {  	_ =	swait.ge [sflag:s29], $0x1  }
0xb3: {  	[sflag:s29] =	ssyncadd.s32 $0xFFFFFFFF  }
0xb4: {  	_ =	strace $0x90000051  }
0xb5: {  	_ =	sfence  }
0xb6: {  	s30 =	sld [smem:$0x0];
	_ =	sdelay $0x2  }
0xb7: {  	s31 =	sshll.u32 s1, $0xD;
	s1 =	sshrl.u32 s1, $0x2  }
0xb8: {  	s3 =	sand.u32 $0x4000, s31;
	s1 =	sadd.s32 s1, s30  }
0xb9: {  	s0 =	sor.u32 s3, s0;
	s1 =	sshll.u32 s1, $0x11  }
0xba: {  	s0 =	sor.u32 s1, s0  }
0xbb: {  	s0 =	sadd.s32 $0x8F2B, s0  }
0xbc: {  	[sflag:s0] =	ssyncadd.remote.s32 $0x1  }
0xbd: {  	_ =	sfence.sel $0xFFFF  }
0xbe: {  	[dreg:$0x0] =	wrdreg $0xFFFFFFFF;
	(pc) =	sbr.abs _section_cstart, $3  }
0xbf: {  	[dreg:$0x1] =	wrdreg $0xFFFFFFFF  }
0xc0: {  	_ =	task.clear_ibuf [dreg:s6], $0x2FFFF;
	_ =	strace $0x9FFFFFFF  }
0xc1: {  	(tm) =	ssettm $0x7FFFFFFF  }
tec
execute0_lowered:
.L_overlay_start_1:
0x0: {  	(tag) =	ssettag $0x1  }
0x1: {  	s1 =	srdreg.scid  }
0x2: {  	s0 =	stileid.u32;
	s7 =	rddreg [dreg:$0x0]  }
0x3: {  	s2 =	simm.s32 $0x0;
	s11 =	simm.s32 $0x1;
	s12 =	simm.s32 $0x3  }
0x4: {  	s13 =	simm.s32 $0x9E00;
	s3 =	sand.u32 $0x1, s1;
	s4 =	sshll.u32 s0, $0x1  }
0x5: {  	s14 =	simm.s32 $0x2;
	s15 =	simm.s32 $0x4;
	s4 =	sor.u32 s3, s4  }
0x6: {  	s16 =	simm.s32 $0x0;
	s1 =	rddreg [dreg:$0x1];
	s5 =	smul.u32 $0x13C0, s4  }
.Ltmp0:
0x7: {  	[smem:$0x7FF] =	sst s2;
	s6 =	ssub.s32 $0x2, s3;
	(pc) =	sbr.rel .LBB2_1-.Ltmp0, $4  }
0x8: {  	_ =	strace $0x80000050;
	s3 =	sadd.s32 $0x16E00, s7;
	s8 =	sshrl.u32 s6, $0x1  }
0x9: {  	s4 =	sadd.s32 $0x20E00, s7;
	s10 =	ssub.s32 s6, s8;
	s9 =	sadd.s32 s5, s7  }
0xa: {  	s6 =	sadd.s32 $0x16F90, s7;
	s7 =	sadd.s32 $0x20F90, s7;
	s5 =	sadd.s32 $0x2AE00, s9  }
0xb: {  	v0 =	vimm.f32 $0.0e+00;
	s8 =	sadd.s32 $0x52600, s9;
	s9 =	smax.u32 s10, $0x1;
	s10 =	simm.s32 $0x5  }
.LBB2_28:
0xc: {  	s16 =	sadd.s32 $0x1, s16  }
0xd: {  	p0 =	sne.s32 s16, s9  }
.Ltmp1:
0xe: {  	_ = 	snop;
	(pc) =	sbr.rel @!p0 .LBB2_29-.Ltmp1, $4  }
0xf: {  	[hbm4b:s8+s2] =	stream.linear.scatter [tilespmem:s13], [sflag:$0x5], $0x9E00, $0x38;
	[tilespmem:$0x16E00] =	vst v63  }
0x10: {  	_ =	swait.ge [sflag:s10], $0x9E00  }
0x11: {  	[sflag:s10] =	ssyncset.done $0x0  }
0x12: {  	[sflag:s10] =	ssyncadd.s32 $0xFFFF6200  }
.LBB2_1:
0x13: {  	[tilespmem:s2], [sflag:$0x5] =	stream.linear.gather [hbm4b:s5+s2], $0x9E00, $0x38;
	[tilespmem:$0x16E00] =	vst v63  }
0x14: {  	_ =	swait.ge [sflag:s10], $0x9E00  }
0x15: {  	s17 =	sand.u32 $0x70, s2;
	s18 =	sand.u32 $0xFE00, s2;
	[sflag:s10] =	ssyncset.done $0x0  }
0x16: {  	s19 =	sor.u32 s17, s18;
	[sflag:s10] =	ssyncadd.s32 $0xFFFF6200  }
0x17: {  	[tilespmem:s19+$0x9F80] =	vst v0  }
0x18: {  	[tilespmem:s19+$0x9E00] =	vst v0  }
0x19: {  	s17 =	simm.s32 $0x10;
	s18 =	simm.s32 $0x0;
	[tilespmem:s19+$0x9E80] =	vst v0  }
.LBB2_2:
0x1a: {  	s20 =	sand.u32 $0x70, s17;
	[tilespmem:s19+$0x9F00] =	vst v0;
	s18 =	sadd.s32 $0x40, s18;
	p0 =	sne.s32 s17, $0x2700  }
.Ltmp2:
0x1b: {  	s17 =	sadd.s32 $0x10, s17;
	s19 =	sand.u32 $0xFE00, s18;
	(pc) =	sbr.rel @p0 .LBB2_2-.Ltmp2, $4  }
0x1c: {  	s19 =	sor.u32 s20, s19  }
0x1d: {  	[tilespmem:s19+$0x9F80] =	vst v0  }
0x1e: {  	[tilespmem:s19+$0x9E00] =	vst v0  }
0x1f: {  	[tilespmem:s19+$0x9E80] =	vst v0  }
0x20: {  	[tilespmem:s19+$0x9F00] =	vst v0;
	s17 =	simm.s32 $0x0;
	s18 =	simm.s32 $0x13C00;
	s19 =	simm.s32 $0x0  }
.LBB2_4:
0x21: {  	p0 =	sne.s32 s19, $0x180  }
.Ltmp3:
0x22: {  	_ = 	snop;
	(pc) =	sbr.rel @p0 .LBB2_4-.Ltmp3, $4  }
0x23: {  	_ = 	snop  }
0x24: {  	s20 =	sadd.s32 s19, s3  }
0x25: {  	[tilespmem:s18], [sflag:$0x1] =	stream.linear.gather [hbm4b:s20+s17], $0x80, $0x38;
	[tilespmem:$0x16E00] =	vst v63  }
0x26: {  	s19 =	sadd.s32 $0x10, s19;
	s18 =	sadd.s32 $0x100, s18  }
0x27: {  	s17 =	simm.s32 $0x15500  }
0x28: {  	s18 =	simm.s32 $0x10;
	s20 =	sadd.s32 $0x0, s4;
	s19 =	simm.s32 $0x15600  }
.LBB2_6:
0x29: {  	[tilespmem:s17], [sflag:$0x3] =	stream.linear.gather [hbm4b:s20+s2], $0x80, $0x38;
	[tilespmem:$0x16E00] =	vst v63  }
0x2a: {  	s20 =	smov.u32 s18;
	s17 =	smov.u32 s19;
	p0 =	sne.s32 s18, $0x180  }
.Ltmp4:
0x2b: {  	s18 =	sadd.s32 $0x10, s18;
	(pc) =	sbr.rel @p0 .LBB2_6-.Ltmp4, $2  }
0x2c: {  	_ =	sdelay $0x2  }
0x2d: {  	s19 =	sadd.s32 $0x100, s19;
	s20 =	sadd.s32 s20, s4  }
0x2e: {  	[tilespmem:s17], [sflag:$0x3] =	stream.linear.gather [hbm4b:s20+s2], $0x80, $0x38;
	[tilespmem:$0x16E00] =	vst v63  }
0x2f: {  	s17 =	simm.s32 $0x13C80  }
0x30: {  	s18 =	simm.s32 $0x10;
	s20 =	sadd.s32 $0x0, s6;
	s19 =	simm.s32 $0x13D80  }
.LBB2_8:
0x31: {  	[tilespmem:s17], [sflag:$0x2] =	stream.linear.gather [hbm4b:s20+s2], $0x80, $0x38;
	[tilespmem:$0x16E00] =	vst v63  }
0x32: {  	s20 =	smov.u32 s18;
	s17 =	smov.u32 s19;
	p0 =	sne.s32 s18, $0x180  }
.Ltmp5:
0x33: {  	s18 =	sadd.s32 $0x10, s18;
	(pc) =	sbr.rel @p0 .LBB2_8-.Ltmp5, $2  }
0x34: {  	_ =	sdelay $0x2  }
0x35: {  	s19 =	sadd.s32 $0x100, s19;
	s20 =	sadd.s32 s20, s6  }
0x36: {  	[tilespmem:s17], [sflag:$0x2] =	stream.linear.gather [hbm4b:s20+s2], $0x80, $0x38;
	[tilespmem:$0x16E00] =	vst v63  }
0x37: {  	s17 =	simm.s32 $0x0;
	s18 =	simm.s32 $0x15580  }
0x38: {  	s19 =	simm.s32 $0x10;
	s21 =	sadd.s32 $0x0, s7;
	s20 =	simm.s32 $0x15680  }
.LBB2_10:
0x39: {  	[tilespmem:s18], [sflag:$0x4] =	stream.linear.gather [hbm4b:s21+s17], $0x80, $0x38;
	[tilespmem:$0x16E00] =	vst v63  }
0x3a: {  	s21 =	smov.u32 s19;
	s18 =	smov.u32 s20;
	p0 =	sne.s32 s19, $0x180  }
.Ltmp6:
0x3b: {  	s19 =	sadd.s32 $0x10, s19;
	(pc) =	sbr.rel @p0 .LBB2_10-.Ltmp6, $2  }
0x3c: {  	_ =	sdelay $0x2  }
0x3d: {  	s20 =	sadd.s32 $0x100, s20;
	s21 =	sadd.s32 s21, s7  }
0x3e: {  	[tilespmem:s18], [sflag:$0x4] =	stream.linear.gather [hbm4b:s21+s17], $0x80, $0x38;
	[tilespmem:$0x16E00] =	vst v63  }
.LBB2_12:
0x3f: {  	_ =	swait.ge [sflag:s11], $0xC80  }
0x40: {  	[sflag:s11] =	ssyncset.done $0x0  }
0x41: {  	[sflag:s11] =	ssyncadd.s32 $0xFFFFF380  }
0x42: {  	_ =	swait.ge [sflag:s12], $0xC80  }
0x43: {  	[sflag:s12] =	ssyncset.done $0x0  }
0x44: {  	s18 =	simm.s32 $0x13C40;
	[sflag:s12] =	ssyncadd.s32 $0xFFFFF380  }
0x45: {  	v1 =	vld [tilespmem:s18+$0x30]  }
0x46: {  	v5 =	vld [tilespmem:s18+$0xFFFFFFD0]  }
0x47: {  	v16 =	vld [tilespmem:s18+$0xFFFFFFF0]  }
0x48: {  	v17 =	vld [tilespmem:s18+$0x0]  }
0x49: {  	v18 =	vld [tilespmem:s18+$0x10]  }
0x4a: {  	v20 =	vld [tilespmem:s18+$0x20]  }
0x4b: {  	v22 =	vld [tilespmem:s18+$0xFFFFFFC0]  }
0x4c: {  	v15 =	vld [tilespmem:s18+$0xFFFFFFE0];
	_ =	sdelay $0x1  }
0x4d: {  	v2 =	vshra.s32 v1, $0xE;
	v21 =	vshll.u32 v5, $0x2;
	v9 =	vshra.s32 v16, $0xE  }
0x4e: {  	v10 =	vshra.s32 v17, $0xE;
	v12 =	vshra.s32 v18, $0xE;
	v25 =	vshra.s32 v20, $0xE  }
0x4f: {  	v8 =	vshll.u32 v1, $0x2;
	v14 =	vshra.s32 v22, $0xE;
	v1 =	vand.u32 $0x7F, v1  }
0x50: {  	v53 =	vshll.u32 v15, $0x2;
	v56 =	vshll.u32 v17, $0x2;
	v17 =	vand.u32 $0x7F, v17  }
0x51: {  	v3 =	vshll.u32 v2, $0x2;
	v2 =	vand.u32 $0x7F, v2;
	v7 =	vshll.u32 v9, $0x2  }
0x52: {  	v11 =	vshll.u32 v10, $0x2;
	v8 =	vand.u32 $0xFE00, v8;
	v28 =	vshll.u32 v14, $0x2  }
0x53: {  	v14 =	vand.u32 $0x7F, v14;
	v30 =	vshll.u32 v25, $0x2;
	v47 =	vand.u32 $0x7F, v9  }
0x54: {  	v48 =	vand.u32 $0x7F, v10;
	v21 =	vand.u32 $0xFE00, v21;
	v3 =	vand.u32 $0xFFFFFE00, v3  }
0x55: {  	s18 =	simm.s32 $0x15540;
	v27 =	vand.u32 $0xFFFFFE00, v7;
	v29 =	vor.u32 v1, v8;
	v8 =	vand.u32 $0xFFFFFE00, v28  }
0x56: {  	v26 =	vld [tilespmem:s18+$0x30];
	v11 =	vand.u32 $0xFFFFFE00, v11;
	v49 =	vand.u32 $0xFFFFFE00, v30;
	v30 =	vand.u32 $0xFE00, v53  }
0x57: {  	v7 =	vld [tilespmem:s18+$0xFFFFFFD0];
	v19 =	vor.u32 v2, v3;
	v2 =	vshra.s32 v5, $0xE;
	v3 =	vshra.s32 v15, $0xE  }
0x58: {  	v1 =	vld [tilespmem:s18+$0xFFFFFFE0];
	v14 =	vor.u32 v14, v8;
	v10 =	vor.u32 v47, v27;
	v11 =	vor.u32 v48, v11  }
0x59: {  	v5 =	vand.u32 $0x7F, v5;
	v4 =	vshll.u32 v2, $0x2;
	v31 =	vand.u32 $0x7F, v2;
	v2 =	vld [tilespmem:s18+$0xFFFFFFF0]  }
0x5a: {  	v15 =	vand.u32 $0x7F, v15;
	v6 =	vshll.u32 v3, $0x2;
	v32 =	vand.u32 $0x7F, v3;
	v3 =	vld [tilespmem:s18+$0x0]  }
0x5b: {  	v21 =	vor.u32 v5, v21;
	v5 =	vand.u32 $0xFE00, v56;
	v13 =	vand.u32 $0xFFFFFE00, v6;
	v6 =	vld [tilespmem:s18+$0xFFFFFFC0]  }
0x5c: {  	v15 =	vor.u32 v15, v30;
	v4 =	vand.u32 $0xFFFFFE00, v4;
	v30 =	vor.u32 v17, v5;
	v5 =	vld [tilespmem:s18+$0x20]  }
0x5d: {  	v24 =	vshll.u32 v12, $0x2;
	v8 =	vor.u32 v31, v4;
	v4 =	vld [tilespmem:s18+$0x10]  }
0x5e: {  	v12 =	vand.u32 $0x7F, v12;
	v9 =	vor.u32 v32, v13;
	v13 =	vand.u32 $0xFFFFFE00, v24;
	v23 =	vld.idx.msk [tilespmem:v19+s2+$0x0], $0xffff  }
0x5f: {  	v12 =	vor.u32 v12, v13;
	v52 =	vld.idx.msk [tilespmem:v14+s2+$0x0], $0xffff  }
0x60: {  	v35 =	vld.idx.msk [tilespmem:v10+s2+$0x0], $0xffff  }
0x61: {  	v51 =	vshll.u32 v22, $0x2;
	v25 =	vand.u32 $0x7F, v25;
	v46 =	vor.u32 $0x80, v19;
	v38 =	vld.idx.msk [tilespmem:v11+s2+$0x0], $0xffff  }
0x62: {  	v22 =	vand.u32 $0x7F, v22;
	v27 =	vand.u32 $0xFE00, v51;
	v13 =	vor.u32 v25, v49;
	v55 =	vld.idx.msk [tilespmem:v8+s2+$0x0], $0xffff  }
0x63: {  	v37 =	vshll.u32 v20, $0x2;
	v22 =	vor.u32 v22, v27;
	v33 =	vld.idx.msk [tilespmem:v9+s2+$0x0], $0xffff;
	v23 =	vmul.f32 v23, v26  }
0x64: {  	v20 =	vand.u32 $0x7F, v20;
	v17 =	vand.u32 $0xFE00, v37;
	v39 =	vld.idx.msk [tilespmem:v12+s2+$0x0], $0xffff  }
0x65: {  	v20 =	vor.u32 v20, v17;
	v17 =	vor.u32 $0x80, v14;
	[tilespmem:v29+s13+$0x0] =	vst.idx.add.f32.msk $0xffff, v23  }
0x66: {  	v37 =	vor.u32 $0x80, v11;
	v59 =	vmul.f32 v52, v6;
	v50 =	vld.idx.msk [tilespmem:v46+s2+$0x0], $0xffff  }
0x67: {  	v58 =	vld.idx.msk [tilespmem:v13+s2+$0x0], $0xffff;
	v28 =	vmul.f32 v38, v3  }
0x68: {  	v34 =	vor.u32 $0x80, v29;
	[tilespmem:v22+s13+$0x0] =	vst.idx.add.f32.msk $0xffff, v59  }
0x69: {  	v36 =	vor.u32 $0x100, v19;
	[tilespmem:v30+s13+$0x0] =	vst.idx.add.f32.msk $0xffff, v28  }
0x6a: {  	v25 =	vmul.f32 v55, v7;
	v17 =	vld.idx.msk [tilespmem:v17+s2+$0x0], $0xffff  }
0x6b: {  	v54 =	vshll.u32 v16, $0x2;
	v28 =	vld.idx.msk [tilespmem:v37+s2+$0x0], $0xffff;
	v24 =	vmul.f32 v50, v26  }
0x6c: {  	v16 =	vand.u32 $0x7F, v16;
	v40 =	vor.u32 $0x80, v13;
	v23 =	vand.u32 $0xFE00, v54;
	[tilespmem:v21+s13+$0x0] =	vst.idx.add.f32.msk $0xffff, v25  }
0x6d: {  	v23 =	vor.u32 v16, v23;
	v61 =	vmul.f32 v33, v1;
	[tilespmem:v34+s13+$0x0] =	vst.idx.add.f32.msk $0xffff, v24  }
0x6e: {  	v63 =	vmul.f32 v35, v2;
	v33 =	vor.u32 $0x80, v8;
	v35 =	vmul.f32 v58, v5;
	v16 =	vld.idx.msk [tilespmem:v36+s2+$0x0], $0xffff  }
0x6f: {  	v41 =	vor.u32 $0x80, v22;
	[tilespmem:v15+s13+$0x0] =	vst.idx.add.f32.msk $0xffff, v61  }
0x70: {  	v62 =	vor.u32 $0x100, v29;
	[tilespmem:v20+s13+$0x0] =	vst.idx.add.f32.msk $0xffff, v35  }
0x71: {  	v57 =	vshll.u32 v18, $0x2;
	v18 =	vand.u32 $0x7F, v18;
	v19 =	vor.u32 $0x180, v19;
	v31 =	vld.idx.msk [tilespmem:v40+s2+$0x0], $0xffff  }
0x72: {  	v60 =	vand.u32 $0xFE00, v57;
	v46 =	vor.u32 $0x100, v14;
	[tilespmem:v23+s13+$0x0] =	vst.idx.add.f32.msk $0xffff, v63;
	v17 =	vmul.f32 v17, v6  }
0x73: {  	v18 =	vor.u32 v18, v60;
	v25 =	vld.idx.msk [tilespmem:v33+s2+$0x0], $0xffff;
	v16 =	vmul.f32 v16, v26  }
0x74: {  	v48 =	vor.u32 $0x80, v20;
	[tilespmem:v41+s13+$0x0] =	vst.idx.add.f32.msk $0xffff, v17  }
0x75: {  	[tilespmem:v62+s13+$0x0] =	vst.idx.add.f32.msk $0xffff, v16;
	v16 =	vor.u32 $0x80, v9  }
0x76: {  	v34 =	vmul.f32 v39, v4;
	v36 =	vor.u32 $0x80, v10;
	v19 =	vld.idx.msk [tilespmem:v19+s2+$0x0], $0xffff  }
0x77: {  	v42 =	vor.u32 $0x80, v21;
	v51 =	vld.idx.msk [tilespmem:v46+s2+$0x0], $0xffff;
	v52 =	vmul.f32 v31, v5  }
0x78: {  	v38 =	vor.u32 $0x180, v29;
	[tilespmem:v18+s13+$0x0] =	vst.idx.add.f32.msk $0xffff, v34  }
0x79: {  	v49 =	vor.u32 $0x100, v8;
	[tilespmem:v48+s13+$0x0] =	vst.idx.add.f32.msk $0xffff, v52  }
0x7a: {  	v39 =	vor.u32 $0x80, v12;
	v25 =	vmul.f32 v25, v7;
	v16 =	vld.idx.msk [tilespmem:v16+s2+$0x0], $0xffff  }
0x7b: {  	v55 =	vor.u32 $0x100, v22;
	v27 =	vld.idx.msk [tilespmem:v36+s2+$0x0], $0xffff;
	v19 =	vmul.f32 v19, v26  }
0x7c: {  	v43 =	vor.u32 $0x80, v15;
	[tilespmem:v42+s13+$0x0] =	vst.idx.add.f32.msk $0xffff, v25  }
0x7d: {  	[tilespmem:v38+s13+$0x0] =	vst.idx.add.f32.msk $0xffff, v19;
	v19 =	vor.u32 $0x80, v23  }
0x7e: {  	v14 =	vor.u32 $0x180, v14;
	v54 =	vld.idx.msk [tilespmem:v49+s2+$0x0], $0xffff;
	v25 =	vmul.f32 v51, v6  }
0x7f: {  	v45 =	vor.u32 $0x80, v30;
	v44 =	vld.idx.msk [tilespmem:v39+s2+$0x0], $0xffff;
	v16 =	vmul.f32 v16, v1  }
0x80: {  	v56 =	vor.u32 $0x100, v21;
	[tilespmem:v55+s13+$0x0] =	vst.idx.add.f32.msk $0xffff, v25;
	v47 =	vmul.f32 v27, v2  }
0x81: {  	v17 =	vor.u32 $0x80, v18;
	[tilespmem:v43+s13+$0x0] =	vst.idx.add.f32.msk $0xffff, v16  }
0x82: {  	v16 =	vmul.f32 v28, v3;
	[tilespmem:v19+s13+$0x0] =	vst.idx.add.f32.msk $0xffff, v47;
	v19 =	vor.u32 $0x100, v9  }
0x83: {  	v50 =	vor.u32 $0x100, v10;
	v60 =	vmul.f32 v54, v7;
	v27 =	vld.idx.msk [tilespmem:v14+s2+$0x0], $0xffff  }
0x84: {  	v53 =	vor.u32 $0x100, v11;
	[tilespmem:v45+s13+$0x0] =	vst.idx.add.f32.msk $0xffff, v16;
	v16 =	vmul.f32 v44, v4  }
0x85: {  	v8 =	vor.u32 $0x180, v8;
	[tilespmem:v56+s13+$0x0] =	vst.idx.add.f32.msk $0xffff, v60  }
0x86: {  	[tilespmem:v17+s13+$0x0] =	vst.idx.add.f32.msk $0xffff, v16;
	v17 =	vor.u32 $0x100, v13  }
0x87: {  	v16 =	vor.u32 $0x100, v12;
	v19 =	vld.idx.msk [tilespmem:v19+s2+$0x0], $0xffff  }
0x88: {  	v22 =	vor.u32 $0x180, v22;
	v24 =	vld.idx.msk [tilespmem:v50+s2+$0x0], $0xffff  }
0x89: {  	v57 =	vor.u32 $0x100, v15;
	v29 =	vld.idx.msk [tilespmem:v53+s2+$0x0], $0xffff  }
0x8a: {  	v58 =	vor.u32 $0x100, v23;
	v62 =	vld.idx.msk [tilespmem:v8+s2+$0x0], $0xffff  }
0x8b: {  	v59 =	vor.u32 $0x100, v30;
	v63 =	vmul.f32 v27, v6;
	v17 =	vld.idx.msk [tilespmem:v17+s2+$0x0], $0xffff  }
0x8c: {  	v9 =	vor.u32 $0x180, v9;
	v16 =	vld.idx.msk [tilespmem:v16+s2+$0x0], $0xffff;
	v14 =	vmul.f32 v19, v1  }
0x8d: {  	[tilespmem:v22+s13+$0x0] =	vst.idx.add.f32.msk $0xffff, v63;
	v24 =	vmul.f32 v24, v2;
	v19 =	vor.u32 $0x100, v20  }
0x8e: {  	v61 =	vor.u32 $0x100, v18;
	[tilespmem:v57+s13+$0x0] =	vst.idx.add.f32.msk $0xffff, v14;
	v14 =	vmul.f32 v29, v3  }
0x8f: {  	v10 =	vor.u32 $0x180, v10;
	[tilespmem:v58+s13+$0x0] =	vst.idx.add.f32.msk $0xffff, v24  }
0x90: {  	v11 =	vor.u32 $0x180, v11;
	[tilespmem:v59+s13+$0x0] =	vst.idx.add.f32.msk $0xffff, v14;
	v14 =	vmul.f32 v17, v5  }
0x91: {  	v12 =	vor.u32 $0x180, v12;
	v16 =	vmul.f32 v16, v4;
	v17 =	vld.idx.msk [tilespmem:v9+s2+$0x0], $0xffff  }
0x92: {  	[tilespmem:v19+s13+$0x0] =	vst.idx.add.f32.msk $0xffff, v14;
	v19 =	vor.u32 $0x180, v13  }
0x93: {  	[tilespmem:v61+s13+$0x0] =	vst.idx.add.f32.msk $0xffff, v16  }
0x94: {  	v16 =	vld.idx.msk [tilespmem:v10+s2+$0x0], $0xffff  }
0x95: {  	v6 =	vor.u32 $0x180, v20;
	v8 =	vld.idx.msk [tilespmem:v11+s2+$0x0], $0xffff  }
0x96: {  	v7 =	vmul.f32 v62, v7;
	v9 =	vor.u32 $0x180, v18;
	v11 =	vor.u32 $0x180, v23;
	v12 =	vld.idx.msk [tilespmem:v12+s2+$0x0], $0xffff  }
0x97: {  	s19 =	simm.s32 $0x0;
	s20 =	simm.s32 $0x13D40;
	v10 =	vor.u32 $0x180, v30;
	v14 =	vor.u32 $0x180, v21;
	v13 =	vor.u32 $0x180, v15;
	v15 =	vld.idx.msk [tilespmem:v19+s2+$0x0], $0xffff  }
.LBB2_13:
0x98: {  	v18 =	vld [tilespmem:s20+$0x30];
	s19 =	sadd.s32 $0x8, s19;
	v1 =	vmul.f32 v17, v1  }
0x99: {  	v2 =	vmul.f32 v16, v2;
	v17 =	vld [tilespmem:s20+$0xFFFFFFD0];
	p0 =	slt.u32 s19, $0xC0  }
0x9a: {  	v3 =	vmul.f32 v8, v3;
	v16 =	vld [tilespmem:s20+$0xFFFFFFE0]  }
0x9b: {  	v4 =	vmul.f32 v12, v4;
	v19 =	vld [tilespmem:s20+$0xFFFFFFF0]  }
0x9c: {  	v12 =	vmul.f32 v15, v5;
	v20 =	vld [tilespmem:s20+$0x0]  }
0x9d: {  	v5 =	vld [tilespmem:s20+$0x10];
	v8 =	vshra.s32 v18, $0xE  }
0x9e: {  	v21 =	vshra.s32 v17, $0xE;
	v22 =	vshll.u32 v17, $0x2;
	v23 =	vld [tilespmem:s20+$0x20];
	v15 =	vshll.u32 v8, $0x2  }
0x9f: {  	v8 =	vand.u32 $0x7F, v8;
	v24 =	vld [tilespmem:s20+$0xFFFFFFC0];
	v25 =	vshra.s32 v16, $0xE;
	v15 =	vand.u32 $0xFFFFFE00, v15  }
0xa0: {  	v26 =	vshll.u32 v21, $0x2;
	v27 =	vshra.s32 v19, $0xE;
	v15 =	vor.u32 v8, v15;
	[tilespmem:v14+s13+$0x0] =	vst.idx.add.f32.msk $0xffff, v7  }
0xa1: {  	v7 =	vshll.u32 v25, $0x2;
	v8 =	vshll.u32 v27, $0x2;
	v14 =	vshra.s32 v20, $0xE;
	[tilespmem:v13+s13+$0x0] =	vst.idx.add.f32.msk $0xffff, v1  }
0xa2: {  	v13 =	vand.u32 $0xFFFFFE00, v26;
	v1 =	vshll.u32 v14, $0x2;
	v26 =	vshra.s32 v5, $0xE;
	[tilespmem:v11+s13+$0x0] =	vst.idx.add.f32.msk $0xffff, v2  }
0xa3: {  	v28 =	vand.u32 $0xFFFFFE00, v7;
	v2 =	vshll.u32 v26, $0x2;
	v29 =	vshra.s32 v23, $0xE;
	[tilespmem:v10+s13+$0x0] =	vst.idx.add.f32.msk $0xffff, v3  }
0xa4: {  	v30 =	vand.u32 $0xFFFFFE00, v8;
	v3 =	vshra.s32 v24, $0xE;
	v7 =	vshll.u32 v29, $0x2;
	[tilespmem:v9+s13+$0x0] =	vst.idx.add.f32.msk $0xffff, v4  }
0xa5: {  	s18 =	sadd.s32 $0x100, s18;
	v31 =	vand.u32 $0xFFFFFE00, v1;
	v32 =	vand.u32 $0xFFFFFE00, v2;
	v4 =	vshll.u32 v3, $0x2;
	v33 =	vld.idx.msk [tilespmem:v15+s2+$0x0], $0xffff  }
0xa6: {  	v1 =	vshll.u32 v18, $0x2;
	v34 =	vand.u32 $0xFFFFFE00, v7;
	v2 =	vand.u32 $0xFFFFFE00, v4;
	v9 =	vld [tilespmem:s18+$0x30]  }
0xa7: {  	v1 =	vand.u32 $0xFE00, v1;
	v3 =	vand.u32 $0x7F, v3;
	v4 =	vand.u32 $0x7F, v18;
	v8 =	vld [tilespmem:s18+$0xFFFFFFC0]  }
0xa8: {  	v18 =	vand.u32 $0x7F, v21;
	v21 =	vand.u32 $0x7F, v25;
	v10 =	vor.u32 v4, v1;
	v7 =	vld [tilespmem:s18+$0xFFFFFFD0]  }
0xa9: {  	v14 =	vand.u32 $0x7F, v14;
	v25 =	vor.u32 $0x80, v15;
	v4 =	vand.u32 $0x7F, v27;
	v1 =	vld [tilespmem:s18+$0xFFFFFFE0]  }
0xaa: {  	v26 =	vand.u32 $0x7F, v26;
	v11 =	vor.u32 v3, v2;
	v27 =	vand.u32 $0x7F, v29;
	v2 =	vld [tilespmem:s18+$0xFFFFFFF0]  }
0xab: {  	v18 =	vor.u32 v18, v13;
	v13 =	vor.u32 v21, v28;
	v3 =	vld [tilespmem:s18+$0x0];
	v21 =	vmul.f32 v33, v9  }
0xac: {  	v14 =	vor.u32 v14, v31;
	v26 =	vor.u32 v26, v32;
	v28 =	vor.u32 v4, v30;
	v4 =	vld [tilespmem:s18+$0x10]  }
0xad: {  	v29 =	vshll.u32 v24, $0x2;
	v30 =	vshll.u32 v16, $0x2;
	v27 =	vor.u32 v27, v34;
	[tilespmem:v10+s13+$0x0] =	vst.idx.add.f32.msk $0xffff, v21  }
0xae: {  	v31 =	vshll.u32 v20, $0x2;
	v32 =	vshll.u32 v5, $0x2;
	v21 =	vshll.u32 v19, $0x2;
	v25 =	vld.idx.msk [tilespmem:v25+s2+$0x0], $0xffff  }
0xaf: {  	v22 =	vand.u32 $0xFE00, v22;
	v29 =	vand.u32 $0xFE00, v29;
	v34 =	vshll.u32 v23, $0x2;
	v33 =	vld.idx.msk [tilespmem:v11+s2+$0x0], $0xffff  }
0xb0: {  	v31 =	vand.u32 $0xFE00, v31;
	v30 =	vand.u32 $0xFE00, v30;
	v21 =	vand.u32 $0xFE00, v21;
	v35 =	vld.idx.msk [tilespmem:v18+s2+$0x0], $0xffff  }
0xb1: {  	v32 =	vand.u32 $0xFE00, v32;
	v37 =	vor.u32 $0x80, v10;
	v34 =	vand.u32 $0xFE00, v34;
	v36 =	vld.idx.msk [tilespmem:v13+s2+$0x0], $0xffff  }
0xb2: {  	v17 =	vand.u32 $0x7F, v17;
	v39 =	vor.u32 $0x100, v15;
	v24 =	vand.u32 $0x7F, v24;
	v38 =	vld.idx.msk [tilespmem:v28+s2+$0x0], $0xffff  }
0xb3: {  	v20 =	vand.u32 $0x7F, v20;
	v16 =	vand.u32 $0x7F, v16;
	v19 =	vand.u32 $0x7F, v19;
	v40 =	vld.idx.msk [tilespmem:v14+s2+$0x0], $0xffff  }
0xb4: {  	v5 =	vand.u32 $0x7F, v5;
	v23 =	vand.u32 $0x7F, v23;
	v25 =	vmul.f32 v25, v9;
	v41 =	vld.idx.msk [tilespmem:v26+s2+$0x0], $0xffff  }
0xb5: {  	v17 =	vor.u32 v17, v22;
	v24 =	vor.u32 v24, v29;
	v33 =	vmul.f32 v33, v8;
	v22 =	vld.idx.msk [tilespmem:v27+s2+$0x0], $0xffff  }
0xb6: {  	v29 =	vor.u32 $0x80, v11;
	v16 =	vor.u32 v16, v30;
	v35 =	vmul.f32 v35, v7;
	[tilespmem:v37+s13+$0x0] =	vst.idx.add.f32.msk $0xffff, v25  }
0xb7: {  	v20 =	vor.u32 v20, v31;
	v19 =	vor.u32 v19, v21;
	v25 =	vmul.f32 v36, v1;
	v21 =	vld.idx.msk [tilespmem:v39+s2+$0x0], $0xffff  }
0xb8: {  	v31 =	vor.u32 v5, v32;
	v23 =	vor.u32 v23, v34;
	v30 =	vmul.f32 v38, v2;
	v5 =	vld [tilespmem:s18+$0x20]  }
0xb9: {  	v32 =	vor.u32 $0x80, v18;
	v34 =	vor.u32 $0x80, v13;
	v36 =	vmul.f32 v40, v3;
	[tilespmem:v6+s13+$0x0] =	vst.idx.add.f32.msk $0xffff, v12  }
0xba: {  	v6 =	vor.u32 $0x80, v28;
	v12 =	vmul.f32 v41, v4;
	[tilespmem:v24+s13+$0x0] =	vst.idx.add.f32.msk $0xffff, v33;
	v33 =	vor.u32 $0x100, v10  }
0xbb: {  	v15 =	vor.u32 $0x180, v15;
	v37 =	vor.u32 $0x80, v26;
	[tilespmem:v17+s13+$0x0] =	vst.idx.add.f32.msk $0xffff, v35;
	v35 =	vor.u32 $0x80, v14  }
0xbc: {  	v38 =	vor.u32 $0x80, v24;
	v39 =	vor.u32 $0x80, v17;
	[tilespmem:v16+s13+$0x0] =	vst.idx.add.f32.msk $0xffff, v25;
	v25 =	vor.u32 $0x80, v27  }
0xbd: {  	v40 =	vor.u32 $0x80, v16;
	v21 =	vmul.f32 v21, v9;
	[tilespmem:v19+s13+$0x0] =	vst.idx.add.f32.msk $0xffff, v30;
	v22 =	vmul.f32 v22, v5  }
0xbe: {  	v41 =	vor.u32 $0x80, v31;
	v30 =	vor.u32 $0x80, v19;
	[tilespmem:v20+s13+$0x0] =	vst.idx.add.f32.msk $0xffff, v36;
	v36 =	vor.u32 $0x80, v20  }
0xbf: {  	v42 =	vor.u32 $0x100, v11;
	v43 =	vor.u32 $0x100, v18;
	v44 =	vor.u32 $0x80, v23;
	[tilespmem:v33+s13+$0x0] =	vst.idx.add.f32.msk $0xffff, v21  }
0xc0: {  	v45 =	vor.u32 $0x100, v14;
	v21 =	vor.u32 $0x100, v13;
	v33 =	vor.u32 $0x100, v28;
	v15 =	vld.idx.msk [tilespmem:v15+s2+$0x0], $0xffff  }
0xc1: {  	v47 =	vor.u32 $0x100, v27;
	v46 =	vor.u32 $0x100, v24;
	[tilespmem:v31+s13+$0x0] =	vst.idx.add.f32.msk $0xffff, v12;
	v12 =	vor.u32 $0x100, v26  }
0xc2: {  	v48 =	vor.u32 $0x100, v17;
	v49 =	vor.u32 $0x100, v16;
	v50 =	vor.u32 $0x100, v19;
	[tilespmem:v23+s13+$0x0] =	vst.idx.add.f32.msk $0xffff, v22  }
0xc3: {  	v51 =	vor.u32 $0x100, v31;
	v52 =	vor.u32 $0x180, v10;
	v22 =	vld.idx.msk [tilespmem:v29+s2+$0x0], $0xffff;
	v29 =	vor.u32 $0x100, v20  }
0xc4: {  	v53 =	vor.u32 $0x180, v11;
	v54 =	vor.u32 $0x100, v23;
	v18 =	vor.u32 $0x180, v18;
	v32 =	vld.idx.msk [tilespmem:v32+s2+$0x0], $0xffff  }
0xc5: {  	v56 =	vor.u32 $0x180, v14;
	v55 =	vor.u32 $0x180, v13;
	v28 =	vor.u32 $0x180, v28;
	v34 =	vld.idx.msk [tilespmem:v34+s2+$0x0], $0xffff  }
0xc6: {  	v27 =	vor.u32 $0x180, v27;
	v26 =	vor.u32 $0x180, v26;
	v57 =	vld.idx.msk [tilespmem:v6+s2+$0x0], $0xffff;
	v6 =	vmul.f32 v15, v9  }
0xc7: {  	v24 =	vor.u32 $0x180, v24;
	v14 =	vor.u32 $0x180, v17;
	v13 =	vor.u32 $0x180, v16;
	v15 =	vld.idx.msk [tilespmem:v35+s2+$0x0], $0xffff  }
0xc8: {  	v11 =	vor.u32 $0x180, v19;
	v10 =	vor.u32 $0x180, v20;
	v9 =	vor.u32 $0x180, v31;
	[tilespmem:v52+s13+$0x0] =	vst.idx.add.f32.msk $0xffff, v6  }
0xc9: {  	v16 =	vmul.f32 v22, v8;
	v6 =	vor.u32 $0x180, v23;
	v17 =	vld.idx.msk [tilespmem:v37+s2+$0x0], $0xffff  }
0xca: {  	v19 =	vmul.f32 v32, v7;
	v20 =	vld.idx.msk [tilespmem:v25+s2+$0x0], $0xffff  }
0xcb: {  	[tilespmem:v38+s13+$0x0] =	vst.idx.add.f32.msk $0xffff, v16;
	v16 =	vmul.f32 v34, v1  }
0xcc: {  	[tilespmem:v39+s13+$0x0] =	vst.idx.add.f32.msk $0xffff, v19;
	v19 =	vmul.f32 v57, v2  }
0xcd: {  	v15 =	vmul.f32 v15, v3;
	[tilespmem:v40+s13+$0x0] =	vst.idx.add.f32.msk $0xffff, v16  }
0xce: {  	[tilespmem:v30+s13+$0x0] =	vst.idx.add.f32.msk $0xffff, v19  }
0xcf: {  	[tilespmem:v36+s13+$0x0] =	vst.idx.add.f32.msk $0xffff, v15;
	v15 =	vmul.f32 v17, v4  }
0xd0: {  	v17 =	vmul.f32 v20, v5;
	v16 =	vld.idx.msk [tilespmem:v42+s2+$0x0], $0xffff  }
0xd1: {  	[tilespmem:v41+s13+$0x0] =	vst.idx.add.f32.msk $0xffff, v15  }
0xd2: {  	[tilespmem:v44+s13+$0x0] =	vst.idx.add.f32.msk $0xffff, v17  }
0xd3: {  	v15 =	vld.idx.msk [tilespmem:v43+s2+$0x0], $0xffff  }
0xd4: {  	v17 =	vld.idx.msk [tilespmem:v21+s2+$0x0], $0xffff  }
0xd5: {  	v19 =	vld.idx.msk [tilespmem:v33+s2+$0x0], $0xffff  }
0xd6: {  	v16 =	vmul.f32 v16, v8;
	v20 =	vld.idx.msk [tilespmem:v45+s2+$0x0], $0xffff  }
0xd7: {  	v12 =	vld.idx.msk [tilespmem:v12+s2+$0x0], $0xffff  }
0xd8: {  	v21 =	vld.idx.msk [tilespmem:v47+s2+$0x0], $0xffff  }
0xd9: {  	v15 =	vmul.f32 v15, v7;
	[tilespmem:v46+s13+$0x0] =	vst.idx.add.f32.msk $0xffff, v16  }
0xda: {  	v17 =	vmul.f32 v17, v1;
	v16 =	vld.idx.msk [tilespmem:v53+s2+$0x0], $0xffff  }
0xdb: {  	[tilespmem:v48+s13+$0x0] =	vst.idx.add.f32.msk $0xffff, v15;
	v15 =	vmul.f32 v19, v2  }
0xdc: {  	[tilespmem:v49+s13+$0x0] =	vst.idx.add.f32.msk $0xffff, v17;
	v17 =	vmul.f32 v20, v3  }
0xdd: {  	v12 =	vmul.f32 v12, v4;
	[tilespmem:v50+s13+$0x0] =	vst.idx.add.f32.msk $0xffff, v15  }
0xde: {  	v15 =	vmul.f32 v21, v5;
	[tilespmem:v29+s13+$0x0] =	vst.idx.add.f32.msk $0xffff, v17  }
0xdf: {  	[tilespmem:v51+s13+$0x0] =	vst.idx.add.f32.msk $0xffff, v12  }
0xe0: {  	v19 =	vmul.f32 v16, v8;
	[tilespmem:v54+s13+$0x0] =	vst.idx.add.f32.msk $0xffff, v15  }
0xe1: {  	v18 =	vld.idx.msk [tilespmem:v18+s2+$0x0], $0xffff  }
0xe2: {  	v17 =	vld.idx.msk [tilespmem:v55+s2+$0x0], $0xffff  }
.Ltmp7:
0xe3: {  	v16 =	vld.idx.msk [tilespmem:v28+s2+$0x0], $0xffff;
	(pc) =	sbr.rel @p0 .LBB2_13-.Ltmp7, $4  }
0xe4: {  	v8 =	vld.idx.msk [tilespmem:v56+s2+$0x0], $0xffff  }
0xe5: {  	v12 =	vld.idx.msk [tilespmem:v26+s2+$0x0], $0xffff  }
0xe6: {  	v15 =	vld.idx.msk [tilespmem:v27+s2+$0x0], $0xffff  }
0xe7: {  	s20 =	sadd.s32 $0x100, s20;
	v7 =	vmul.f32 v18, v7;
	[tilespmem:v24+s13+$0x0] =	vst.idx.add.f32.msk $0xffff, v19  }
0xe8: {  	_ =	sdelay $0x2  }
0xe9: {  	v1 =	vmul.f32 v17, v1  }
0xea: {  	v2 =	vmul.f32 v16, v2;
	p0 =	seq.s32 s17, $0x31;
	[tilespmem:v14+s13+$0x0] =	vst.idx.add.f32.msk $0xffff, v7  }
.Ltmp8:
0xeb: {  	v3 =	vmul.f32 v8, v3;
	[tilespmem:v13+s13+$0x0] =	vst.idx.add.f32.msk $0xffff, v1;
	(pc) =	sbr.rel @p0 .LBB2_20-.Ltmp8, $4  }
0xec: {  	v1 =	vmul.f32 v12, v4;
	[tilespmem:v11+s13+$0x0] =	vst.idx.add.f32.msk $0xffff, v2  }
0xed: {  	v2 =	vmul.f32 v15, v5;
	[tilespmem:v10+s13+$0x0] =	vst.idx.add.f32.msk $0xffff, v3  }
0xee: {  	[tilespmem:v9+s13+$0x0] =	vst.idx.add.f32.msk $0xffff, v1  }
0xef: {  	[tilespmem:v6+s13+$0x0] =	vst.idx.add.f32.msk $0xffff, v2  }
0xf0: {  	s18 =	smul.u32 $0x1900, s17;
	_ =	sdelay $0x1  }
0xf1: {  	s18 =	sshrl.u32 s18, $0x3  }
0xf2: {  	s18 =	sadd.s32 $0x320, s18  }
0xf3: {  	s20 =	simm.s32 $0x13C00;
	s19 =	sadd.s32 s3, s18  }
0xf4: {  	s21 =	simm.s32 $0x10;
	s22 =	simm.s32 $0x13D00;
	s23 =	sadd.s32 $0x0, s19  }
.LBB2_16:
0xf5: {  	[tilespmem:s20], [sflag:$0x1] =	stream.linear.gather [hbm4b:s23+s2], $0x80, $0x38;
	[tilespmem:$0x16E00] =	vst v63  }
0xf6: {  	s23 =	smov.u32 s21;
	s20 =	smov.u32 s22;
	p1 =	sne.s32 s21, $0x180  }
.Ltmp9:
0xf7: {  	s21 =	sadd.s32 $0x10, s21;
	(pc) =	sbr.rel @p1 .LBB2_16-.Ltmp9, $2  }
0xf8: {  	_ =	sdelay $0x2  }
0xf9: {  	s22 =	sadd.s32 $0x100, s22;
	s23 =	sadd.s32 s23, s19  }
0xfa: {  	[tilespmem:s20], [sflag:$0x1] =	stream.linear.gather [hbm4b:s23+s2], $0x80, $0x38;
	[tilespmem:$0x16E00] =	vst v63  }
0xfb: {  	s18 =	sadd.s32 s4, s18;
	s19 =	simm.s32 $0x15500  }
0xfc: {  	s20 =	simm.s32 $0x10;
	s21 =	simm.s32 $0x15600;
	s22 =	sadd.s32 $0x0, s18  }
.LBB2_18:
0xfd: {  	[tilespmem:s19], [sflag:$0x3] =	stream.linear.gather [hbm4b:s22+s2], $0x80, $0x38;
	[tilespmem:$0x16E00] =	vst v63  }
0xfe: {  	s22 =	smov.u32 s20;
	s19 =	smov.u32 s21;
	p1 =	sne.s32 s20, $0x180  }
.Ltmp10:
0xff: {  	s20 =	sadd.s32 $0x10, s20;
	(pc) =	sbr.rel @p1 .LBB2_18-.Ltmp10, $2  }
0x100: {  	_ =	sdelay $0x2  }
0x101: {  	s21 =	sadd.s32 $0x100, s21;
	s22 =	sadd.s32 s22, s18  }
0x102: {  	[tilespmem:s19], [sflag:$0x3] =	stream.linear.gather [hbm4b:s22+s2], $0x80, $0x38;
	[tilespmem:$0x16E00] =	vst v63  }
.LBB2_20:
0x103: {  	_ =	swait.ge [sflag:s14], $0xC80  }
0x104: {  	[sflag:s14] =	ssyncset.done $0x0  }
0x105: {  	[sflag:s14] =	ssyncadd.s32 $0xFFFFF380  }
0x106: {  	_ =	swait.ge [sflag:s15], $0xC80  }
0x107: {  	[sflag:s15] =	ssyncset.done $0x0  }
0x108: {  	s18 =	simm.s32 $0x13CF0;
	[sflag:s15] =	ssyncadd.s32 $0xFFFFF380  }
0x109: {  	v1 =	vld [tilespmem:s18+$0x0]  }
0x10a: {  	v5 =	vld [tilespmem:s18+$0xFFFFFFA0]  }
0x10b: {  	v16 =	vld [tilespmem:s18+$0xFFFFFFC0]  }
0x10c: {  	v17 =	vld [tilespmem:s18+$0xFFFFFFD0]  }
0x10d: {  	v18 =	vld [tilespmem:s18+$0xFFFFFFE0]  }
0x10e: {  	v20 =	vld [tilespmem:s18+$0xFFFFFFF0]  }
0x10f: {  	v22 =	vld [tilespmem:s18+$0xFFFFFF90]  }
0x110: {  	v15 =	vld [tilespmem:s18+$0xFFFFFFB0];
	_ =	sdelay $0x1  }
0x111: {  	v2 =	vshra.s32 v1, $0xE;
	v21 =	vshll.u32 v5, $0x2;
	v9 =	vshra.s32 v16, $0xE  }
0x112: {  	v10 =	vshra.s32 v17, $0xE;
	v12 =	vshra.s32 v18, $0xE;
	v25 =	vshra.s32 v20, $0xE  }
0x113: {  	v8 =	vshll.u32 v1, $0x2;
	v14 =	vshra.s32 v22, $0xE;
	v1 =	vand.u32 $0x7F, v1  }
0x114: {  	v53 =	vshll.u32 v15, $0x2;
	v56 =	vshll.u32 v17, $0x2;
	v17 =	vand.u32 $0x7F, v17  }
0x115: {  	v3 =	vshll.u32 v2, $0x2;
	v2 =	vand.u32 $0x7F, v2;
	v7 =	vshll.u32 v9, $0x2  }
0x116: {  	v11 =	vshll.u32 v10, $0x2;
	v8 =	vand.u32 $0xFE00, v8;
	v28 =	vshll.u32 v14, $0x2  }
0x117: {  	v14 =	vand.u32 $0x7F, v14;
	v30 =	vshll.u32 v25, $0x2;
	v47 =	vand.u32 $0x7F, v9  }
0x118: {  	v48 =	vand.u32 $0x7F, v10;
	v21 =	vand.u32 $0xFE00, v21;
	v3 =	vand.u32 $0xFFFFFE00, v3  }
0x119: {  	s18 =	simm.s32 $0x155F0;
	v27 =	vand.u32 $0xFFFFFE00, v7;
	v29 =	vor.u32 v1, v8;
	v8 =	vand.u32 $0xFFFFFE00, v28  }
0x11a: {  	v26 =	vld [tilespmem:s18+$0x0];
	v11 =	vand.u32 $0xFFFFFE00, v11;
	v49 =	vand.u32 $0xFFFFFE00, v30;
	v30 =	vand.u32 $0xFE00, v53  }
0x11b: {  	v7 =	vld [tilespmem:s18+$0xFFFFFFA0];
	v19 =	vor.u32 v2, v3;
	v2 =	vshra.s32 v5, $0xE;
	v3 =	vshra.s32 v15, $0xE  }
0x11c: {  	v1 =	vld [tilespmem:s18+$0xFFFFFFB0];
	v14 =	vor.u32 v14, v8;
	v10 =	vor.u32 v47, v27;
	v11 =	vor.u32 v48, v11  }
0x11d: {  	v5 =	vand.u32 $0x7F, v5;
	v4 =	vshll.u32 v2, $0x2;
	v31 =	vand.u32 $0x7F, v2;
	v2 =	vld [tilespmem:s18+$0xFFFFFFC0]  }
0x11e: {  	v15 =	vand.u32 $0x7F, v15;
	v6 =	vshll.u32 v3, $0x2;
	v32 =	vand.u32 $0x7F, v3;
	v3 =	vld [tilespmem:s18+$0xFFFFFFD0]  }
0x11f: {  	v21 =	vor.u32 v5, v21;
	v5 =	vand.u32 $0xFE00, v56;
	v13 =	vand.u32 $0xFFFFFE00, v6;
	v6 =	vld [tilespmem:s18+$0xFFFFFF90]  }
0x120: {  	v15 =	vor.u32 v15, v30;
	v4 =	vand.u32 $0xFFFFFE00, v4;
	v30 =	vor.u32 v17, v5;
	v5 =	vld [tilespmem:s18+$0xFFFFFFF0]  }
0x121: {  	v24 =	vshll.u32 v12, $0x2;
	v8 =	vor.u32 v31, v4;
	v4 =	vld [tilespmem:s18+$0xFFFFFFE0]  }
0x122: {  	v12 =	vand.u32 $0x7F, v12;
	v9 =	vor.u32 v32, v13;
	v13 =	vand.u32 $0xFFFFFE00, v24;
	v23 =	vld.idx.msk [tilespmem:v19+s2+$0x0], $0xffff  }
0x123: {  	v12 =	vor.u32 v12, v13;
	v52 =	vld.idx.msk [tilespmem:v14+s2+$0x0], $0xffff  }
0x124: {  	v35 =	vld.idx.msk [tilespmem:v10+s2+$0x0], $0xffff  }
0x125: {  	v51 =	vshll.u32 v22, $0x2;
	v25 =	vand.u32 $0x7F, v25;
	v46 =	vor.u32 $0x80, v19;
	v38 =	vld.idx.msk [tilespmem:v11+s2+$0x0], $0xffff  }
0x126: {  	v22 =	vand.u32 $0x7F, v22;
	v27 =	vand.u32 $0xFE00, v51;
	v13 =	vor.u32 v25, v49;
	v55 =	vld.idx.msk [tilespmem:v8+s2+$0x0], $0xffff  }
0x127: {  	v37 =	vshll.u32 v20, $0x2;
	v22 =	vor.u32 v22, v27;
	v33 =	vld.idx.msk [tilespmem:v9+s2+$0x0], $0xffff;
	v23 =	vmul.f32 v23, v26  }
0x128: {  	v20 =	vand.u32 $0x7F, v20;
	v17 =	vand.u32 $0xFE00, v37;
	v39 =	vld.idx.msk [tilespmem:v12+s2+$0x0], $0xffff  }
0x129: {  	v20 =	vor.u32 v20, v17;
	v17 =	vor.u32 $0x80, v14;
	[tilespmem:v29+s13+$0x0] =	vst.idx.add.f32.msk $0xffff, v23  }
0x12a: {  	v37 =	vor.u32 $0x80, v11;
	v59 =	vmul.f32 v52, v6;
	v50 =	vld.idx.msk [tilespmem:v46+s2+$0x0], $0xffff  }
0x12b: {  	v58 =	vld.idx.msk [tilespmem:v13+s2+$0x0], $0xffff;
	v28 =	vmul.f32 v38, v3  }
0x12c: {  	v34 =	vor.u32 $0x80, v29;
	[tilespmem:v22+s13+$0x0] =	vst.idx.add.f32.msk $0xffff, v59  }
0x12d: {  	v36 =	vor.u32 $0x100, v19;
	[tilespmem:v30+s13+$0x0] =	vst.idx.add.f32.msk $0xffff, v28  }
0x12e: {  	v25 =	vmul.f32 v55, v7;
	v17 =	vld.idx.msk [tilespmem:v17+s2+$0x0], $0xffff  }
0x12f: {  	v54 =	vshll.u32 v16, $0x2;
	v28 =	vld.idx.msk [tilespmem:v37+s2+$0x0], $0xffff;
	v24 =	vmul.f32 v50, v26  }
0x130: {  	v16 =	vand.u32 $0x7F, v16;
	v40 =	vor.u32 $0x80, v13;
	v23 =	vand.u32 $0xFE00, v54;
	[tilespmem:v21+s13+$0x0] =	vst.idx.add.f32.msk $0xffff, v25  }
0x131: {  	v23 =	vor.u32 v16, v23;
	v61 =	vmul.f32 v33, v1;
	[tilespmem:v34+s13+$0x0] =	vst.idx.add.f32.msk $0xffff, v24  }
0x132: {  	v63 =	vmul.f32 v35, v2;
	v33 =	vor.u32 $0x80, v8;
	v35 =	vmul.f32 v58, v5;
	v16 =	vld.idx.msk [tilespmem:v36+s2+$0x0], $0xffff  }
0x133: {  	v41 =	vor.u32 $0x80, v22;
	[tilespmem:v15+s13+$0x0] =	vst.idx.add.f32.msk $0xffff, v61  }
0x134: {  	v62 =	vor.u32 $0x100, v29;
	[tilespmem:v20+s13+$0x0] =	vst.idx.add.f32.msk $0xffff, v35  }
0x135: {  	v57 =	vshll.u32 v18, $0x2;
	v18 =	vand.u32 $0x7F, v18;
	v19 =	vor.u32 $0x180, v19;
	v31 =	vld.idx.msk [tilespmem:v40+s2+$0x0], $0xffff  }
0x136: {  	v60 =	vand.u32 $0xFE00, v57;
	v46 =	vor.u32 $0x100, v14;
	[tilespmem:v23+s13+$0x0] =	vst.idx.add.f32.msk $0xffff, v63;
	v17 =	vmul.f32 v17, v6  }
0x137: {  	v18 =	vor.u32 v18, v60;
	v25 =	vld.idx.msk [tilespmem:v33+s2+$0x0], $0xffff;
	v16 =	vmul.f32 v16, v26  }
0x138: {  	v48 =	vor.u32 $0x80, v20;
	[tilespmem:v41+s13+$0x0] =	vst.idx.add.f32.msk $0xffff, v17  }
0x139: {  	[tilespmem:v62+s13+$0x0] =	vst.idx.add.f32.msk $0xffff, v16;
	v16 =	vor.u32 $0x80, v9  }
0x13a: {  	v34 =	vmul.f32 v39, v4;
	v36 =	vor.u32 $0x80, v10;
	v19 =	vld.idx.msk [tilespmem:v19+s2+$0x0], $0xffff  }
0x13b: {  	v42 =	vor.u32 $0x80, v21;
	v51 =	vld.idx.msk [tilespmem:v46+s2+$0x0], $0xffff;
	v52 =	vmul.f32 v31, v5  }
0x13c: {  	v38 =	vor.u32 $0x180, v29;
	[tilespmem:v18+s13+$0x0] =	vst.idx.add.f32.msk $0xffff, v34  }
0x13d: {  	v49 =	vor.u32 $0x100, v8;
	[tilespmem:v48+s13+$0x0] =	vst.idx.add.f32.msk $0xffff, v52  }
0x13e: {  	v39 =	vor.u32 $0x80, v12;
	v25 =	vmul.f32 v25, v7;
	v16 =	vld.idx.msk [tilespmem:v16+s2+$0x0], $0xffff  }
0x13f: {  	v55 =	vor.u32 $0x100, v22;
	v27 =	vld.idx.msk [tilespmem:v36+s2+$0x0], $0xffff;
	v19 =	vmul.f32 v19, v26  }
0x140: {  	v43 =	vor.u32 $0x80, v15;
	[tilespmem:v42+s13+$0x0] =	vst.idx.add.f32.msk $0xffff, v25  }
0x141: {  	[tilespmem:v38+s13+$0x0] =	vst.idx.add.f32.msk $0xffff, v19;
	v19 =	vor.u32 $0x80, v23  }
0x142: {  	v14 =	vor.u32 $0x180, v14;
	v54 =	vld.idx.msk [tilespmem:v49+s2+$0x0], $0xffff;
	v25 =	vmul.f32 v51, v6  }
0x143: {  	v45 =	vor.u32 $0x80, v30;
	v44 =	vld.idx.msk [tilespmem:v39+s2+$0x0], $0xffff;
	v16 =	vmul.f32 v16, v1  }
0x144: {  	v56 =	vor.u32 $0x100, v21;
	[tilespmem:v55+s13+$0x0] =	vst.idx.add.f32.msk $0xffff, v25;
	v47 =	vmul.f32 v27, v2  }
0x145: {  	v17 =	vor.u32 $0x80, v18;
	[tilespmem:v43+s13+$0x0] =	vst.idx.add.f32.msk $0xffff, v16  }
0x146: {  	v16 =	vmul.f32 v28, v3;
	[tilespmem:v19+s13+$0x0] =	vst.idx.add.f32.msk $0xffff, v47;
	v19 =	vor.u32 $0x100, v9  }
0x147: {  	v50 =	vor.u32 $0x100, v10;
	v60 =	vmul.f32 v54, v7;
	v27 =	vld.idx.msk [tilespmem:v14+s2+$0x0], $0xffff  }
0x148: {  	v53 =	vor.u32 $0x100, v11;
	[tilespmem:v45+s13+$0x0] =	vst.idx.add.f32.msk $0xffff, v16;
	v16 =	vmul.f32 v44, v4  }
0x149: {  	v8 =	vor.u32 $0x180, v8;
	[tilespmem:v56+s13+$0x0] =	vst.idx.add.f32.msk $0xffff, v60  }
0x14a: {  	[tilespmem:v17+s13+$0x0] =	vst.idx.add.f32.msk $0xffff, v16;
	v17 =	vor.u32 $0x100, v13  }
0x14b: {  	v16 =	vor.u32 $0x100, v12;
	v19 =	vld.idx.msk [tilespmem:v19+s2+$0x0], $0xffff  }
0x14c: {  	v22 =	vor.u32 $0x180, v22;
	v24 =	vld.idx.msk [tilespmem:v50+s2+$0x0], $0xffff  }
0x14d: {  	v57 =	vor.u32 $0x100, v15;
	v29 =	vld.idx.msk [tilespmem:v53+s2+$0x0], $0xffff  }
0x14e: {  	v58 =	vor.u32 $0x100, v23;
	v62 =	vld.idx.msk [tilespmem:v8+s2+$0x0], $0xffff  }
0x14f: {  	v59 =	vor.u32 $0x100, v30;
	v63 =	vmul.f32 v27, v6;
	v17 =	vld.idx.msk [tilespmem:v17+s2+$0x0], $0xffff  }
0x150: {  	v9 =	vor.u32 $0x180, v9;
	v16 =	vld.idx.msk [tilespmem:v16+s2+$0x0], $0xffff;
	v14 =	vmul.f32 v19, v1  }
0x151: {  	[tilespmem:v22+s13+$0x0] =	vst.idx.add.f32.msk $0xffff, v63;
	v24 =	vmul.f32 v24, v2;
	v19 =	vor.u32 $0x100, v20  }
0x152: {  	v61 =	vor.u32 $0x100, v18;
	[tilespmem:v57+s13+$0x0] =	vst.idx.add.f32.msk $0xffff, v14;
	v14 =	vmul.f32 v29, v3  }
0x153: {  	v10 =	vor.u32 $0x180, v10;
	[tilespmem:v58+s13+$0x0] =	vst.idx.add.f32.msk $0xffff, v24  }
0x154: {  	v11 =	vor.u32 $0x180, v11;
	[tilespmem:v59+s13+$0x0] =	vst.idx.add.f32.msk $0xffff, v14;
	v14 =	vmul.f32 v17, v5  }
0x155: {  	v12 =	vor.u32 $0x180, v12;
	v16 =	vmul.f32 v16, v4;
	v17 =	vld.idx.msk [tilespmem:v9+s2+$0x0], $0xffff  }
0x156: {  	[tilespmem:v19+s13+$0x0] =	vst.idx.add.f32.msk $0xffff, v14;
	v19 =	vor.u32 $0x180, v13  }
0x157: {  	[tilespmem:v61+s13+$0x0] =	vst.idx.add.f32.msk $0xffff, v16  }
0x158: {  	v16 =	vld.idx.msk [tilespmem:v10+s2+$0x0], $0xffff  }
0x159: {  	v6 =	vor.u32 $0x180, v20;
	v8 =	vld.idx.msk [tilespmem:v11+s2+$0x0], $0xffff  }
0x15a: {  	v7 =	vmul.f32 v62, v7;
	v9 =	vor.u32 $0x180, v18;
	v11 =	vor.u32 $0x180, v23;
	v12 =	vld.idx.msk [tilespmem:v12+s2+$0x0], $0xffff  }
0x15b: {  	s19 =	simm.s32 $0x0;
	s20 =	simm.s32 $0x13DF0;
	v10 =	vor.u32 $0x180, v30;
	v14 =	vor.u32 $0x180, v21;
	v13 =	vor.u32 $0x180, v15;
	v15 =	vld.idx.msk [tilespmem:v19+s2+$0x0], $0xffff  }
.LBB2_21:
0x15c: {  	v18 =	vld [tilespmem:s20+$0x0];
	s19 =	sadd.s32 $0x8, s19;
	v1 =	vmul.f32 v17, v1  }
0x15d: {  	v2 =	vmul.f32 v16, v2;
	v17 =	vld [tilespmem:s20+$0xFFFFFFA0];
	p1 =	slt.u32 s19, $0xC0  }
0x15e: {  	v3 =	vmul.f32 v8, v3;
	v16 =	vld [tilespmem:s20+$0xFFFFFFB0]  }
0x15f: {  	v4 =	vmul.f32 v12, v4;
	v19 =	vld [tilespmem:s20+$0xFFFFFFC0]  }
0x160: {  	v12 =	vmul.f32 v15, v5;
	v20 =	vld [tilespmem:s20+$0xFFFFFFD0]  }
0x161: {  	v5 =	vld [tilespmem:s20+$0xFFFFFFE0];
	v8 =	vshra.s32 v18, $0xE  }
0x162: {  	v21 =	vshra.s32 v17, $0xE;
	v22 =	vshll.u32 v17, $0x2;
	v23 =	vld [tilespmem:s20+$0xFFFFFFF0];
	v15 =	vshll.u32 v8, $0x2  }
0x163: {  	v8 =	vand.u32 $0x7F, v8;
	v24 =	vld [tilespmem:s20+$0xFFFFFF90];
	v25 =	vshra.s32 v16, $0xE;
	v15 =	vand.u32 $0xFFFFFE00, v15  }
0x164: {  	v26 =	vshll.u32 v21, $0x2;
	v27 =	vshra.s32 v19, $0xE;
	v15 =	vor.u32 v8, v15;
	[tilespmem:v14+s13+$0x0] =	vst.idx.add.f32.msk $0xffff, v7  }
0x165: {  	v7 =	vshll.u32 v25, $0x2;
	v8 =	vshll.u32 v27, $0x2;
	v14 =	vshra.s32 v20, $0xE;
	[tilespmem:v13+s13+$0x0] =	vst.idx.add.f32.msk $0xffff, v1  }
0x166: {  	v13 =	vand.u32 $0xFFFFFE00, v26;
	v1 =	vshll.u32 v14, $0x2;
	v26 =	vshra.s32 v5, $0xE;
	[tilespmem:v11+s13+$0x0] =	vst.idx.add.f32.msk $0xffff, v2  }
0x167: {  	v28 =	vand.u32 $0xFFFFFE00, v7;
	v2 =	vshll.u32 v26, $0x2;
	v29 =	vshra.s32 v23, $0xE;
	[tilespmem:v10+s13+$0x0] =	vst.idx.add.f32.msk $0xffff, v3  }
0x168: {  	v30 =	vand.u32 $0xFFFFFE00, v8;
	v3 =	vshra.s32 v24, $0xE;
	v7 =	vshll.u32 v29, $0x2;
	[tilespmem:v9+s13+$0x0] =	vst.idx.add.f32.msk $0xffff, v4  }
0x169: {  	s18 =	sadd.s32 $0x100, s18;
	v31 =	vand.u32 $0xFFFFFE00, v1;
	v32 =	vand.u32 $0xFFFFFE00, v2;
	v4 =	vshll.u32 v3, $0x2;
	v33 =	vld.idx.msk [tilespmem:v15+s2+$0x0], $0xffff  }
0x16a: {  	v1 =	vshll.u32 v18, $0x2;
	v34 =	vand.u32 $0xFFFFFE00, v7;
	v2 =	vand.u32 $0xFFFFFE00, v4;
	v9 =	vld [tilespmem:s18+$0x0]  }
0x16b: {  	v1 =	vand.u32 $0xFE00, v1;
	v3 =	vand.u32 $0x7F, v3;
	v4 =	vand.u32 $0x7F, v18;
	v8 =	vld [tilespmem:s18+$0xFFFFFF90]  }
0x16c: {  	v18 =	vand.u32 $0x7F, v21;
	v21 =	vand.u32 $0x7F, v25;
	v10 =	vor.u32 v4, v1;
	v7 =	vld [tilespmem:s18+$0xFFFFFFA0]  }
0x16d: {  	v14 =	vand.u32 $0x7F, v14;
	v25 =	vor.u32 $0x80, v15;
	v4 =	vand.u32 $0x7F, v27;
	v1 =	vld [tilespmem:s18+$0xFFFFFFB0]  }
0x16e: {  	v26 =	vand.u32 $0x7F, v26;
	v11 =	vor.u32 v3, v2;
	v27 =	vand.u32 $0x7F, v29;
	v2 =	vld [tilespmem:s18+$0xFFFFFFC0]  }
0x16f: {  	v18 =	vor.u32 v18, v13;
	v13 =	vor.u32 v21, v28;
	v3 =	vld [tilespmem:s18+$0xFFFFFFD0];
	v21 =	vmul.f32 v33, v9  }
0x170: {  	v14 =	vor.u32 v14, v31;
	v26 =	vor.u32 v26, v32;
	v28 =	vor.u32 v4, v30;
	v4 =	vld [tilespmem:s18+$0xFFFFFFE0]  }
0x171: {  	v29 =	vshll.u32 v24, $0x2;
	v30 =	vshll.u32 v16, $0x2;
	v27 =	vor.u32 v27, v34;
	[tilespmem:v10+s13+$0x0] =	vst.idx.add.f32.msk $0xffff, v21  }
0x172: {  	v31 =	vshll.u32 v20, $0x2;
	v32 =	vshll.u32 v5, $0x2;
	v21 =	vshll.u32 v19, $0x2;
	v25 =	vld.idx.msk [tilespmem:v25+s2+$0x0], $0xffff  }
0x173: {  	v22 =	vand.u32 $0xFE00, v22;
	v29 =	vand.u32 $0xFE00, v29;
	v34 =	vshll.u32 v23, $0x2;
	v33 =	vld.idx.msk [tilespmem:v11+s2+$0x0], $0xffff  }
0x174: {  	v31 =	vand.u32 $0xFE00, v31;
	v30 =	vand.u32 $0xFE00, v30;
	v21 =	vand.u32 $0xFE00, v21;
	v35 =	vld.idx.msk [tilespmem:v18+s2+$0x0], $0xffff  }
0x175: {  	v32 =	vand.u32 $0xFE00, v32;
	v37 =	vor.u32 $0x80, v10;
	v34 =	vand.u32 $0xFE00, v34;
	v36 =	vld.idx.msk [tilespmem:v13+s2+$0x0], $0xffff  }
0x176: {  	v17 =	vand.u32 $0x7F, v17;
	v39 =	vor.u32 $0x100, v15;
	v24 =	vand.u32 $0x7F, v24;
	v38 =	vld.idx.msk [tilespmem:v28+s2+$0x0], $0xffff  }
0x177: {  	v20 =	vand.u32 $0x7F, v20;
	v16 =	vand.u32 $0x7F, v16;
	v19 =	vand.u32 $0x7F, v19;
	v40 =	vld.idx.msk [tilespmem:v14+s2+$0x0], $0xffff  }
0x178: {  	v5 =	vand.u32 $0x7F, v5;
	v23 =	vand.u32 $0x7F, v23;
	v25 =	vmul.f32 v25, v9;
	v41 =	vld.idx.msk [tilespmem:v26+s2+$0x0], $0xffff  }
0x179: {  	v17 =	vor.u32 v17, v22;
	v24 =	vor.u32 v24, v29;
	v33 =	vmul.f32 v33, v8;
	v22 =	vld.idx.msk [tilespmem:v27+s2+$0x0], $0xffff  }
0x17a: {  	v29 =	vor.u32 $0x80, v11;
	v16 =	vor.u32 v16, v30;
	v35 =	vmul.f32 v35, v7;
	[tilespmem:v37+s13+$0x0] =	vst.idx.add.f32.msk $0xffff, v25  }
0x17b: {  	v20 =	vor.u32 v20, v31;
	v19 =	vor.u32 v19, v21;
	v25 =	vmul.f32 v36, v1;
	v21 =	vld.idx.msk [tilespmem:v39+s2+$0x0], $0xffff  }
0x17c: {  	v31 =	vor.u32 v5, v32;
	v23 =	vor.u32 v23, v34;
	v30 =	vmul.f32 v38, v2;
	v5 =	vld [tilespmem:s18+$0xFFFFFFF0]  }
0x17d: {  	v32 =	vor.u32 $0x80, v18;
	v34 =	vor.u32 $0x80, v13;
	v36 =	vmul.f32 v40, v3;
	[tilespmem:v6+s13+$0x0] =	vst.idx.add.f32.msk $0xffff, v12  }
0x17e: {  	v6 =	vor.u32 $0x80, v28;
	v12 =	vmul.f32 v41, v4;
	[tilespmem:v24+s13+$0x0] =	vst.idx.add.f32.msk $0xffff, v33;
	v33 =	vor.u32 $0x100, v10  }
0x17f: {  	v15 =	vor.u32 $0x180, v15;
	v37 =	vor.u32 $0x80, v26;
	[tilespmem:v17+s13+$0x0] =	vst.idx.add.f32.msk $0xffff, v35;
	v35 =	vor.u32 $0x80, v14  }
0x180: {  	v38 =	vor.u32 $0x80, v24;
	v39 =	vor.u32 $0x80, v17;
	[tilespmem:v16+s13+$0x0] =	vst.idx.add.f32.msk $0xffff, v25;
	v25 =	vor.u32 $0x80, v27  }
0x181: {  	v40 =	vor.u32 $0x80, v16;
	v21 =	vmul.f32 v21, v9;
	[tilespmem:v19+s13+$0x0] =	vst.idx.add.f32.msk $0xffff, v30;
	v22 =	vmul.f32 v22, v5  }
0x182: {  	v41 =	vor.u32 $0x80, v31;
	v30 =	vor.u32 $0x80, v19;
	[tilespmem:v20+s13+$0x0] =	vst.idx.add.f32.msk $0xffff, v36;
	v36 =	vor.u32 $0x80, v20  }
0x183: {  	v42 =	vor.u32 $0x100, v11;
	v43 =	vor.u32 $0x100, v18;
	v44 =	vor.u32 $0x80, v23;
	[tilespmem:v33+s13+$0x0] =	vst.idx.add.f32.msk $0xffff, v21  }
0x184: {  	v45 =	vor.u32 $0x100, v14;
	v21 =	vor.u32 $0x100, v13;
	v33 =	vor.u32 $0x100, v28;
	v15 =	vld.idx.msk [tilespmem:v15+s2+$0x0], $0xffff  }
0x185: {  	v47 =	vor.u32 $0x100, v27;
	v46 =	vor.u32 $0x100, v24;
	[tilespmem:v31+s13+$0x0] =	vst.idx.add.f32.msk $0xffff, v12;
	v12 =	vor.u32 $0x100, v26  }
0x186: {  	v48 =	vor.u32 $0x100, v17;
	v49 =	vor.u32 $0x100, v16;
	v50 =	vor.u32 $0x100, v19;
	[tilespmem:v23+s13+$0x0] =	vst.idx.add.f32.msk $0xffff, v22  }
0x187: {  	v51 =	vor.u32 $0x100, v31;
	v52 =	vor.u32 $0x180, v10;
	v22 =	vld.idx.msk [tilespmem:v29+s2+$0x0], $0xffff;
	v29 =	vor.u32 $0x100, v20  }
0x188: {  	v53 =	vor.u32 $0x180, v11;
	v54 =	vor.u32 $0x100, v23;
	v18 =	vor.u32 $0x180, v18;
	v32 =	vld.idx.msk [tilespmem:v32+s2+$0x0], $0xffff  }
0x189: {  	v56 =	vor.u32 $0x180, v14;
	v55 =	vor.u32 $0x180, v13;
	v28 =	vor.u32 $0x180, v28;
	v34 =	vld.idx.msk [tilespmem:v34+s2+$0x0], $0xffff  }
0x18a: {  	v27 =	vor.u32 $0x180, v27;
	v26 =	vor.u32 $0x180, v26;
	v57 =	vld.idx.msk [tilespmem:v6+s2+$0x0], $0xffff;
	v6 =	vmul.f32 v15, v9  }
0x18b: {  	v24 =	vor.u32 $0x180, v24;
	v14 =	vor.u32 $0x180, v17;
	v13 =	vor.u32 $0x180, v16;
	v15 =	vld.idx.msk [tilespmem:v35+s2+$0x0], $0xffff  }
0x18c: {  	v11 =	vor.u32 $0x180, v19;
	v10 =	vor.u32 $0x180, v20;
	v9 =	vor.u32 $0x180, v31;
	[tilespmem:v52+s13+$0x0] =	vst.idx.add.f32.msk $0xffff, v6  }
0x18d: {  	v16 =	vmul.f32 v22, v8;
	v6 =	vor.u32 $0x180, v23;
	v17 =	vld.idx.msk [tilespmem:v37+s2+$0x0], $0xffff  }
0x18e: {  	v19 =	vmul.f32 v32, v7;
	v20 =	vld.idx.msk [tilespmem:v25+s2+$0x0], $0xffff  }
0x18f: {  	[tilespmem:v38+s13+$0x0] =	vst.idx.add.f32.msk $0xffff, v16;
	v16 =	vmul.f32 v34, v1  }
0x190: {  	[tilespmem:v39+s13+$0x0] =	vst.idx.add.f32.msk $0xffff, v19;
	v19 =	vmul.f32 v57, v2  }
0x191: {  	v15 =	vmul.f32 v15, v3;
	[tilespmem:v40+s13+$0x0] =	vst.idx.add.f32.msk $0xffff, v16  }
0x192: {  	[tilespmem:v30+s13+$0x0] =	vst.idx.add.f32.msk $0xffff, v19  }
0x193: {  	[tilespmem:v36+s13+$0x0] =	vst.idx.add.f32.msk $0xffff, v15;
	v15 =	vmul.f32 v17, v4  }
0x194: {  	v17 =	vmul.f32 v20, v5;
	v16 =	vld.idx.msk [tilespmem:v42+s2+$0x0], $0xffff  }
0x195: {  	[tilespmem:v41+s13+$0x0] =	vst.idx.add.f32.msk $0xffff, v15  }
0x196: {  	[tilespmem:v44+s13+$0x0] =	vst.idx.add.f32.msk $0xffff, v17  }
0x197: {  	v15 =	vld.idx.msk [tilespmem:v43+s2+$0x0], $0xffff  }
0x198: {  	v17 =	vld.idx.msk [tilespmem:v21+s2+$0x0], $0xffff  }
0x199: {  	v19 =	vld.idx.msk [tilespmem:v33+s2+$0x0], $0xffff  }
0x19a: {  	v16 =	vmul.f32 v16, v8;
	v20 =	vld.idx.msk [tilespmem:v45+s2+$0x0], $0xffff  }
0x19b: {  	v12 =	vld.idx.msk [tilespmem:v12+s2+$0x0], $0xffff  }
0x19c: {  	v21 =	vld.idx.msk [tilespmem:v47+s2+$0x0], $0xffff  }
0x19d: {  	v15 =	vmul.f32 v15, v7;
	[tilespmem:v46+s13+$0x0] =	vst.idx.add.f32.msk $0xffff, v16  }
0x19e: {  	v17 =	vmul.f32 v17, v1;
	v16 =	vld.idx.msk [tilespmem:v53+s2+$0x0], $0xffff  }
0x19f: {  	[tilespmem:v48+s13+$0x0] =	vst.idx.add.f32.msk $0xffff, v15;
	v15 =	vmul.f32 v19, v2  }
0x1a0: {  	[tilespmem:v49+s13+$0x0] =	vst.idx.add.f32.msk $0xffff, v17;
	v17 =	vmul.f32 v20, v3  }
0x1a1: {  	v12 =	vmul.f32 v12, v4;
	[tilespmem:v50+s13+$0x0] =	vst.idx.add.f32.msk $0xffff, v15  }
0x1a2: {  	v15 =	vmul.f32 v21, v5;
	[tilespmem:v29+s13+$0x0] =	vst.idx.add.f32.msk $0xffff, v17  }
0x1a3: {  	[tilespmem:v51+s13+$0x0] =	vst.idx.add.f32.msk $0xffff, v12  }
0x1a4: {  	v19 =	vmul.f32 v16, v8;
	[tilespmem:v54+s13+$0x0] =	vst.idx.add.f32.msk $0xffff, v15  }
0x1a5: {  	v18 =	vld.idx.msk [tilespmem:v18+s2+$0x0], $0xffff  }
0x1a6: {  	v17 =	vld.idx.msk [tilespmem:v55+s2+$0x0], $0xffff  }
.Ltmp11:
0x1a7: {  	v16 =	vld.idx.msk [tilespmem:v28+s2+$0x0], $0xffff;
	(pc) =	sbr.rel @p1 .LBB2_21-.Ltmp11, $4  }
0x1a8: {  	v8 =	vld.idx.msk [tilespmem:v56+s2+$0x0], $0xffff  }
0x1a9: {  	v12 =	vld.idx.msk [tilespmem:v26+s2+$0x0], $0xffff  }
0x1aa: {  	v15 =	vld.idx.msk [tilespmem:v27+s2+$0x0], $0xffff  }
0x1ab: {  	s20 =	sadd.s32 $0x100, s20;
	v7 =	vmul.f32 v18, v7;
	[tilespmem:v24+s13+$0x0] =	vst.idx.add.f32.msk $0xffff, v19  }
0x1ac: {  	_ =	sdelay $0x2  }
0x1ad: {  	v1 =	vmul.f32 v17, v1  }
0x1ae: {  	v2 =	vmul.f32 v16, v2;
	[tilespmem:v14+s13+$0x0] =	vst.idx.add.f32.msk $0xffff, v7  }
.Ltmp12:
0x1af: {  	v3 =	vmul.f32 v8, v3;
	[tilespmem:v13+s13+$0x0] =	vst.idx.add.f32.msk $0xffff, v1;
	(pc) =	sbr.rel @p0 .LBB2_28-.Ltmp12, $4  }
0x1b0: {  	v1 =	vmul.f32 v12, v4;
	[tilespmem:v11+s13+$0x0] =	vst.idx.add.f32.msk $0xffff, v2  }
0x1b1: {  	v2 =	vmul.f32 v15, v5;
	[tilespmem:v10+s13+$0x0] =	vst.idx.add.f32.msk $0xffff, v3  }
0x1b2: {  	[tilespmem:v9+s13+$0x0] =	vst.idx.add.f32.msk $0xffff, v1  }
0x1b3: {  	[tilespmem:v6+s13+$0x0] =	vst.idx.add.f32.msk $0xffff, v2  }
0x1b4: {  	s18 =	smul.u32 $0x1900, s17;
	_ =	sdelay $0x1  }
0x1b5: {  	s18 =	sshrl.u32 s18, $0x3  }
0x1b6: {  	s18 =	sadd.s32 $0x4B0, s18  }
0x1b7: {  	s20 =	simm.s32 $0x13C80;
	s19 =	sadd.s32 s3, s18  }
0x1b8: {  	s21 =	simm.s32 $0x10;
	s22 =	simm.s32 $0x13D80;
	s23 =	sadd.s32 $0x0, s19  }
.LBB2_24:
0x1b9: {  	[tilespmem:s20], [sflag:$0x2] =	stream.linear.gather [hbm4b:s23+s2], $0x80, $0x38;
	[tilespmem:$0x16E00] =	vst v63  }
0x1ba: {  	s23 =	smov.u32 s21;
	s20 =	smov.u32 s22;
	p0 =	sne.s32 s21, $0x180  }
.Ltmp13:
0x1bb: {  	s21 =	sadd.s32 $0x10, s21;
	(pc) =	sbr.rel @p0 .LBB2_24-.Ltmp13, $2  }
0x1bc: {  	_ =	sdelay $0x2  }
0x1bd: {  	s22 =	sadd.s32 $0x100, s22;
	s23 =	sadd.s32 s23, s19  }
0x1be: {  	[tilespmem:s20], [sflag:$0x2] =	stream.linear.gather [hbm4b:s23+s2], $0x80, $0x38;
	[tilespmem:$0x16E00] =	vst v63  }
0x1bf: {  	s18 =	sadd.s32 s4, s18;
	s19 =	simm.s32 $0x15580  }
0x1c0: {  	s20 =	simm.s32 $0x10;
	s21 =	simm.s32 $0x15680;
	s22 =	sadd.s32 $0x0, s18  }
.LBB2_26:
0x1c1: {  	[tilespmem:s19], [sflag:$0x4] =	stream.linear.gather [hbm4b:s22+s2], $0x80, $0x38;
	[tilespmem:$0x16E00] =	vst v63  }
0x1c2: {  	s22 =	smov.u32 s20;
	s19 =	smov.u32 s21;
	p0 =	sne.s32 s20, $0x180  }
.Ltmp14:
0x1c3: {  	s20 =	sadd.s32 $0x10, s20;
	(pc) =	sbr.rel @p0 .LBB2_26-.Ltmp14, $2  }
0x1c4: {  	_ =	sdelay $0x2  }
0x1c5: {  	s21 =	sadd.s32 $0x100, s21;
	s22 =	sadd.s32 s22, s18  }
.Ltmp15:
0x1c6: {  	(pc) =	sbr.rel .LBB2_12-.Ltmp15, $3  }
0x1c7: {  	_ =	sdelay $0x1  }
0x1c8: {  	[tilespmem:s19], [sflag:$0x4] =	stream.linear.gather [hbm4b:s22+s2], $0x80, $0x38;
	[tilespmem:$0x16E00] =	vst v63  }
0x1c9: {  	s17 =	sadd.s32 $0x1, s17  }
.LBB2_29:
0x1ca: {  	_ =	sfence.sel $0x180000  }
0x1cb: {  	[bflag:$0x0] =	sbarrier.arrive $0xFFFF  }
0x1cc: {  	p0 =	sne.s32 s0, $0x0;
	_ =	strace $0x90000050  }
0x1cd: {  	s0 =	sadd.s32 @!p0 $0x100000, s1;
	[bflag:$0x2] =	sbarrier.arrive $0xFFFF  }
0x1ce: {  	[sflag:s0] =	ssyncadd.tile.s32 @!p0 $0x1;
	_ =	shalt  }
.Lfunc_end2:
_tile_overlayer_lowered:
.L_overlay_start_2:
0x1cf: {  	(tag) =	ssettag $0x2  }
0x1d0: {  	s0 =	rddreg [dreg:$0x0];
	s2 =	stileid.u32  }
0x1d1: {  	s1 =	rddreg [dreg:$0x1];
	p0 =	sne.s32 s2, $0x0  }
0x1d2: {  	s3 =	rddreg [dreg:$0x2];
	[bflag:$0x3] =	sbarrier.arrive $0xFFFF;
	s2 =	simm.s32 @!p0 $0x1C05  }
0x1d3: {  	[timem:s3], [sflag:s2] =	dma.local @!p0 [hbm:s0], s1  }
0x1d4: {  	s0 =	simm.s32 @!p0 $0x5  }
0x1d5: {  	_ =	swait.ge @!p0 [sflag:s0], s1  }
0x1d6: {  	s1 =	ssub.s32 @!p0 $0x0, s1;
	[sflag:s0] =	ssyncset.done @!p0 $0x0  }
0x1d7: {  	[sflag:s0] =	ssyncadd.s32 @!p0 s1  }
0x1d8: {  	[bflag:$0x3] =	sbarrier.arrive $0xFFFF  }
0x1d9: {  	_ =	shalt  }

// kernel: kernel.9.cloned.1.call-start
scs
__scs_entry_jumppad:
0x0: {  	(pc) =	sbr.rel $0x88, $3  }
0x1: {  	(tag) =	ssettag $0x0;
	lr =	simm.s32 $0x1  }
0x2: {  	[smem:$0x3F95] =	sst lr;
	_ =	strace $0xD0000000  }
0x3: {  	_ = 	snop  }
0x4: {  	_ = 	snop  }
0x5: {  	_ = 	snop  }
0x6: {  	_ = 	snop  }
0x7: {  	_ = 	snop  }
__scs_overlays_trampoline_lowered:
0x8: {  	[smem:$0x3FA4] =	sst s0  }
0x9: {  	[smem:$0x3FA5] =	sst s1  }
0xa: {  	[smem:$0x3FA6] =	sst s2  }
0xb: {  	[smem:$0x3FA7] =	sst s3  }
0xc: {  	[smem:$0x3FA8] =	sst s4  }
0xd: {  	[smem:$0x3FA9] =	sst s5  }
0xe: {  	[smem:$0x3FAA] =	sst s6  }
0xf: {  	[smem:$0x3FAB] =	sst s7  }
0x10: {  	[smem:$0x3FAC] =	sst s8  }
0x11: {  	[smem:$0x3FAD] =	sst s9;
	s0 =	simm.s32 @!p0 $0x0  }
0x12: {  	s1 =	sld [smem:$0x3F93];
	s0 =	simm.s32 @p0 $0x1  }
0x13: {  	[smem:$0x3FAE] =	sst s0;
	s0 =	simm.s32 @!p1 $0x0  }
0x14: {  	s2 =	sld [smem:$0x3F92];
	s0 =	simm.s32 @p1 $0x1  }
0x15: {  	[smem:$0x3FAF] =	sst s0;
	s0 =	simm.s32 @!p2 $0x0  }
0x16: {  	s3 =	sld [smem:$0x3FDB];
	s0 =	simm.s32 @p2 $0x1  }
0x17: {  	s4 =	simm.s32 $0x1BF5;
	[smem:$0x3FB1] =	sst s0  }
0x18: {  	s0 =	sld [smem:$0x3F94];
	_ =	swait.ge [sflag:s4], $0x0  }
0x19: {  	s7 =	sld [smem:$0x3F95]  }
0x1a: {  	s8 =	sadd.s32 $0xFFFFE003, lr  }
0x1b: {  	s9 =	sadd.s32 $0xFFFFFEF7, lr;
	s5 =	simm.s32 $0xFFFFFFFF;
	p2 =	slt.u32 s8, $0xFFFFF086  }
0x1c: {  	p1 =	slt.u32 s9, $0xF7A;
	s5 =	simm.s32 @!p2 $0x0  }
0x1d: {  	s5 =	simm.s32 @p1 $0x1;
	p0 =	seq.s32 s7, s2  }
0x1e: {  	s7 =	smul.u32 @!p0 $0xF7A, s2;
	p2 =	seq.s32 @!p0 s5, $0x0  }
0x1f: {  	s9 =	smul.u32 $0xF7A, s1;
	s8 =	simm.s32 @!p0 $0x1BF5;
	p2 =	por !p2, p0  }
0x20: {  	[sflag:s8] =	ssyncset.s32 @!p0 $0xFFFFF086;
	s6 =	sadd.s32 @!p0 s3, s7;
	s7 =	simm.s32 @!p0 $0x108  }
0x21: {  	s3 =	sadd.s32 s3, s9;
	s6 =	sadd.s32 @!p0 $0x88, s6;
	s7 =	simm.s32 @p2 $0x1082  }
0x22: {  	[simem:s7], [sflag:s8] =	dma.local @!p0 [hbm:s6], $0xF7A  }
0x23: {  	s9 =	sor.u32 $0xD0000000, s2;
	s6 =	simm.s32 $0x108;
	_ =	swait.ge @!p0 [sflag:s8], $0x0  }
0x24: {  	s3 =	sadd.s32 $0x88, s3;
	s6 =	simm.s32 @!p1 $0x1082;
	[sflag:s4] =	ssyncset.s32 $0xFFFFF086  }
0x25: {  	[simem:s6], [sflag:s4] =	dma.local [hbm:s3], $0xF7A  }
0x26: {  	[smem:$0x3F95] =	sst s1;
	(tag) =	ssettag s2;
	_ =	strace s9  }
0x27: {  	s1 =	sld [smem:$0x3FA5]  }
0x28: {  	s2 =	sld [smem:$0x3FA6]  }
0x29: {  	s4 =	sld [smem:$0x3FA8]  }
0x2a: {  	p0 =	seq.s32 s5, $0x0;
	s5 =	sld [smem:$0x3FA9]  }
0x2b: {  	s6 =	sld [smem:$0x3FAA]  }
0x2c: {  	s7 =	sld [smem:$0x3FAB]  }
0x2d: {  	s3 =	simm.s32 $0x108;
	s8 =	sld [smem:$0x3FAC]  }
0x2e: {  	s3 =	simm.s32 @!p0 $0x1082;
	s9 =	sld [smem:$0x3FAD]  }
0x2f: {  	lr =	sadd.s32 s0, s3;
	s0 =	sld [smem:$0x3FA4]  }
0x30: {  	s3 =	sld [smem:$0x3FA7]  }
0x31: {  	[smem:$0x3FB0] =	sst s10  }
0x32: {  	s10 =	sld [smem:$0x3FAE];
	_ =	sdelay $0x3  }
0x33: {  	p0 =	seq.s32 s10, $0x1;
	s10 =	sld [smem:$0x3FB0];
	_ =	sdelay $0x3  }
0x34: {  	[smem:$0x3FB0] =	sst s10  }
0x35: {  	s10 =	sld [smem:$0x3FAF];
	_ =	sdelay $0x3  }
0x36: {  	p1 =	seq.s32 s10, $0x1;
	s10 =	sld [smem:$0x3FB0];
	_ =	sdelay $0x3  }
0x37: {  	[smem:$0x3FB0] =	sst s10  }
0x38: {  	s10 =	sld [smem:$0x3FB1]  }
0x39: {  	_ = 	snop;
	(pc) =	sbr.ind lr, $3  }
0x3a: {  	_ = 	snop  }
0x3b: {  	_ = 	snop  }
0x3c: {  	p2 =	seq.s32 s10, $0x1;
	s10 =	sld [smem:$0x3FB0]  }
0x3d: {  	_ =	shalt  }
0x3e: {  	_ =	shalt  }
0x3f: {  	_ =	shalt  }
0x40: {  	_ =	shalt  }
0x41: {  	_ =	shalt  }
0x42: {  	_ =	shalt  }
0x43: {  	_ =	shalt  }
0x44: {  	_ =	shalt  }
0x45: {  	_ =	shalt  }
0x46: {  	_ =	shalt  }
0x47: {  	_ =	shalt  }
0x48: {  	_ =	shalt  }
0x49: {  	_ =	shalt  }
0x4a: {  	_ =	shalt  }
0x4b: {  	_ =	shalt  }
0x4c: {  	_ =	shalt  }
0x4d: {  	_ =	shalt  }
0x4e: {  	_ =	shalt  }
0x4f: {  	_ =	shalt  }
0x50: {  	_ =	shalt  }
0x51: {  	_ =	shalt  }
0x52: {  	_ =	shalt  }
0x53: {  	_ =	shalt  }
0x54: {  	_ =	shalt  }
0x55: {  	_ =	shalt  }
0x56: {  	_ =	shalt  }
0x57: {  	_ =	shalt  }
0x58: {  	_ =	shalt  }
0x59: {  	_ =	shalt  }
0x5a: {  	_ =	shalt  }
0x5b: {  	_ =	shalt  }
0x5c: {  	_ =	shalt  }
0x5d: {  	_ =	shalt  }
0x5e: {  	_ =	shalt  }
0x5f: {  	_ =	shalt  }
0x60: {  	_ =	shalt  }
0x61: {  	_ =	shalt  }
0x62: {  	_ =	shalt  }
0x63: {  	_ =	shalt  }
0x64: {  	_ =	shalt  }
0x65: {  	_ =	shalt  }
0x66: {  	_ =	shalt  }
0x67: {  	_ =	shalt  }
0x68: {  	_ =	shalt  }
0x69: {  	_ =	shalt  }
0x6a: {  	_ =	shalt  }
0x6b: {  	_ =	shalt  }
0x6c: {  	_ =	shalt  }
0x6d: {  	_ =	shalt  }
0x6e: {  	_ =	shalt  }
0x6f: {  	_ =	shalt  }
0x70: {  	_ =	shalt  }
0x71: {  	_ =	shalt  }
0x72: {  	_ =	shalt  }
0x73: {  	_ =	shalt  }
0x74: {  	_ =	shalt  }
0x75: {  	_ =	shalt  }
0x76: {  	_ =	shalt  }
0x77: {  	_ =	shalt  }
0x78: {  	_ =	shalt  }
0x79: {  	_ =	shalt  }
0x7a: {  	_ =	shalt  }
0x7b: {  	_ =	shalt  }
0x7c: {  	_ =	shalt  }
0x7d: {  	_ =	shalt  }
0x7e: {  	_ =	shalt  }
0x7f: {  	_ =	shalt  }
0x80: {  	_ =	shalt  }
0x81: {  	_ =	shalt  }
0x82: {  	_ =	shalt  }
0x83: {  	_ =	shalt  }
0x84: {  	_ =	shalt  }
0x85: {  	_ =	shalt  }
0x86: {  	_ =	shalt  }
0x87: {  	_ =	shalt  }
.Lfunc_end0:
.L_simem_size_0:
called_computation_lowered:
.L_overlay_start_0:
0x88: {  	s2 =	sld [smem:$0x3FD9]  }
0x89: {  	s3 =	sld [smem:$0x3FFE];
	_ =	sdelay $0x1  }
0x8a: {  	s1 =	srdreg.scid  }
0x8b: {  	s0 =	sand.u32 $0x1, s1  }
0x8c: {  	s17 =	sshll.u32 s0, $0xA;
	s2 =	sadd.s32 s3, s2  }
0x8d: {  	s2 =	sadd.s32 s2, s17  }
0x8e: {  	[smem:$0x3FBC] =	sst s2  }
0x8f: {  	_ = 	snop  }
0x90: {  	s2 =	sld [smem:$0x3FD0];
	(tm) =	ssettm $0x1  }
0x91: {  	s18 =	sld [smem:$0x3FFB];
	_ =	sdelay $0x3  }
0x92: {  	_ =	strace s18  }
0x93: {  	s3 =	sld [smem:$0x3FFC];
	_ =	sdelay $0x3  }
0x94: {  	_ =	strace s3  }
0x95: {  	s3 =	sld [smem:$0x3FFD];
	_ =	sdelay $0x3  }
0x96: {  	_ =	strace s3  }
0x97: {  	_ =	strace $0x8FFFFFFF  }
0x98: {  	s19 =	sld [smem:$0x3FDB];
	_ =	sdelay $0x1  }
0x99: {  	s4 =	simm.s32 $_scs_section_size  }
0x9a: {  	s5 =	simm.s32 $_size__tile_overlayer_lowered;
	s6 =	simm.s32 $_tile_overlayer_lowered  }
0x9b: {  	s22 =	simm.s32 $0x1BFF;
	s21 =	sshll.u32 s6, $0x1;
	s3 =	sadd.s32 s4, s19  }
0x9c: {  	s7 =	simm.s32 $0x0;
	s20 =	sshll.u32 s5, $0x1;
	s5 =	sadd.s32 s21, s3  }
0x9d: {  	[timem:s7], [sflag:s22] =	dma.local [hbm:s5], s20  }
0x9e: {  	_ =	swait.ge [sflag:s22], s20  }
0x9f: {  	s4 =	ssub.s32 $0x0, s20;
	[sflag:s22] =	ssyncset.done $0x0  }
0xa0: {  	[sflag:s22] =	ssyncadd.s32 s4;
	_ =	sdelay $0x1  }
0xa1: {  	s23 =	simm.s32 $0x1B8B  }
0xa2: {  	_ =	swait.ge [sflag:s23], $0x1  }
0xa3: {  	[sflag:s23] =	ssyncset.done $0x0  }
0xa4: {  	s25 =	simm.s32 $0x1B8E;
	s24 =	sld [smem:$0x3FFE];
	[sflag:s23] =	ssyncadd.s32 $0xFFFFFFFF  }
0xa5: {  	s26 =	simm.s32 $execute0_lowered;
	[smem:$0x3FD2] =	sst s25  }
0xa6: {  	s5 =	sshll.u32 s26, $0x1;
	_ =	strace $0x80000046;
	[dreg:$0x1] =	wrdreg $0xFFFFFFFF  }
0xa7: {  	s28 =	simm.s32 $_size_execute0_lowered;
	s3 =	sadd.s32 s3, s5;
	[dreg:$0x0] =	wrdreg $0x0  }
0xa8: {  	s5 =	sshll.u32 s28, $0x1;
	[dreg:$0x2] =	wrdreg s3  }
0xa9: {  	[dreg:$0x3] =	wrdreg s5  }
0xaa: {  	[dreg:$0x4] =	wrdreg $0xC0  }
0xab: {  	_ =	task [dreg:s7], $0x5FFFF  }
0xac: {  	[dreg:$0x1] =	wrdreg $0xFFFFFFFF  }
0xad: {  	[dreg:$0x0] =	wrdreg $0x60  }
0xae: {  	[dreg:$0x2] =	wrdreg s24  }
0xaf: {  	[dreg:$0x3] =	wrdreg s2  }
0xb0: {  	[dreg:$0x4] =	wrdreg $0x9  }
0xb1: {  	_ =	task.clear_ibuf [dreg:s7], $0x5FFFF;
	_ =	strace $0x90000046  }
0xb2: {  	s29 =	simm.s32 $0x9;
	_ =	strace $0x80000048  }
0xb3: {  	_ =	swait.ge [sflag:s29], $0x1  }
0xb4: {  	[sflag:s29] =	ssyncadd.s32 $0xFFFFFFFF  }
0xb5: {  	_ =	strace $0x90000048  }
0xb6: {  	_ =	sfence  }
0xb7: {  	s30 =	sld [smem:$0x0];
	_ =	sdelay $0x2  }
0xb8: {  	s31 =	sshll.u32 s1, $0xD;
	s1 =	sshrl.u32 s1, $0x2  }
0xb9: {  	s3 =	sand.u32 $0x4000, s31;
	s1 =	sadd.s32 s1, s30  }
0xba: {  	s0 =	sor.u32 s3, s0;
	s1 =	sshll.u32 s1, $0x11  }
0xbb: {  	s0 =	sor.u32 s1, s0  }
0xbc: {  	s0 =	sadd.s32 $0x8F2B, s0  }
0xbd: {  	[sflag:s0] =	ssyncadd.remote.s32 $0x1  }
0xbe: {  	_ =	sfence.sel $0xFFFF  }
0xbf: {  	[dreg:$0x0] =	wrdreg $0xFFFFFFFF;
	(pc) =	sbr.abs _section_cstart, $3  }
0xc0: {  	[dreg:$0x1] =	wrdreg $0xFFFFFFFF  }
0xc1: {  	_ =	task.clear_ibuf [dreg:s7], $0x2FFFF;
	_ =	strace $0x9FFFFFFF  }
0xc2: {  	(tm) =	ssettm $0x7FFFFFFF  }
0xc3: {  	_ =	shalt  }
tec
execute0_lowered:
.L_overlay_start_1:
0x0: {  	(tag) =	ssettag $0x1  }
0x1: {  	s5 =	rddreg [dreg:$0x0]  }
0x2: {  	s6 =	rddreg [dreg:$0x1]  }
0x3: {  	s0 =	rddreg [dreg:$0x2];
	s3 =	srdreg.scid  }
0x4: {  	s1 =	stileid.u32;
	s2 =	simm.s32 $0x0;
	s12 =	simm.s32 $0x7700  }
0x5: {  	s13 =	simm.s32 $0x4F00;
	s3 =	sand.u32 $0x1, s3;
	s4 =	sshll.u32 s1, $0x1  }
0x6: {  	s14 =	simm.s32 $0xC700;
	s15 =	simm.s32 $0xEF00;
	s4 =	sor.u32 s3, s4  }
0x7: {  	s16 =	simm.s32 $0x0;
	[smem:$0x7FF] =	sst s2;
	s7 =	smul.u32 $0x500, s4  }
0x8: {  	_ =	strace $0x80000047;
	s8 =	ssub.s32 $0x2, s3;
	s10 =	smul.u32 $0xA00, s4  }
0x9: {  	s3 =	sadd.s32 $0x2200, s5;
	s9 =	sshrl.u32 s8, $0x1;
	s4 =	sadd.s32 $0x2800, s5  }
0xa: {  	s9 =	ssub.s32 s8, s9;
	s11 =	sadd.s32 s7, s5;
	s5 =	sadd.s32 s6, s10  }
0xb: {  	s9 =	smax.u32 s9, $0x1;
	s10 =	simm.s32 $0x1;
	s6 =	sadd.s32 $0xCE00, s11  }
0xc: {  	v0 =	vimm.f32 $0.0e+00;
	s7 =	sadd.s32 $0x16E00, s11;
	s8 =	sadd.s32 $0x2E00, s11;
	s11 =	simm.s32 $0x2780  }
.LBB2_1:
0xd: {  	[tilespmem:s2], [sflag:$0x1] =	stream.linear.gather [hbm4b:s3+s2], $0x2780, $0x38;
	[tilespmem:$0x11700] =	vst v63  }
0xe: {  	_ =	swait.ge [sflag:s10], $0x2780  }
0xf: {  	[sflag:s10] =	ssyncset.done $0x0  }
0x10: {  	[sflag:s10] =	ssyncadd.s32 $0xFFFFD880  }
0x11: {  	[tilespmem:s11], [sflag:$0x1] =	stream.linear.gather [hbm4b:s4+s2], $0x2710, $0x38;
	[tilespmem:$0x11700] =	vst v63  }
0x12: {  	_ =	swait.ge [sflag:s10], $0x2710  }
0x13: {  	[sflag:s10] =	ssyncset.done $0x0  }
0x14: {  	[sflag:s10] =	ssyncadd.s32 $0xFFFFD8F0  }
0x15: {  	[tilespmem:s12], [sflag:$0x1] =	stream.linear.gather [hbm4b:s5+s2], $0x5000, $0x38;
	[tilespmem:$0x11700] =	vst v63  }
0x16: {  	_ =	swait.ge [sflag:s10], $0x5000  }
0x17: {  	[sflag:s10] =	ssyncset.done $0x0  }
0x18: {  	[sflag:s10] =	ssyncadd.s32 $0xFFFFB000  }
0x19: {  	s17 =	simm.s32 $0x0;
	[tilespmem:$0x4E90] =	vst v0  }
.LBB2_2:
0x1a: {  	p0 =	sne.s32 s17, $0x9FC0  }
.Ltmp0:
0x1b: {  	_ = 	snop;
	(pc) =	sbr.rel @p0 .LBB2_2-.Ltmp0, $3  }
0x1c: {  	_ =	sdelay $0x1  }
0x1d: {  	s18 =	sshra.s32 s17, $0x2  }
0x1e: {  	s17 =	sadd.s32 $0x40, s17;
	[tilespmem:s18+$0x4F00] =	vst v0  }
0x1f: {  	s17 =	simm.s32 $0x7780  }
0x20: {  	v7 =	vld [tilespmem:s17+$0x30]  }
0x21: {  	v13 =	vld [tilespmem:s17+$0xFFFFFFB0]  }
0x22: {  	v12 =	vld [tilespmem:s17+$0xFFFFFFD0]  }
0x23: {  	v14 =	vld [tilespmem:s17+$0xFFFFFFF0]  }
0x24: {  	v6 =	vld [tilespmem:s17+$0x70]  }
0x25: {  	v10 =	vld [tilespmem:s17+$0xFFFFFFC0]  }
0x26: {  	v5 =	vld [tilespmem:s17+$0x60]  }
0x27: {  	v11 =	vld [tilespmem:s17+$0x50]  }
0x28: {  	v3 =	vld [tilespmem:s17+$0xFFFFFF90]  }
0x29: {  	v2 =	vld [tilespmem:s17+$0x40]  }
0x2a: {  	v9 =	vld [tilespmem:s17+$0xFFFFFF80]  }
0x2b: {  	v1 =	vld [tilespmem:s17+$0x20]  }
0x2c: {  	v15 =	vld [tilespmem:s17+$0xFFFFFFE0]  }
0x2d: {  	v21 =	vld [tilespmem:s17+$0xFFFFFFA0]  }
0x2e: {  	v4 =	vld [tilespmem:s17+$0x10]  }
0x2f: {  	v8 =	vld [tilespmem:s17+$0x0]  }
0x30: {  	v16 =	vld.idx.msk [tilespmem:v7+s11+$0x0], $0xffff  }
0x31: {  	v22 =	vld.idx.msk [tilespmem:v10+s2+$0x0], $0xffff  }
0x32: {  	v25 =	vld.idx.msk [tilespmem:v5+s11+$0x0], $0xffff  }
0x33: {  	v27 =	vld.idx.msk [tilespmem:v12+s2+$0x0], $0xffff  }
0x34: {  	v20 =	vld.idx.msk [tilespmem:v13+s2+$0x0], $0xffff  }
0x35: {  	v24 =	vld.idx.msk [tilespmem:v2+s11+$0x0], $0xffff  }
0x36: {  	v26 =	vld.idx.msk [tilespmem:v15+s2+$0x0], $0xffff  }
0x37: {  	v18 =	vld.idx.msk [tilespmem:v6+s11+$0x0], $0xffff  }
0x38: {  	v30 =	vld.idx.msk [tilespmem:v11+s11+$0x0], $0xffff  }
0x39: {  	v17 =	vld.idx.msk [tilespmem:v21+s2+$0x0], $0xffff;
	v13 =	vshll.u32 v13, $0xE;
	v28 =	vadd.f32 v16, v20  }
0x3a: {  	v23 =	vld.idx.msk [tilespmem:v9+s2+$0x0], $0xffff;
	v16 =	vor.u32 v7, v13;
	v13 =	vshll.u32 v14, $0xE  }
0x3b: {  	v20 =	vld.idx.msk [tilespmem:v8+s11+$0x0], $0xffff;
	v24 =	vadd.f32 v24, v22;
	v26 =	vadd.f32 v25, v26;
	v29 =	vmul.f32 $2.000000030e-01, v28  }
0x3c: {  	v19 =	vld.idx.msk [tilespmem:v14+s2+$0x0], $0xffff;
	v14 =	vor.u32 v6, v13;
	v13 =	vshll.u32 v15, $0xE;
	vm0 =	vge.f32 v28, $0.0e+00  }
0x3d: {  	v27 =	vadd.f32 v30, v27;
	v25 =	vld.idx.msk [tilespmem:v4+s11+$0x0], $0xffff;
	v15 =	vor.u32 v5, v13;
	v22 =	vsel vm0, v28, v29  }
0x3e: {  	s19 =	simm.s32 $0xEF40;
	s20 =	simm.s32 $0xC740;
	s21 =	simm.s32 $0x0;
	v13 =	vshll.u32 v21, $0xE;
	v21 =	vld.idx.msk [tilespmem:v3+s2+$0x0], $0xffff;
	vm1 =	vge.f32 v26, $0.0e+00;
	v29 =	vmul.f32 $1.442695020e+00, v22  }
0x3f: {  	s22 =	simm.s32 $0x7880;
	s18 =	simm.s32 $0xC740;
	s17 =	simm.s32 $0xEF40;
	v13 =	vor.u32 v1, v13;
	vm0 =	vge.f32 v24, $0.0e+00;
	v28 =	vmul.f32 $2.000000030e-01, v24;
	v22 =	vld.idx.msk [tilespmem:v1+s11+$0x0], $0xffff  }
.LBB2_4:
0x40: {  	v30 =	vld [tilespmem:s22+$0x30];
	s21 =	sadd.s32 $0x8, s21;
	v20 =	vadd.f32 v20, v23;
	v23 =	vmul.f32 $2.000000030e-01, v27;
	s19 =	sadd.s32 $0x80, s19;
	s20 =	sadd.s32 $0x80, s20;
	(erf) = vpow2.f32 v29  }
0x41: {  	vm2 =	vge.f32 v27, $0.0e+00;
	v31 =	vmul.f32 $2.000000030e-01, v26;
	v18 =	vadd.f32 v18, v19;
	v29 =	vld [tilespmem:s22+$0xFFFFFFB0];
	p0 =	slt.u32 s21, $0x278  }
0x42: {  	v19 =	vld [tilespmem:s22+$0xFFFFFFD0];
	vm3 =	vge.f32 v20, $0.0e+00;
	v32 =	vmul.f32 $2.000000030e-01, v20;
	v23 =	vsel vm2, v27, v23  }
0x43: {  	v24 =	vsel vm0, v24, v28;
	v26 =	vsel vm1, v26, v31;
	v27 =	vld [tilespmem:s22+$0xFFFFFFF0];
	v23 =	vmul.f32 $1.442695020e+00, v23  }
0x44: {  	v24 =	vmul.f32 $1.442695020e+00, v24;
	v26 =	vmul.f32 $1.442695020e+00, v26;
	v28 =	vld [tilespmem:s22+$0x70];
	v20 =	vsel vm3, v20, v32  }
0x45: {  	v21 =	vadd.f32 v25, v21;
	v25 =	vmul.f32 $2.000000030e-01, v18;
	v31 =	vld [tilespmem:s22+$0xFFFFFFC0];
	(erf) = vpow2.f32 v23  }
0x46: {  	vm0 =	vge.f32 v18, $0.0e+00;
	v17 =	vadd.f32 v22, v17;
	v23 =	vld [tilespmem:s22+$0x60];
	(erf) = vpow2.f32 v24  }
0x47: {  	v34 =	vmul.f32 $2.000000030e-01, v21;
	v18 =	vsel vm0, v18, v25;
	v22 =	vld [tilespmem:s22+$0x50];
	(erf) = vpow2.f32 v26  }
0x48: {  	vm0 =	vge.f32 v21, $0.0e+00;
	v26 =	vmul.f32 $2.000000030e-01, v17;
	v18 =	vmul.f32 $1.442695020e+00, v18;
	v25 =	vld [tilespmem:s22+$0xFFFFFF90]  }
0x49: {  	v32 =	vshll.u32 v29, $0xE;
	v21 =	vsel vm0, v21, v34;
	vm0 =	vge.f32 v17, $0.0e+00;
	v33 =	vld [tilespmem:s22+$0x40];
	v24 =	vpop (erf)  }
0x4a: {  	v21 =	vmul.f32 $1.442695020e+00, v21;
	v17 =	vsel vm0, v17, v26;
	v34 =	vld [tilespmem:s22+$0xFFFFFF80];
	[tilespmem:s18+$0xFFFFFFF0] =	vst v24;
	(erf) = vpow2.f32 v18  }
0x4b: {  	v18 =	vshll.u32 v27, $0xE;
	v17 =	vmul.f32 $1.442695020e+00, v17;
	v35 =	vld [tilespmem:s22+$0x20];
	[tilespmem:s17+$0xFFFFFFF0] =	vst v16;
	v16 =	vor.u32 v30, v32  }
0x4c: {  	v38 =	vmul.f32 $1.442695020e+00, v20;
	v32 =	vor.u32 v28, v18;
	v26 =	vld [tilespmem:s22+$0xFFFFFFE0]  }
0x4d: {  	v36 =	vld.idx.msk [tilespmem:v30+s11+$0x0], $0xffff  }
0x4e: {  	v42 =	vshll.u32 v12, $0xE;
	v12 =	vmov v19;
	v37 =	vld.idx.msk [tilespmem:v31+s2+$0x0], $0xffff;
	(erf) = vpow2.f32 v38;
	v18 =	vpop (erf)  }
0x4f: {  	v41 =	vor.u32 v11, v42;
	v38 =	vld [tilespmem:s22+$0x10];
	[tilespmem:s18+$0x10] =	vst v18;
	v39 =	vpop (erf)  }
0x50: {  	v40 =	vld [tilespmem:s22+$0xFFFFFFA0];
	[tilespmem:s17+$0x10] =	vst v41;
	v20 =	vpop (erf)  }
0x51: {  	v41 =	vld.idx.msk [tilespmem:v23+s11+$0x0], $0xffff;
	v42 =	vshll.u32 v26, $0xE;
	[tilespmem:s18+$0x20] =	vst v20  }
0x52: {  	v43 =	vld.idx.msk [tilespmem:v19+s2+$0x0], $0xffff;
	v19 =	vor.u32 v23, v42;
	[tilespmem:s18+$0x0] =	vst v39;
	(erf) = vpow2.f32 v21  }
0x53: {  	[tilespmem:v11+s13+$0x0] =	vst.idx.add.f32.msk $0xffff, v18;
	(erf) = vpow2.f32 v17;
	v21 =	vpop (erf);
	v11 =	vmov v22  }
0x54: {  	v18 =	vld.idx.msk [tilespmem:v28+s11+$0x0], $0xffff;
	[tilespmem:s18+$0x30] =	vst v21  }
0x55: {  	v17 =	vshll.u32 v40, $0xE;
	v22 =	vld.idx.msk [tilespmem:v29+s2+$0x0], $0xffff;
	[tilespmem:s17+$0x30] =	vst v14;
	v14 =	vmov v32  }
0x56: {  	v29 =	vor.u32 v35, v17;
	[tilespmem:v7+s13+$0x0] =	vst.idx.add.f32.msk $0xffff, v24;
	v17 =	vshll.u32 v10, $0xE;
	v7 =	vmovc v30;
	v10 =	vmov v31  }
0x57: {  	v24 =	vld [tilespmem:s22+$0x0];
	v30 =	vor.u32 v2, v17;
	[tilespmem:s17+$0x20] =	vst v15;
	v31 =	vpop (erf);
	v15 =	vmov v19  }
0x58: {  	v17 =	vld.idx.msk [tilespmem:v40+s2+$0x0], $0xffff;
	[tilespmem:s17+$0x0] =	vst v30  }
0x59: {  	[tilespmem:v6+s13+$0x0] =	vst.idx.add.f32.msk $0xffff, v21;
	v6 =	vmov v28  }
0x5a: {  	v32 =	vshll.u32 v9, $0xE;
	v9 =	vmov v34;
	v19 =	vld.idx.msk [tilespmem:v27+s2+$0x0], $0xffff;
	[tilespmem:s18+$0xFFFFFFC0] =	vst v31  }
0x5b: {  	v30 =	vor.u32 v8, v32;
	[tilespmem:v5+s13+$0x0] =	vst.idx.add.f32.msk $0xffff, v20;
	v27 =	vpop (erf);
	v5 =	vmov v23  }
0x5c: {  	v28 =	vld.idx.msk [tilespmem:v11+s11+$0x0], $0xffff;
	[tilespmem:s17+$0xFFFFFFC0] =	vst v30;
	v21 =	vpop (erf)  }
0x5d: {  	v30 =	vld.idx.msk [tilespmem:v33+s11+$0x0], $0xffff;
	[tilespmem:s18+$0xFFFFFFD0] =	vst v27  }
0x5e: {  	v26 =	vld.idx.msk [tilespmem:v26+s2+$0x0], $0xffff;
	[tilespmem:s18+$0xFFFFFFE0] =	vst v21;
	s18 =	smov.u32 s20  }
0x5f: {  	v20 =	vld.idx.msk [tilespmem:v24+s11+$0x0], $0xffff;
	[tilespmem:s17+$0xFFFFFFE0] =	vst v13;
	v13 =	vmov v29  }
0x60: {  	v22 =	vadd.f32 v36, v22;
	v23 =	vshll.u32 v3, $0xE;
	v3 =	vmovc v25;
	[tilespmem:v2+s13+$0x0] =	vst.idx.add.f32.msk $0xffff, v39;
	v2 =	vmov v33  }
0x61: {  	v25 =	vor.u32 v4, v23;
	[tilespmem:v8+s13+$0x0] =	vst.idx.add.f32.msk $0xffff, v31;
	v8 =	vmov v24  }
0x62: {  	v29 =	vmul.f32 $2.000000030e-01, v22;
	v23 =	vld.idx.msk [tilespmem:v34+s2+$0x0], $0xffff;
	[tilespmem:s17+$0xFFFFFFD0] =	vst v25;
	s17 =	smov.u32 s19  }
.Ltmp1:
0x63: {  	vm0 =	vge.f32 v22, $0.0e+00;
	v24 =	vadd.f32 v30, v37;
	[tilespmem:v1+s13+$0x0] =	vst.idx.add.f32.msk $0xffff, v21;
	v1 =	vmov v35;
	(pc) =	sbr.rel @p0 .LBB2_4-.Ltmp1, $4  }
0x64: {  	v22 =	vsel vm0, v22, v29;
	[tilespmem:v4+s13+$0x0] =	vst.idx.add.f32.msk $0xffff, v27;
	v4 =	vmov v38  }
0x65: {  	v29 =	vmul.f32 $1.442695020e+00, v22;
	v26 =	vadd.f32 v41, v26;
	v21 =	vld.idx.msk [tilespmem:v3+s2+$0x0], $0xffff  }
0x66: {  	vm0 =	vge.f32 v24, $0.0e+00;
	v27 =	vadd.f32 v28, v43;
	v22 =	vld.idx.msk [tilespmem:v35+s11+$0x0], $0xffff  }
0x67: {  	s22 =	sadd.s32 $0x100, s22;
	v28 =	vmul.f32 $2.000000030e-01, v24;
	vm1 =	vge.f32 v26, $0.0e+00;
	v25 =	vld.idx.msk [tilespmem:v38+s11+$0x0], $0xffff  }
0x68: {  	v30 =	vmul.f32 $2.000000030e-01, v27  }
0x69: {  	vm2 =	vge.f32 v27, $0.0e+00  }
0x6a: {  	(erf) = vpow2.f32 v29;
	v46 =	vsel vm2, v27, v30  }
0x6b: {  	v31 =	vmul.f32 $2.000000030e-01, v26;
	v18 =	vadd.f32 v18, v19;
	v19 =	vmul.f32 $1.442695020e+00, v46  }
0x6c: {  	v24 =	vsel vm0, v24, v28  }
0x6d: {  	v26 =	vsel vm1, v26, v31;
	v24 =	vmul.f32 $1.442695020e+00, v24;
	(erf) = vpow2.f32 v19  }
0x6e: {  	v47 =	vmul.f32 $2.000000030e-01, v18;
	v26 =	vmul.f32 $1.442695020e+00, v26  }
0x6f: {  	vm12 =	vge.f32 v18, $0.0e+00;
	(erf) = vpow2.f32 v24  }
0x70: {  	v18 =	vsel vm12, v18, v47;
	(erf) = vpow2.f32 v26  }
0x71: {  	v18 =	vmul.f32 $1.442695020e+00, v18  }
0x72: {  	v48 =	vadd.f32 v20, v23  }
0x73: {  	(erf) = vpow2.f32 v18;
	v51 =	vpop (erf)  }
0x74: {  	v49 =	vmul.f32 $2.000000030e-01, v48;
	[tilespmem:s18+$0xFFFFFFF0] =	vst v51  }
0x75: {  	vm13 =	vge.f32 v48, $0.0e+00;
	v50 =	vadd.f32 v25, v21;
	[tilespmem:s17+$0xFFFFFFF0] =	vst v16  }
0x76: {  	v12 =	vshll.u32 v12, $0xE;
	v17 =	vadd.f32 v22, v17;
	v18 =	vsel vm13, v48, v49;
	[tilespmem:v7+s13+$0x0] =	vst.idx.add.f32.msk $0xffff, v51;
	v54 =	vpop (erf)  }
0x77: {  	v12 =	vor.u32 v11, v12;
	v52 =	vmul.f32 $2.000000030e-01, v50;
	v53 =	vmul.f32 $1.442695020e+00, v18;
	[tilespmem:s18+$0x10] =	vst v54  }
0x78: {  	v22 =	vmul.f32 $2.000000030e-01, v17;
	vm14 =	vge.f32 v50, $0.0e+00;
	v55 =	vpop (erf);
	[tilespmem:s17+$0x10] =	vst v12  }
0x79: {  	vm15 =	vge.f32 v17, $0.0e+00;
	v19 =	vsel vm14, v50, v52;
	(erf) = vpow2.f32 v53;
	v56 =	vpop (erf);
	[tilespmem:s18+$0x0] =	vst v55  }
0x7a: {  	v59 =	vshll.u32 v10, $0xE;
	v17 =	vsel vm15, v17, v22;
	v57 =	vmul.f32 $1.442695020e+00, v19;
	[tilespmem:s18+$0x20] =	vst v56  }
0x7b: {  	v17 =	vmul.f32 $1.442695020e+00, v17;
	v7 =	vor.u32 v2, v59;
	[tilespmem:v11+s13+$0x0] =	vst.idx.add.f32.msk $0xffff, v54  }
0x7c: {  	(erf) = vpow2.f32 v57;
	v58 =	vpop (erf);
	[tilespmem:s17+$0x0] =	vst v7  }
0x7d: {  	(erf) = vpow2.f32 v17;
	[tilespmem:s18+$0x30] =	vst v58  }
0x7e: {  	[tilespmem:s17+$0x20] =	vst v15  }
0x7f: {  	[tilespmem:v2+s13+$0x0] =	vst.idx.add.f32.msk $0xffff, v55  }
0x80: {  	[tilespmem:s17+$0x30] =	vst v14  }
0x81: {  	[tilespmem:v5+s13+$0x0] =	vst.idx.add.f32.msk $0xffff, v56  }
0x82: {  	v61 =	vshll.u32 v9, $0xE;
	v60 =	vpop (erf);
	[tilespmem:v6+s13+$0x0] =	vst.idx.add.f32.msk $0xffff, v58  }
0x83: {  	v6 =	vor.u32 v8, v61;
	[tilespmem:s18+$0xFFFFFFC0] =	vst v60  }
0x84: {  	[tilespmem:s17+$0xFFFFFFC0] =	vst v6  }
0x85: {  	v62 =	vpop (erf);
	[tilespmem:v8+s13+$0x0] =	vst.idx.add.f32.msk $0xffff, v60  }
0x86: {  	v3 =	vshll.u32 v3, $0xE;
	v63 =	vpop (erf);
	[tilespmem:s18+$0xFFFFFFD0] =	vst v62  }
0x87: {  	v2 =	vor.u32 v4, v3;
	[tilespmem:s18+$0xFFFFFFE0] =	vst v63  }
0x88: {  	[tilespmem:s17+$0xFFFFFFD0] =	vst v2  }
0x89: {  	[tilespmem:s17+$0xFFFFFFE0] =	vst v13  }
0x8a: {  	[tilespmem:v4+s13+$0x0] =	vst.idx.add.f32.msk $0xffff, v62  }
0x8b: {  	[tilespmem:v1+s13+$0x0] =	vst.idx.add.f32.msk $0xffff, v63  }
0x8c: {  	[hbm4b:s6+s2] =	stream.linear.scatter [tilespmem:s14], [sflag:$0x1], $0x2800, $0x38;
	[tilespmem:$0x11700] =	vst v63  }
0x8d: {  	_ =	swait.ge [sflag:s10], $0x2800  }
0x8e: {  	[sflag:s10] =	ssyncset.done $0x0  }
0x8f: {  	[sflag:s10] =	ssyncadd.s32 $0xFFFFD800  }
0x90: {  	[hbm4b:s7+s2] =	stream.linear.scatter [tilespmem:s15], [sflag:$0x1], $0x2800, $0x38;
	[tilespmem:$0x11700] =	vst v63  }
0x91: {  	s16 =	sadd.s32 $0x1, s16;
	_ =	swait.ge [sflag:s10], $0x2800  }
0x92: {  	p0 =	sne.s32 s16, s9;
	[sflag:s10] =	ssyncset.done $0x0  }
.Ltmp2:
0x93: {  	[sflag:s10] =	ssyncadd.s32 $0xFFFFD800;
	(pc) =	sbr.rel @p0 .LBB2_1-.Ltmp2, $4  }
0x94: {  	[hbm4b:s8+s2] =	stream.linear.scatter [tilespmem:s13], [sflag:$0x1], $0x2800, $0x38;
	[tilespmem:$0x11700] =	vst v63  }
0x95: {  	_ =	swait.ge [sflag:s10], $0x2800  }
0x96: {  	[sflag:s10] =	ssyncset.done $0x0  }
0x97: {  	[sflag:s10] =	ssyncadd.s32 $0xFFFFD800  }
0x98: {  	_ =	sfence.sel $0x180000  }
0x99: {  	[bflag:$0x0] =	sbarrier.arrive $0xFFFF  }
0x9a: {  	p0 =	sne.s32 s1, $0x0;
	_ =	strace $0x90000047  }
0x9b: {  	s0 =	sadd.s32 @!p0 $0x100000, s0;
	[bflag:$0x2] =	sbarrier.arrive $0xFFFF  }
0x9c: {  	[sflag:s0] =	ssyncadd.tile.s32 @!p0 $0x1;
	_ =	shalt  }
.Lfunc_end2:
_tile_overlayer_lowered:
.L_overlay_start_2:
0x9d: {  	(tag) =	ssettag $0x2  }
0x9e: {  	s0 =	rddreg [dreg:$0x0];
	s2 =	stileid.u32  }
0x9f: {  	s1 =	rddreg [dreg:$0x1];
	p0 =	sne.s32 s2, $0x0  }
0xa0: {  	s3 =	rddreg [dreg:$0x2];
	[bflag:$0x3] =	sbarrier.arrive $0xFFFF;
	s2 =	simm.s32 @!p0 $0x1C01  }
0xa1: {  	[timem:s3], [sflag:s2] =	dma.local @!p0 [hbm:s0], s1  }
0xa2: {  	s0 =	simm.s32 @!p0 $0x1  }
0xa3: {  	_ =	swait.ge @!p0 [sflag:s0], s1  }
0xa4: {  	s1 =	ssub.s32 @!p0 $0x0, s1;
	[sflag:s0] =	ssyncset.done @!p0 $0x0  }
0xa5: {  	[sflag:s0] =	ssyncadd.s32 @!p0 s1  }
0xa6: {  	[bflag:$0x3] =	sbarrier.arrive $0xFFFF  }
0xa7: {  	_ =	shalt  }

</sc_bundles>
